<compile_context>
chip_gen: v7x
topology: tpu7x:2x2x1
jax: 0.10.2.dev20260603
libtpu: 0.0.44.dev20260713+nightly
codegen_flags: <defaults>
</compile_context>

<pallas_src>
import dataclasses

import jax
import jax.numpy as jnp
from jax import lax
from jax.experimental import pallas as pl
from jax.experimental.pallas import tpu as pltpu
from jax.experimental.pallas import tpu_sc as plsc

_N = 4096
_F = 256
_C = 40
_NB1 = 25
_NB2 = 10
_BMF = 1024
_BMS = 256
_CK = 256
_WFAST = 128


_SCWORKERS = 32
_SCROWS = _N // _SCWORKERS
_SCB = 8
_SCNB = _SCROWS // _SCB
_SCL = 16


def _sc_scan_body(a_hbm, rank_hbm, abuf, rbuf, sa0, sa1, sr0, sr1):
    cix = lax.axis_index("c")
    six = lax.axis_index("s")
    wid = six * 2 + cix
    base = wid * _SCROWS

    def in_copy(batch, buf, sem):
        row0 = base + batch * _SCB
        return pltpu.make_async_copy(
            a_hbm.at[pl.ds(row0, _SCB), pl.ds(0, _WFAST)], abuf.at[buf], sem)

    def out_copy(batch, buf, sem):
        row0 = base + batch * _SCB
        return pltpu.make_async_copy(
            rbuf.at[buf], rank_hbm.at[pl.ds(row0, _SCB), pl.ds(0, _WFAST)],
            sem)

    in_copy(0, 0, sa0).start()
    in_copy(1, 1, sa1).start()

    @pl.loop(0, _SCNB, step=2)
    def _batches(bi):
        for b in range(2):
            cur = bi + b
            sa = sa0 if b == 0 else sa1
            sr = sr0 if b == 0 else sr1
            in_copy(cur, b, sa).wait()

            @pl.when(cur >= 2)
            def _():
                out_copy(cur - 2, b, sr).wait()

            for r in range(_SCB):
                found = jnp.float32(0)
                for j in range(_WFAST // _SCL):
                    v = abuf[b, r, pl.ds(j * _SCL, _SCL)]
                    rk = plsc.cumsum(v) + found
                    rkf = jnp.where(rk <= _NB1 + 0.5, rk, 0.0) * v
                    rbuf[b, r, pl.ds(j * _SCL, _SCL)] = rkf
                    found = found + jnp.sum(v)

            out_copy(cur, b, sr).start()

            @pl.when(cur + 2 < _SCNB)
            def _():
                in_copy(cur + 2, b, sa).start()

    out_copy(_SCNB - 2, 0, sr0).wait()
    out_copy(_SCNB - 1, 1, sr1).wait()


def _sc_compiler_params():
    cp = pltpu.CompilerParams()
    if "needs_layout_passes" in pltpu.CompilerParams.__dataclass_fields__:
        cp = dataclasses.replace(cp, needs_layout_passes=False)
    return cp


def _sc_scan(A):
    fn = pl.kernel(
        _sc_scan_body,
        out_type=jax.ShapeDtypeStruct((_N, _WFAST), jnp.float32),
        mesh=plsc.VectorSubcoreMesh(core_axis_name="c", subcore_axis_name="s"),
        compiler_params=_sc_compiler_params(),
        scratch_types=[
            pltpu.VMEM((2, _SCB, _WFAST), jnp.float32),
            pltpu.VMEM((2, _SCB, _WFAST), jnp.float32),
            pltpu.SemaphoreType.DMA,
            pltpu.SemaphoreType.DMA,
            pltpu.SemaphoreType.DMA,
            pltpu.SemaphoreType.DMA,
        ],
    )
    return fn(A)


def _lrelu(x):
    return jnp.where(x >= 0, x, 0.01 * x)


def _dot(a, b):
    return jax.lax.dot_general(a, b, (((1,), (0,)), ((), ())),
                               preferred_element_type=jnp.float32)


def _split(x):
    hi = x.astype(jnp.bfloat16)
    lo = (x - hi.astype(jnp.float32)).astype(jnp.bfloat16)
    return hi, lo


def _dot3(x, w):
    xhi, xlo = _split(x)
    whi, wlo = _split(w)
    return _dot(xhi, whi) + (_dot(xhi, wlo) + _dot(xlo, whi))


def _sel_agg(a_ref, xa_ref, bm, width, nb, sel2_ref):
    r = jax.lax.broadcasted_iota(jnp.int32, (_CK, _CK), 0)
    c = jax.lax.broadcasted_iota(jnp.int32, (_CK, _CK), 1)
    tri = (r <= c).astype(jnp.bfloat16)
    carry = jnp.zeros((bm, 1), jnp.float32)
    sel_chunks = []
    for ci in range(width // _CK):
        a_c = a_ref[:, ci * _CK:(ci + 1) * _CK].astype(jnp.bfloat16)
        csum = (_dot(a_c, tri) + carry).astype(jnp.bfloat16)
        sel1 = jnp.where(csum <= jnp.bfloat16(nb), a_c, jnp.bfloat16(0))
        sel2 = jnp.where(csum <= jnp.bfloat16(_NB2), a_c, jnp.bfloat16(0))
        sel2_ref[:, ci * _CK:(ci + 1) * _CK] = sel2.astype(jnp.int8)
        sel_chunks.append(sel1)
        carry = carry + jnp.sum(a_c, axis=1, keepdims=True).astype(jnp.float32)
    sel = sel_chunks[0] if len(sel_chunks) == 1 else jnp.concatenate(
        sel_chunks, axis=1)
    xa = xa_ref[...]
    xhi, xlo = _split(xa)
    acc = _dot(sel, xhi) + _dot(sel, xlo)
    return acc, carry


def _mk_layer1_body(bm, width, dyn_cnt):
    def body(a_ref, xa_ref, xb_ref, wnT_ref, bn_ref, wT_ref, b_ref,
             h_ref, sel2_ref, cnt_ref):
        acc, carry = _sel_agg(a_ref, xa_ref, bm, width, _NB1, sel2_ref)
        if dyn_cnt:
            cnt = jnp.minimum(carry, float(_NB1))
            mean = acc / jnp.maximum(cnt, 1.0)
        else:
            mean = acc * (1.0 / _NB1)
        xj = _lrelu(_dot3(mean, wnT_ref[...]) + bn_ref[...])
        xi = _lrelu(_dot3(xb_ref[...], wT_ref[...]) + b_ref[...])
        if dyn_cnt:
            h_ref[...] = xi + jnp.where(carry > 0, xj, 0.0)
        else:
            h_ref[...] = xi + xj
        cnt_ref[...] = carry
    return body


def _mk_layer1_rank_body(bm):
    def body(rk_ref, xa_ref, xi_ref, wnT_ref, bn_ref,
             h_ref, sel2_ref, cnt_ref):
        rk = rk_ref[...]
        sel1f = jnp.where((rk >= 0.5) & (rk <= _NB1 + 0.5), 1.0, 0.0)
        sel2f = jnp.where((rk >= 0.5) & (rk <= _NB2 + 0.5), 1.0, 0.0)
        sel2_ref[...] = sel2f.astype(jnp.int8)
        cnt_ref[...] = jnp.sum(sel1f, axis=1, keepdims=True)
        sel1 = sel1f.astype(jnp.bfloat16)
        xhi, xlo = _split(xa_ref[...])
        acc = _dot(sel1, xhi) + _dot(sel1, xlo)
        mean = acc * (1.0 / _NB1)
        xj = _lrelu(_dot3(mean, wnT_ref[...]) + bn_ref[...])
        h_ref[...] = xi_ref[...] + xj
    return body


def _run_layer1_rank(bm, rank, X, xi, Wn1T, bn1):
    grid = (_N // bm,)
    return pl.pallas_call(
        _mk_layer1_rank_body(bm),
        grid=grid,
        in_specs=[
            pl.BlockSpec((bm, _WFAST), _ROW),
            _full((_WFAST, _F)),
            pl.BlockSpec((bm, _F), _ROW),
            _full((_F, _F)),
            _full((1, _F)),
        ],
        out_specs=[
            pl.BlockSpec((bm, _F), _ROW),
            pl.BlockSpec((bm, _WFAST), _ROW),
            pl.BlockSpec((bm, 1), _ROW),
        ],
        out_shape=[
            jax.ShapeDtypeStruct((_N, _F), jnp.float32),
            jax.ShapeDtypeStruct((_N, _WFAST), jnp.int8),
            jax.ShapeDtypeStruct((_N, 1), jnp.float32),
        ],
    )(rank, X, xi, Wn1T, bn1)


def _xi_body(xb_ref, wT_ref, b_ref, o_ref):
    o_ref[...] = _lrelu(_dot3(xb_ref[...], wT_ref[...]) + b_ref[...])


def _run_xi(bm, X, WT, b):
    grid = (_N // bm,)
    return pl.pallas_call(
        _xi_body,
        grid=grid,
        in_specs=[
            pl.BlockSpec((bm, _F), _ROW),
            _full((_F, _F)),
            _full((1, _F)),
        ],
        out_specs=pl.BlockSpec((bm, _F), _ROW),
        out_shape=jax.ShapeDtypeStruct((_N, _F), jnp.float32),
    )(X, WT, b)


def _mk_layer2_body(bm, width, dyn_cnt):
    def body(sel2_ref, ha_ref, hb_ref, cnt_ref, wnT_ref, bn_ref, wT_ref,
             b_ref, w3T_ref, b3_ref, o_ref):
        total = cnt_ref[...]
        sel = sel2_ref[...].astype(jnp.bfloat16)
        ha = ha_ref[...]
        hhi, hlo = _split(ha)
        acc = _dot(sel, hhi) + _dot(sel, hlo)
        if dyn_cnt:
            cnt = jnp.minimum(total, float(_NB2))
            mean = acc / jnp.maximum(cnt, 1.0)
        else:
            mean = acc * (1.0 / _NB2)
        xj = _lrelu(_dot3(mean, wnT_ref[...]) + bn_ref[...])
        xi = _lrelu(_dot3(hb_ref[...], wT_ref[...]) + b_ref[...])
        if dyn_cnt:
            h2 = xi + jnp.where(total > 0, xj, 0.0)
        else:
            h2 = xi + xj
        logits = _dot3(h2, w3T_ref[...]) + b3_ref[...]
        m = jnp.max(logits, axis=1, keepdims=True)
        shifted = logits - m
        lse = jnp.log(jnp.sum(jnp.exp(shifted), axis=1, keepdims=True))
        o_ref[...] = shifted - lse
    return body


def _full(shape):
    return pl.BlockSpec(shape, lambda i: (0, 0))


_ROW = lambda i: (i, 0)


def _run_layer1(bm, width, dyn_cnt, A, X, Wn1T, bn1, W1T, b1):
    grid = (_N // bm,)
    return pl.pallas_call(
        _mk_layer1_body(bm, width, dyn_cnt),
        grid=grid,
        in_specs=[
            pl.BlockSpec((bm, width), _ROW),
            _full((width, _F)),
            pl.BlockSpec((bm, _F), _ROW),
            _full((_F, _F)),
            _full((1, _F)),
            _full((_F, _F)),
            _full((1, _F)),
        ],
        out_specs=[
            pl.BlockSpec((bm, _F), _ROW),
            pl.BlockSpec((bm, width), _ROW),
            pl.BlockSpec((bm, 1), _ROW),
        ],
        out_shape=[
            jax.ShapeDtypeStruct((_N, _F), jnp.float32),
            jax.ShapeDtypeStruct((_N, width), jnp.int8),
            jax.ShapeDtypeStruct((_N, 1), jnp.float32),
        ],
    )(A, X, X, Wn1T, bn1, W1T, b1)


def _run_layer2(bm, width, dyn_cnt, sel2, h, cnt, Wn2T, bn2, W2T, b2, W3T, b3):
    grid = (_N // bm,)
    return pl.pallas_call(
        _mk_layer2_body(bm, width, dyn_cnt),
        grid=grid,
        in_specs=[
            pl.BlockSpec((bm, width), _ROW),
            _full((width, _F)),
            pl.BlockSpec((bm, _F), _ROW),
            pl.BlockSpec((bm, 1), _ROW),
            _full((_F, _F)),
            _full((1, _F)),
            _full((_F, _F)),
            _full((1, _F)),
            _full((_F, _C)),
            _full((1, _C)),
        ],
        out_specs=pl.BlockSpec((bm, _C), _ROW),
        out_shape=jax.ShapeDtypeStruct((_N, _C), jnp.float32),
    )(sel2, h, h, cnt, Wn2T, bn2, W2T, b2, W3T, b3)


def kernel(X, A, Wn1, bn1, W1, b1, Wn2, bn2, W2, b2, W3, b3):
    Wn1T, W1T = Wn1.T, W1.T
    Wn2T, W2T = Wn2.T, W2.T
    W3T = W3.T
    bn1_, b1_ = bn1[None, :], b1[None, :]
    bn2_, b2_ = bn2[None, :], b2[None, :]
    b3_ = b3[None, :]

    rank = _sc_scan(A)
    xi1 = _run_xi(_BMF, X, W1T, b1_)
    h, sel2, cnt = _run_layer1_rank(_BMF, rank, X, xi1, Wn1T, bn1_)
    ok = jnp.all(cnt >= float(_NB1))

    def fast_path(_):
        return _run_layer2(_BMF, _WFAST, False, sel2, h, cnt, Wn2T, bn2_, W2T,
                           b2_, W3T, b3_)

    def slow_path(_):
        hs, sel2s, cnts = _run_layer1(_BMS, _N, True, A, X, Wn1T, bn1_, W1T, b1_)
        return _run_layer2(_BMS, _N, True, sel2s, hs, cnts, Wn2T, bn2_, W2T,
                           b2_, W3T, b3_)

    return jax.lax.cond(ok, fast_path, slow_path, None)

# --- scband reference (transcript-rebuilt; emitter-appended) ---
"""Pipeline reference for scband-graph-sage-68848325755000 (READ-ONLY COPY).

The authoritative reference and input builder live on the scoring server;
editing this copy changes nothing except your own understanding.
"""

import jax, jax.numpy as jnp
import numpy as np

N = 4096
F_IN = 256
H1 = 256
H2 = 256
C = 40
NB1 = 25
NB2 = 10


def leaky_relu(x):
    # torch F.leaky_relu default negative_slope=0.01
    return jnp.where(x >= 0, x, 0.01 * x)


def aggregate(X, A, neibor_num, Wn, bn, W, b):
    # Faithful vectorization of the per-node python loop:
    #   neibor_feature = X[A[i].bool()];  keep only FIRST neibor_num neighbors
    mask = A != 0  # [N, N] bool
    csum = jnp.cumsum(mask.astype(jnp.int32), axis=1)
    sel = (mask & (csum <= neibor_num)).astype(X.dtype)  # first-k neighbor selection
    cnt = sel.sum(axis=1)  # number of selected neighbors per node
    neigh_sum = sel @ X  # gather + sum of selected neighbor features
    mean = neigh_sum / jnp.maximum(cnt, 1.0)[:, None]
    xj = leaky_relu(mean @ Wn.T + bn)
    xi = leaky_relu(X @ W.T + b)
    # if node has no neighbors, result is xi alone
    return jnp.where((cnt > 0)[:, None], xi + xj, xi)


def _linear_init(k, out_f, in_f):
    k1, k2 = jax.random.split(k)
    s = 1.0 / np.sqrt(in_f)
    W = jax.random.uniform(k1, (out_f, in_f), jnp.float32, -s, s)
    b = jax.random.uniform(k2, (out_f,), jnp.float32, -s, s)
    return W, b


def setup_inputs(seed: int = 0) -> dict:
    key = jax.random.key(seed)
    ks = jax.random.split(key, 8)
    X = jax.random.normal(ks[0], (N, F_IN), dtype=jnp.float32)
    A = jax.random.randint(ks[1], (N, N), 0, 2).astype(jnp.float32)
    Wn1, bn1 = _linear_init(ks[2], H1, F_IN)
    W1, b1 = _linear_init(ks[3], H1, F_IN)
    Wn2, bn2 = _linear_init(ks[4], H2, H1)
    W2, b2 = _linear_init(ks[5], H2, H1)
    W3, b3 = _linear_init(ks[6], C, H2)
    return {"X": X, "A": A, "Wn1": Wn1, "bn1": bn1, "W1": W1, "b1": b1,
            "Wn2": Wn2, "bn2": bn2, "W2": W2, "b2": b2, "W3": W3, "b3": b3}


def reference(X, A, Wn1, bn1, W1, b1, Wn2, bn2, W2, b2, W3, b3):
    h = aggregate(X, A, NB1, Wn1, bn1, W1, b1)
    # F.dropout in eval mode is identity (reference assumes module.eval())
    h = aggregate(h, A, NB2, Wn2, bn2, W2, b2)
    logits = h @ W3.T + b3
    # dataset_type == 0: no graph-level mean pooling
    return jax.nn.log_softmax(logits, axis=1)

if __name__ == "__main__":
    import jax
    _d = setup_inputs()
    print(jax.jit(kernel)(*tuple(_d.values())))

</pallas_src>

<mosaic_0001>
#map = affine_map<(d0, d1) -> (0, 0)>
module attributes {stable_mosaic.version = 14 : i64} {
  func.func @_sc_scan_body(%arg0: i32, %arg1: i32, %arg2: memref<4096x4096xf32, #tpu.memory_space<hbm>>, %arg3: memref<4096x128xf32, #tpu.memory_space<hbm>>, %arg4: memref<2x8x128xf32, #tpu.memory_space<vmem>>, %arg5: memref<2x8x128xf32, #tpu.memory_space<vmem>>, %arg6: memref<!tpu.dma_semaphore, #tpu.memory_space<semaphore_mem>>, %arg7: memref<!tpu.dma_semaphore, #tpu.memory_space<semaphore_mem>>, %arg8: memref<!tpu.dma_semaphore, #tpu.memory_space<semaphore_mem>>, %arg9: memref<!tpu.dma_semaphore, #tpu.memory_space<semaphore_mem>>) attributes {dimension_semantics = [#tpu.dimension_semantics<core_parallel>, #tpu.dimension_semantics<subcore_parallel>], iteration_bounds = array<i64: 2, 16>, scalar_prefetch = 0 : i64, scratch_operands = 6 : i64, tpu.core_type = #tpu.core_type<sc_vector_subcore>, window_params = [{transform_indices = #map}, {transform_indices = #map}]} {
    %mul3A = arith.constant 2 : i32
    %mul3A_0 = arith.muli %arg1, %mul3A : i32
    %add3A = arith.addi %mul3A_0, %arg0 : i32
    %mul3A_1 = arith.constant 128 : i32
    %mul3A_2 = arith.muli %add3A, %mul3A_1 : i32
    %add3A_3 = arith.constant 0 : i32
    %add3A_4 = arith.addi %mul3A_2, %add3A_3 : i32
    %dma_start3A = arith.constant 0 : i32
    %dma_start3A_5 = arith.constant 0 : i32
    %dma_start3A_6 = arith.constant 0 : i32
    %dma_start3A_7 = tpu.memref_slice %arg4[%dma_start3A, %dma_start3A_5, %dma_start3A_6] : memref<2x8x128xf32, #tpu.memory_space<vmem>> -> memref<1x8x128xf32, #tpu.memory_space<vmem>>
    %dma_start3A_8 = tpu.memref_squeeze %dma_start3A_7 : memref<1x8x128xf32, #tpu.memory_space<vmem>> -> memref<8x128xf32, #tpu.memory_space<vmem>>
    %dma_start3A_9 = arith.constant 0 : i32
    %dma_start3A_10 = tpu.memref_slice %arg2[%add3A_4, %dma_start3A_9] : memref<4096x4096xf32, #tpu.memory_space<hbm>> -> memref<8x128xf32, #tpu.memory_space<hbm>>
    %dma_start3A_11 = arith.constant 0 : i32
    %dma_start3A_12 = arith.constant 0 : i32
    %dma_start3A_13 = tpu.memref_slice %arg4[%dma_start3A, %dma_start3A_11, %dma_start3A_12] : memref<2x8x128xf32, #tpu.memory_space<vmem>> -> memref<1x8x128xf32, #tpu.memory_space<vmem>>
    %dma_start3A_14 = tpu.memref_squeeze %dma_start3A_13 : memref<1x8x128xf32, #tpu.memory_space<vmem>> -> memref<8x128xf32, #tpu.memory_space<vmem>>
    %dma_start3A_15 = arith.constant 0 : i32
    %dma_start3A_16 = tpu.memref_slice %arg2[%add3A_4, %dma_start3A_15] : memref<4096x4096xf32, #tpu.memory_space<hbm>> -> memref<8x128xf32, #tpu.memory_space<hbm>>
    tpu.enqueue_dma source(%dma_start3A_16 : memref<8x128xf32, #tpu.memory_space<hbm>>) target(%dma_start3A_14 : memref<8x128xf32, #tpu.memory_space<vmem>>) target_semaphore(%arg6 : memref<!tpu.dma_semaphore, #tpu.memory_space<semaphore_mem>>)
    %add3A_17 = arith.constant 8 : i32
    %add3A_18 = arith.addi %mul3A_2, %add3A_17 : i32
    %dma_start3A_19 = arith.constant 1 : i32
    %dma_start3A_20 = arith.constant 0 : i32
    %dma_start3A_21 = arith.constant 0 : i32
    %dma_start3A_22 = tpu.memref_slice %arg4[%dma_start3A_19, %dma_start3A_20, %dma_start3A_21] : memref<2x8x128xf32, #tpu.memory_space<vmem>> -> memref<1x8x128xf32, #tpu.memory_space<vmem>>
    %dma_start3A_23 = tpu.memref_squeeze %dma_start3A_22 : memref<1x8x128xf32, #tpu.memory_space<vmem>> -> memref<8x128xf32, #tpu.memory_space<vmem>>
    %dma_start3A_24 = arith.constant 0 : i32
    %dma_start3A_25 = tpu.memref_slice %arg2[%add3A_18, %dma_start3A_24] : memref<4096x4096xf32, #tpu.memory_space<hbm>> -> memref<8x128xf32, #tpu.memory_space<hbm>>
    %dma_start3A_26 = arith.constant 0 : i32
    %dma_start3A_27 = arith.constant 0 : i32
    %dma_start3A_28 = tpu.memref_slice %arg4[%dma_start3A_19, %dma_start3A_26, %dma_start3A_27] : memref<2x8x128xf32, #tpu.memory_space<vmem>> -> memref<1x8x128xf32, #tpu.memory_space<vmem>>
    %dma_start3A_29 = tpu.memref_squeeze %dma_start3A_28 : memref<1x8x128xf32, #tpu.memory_space<vmem>> -> memref<8x128xf32, #tpu.memory_space<vmem>>
    %dma_start3A_30 = arith.constant 0 : i32
    %dma_start3A_31 = tpu.memref_slice %arg2[%add3A_18, %dma_start3A_30] : memref<4096x4096xf32, #tpu.memory_space<hbm>> -> memref<8x128xf32, #tpu.memory_space<hbm>>
    tpu.enqueue_dma source(%dma_start3A_31 : memref<8x128xf32, #tpu.memory_space<hbm>>) target(%dma_start3A_29 : memref<8x128xf32, #tpu.memory_space<vmem>>) target_semaphore(%arg7 : memref<!tpu.dma_semaphore, #tpu.memory_space<semaphore_mem>>)
    %scan3A = arith.constant 0 : i32
    %scan3A_32 = arith.constant 8 : i32
    %scan3A_33 = arith.addi %scan3A, %scan3A_32 : i32
    %scan3A_34 = arith.constant 1 : i32
    scf.for %scan3A_65 = %scan3A to %scan3A_33 step %scan3A_34  : i32 {
      %mul3A_66 = arith.constant 2 : i32
      %mul3A_67 = arith.muli %scan3A_65, %mul3A_66 : i32
      %add3A_68 = arith.constant 0 : i32
      %add3A_69 = arith.addi %add3A_68, %mul3A_67 : i32
      %add3A_70 = arith.constant 0 : i32
      %add3A_71 = arith.addi %add3A_69, %add3A_70 : i32
      %mul3A_72 = arith.constant 8 : i32
      %mul3A_73 = arith.muli %add3A_71, %mul3A_72 : i32
      %add3A_74 = arith.addi %mul3A_2, %mul3A_73 : i32
      %dma_wait3A_75 = arith.constant 0 : i32
      %dma_wait3A_76 = arith.constant 0 : i32
      %dma_wait3A_77 = arith.constant 0 : i32
      %dma_wait3A_78 = tpu.memref_slice %arg4[%dma_wait3A_75, %dma_wait3A_76, %dma_wait3A_77] : memref<2x8x128xf32, #tpu.memory_space<vmem>> -> memref<1x8x128xf32, #tpu.memory_space<vmem>>
      %dma_wait3A_79 = tpu.memref_squeeze %dma_wait3A_78 : memref<1x8x128xf32, #tpu.memory_space<vmem>> -> memref<8x128xf32, #tpu.memory_space<vmem>>
      %dma_wait3A_80 = arith.constant 0 : i32
      %dma_wait3A_81 = tpu.memref_slice %arg2[%add3A_74, %dma_wait3A_80] : memref<4096x4096xf32, #tpu.memory_space<hbm>> -> memref<8x128xf32, #tpu.memory_space<hbm>>
      %dma_wait3A_82 = arith.constant 0 : i32
      %dma_wait3A_83 = arith.constant 0 : i32
      %dma_wait3A_84 = tpu.memref_slice %arg4[%dma_wait3A_75, %dma_wait3A_82, %dma_wait3A_83] : memref<2x8x128xf32, #tpu.memory_space<vmem>> -> memref<1x8x128xf32, #tpu.memory_space<vmem>>
      %dma_wait3A_85 = tpu.memref_squeeze %dma_wait3A_84 : memref<1x8x128xf32, #tpu.memory_space<vmem>> -> memref<8x128xf32, #tpu.memory_space<vmem>>
      %dma_wait3A_86 = arith.constant 0 : i32
      %dma_wait3A_87 = tpu.memref_slice %arg2[%add3A_74, %dma_wait3A_86] : memref<4096x4096xf32, #tpu.memory_space<hbm>> -> memref<8x128xf32, #tpu.memory_space<hbm>>
      tpu.wait_dma2 semaphore(%arg6 : memref<!tpu.dma_semaphore, #tpu.memory_space<semaphore_mem>>) src(%dma_wait3A_87 : memref<8x128xf32, #tpu.memory_space<hbm>>) dst(%dma_wait3A_85 : memref<8x128xf32, #tpu.memory_space<vmem>>)
      %ge3A = arith.constant 2 : i32
      %ge3A_88 = arith.cmpi sge, %add3A_71, %ge3A : i32
      %convert_element_type3A = arith.extui %ge3A_88 : i1 to i32
      %cond3A = arith.constant 0 : i32
      %cond3A_89 = arith.cmpi ne, %convert_element_type3A, %cond3A : i32
      scf.if %cond3A_89 {
        %sub3A = arith.constant 2 : i32
        %sub3A_3894 = arith.subi %add3A_71, %sub3A : i32
        %mul3A_3895 = arith.constant 8 : i32
        %mul3A_3896 = arith.muli %sub3A_3894, %mul3A_3895 : i32
        %add3A_3897 = arith.addi %mul3A_2, %mul3A_3896 : i32
        %dma_wait3A_3898 = arith.constant 0 : i32
        %dma_wait3A_3899 = arith.constant 0 : i32
        %dma_wait3A_3900 = arith.constant 0 : i32
        %dma_wait3A_3901 = tpu.memref_slice %arg5[%dma_wait3A_3898, %dma_wait3A_3899, %dma_wait3A_3900] : memref<2x8x128xf32, #tpu.memory_space<vmem>> -> memref<1x8x128xf32, #tpu.memory_space<vmem>>
        %dma_wait3A_3902 = tpu.memref_squeeze %dma_wait3A_3901 : memref<1x8x128xf32, #tpu.memory_space<vmem>> -> memref<8x128xf32, #tpu.memory_space<vmem>>
        %dma_wait3A_3903 = arith.constant 0 : i32
        %dma_wait3A_3904 = tpu.memref_slice %arg3[%add3A_3897, %dma_wait3A_3903] : memref<4096x128xf32, #tpu.memory_space<hbm>> -> memref<8x128xf32, #tpu.memory_space<hbm>>
        %dma_wait3A_3905 = arith.constant 0 : i32
        %dma_wait3A_3906 = tpu.memref_slice %arg3[%add3A_3897, %dma_wait3A_3905] : memref<4096x128xf32, #tpu.memory_space<hbm>> -> memref<8x128xf32, #tpu.memory_space<hbm>>
        %dma_wait3A_3907 = arith.constant 0 : i32
        %dma_wait3A_3908 = arith.constant 0 : i32
        %dma_wait3A_3909 = tpu.memref_slice %arg5[%dma_wait3A_3898, %dma_wait3A_3907, %dma_wait3A_3908] : memref<2x8x128xf32, #tpu.memory_space<vmem>> -> memref<1x8x128xf32, #tpu.memory_space<vmem>>
        %dma_wait3A_3910 = tpu.memref_squeeze %dma_wait3A_3909 : memref<1x8x128xf32, #tpu.memory_space<vmem>> -> memref<8x128xf32, #tpu.memory_space<vmem>>
        tpu.wait_dma2 semaphore(%arg8 : memref<!tpu.dma_semaphore, #tpu.memory_space<semaphore_mem>>) src(%dma_wait3A_3910 : memref<8x128xf32, #tpu.memory_space<vmem>>) dst(%dma_wait3A_3906 : memref<8x128xf32, #tpu.memory_space<hbm>>)
      } else {
      }
      %get3A = arith.constant 0 : i32
      %get3A_90 = arith.constant 0 : i32
      %get3A_91 = arith.index_cast %get3A : i32 to index
      %get3A_92 = arith.index_cast %get3A_90 : i32 to index
      %get3A_93 = arith.constant 0 : index
      %get3A_94 = tpu.vector_load %arg4[%get3A_91, %get3A_92, %get3A_93] {strides = array<i32>} : memref<2x8x128xf32, #tpu.memory_space<vmem>>, vector<16xf32>,
      %broadcast_in_dim3A = arith.constant true
      %broadcast_in_dim3A_95 = vector.broadcast %broadcast_in_dim3A : i1 to vector<16xi1>
      %masked_cumsum3A = tpu.scan <sum>, %get3A_94 masked %broadcast_in_dim3A_95 : vector<16xf32>, vector<16xi1> -> vector<16xf32>
      %add3A_96 = arith.constant 0.000000e+00 : f32
      %add3A_97 = vector.broadcast %add3A_96 : f32 to vector<16xf32>
      %add3A_98 = arith.addf %masked_cumsum3A, %add3A_97 : vector<16xf32>
      %le3A = arith.constant 2.550000e+01 : f32
      %le3A_99 = vector.broadcast %le3A : f32 to vector<16xf32>
      %le3A_100 = arith.cmpf ole, %add3A_98, %le3A_99 : vector<16xf32>
      %jit3A = arith.constant 0.000000e+00 : f32
      %broadcast_in_dim3A_101 = vector.broadcast %jit3A : f32 to vector<16xf32>
      %select_n3A = arith.select %le3A_100, %add3A_98, %broadcast_in_dim3A_101 : vector<16xi1>, vector<16xf32>
      %mul3A_102 = arith.mulf %select_n3A, %get3A_94 : vector<16xf32>
      %swap3A = arith.constant 0 : i32
      %swap3A_103 = arith.constant 0 : i32
      %swap3A_104 = arith.index_cast %swap3A : i32 to index
      %swap3A_105 = arith.index_cast %swap3A_103 : i32 to index
      %swap3A_106 = arith.constant 0 : index
      %swap3A_107 = tpu.vector_load %arg5[%swap3A_104, %swap3A_105, %swap3A_106] {strides = array<i32>} : memref<2x8x128xf32, #tpu.memory_space<vmem>>, vector<16xf32>,
      tpu.vector_store %arg5[%swap3A_104, %swap3A_105, %swap3A_106], %mul3A_102 {strides = array<i32>} : memref<2x8x128xf32, #tpu.memory_space<vmem>>, vector<16xf32>,
      %reduce_sum3A = arith.constant true
      %reduce_sum3A_108 = vector.broadcast %reduce_sum3A : i1 to vector<16xi1>
      %reduce_sum3A_109 = tpu.scan <sum>, %get3A_94 masked %reduce_sum3A_108 : vector<16xf32>, vector<16xi1> -> vector<16xf32>
      %reduce_sum3A_110 = vector.extract %reduce_sum3A_109[15] : f32 from vector<16xf32>
      %add3A_111 = arith.constant 0.000000e+00 : f32
      %add3A_112 = arith.addf %add3A_111, %reduce_sum3A_110 : f32
      %get3A_113 = arith.constant 0 : i32
      %get3A_114 = arith.constant 0 : i32
      %get3A_115 = arith.index_cast %get3A_113 : i32 to index
      %get3A_116 = arith.index_cast %get3A_114 : i32 to index
      %get3A_117 = arith.constant 16 : index
      %get3A_118 = tpu.vector_load %arg4[%get3A_115, %get3A_116, %get3A_117] {strides = array<i32>} : memref<2x8x128xf32, #tpu.memory_space<vmem>>, vector<16xf32>,
      %broadcast_in_dim3A_119 = arith.constant true
      %broadcast_in_dim3A_120 = vector.broadcast %broadcast_in_dim3A_119 : i1 to vector<16xi1>
      %masked_cumsum3A_121 = tpu.scan <sum>, %get3A_118 masked %broadcast_in_dim3A_120 : vector<16xf32>, vector<16xi1> -> vector<16xf32>
      %add3A_122 = vector.broadcast %add3A_112 : f32 to vector<16xf32>
      %add3A_123 = arith.addf %masked_cumsum3A_121, %add3A_122 : vector<16xf32>
      %le3A_124 = arith.constant 2.550000e+01 : f32
      %le3A_125 = vector.broadcast %le3A_124 : f32 to vector<16xf32>
      %le3A_126 = arith.cmpf ole, %add3A_123, %le3A_125 : vector<16xf32>
      %jit3A_127 = arith.constant 0.000000e+00 : f32
      %broadcast_in_dim3A_128 = vector.broadcast %jit3A_127 : f32 to vector<16xf32>
      %select_n3A_129 = arith.select %le3A_126, %add3A_123, %broadcast_in_dim3A_128 : vector<16xi1>, vector<16xf32>
      %mul3A_130 = arith.mulf %select_n3A_129, %get3A_118 : vector<16xf32>
      %swap3A_131 = arith.constant 0 : i32
      %swap3A_132 = arith.constant 0 : i32
      %swap3A_133 = arith.index_cast %swap3A_131 : i32 to index
      %swap3A_134 = arith.index_cast %swap3A_132 : i32 to index
      %swap3A_135 = arith.constant 16 : index
      %swap3A_136 = tpu.vector_load %arg5[%swap3A_133, %swap3A_134, %swap3A_135] {strides = array<i32>} : memref<2x8x128xf32, #tpu.memory_space<vmem>>, vector<16xf32>,
      tpu.vector_store %arg5[%swap3A_133, %swap3A_134, %swap3A_135], %mul3A_130 {strides = array<i32>} : memref<2x8x128xf32, #tpu.memory_space<vmem>>, vector<16xf32>,
      %reduce_sum3A_137 = arith.constant true
      %reduce_sum3A_138 = vector.broadcast %reduce_sum3A_137 : i1 to vector<16xi1>
      %reduce_sum3A_139 = tpu.scan <sum>, %get3A_118 masked %reduce_sum3A_138 : vector<16xf32>, vector<16xi1> -> vector<16xf32>
      %reduce_sum3A_140 = vector.extract %reduce_sum3A_139[15] : f32 from vector<16xf32>
      %add3A_141 = arith.addf %add3A_112, %reduce_sum3A_140 : f32
      %get3A_142 = arith.constant 0 : i32
      %get3A_143 = arith.constant 0 : i32
      %get3A_144 = arith.index_cast %get3A_142 : i32 to index
      %get3A_145 = arith.index_cast %get3A_143 : i32 to index
      %get3A_146 = arith.constant 32 : index
      %get3A_147 = tpu.vector_load %arg4[%get3A_144, %get3A_145, %get3A_146] {strides = array<i32>} : memref<2x8x128xf32, #tpu.memory_space<vmem>>, vector<16xf32>,
      %broadcast_in_dim3A_148 = arith.constant true
      %broadcast_in_dim3A_149 = vector.broadcast %broadcast_in_dim3A_148 : i1 to vector<16xi1>
      %masked_cumsum3A_150 = tpu.scan <sum>, %get3A_147 masked %broadcast_in_dim3A_149 : vector<16xf32>, vector<16xi1> -> vector<16xf32>
      %add3A_151 = vector.broadcast %add3A_141 : f32 to vector<16xf32>
      %add3A_152 = arith.addf %masked_cumsum3A_150, %add3A_151 : vector<16xf32>
      %le3A_153 = arith.constant 2.550000e+01 : f32
      %le3A_154 = vector.broadcast %le3A_153 : f32 to vector<16xf32>
      %le3A_155 = arith.cmpf ole, %add3A_152, %le3A_154 : vector<16xf32>
      %jit3A_156 = arith.constant 0.000000e+00 : f32
      %broadcast_in_dim3A_157 = vector.broadcast %jit3A_156 : f32 to vector<16xf32>
      %select_n3A_158 = arith.select %le3A_155, %add3A_152, %broadcast_in_dim3A_157 : vector<16xi1>, vector<16xf32>
      %mul3A_159 = arith.mulf %select_n3A_158, %get3A_147 : vector<16xf32>
      %swap3A_160 = arith.constant 0 : i32
      %swap3A_161 = arith.constant 0 : i32
      %swap3A_162 = arith.index_cast %swap3A_160 : i32 to index
      %swap3A_163 = arith.index_cast %swap3A_161 : i32 to index
      %swap3A_164 = arith.constant 32 : index
      %swap3A_165 = tpu.vector_load %arg5[%swap3A_162, %swap3A_163, %swap3A_164] {strides = array<i32>} : memref<2x8x128xf32, #tpu.memory_space<vmem>>, vector<16xf32>,
      tpu.vector_store %arg5[%swap3A_162, %swap3A_163, %swap3A_164], %mul3A_159 {strides = array<i32>} : memref<2x8x128xf32, #tpu.memory_space<vmem>>, vector<16xf32>,
      %reduce_sum3A_166 = arith.constant true
      %reduce_sum3A_167 = vector.broadcast %reduce_sum3A_166 : i1 to vector<16xi1>
      %reduce_sum3A_168 = tpu.scan <sum>, %get3A_147 masked %reduce_sum3A_167 : vector<16xf32>, vector<16xi1> -> vector<16xf32>
      %reduce_sum3A_169 = vector.extract %reduce_sum3A_168[15] : f32 from vector<16xf32>
      %add3A_170 = arith.addf %add3A_141, %reduce_sum3A_169 : f32
      %get3A_171 = arith.constant 0 : i32
      %get3A_172 = arith.constant 0 : i32
      %get3A_173 = arith.index_cast %get3A_171 : i32 to index
      %get3A_174 = arith.index_cast %get3A_172 : i32 to index
      %get3A_175 = arith.constant 48 : index
      %get3A_176 = tpu.vector_load %arg4[%get3A_173, %get3A_174, %get3A_175] {strides = array<i32>} : memref<2x8x128xf32, #tpu.memory_space<vmem>>, vector<16xf32>,
      %broadcast_in_dim3A_177 = arith.constant true
      %broadcast_in_dim3A_178 = vector.broadcast %broadcast_in_dim3A_177 : i1 to vector<16xi1>
      %masked_cumsum3A_179 = tpu.scan <sum>, %get3A_176 masked %broadcast_in_dim3A_178 : vector<16xf32>, vector<16xi1> -> vector<16xf32>
      %add3A_180 = vector.broadcast %add3A_170 : f32 to vector<16xf32>
      %add3A_181 = arith.addf %masked_cumsum3A_179, %add3A_180 : vector<16xf32>
      %le3A_182 = arith.constant 2.550000e+01 : f32
      %le3A_183 = vector.broadcast %le3A_182 : f32 to vector<16xf32>
      %le3A_184 = arith.cmpf ole, %add3A_181, %le3A_183 : vector<16xf32>
      %jit3A_185 = arith.constant 0.000000e+00 : f32
      %broadcast_in_dim3A_186 = vector.broadcast %jit3A_185 : f32 to vector<16xf32>
      %select_n3A_187 = arith.select %le3A_184, %add3A_181, %broadcast_in_dim3A_186 : vector<16xi1>, vector<16xf32>
      %mul3A_188 = arith.mulf %select_n3A_187, %get3A_176 : vector<16xf32>
      %swap3A_189 = arith.constant 0 : i32
      %swap3A_190 = arith.constant 0 : i32
      %swap3A_191 = arith.index_cast %swap3A_189 : i32 to index
      %swap3A_192 = arith.index_cast %swap3A_190 : i32 to index
      %swap3A_193 = arith.constant 48 : index
      %swap3A_194 = tpu.vector_load %arg5[%swap3A_191, %swap3A_192, %swap3A_193] {strides = array<i32>} : memref<2x8x128xf32, #tpu.memory_space<vmem>>, vector<16xf32>,
      tpu.vector_store %arg5[%swap3A_191, %swap3A_192, %swap3A_193], %mul3A_188 {strides = array<i32>} : memref<2x8x128xf32, #tpu.memory_space<vmem>>, vector<16xf32>,
      %reduce_sum3A_195 = arith.constant true
      %reduce_sum3A_196 = vector.broadcast %reduce_sum3A_195 : i1 to vector<16xi1>
      %reduce_sum3A_197 = tpu.scan <sum>, %get3A_176 masked %reduce_sum3A_196 : vector<16xf32>, vector<16xi1> -> vector<16xf32>
      %reduce_sum3A_198 = vector.extract %reduce_sum3A_197[15] : f32 from vector<16xf32>
      %add3A_199 = arith.addf %add3A_170, %reduce_sum3A_198 : f32
      %get3A_200 = arith.constant 0 : i32
      %get3A_201 = arith.constant 0 : i32
      %get3A_202 = arith.index_cast %get3A_200 : i32 to index
      %get3A_203 = arith.index_cast %get3A_201 : i32 to index
      %get3A_204 = arith.constant 64 : index
      %get3A_205 = tpu.vector_load %arg4[%get3A_202, %get3A_203, %get3A_204] {strides = array<i32>} : memref<2x8x128xf32, #tpu.memory_space<vmem>>, vector<16xf32>,
      %broadcast_in_dim3A_206 = arith.constant true
      %broadcast_in_dim3A_207 = vector.broadcast %broadcast_in_dim3A_206 : i1 to vector<16xi1>
      %masked_cumsum3A_208 = tpu.scan <sum>, %get3A_205 masked %broadcast_in_dim3A_207 : vector<16xf32>, vector<16xi1> -> vector<16xf32>
      %add3A_209 = vector.broadcast %add3A_199 : f32 to vector<16xf32>
      %add3A_210 = arith.addf %masked_cumsum3A_208, %add3A_209 : vector<16xf32>
      %le3A_211 = arith.constant 2.550000e+01 : f32
      %le3A_212 = vector.broadcast %le3A_211 : f32 to vector<16xf32>
      %le3A_213 = arith.cmpf ole, %add3A_210, %le3A_212 : vector<16xf32>
      %jit3A_214 = arith.constant 0.000000e+00 : f32
      %broadcast_in_dim3A_215 = vector.broadcast %jit3A_214 : f32 to vector<16xf32>
      %select_n3A_216 = arith.select %le3A_213, %add3A_210, %broadcast_in_dim3A_215 : vector<16xi1>, vector<16xf32>
      %mul3A_217 = arith.mulf %select_n3A_216, %get3A_205 : vector<16xf32>
      %swap3A_218 = arith.constant 0 : i32
      %swap3A_219 = arith.constant 0 : i32
      %swap3A_220 = arith.index_cast %swap3A_218 : i32 to index
      %swap3A_221 = arith.index_cast %swap3A_219 : i32 to index
      %swap3A_222 = arith.constant 64 : index
      %swap3A_223 = tpu.vector_load %arg5[%swap3A_220, %swap3A_221, %swap3A_222] {strides = array<i32>} : memref<2x8x128xf32, #tpu.memory_space<vmem>>, vector<16xf32>,
      tpu.vector_store %arg5[%swap3A_220, %swap3A_221, %swap3A_222], %mul3A_217 {strides = array<i32>} : memref<2x8x128xf32, #tpu.memory_space<vmem>>, vector<16xf32>,
      %reduce_sum3A_224 = arith.constant true
      %reduce_sum3A_225 = vector.broadcast %reduce_sum3A_224 : i1 to vector<16xi1>
      %reduce_sum3A_226 = tpu.scan <sum>, %get3A_205 masked %reduce_sum3A_225 : vector<16xf32>, vector<16xi1> -> vector<16xf32>
      %reduce_sum3A_227 = vector.extract %reduce_sum3A_226[15] : f32 from vector<16xf32>
      %add3A_228 = arith.addf %add3A_199, %reduce_sum3A_227 : f32
      %get3A_229 = arith.constant 0 : i32
      %get3A_230 = arith.constant 0 : i32
      %get3A_231 = arith.index_cast %get3A_229 : i32 to index
      %get3A_232 = arith.index_cast %get3A_230 : i32 to index
      %get3A_233 = arith.constant 80 : index
      %get3A_234 = tpu.vector_load %arg4[%get3A_231, %get3A_232, %get3A_233] {strides = array<i32>} : memref<2x8x128xf32, #tpu.memory_space<vmem>>, vector<16xf32>,
      %broadcast_in_dim3A_235 = arith.constant true
      %broadcast_in_dim3A_236 = vector.broadcast %broadcast_in_dim3A_235 : i1 to vector<16xi1>
      %masked_cumsum3A_237 = tpu.scan <sum>, %get3A_234 masked %broadcast_in_dim3A_236 : vector<16xf32>, vector<16xi1> -> vector<16xf32>
      %add3A_238 = vector.broadcast %add3A_228 : f32 to vector<16xf32>
      %add3A_239 = arith.addf %masked_cumsum3A_237, %add3A_238 : vector<16xf32>
      %le3A_240 = arith.constant 2.550000e+01 : f32
      %le3A_241 = vector.broadcast %le3A_240 : f32 to vector<16xf32>
      %le3A_242 = arith.cmpf ole, %add3A_239, %le3A_241 : vector<16xf32>
      %jit3A_243 = arith.constant 0.000000e+00 : f32
      %broadcast_in_dim3A_244 = vector.broadcast %jit3A_243 : f32 to vector<16xf32>
      %select_n3A_245 = arith.select %le3A_242, %add3A_239, %broadcast_in_dim3A_244 : vector<16xi1>, vector<16xf32>
      %mul3A_246 = arith.mulf %select_n3A_245, %get3A_234 : vector<16xf32>
      %swap3A_247 = arith.constant 0 : i32
      %swap3A_248 = arith.constant 0 : i32
      %swap3A_249 = arith.index_cast %swap3A_247 : i32 to index
      %swap3A_250 = arith.index_cast %swap3A_248 : i32 to index
      %swap3A_251 = arith.constant 80 : index
      %swap3A_252 = tpu.vector_load %arg5[%swap3A_249, %swap3A_250, %swap3A_251] {strides = array<i32>} : memref<2x8x128xf32, #tpu.memory_space<vmem>>, vector<16xf32>,
      tpu.vector_store %arg5[%swap3A_249, %swap3A_250, %swap3A_251], %mul3A_246 {strides = array<i32>} : memref<2x8x128xf32, #tpu.memory_space<vmem>>, vector<16xf32>,
      %reduce_sum3A_253 = arith.constant true
      %reduce_sum3A_254 = vector.broadcast %reduce_sum3A_253 : i1 to vector<16xi1>
      %reduce_sum3A_255 = tpu.scan <sum>, %get3A_234 masked %reduce_sum3A_254 : vector<16xf32>, vector<16xi1> -> vector<16xf32>
      %reduce_sum3A_256 = vector.extract %reduce_sum3A_255[15] : f32 from vector<16xf32>
      %add3A_257 = arith.addf %add3A_228, %reduce_sum3A_256 : f32
      %get3A_258 = arith.constant 0 : i32
      %get3A_259 = arith.constant 0 : i32
      %get3A_260 = arith.index_cast %get3A_258 : i32 to index
      %get3A_261 = arith.index_cast %get3A_259 : i32 to index
      %get3A_262 = arith.constant 96 : index
      %get3A_263 = tpu.vector_load %arg4[%get3A_260, %get3A_261, %get3A_262] {strides = array<i32>} : memref<2x8x128xf32, #tpu.memory_space<vmem>>, vector<16xf32>,
      %broadcast_in_dim3A_264 = arith.constant true
      %broadcast_in_dim3A_265 = vector.broadcast %broadcast_in_dim3A_264 : i1 to vector<16xi1>
      %masked_cumsum3A_266 = tpu.scan <sum>, %get3A_263 masked %broadcast_in_dim3A_265 : vector<16xf32>, vector<16xi1> -> vector<16xf32>
      %add3A_267 = vector.broadcast %add3A_257 : f32 to vector<16xf32>
      %add3A_268 = arith.addf %masked_cumsum3A_266, %add3A_267 : vector<16xf32>
      %le3A_269 = arith.constant 2.550000e+01 : f32
      %le3A_270 = vector.broadcast %le3A_269 : f32 to vector<16xf32>
      %le3A_271 = arith.cmpf ole, %add3A_268, %le3A_270 : vector<16xf32>
      %jit3A_272 = arith.constant 0.000000e+00 : f32
      %broadcast_in_dim3A_273 = vector.broadcast %jit3A_272 : f32 to vector<16xf32>
      %select_n3A_274 = arith.select %le3A_271, %add3A_268, %broadcast_in_dim3A_273 : vector<16xi1>, vector<16xf32>
      %mul3A_275 = arith.mulf %select_n3A_274, %get3A_263 : vector<16xf32>
      %swap3A_276 = arith.constant 0 : i32
      %swap3A_277 = arith.constant 0 : i32
      %swap3A_278 = arith.index_cast %swap3A_276 : i32 to index
      %swap3A_279 = arith.index_cast %swap3A_277 : i32 to index
      %swap3A_280 = arith.constant 96 : index
      %swap3A_281 = tpu.vector_load %arg5[%swap3A_278, %swap3A_279, %swap3A_280] {strides = array<i32>} : memref<2x8x128xf32, #tpu.memory_space<vmem>>, vector<16xf32>,
      tpu.vector_store %arg5[%swap3A_278, %swap3A_279, %swap3A_280], %mul3A_275 {strides = array<i32>} : memref<2x8x128xf32, #tpu.memory_space<vmem>>, vector<16xf32>,
      %reduce_sum3A_282 = arith.constant true
      %reduce_sum3A_283 = vector.broadcast %reduce_sum3A_282 : i1 to vector<16xi1>
      %reduce_sum3A_284 = tpu.scan <sum>, %get3A_263 masked %reduce_sum3A_283 : vector<16xf32>, vector<16xi1> -> vector<16xf32>
      %reduce_sum3A_285 = vector.extract %reduce_sum3A_284[15] : f32 from vector<16xf32>
      %add3A_286 = arith.addf %add3A_257, %reduce_sum3A_285 : f32
      %get3A_287 = arith.constant 0 : i32
      %get3A_288 = arith.constant 0 : i32
      %get3A_289 = arith.index_cast %get3A_287 : i32 to index
      %get3A_290 = arith.index_cast %get3A_288 : i32 to index
      %get3A_291 = arith.constant 112 : index
      %get3A_292 = tpu.vector_load %arg4[%get3A_289, %get3A_290, %get3A_291] {strides = array<i32>} : memref<2x8x128xf32, #tpu.memory_space<vmem>>, vector<16xf32>,
      %broadcast_in_dim3A_293 = arith.constant true
      %broadcast_in_dim3A_294 = vector.broadcast %broadcast_in_dim3A_293 : i1 to vector<16xi1>
      %masked_cumsum3A_295 = tpu.scan <sum>, %get3A_292 masked %broadcast_in_dim3A_294 : vector<16xf32>, vector<16xi1> -> vector<16xf32>
      %add3A_296 = vector.broadcast %add3A_286 : f32 to vector<16xf32>
      %add3A_297 = arith.addf %masked_cumsum3A_295, %add3A_296 : vector<16xf32>
      %le3A_298 = arith.constant 2.550000e+01 : f32
      %le3A_299 = vector.broadcast %le3A_298 : f32 to vector<16xf32>
      %le3A_300 = arith.cmpf ole, %add3A_297, %le3A_299 : vector<16xf32>
      %jit3A_301 = arith.constant 0.000000e+00 : f32
      %broadcast_in_dim3A_302 = vector.broadcast %jit3A_301 : f32 to vector<16xf32>
      %select_n3A_303 = arith.select %le3A_300, %add3A_297, %broadcast_in_dim3A_302 : vector<16xi1>, vector<16xf32>
      %mul3A_304 = arith.mulf %select_n3A_303, %get3A_292 : vector<16xf32>
      %swap3A_305 = arith.constant 0 : i32
      %swap3A_306 = arith.constant 0 : i32
      %swap3A_307 = arith.index_cast %swap3A_305 : i32 to index
      %swap3A_308 = arith.index_cast %swap3A_306 : i32 to index
      %swap3A_309 = arith.constant 112 : index
      %swap3A_310 = tpu.vector_load %arg5[%swap3A_307, %swap3A_308, %swap3A_309] {strides = array<i32>} : memref<2x8x128xf32, #tpu.memory_space<vmem>>, vector<16xf32>,
      tpu.vector_store %arg5[%swap3A_307, %swap3A_308, %swap3A_309], %mul3A_304 {strides = array<i32>} : memref<2x8x128xf32, #tpu.memory_space<vmem>>, vector<16xf32>,
      %reduce_sum3A_311 = arith.constant true
      %reduce_sum3A_312 = vector.broadcast %reduce_sum3A_311 : i1 to vector<16xi1>
      %reduce_sum3A_313 = tpu.scan <sum>, %get3A_292 masked %reduce_sum3A_312 : vector<16xf32>, vector<16xi1> -> vector<16xf32>
      %reduce_sum3A_314 = vector.extract %reduce_sum3A_313[15] : f32 from vector<16xf32>
      %add3A_315 = arith.addf %add3A_286, %reduce_sum3A_314 : f32
      %get3A_316 = arith.constant 0 : i32
      %get3A_317 = arith.constant 1 : i32
      %get3A_318 = arith.index_cast %get3A_316 : i32 to index
      %get3A_319 = arith.index_cast %get3A_317 : i32 to index
      %get3A_320 = arith.constant 0 : index
      %get3A_321 = tpu.vector_load %arg4[%get3A_318, %get3A_319, %get3A_320] {strides = array<i32>} : memref<2x8x128xf32, #tpu.memory_space<vmem>>, vector<16xf32>,
      %broadcast_in_dim3A_322 = arith.constant true
      %broadcast_in_dim3A_323 = vector.broadcast %broadcast_in_dim3A_322 : i1 to vector<16xi1>
      %masked_cumsum3A_324 = tpu.scan <sum>, %get3A_321 masked %broadcast_in_dim3A_323 : vector<16xf32>, vector<16xi1> -> vector<16xf32>
      %add3A_325 = arith.constant 0.000000e+00 : f32
      %add3A_326 = vector.broadcast %add3A_325 : f32 to vector<16xf32>
      %add3A_327 = arith.addf %masked_cumsum3A_324, %add3A_326 : vector<16xf32>
      %le3A_328 = arith.constant 2.550000e+01 : f32
      %le3A_329 = vector.broadcast %le3A_328 : f32 to vector<16xf32>
      %le3A_330 = arith.cmpf ole, %add3A_327, %le3A_329 : vector<16xf32>
      %jit3A_331 = arith.constant 0.000000e+00 : f32
      %broadcast_in_dim3A_332 = vector.broadcast %jit3A_331 : f32 to vector<16xf32>
      %select_n3A_333 = arith.select %le3A_330, %add3A_327, %broadcast_in_dim3A_332 : vector<16xi1>, vector<16xf32>
      %mul3A_334 = arith.mulf %select_n3A_333, %get3A_321 : vector<16xf32>
      %swap3A_335 = arith.constant 0 : i32
      %swap3A_336 = arith.constant 1 : i32
      %swap3A_337 = arith.index_cast %swap3A_335 : i32 to index
      %swap3A_338 = arith.index_cast %swap3A_336 : i32 to index
      %swap3A_339 = arith.constant 0 : index
      %swap3A_340 = tpu.vector_load %arg5[%swap3A_337, %swap3A_338, %swap3A_339] {strides = array<i32>} : memref<2x8x128xf32, #tpu.memory_space<vmem>>, vector<16xf32>,
      tpu.vector_store %arg5[%swap3A_337, %swap3A_338, %swap3A_339], %mul3A_334 {strides = array<i32>} : memref<2x8x128xf32, #tpu.memory_space<vmem>>, vector<16xf32>,
      %reduce_sum3A_341 = arith.constant true
      %reduce_sum3A_342 = vector.broadcast %reduce_sum3A_341 : i1 to vector<16xi1>
      %reduce_sum3A_343 = tpu.scan <sum>, %get3A_321 masked %reduce_sum3A_342 : vector<16xf32>, vector<16xi1> -> vector<16xf32>
      %reduce_sum3A_344 = vector.extract %reduce_sum3A_343[15] : f32 from vector<16xf32>
      %add3A_345 = arith.constant 0.000000e+00 : f32
      %add3A_346 = arith.addf %add3A_345, %reduce_sum3A_344 : f32
      %get3A_347 = arith.constant 0 : i32
      %get3A_348 = arith.constant 1 : i32
      %get3A_349 = arith.index_cast %get3A_347 : i32 to index
      %get3A_350 = arith.index_cast %get3A_348 : i32 to index
      %get3A_351 = arith.constant 16 : index
      %get3A_352 = tpu.vector_load %arg4[%get3A_349, %get3A_350, %get3A_351] {strides = array<i32>} : memref<2x8x128xf32, #tpu.memory_space<vmem>>, vector<16xf32>,
      %broadcast_in_dim3A_353 = arith.constant true
      %broadcast_in_dim3A_354 = vector.broadcast %broadcast_in_dim3A_353 : i1 to vector<16xi1>
      %masked_cumsum3A_355 = tpu.scan <sum>, %get3A_352 masked %broadcast_in_dim3A_354 : vector<16xf32>, vector<16xi1> -> vector<16xf32>
      %add3A_356 = vector.broadcast %add3A_346 : f32 to vector<16xf32>
      %add3A_357 = arith.addf %masked_cumsum3A_355, %add3A_356 : vector<16xf32>
      %le3A_358 = arith.constant 2.550000e+01 : f32
      %le3A_359 = vector.broadcast %le3A_358 : f32 to vector<16xf32>
      %le3A_360 = arith.cmpf ole, %add3A_357, %le3A_359 : vector<16xf32>
      %jit3A_361 = arith.constant 0.000000e+00 : f32
      %broadcast_in_dim3A_362 = vector.broadcast %jit3A_361 : f32 to vector<16xf32>
      %select_n3A_363 = arith.select %le3A_360, %add3A_357, %broadcast_in_dim3A_362 : vector<16xi1>, vector<16xf32>
      %mul3A_364 = arith.mulf %select_n3A_363, %get3A_352 : vector<16xf32>
      %swap3A_365 = arith.constant 0 : i32
      %swap3A_366 = arith.constant 1 : i32
      %swap3A_367 = arith.index_cast %swap3A_365 : i32 to index
      %swap3A_368 = arith.index_cast %swap3A_366 : i32 to index
      %swap3A_369 = arith.constant 16 : index
      %swap3A_370 = tpu.vector_load %arg5[%swap3A_367, %swap3A_368, %swap3A_369] {strides = array<i32>} : memref<2x8x128xf32, #tpu.memory_space<vmem>>, vector<16xf32>,
      tpu.vector_store %arg5[%swap3A_367, %swap3A_368, %swap3A_369], %mul3A_364 {strides = array<i32>} : memref<2x8x128xf32, #tpu.memory_space<vmem>>, vector<16xf32>,
      %reduce_sum3A_371 = arith.constant true
      %reduce_sum3A_372 = vector.broadcast %reduce_sum3A_371 : i1 to vector<16xi1>
      %reduce_sum3A_373 = tpu.scan <sum>, %get3A_352 masked %reduce_sum3A_372 : vector<16xf32>, vector<16xi1> -> vector<16xf32>
      %reduce_sum3A_374 = vector.extract %reduce_sum3A_373[15] : f32 from vector<16xf32>
      %add3A_375 = arith.addf %add3A_346, %reduce_sum3A_374 : f32
      %get3A_376 = arith.constant 0 : i32
      %get3A_377 = arith.constant 1 : i32
      %get3A_378 = arith.index_cast %get3A_376 : i32 to index
      %get3A_379 = arith.index_cast %get3A_377 : i32 to index
      %get3A_380 = arith.constant 32 : index
      %get3A_381 = tpu.vector_load %arg4[%get3A_378, %get3A_379, %get3A_380] {strides = array<i32>} : memref<2x8x128xf32, #tpu.memory_space<vmem>>, vector<16xf32>,
      %broadcast_in_dim3A_382 = arith.constant true
      %broadcast_in_dim3A_383 = vector.broadcast %broadcast_in_dim3A_382 : i1 to vector<16xi1>
      %masked_cumsum3A_384 = tpu.scan <sum>, %get3A_381 masked %broadcast_in_dim3A_383 : vector<16xf32>, vector<16xi1> -> vector<16xf32>
      %add3A_385 = vector.broadcast %add3A_375 : f32 to vector<16xf32>
      %add3A_386 = arith.addf %masked_cumsum3A_384, %add3A_385 : vector<16xf32>
      %le3A_387 = arith.constant 2.550000e+01 : f32
      %le3A_388 = vector.broadcast %le3A_387 : f32 to vector<16xf32>
      %le3A_389 = arith.cmpf ole, %add3A_386, %le3A_388 : vector<16xf32>
      %jit3A_390 = arith.constant 0.000000e+00 : f32
      %broadcast_in_dim3A_391 = vector.broadcast %jit3A_390 : f32 to vector<16xf32>
      %select_n3A_392 = arith.select %le3A_389, %add3A_386, %broadcast_in_dim3A_391 : vector<16xi1>, vector<16xf32>
      %mul3A_393 = arith.mulf %select_n3A_392, %get3A_381 : vector<16xf32>
      %swap3A_394 = arith.constant 0 : i32
      %swap3A_395 = arith.constant 1 : i32
      %swap3A_396 = arith.index_cast %swap3A_394 : i32 to index
      %swap3A_397 = arith.index_cast %swap3A_395 : i32 to index
      %swap3A_398 = arith.constant 32 : index
      %swap3A_399 = tpu.vector_load %arg5[%swap3A_396, %swap3A_397, %swap3A_398] {strides = array<i32>} : memref<2x8x128xf32, #tpu.memory_space<vmem>>, vector<16xf32>,
      tpu.vector_store %arg5[%swap3A_396, %swap3A_397, %swap3A_398], %mul3A_393 {strides = array<i32>} : memref<2x8x128xf32, #tpu.memory_space<vmem>>, vector<16xf32>,
      %reduce_sum3A_400 = arith.constant true
      %reduce_sum3A_401 = vector.broadcast %reduce_sum3A_400 : i1 to vector<16xi1>
      %reduce_sum3A_402 = tpu.scan <sum>, %get3A_381 masked %reduce_sum3A_401 : vector<16xf32>, vector<16xi1> -> vector<16xf32>
      %reduce_sum3A_403 = vector.extract %reduce_sum3A_402[15] : f32 from vector<16xf32>
      %add3A_404 = arith.addf %add3A_375, %reduce_sum3A_403 : f32
      %get3A_405 = arith.constant 0 : i32
      %get3A_406 = arith.constant 1 : i32
      %get3A_407 = arith.index_cast %get3A_405 : i32 to index
      %get3A_408 = arith.index_cast %get3A_406 : i32 to index
      %get3A_409 = arith.constant 48 : index
      %get3A_410 = tpu.vector_load %arg4[%get3A_407, %get3A_408, %get3A_409] {strides = array<i32>} : memref<2x8x128xf32, #tpu.memory_space<vmem>>, vector<16xf32>,
      %broadcast_in_dim3A_411 = arith.constant true
      %broadcast_in_dim3A_412 = vector.broadcast %broadcast_in_dim3A_411 : i1 to vector<16xi1>
      %masked_cumsum3A_413 = tpu.scan <sum>, %get3A_410 masked %broadcast_in_dim3A_412 : vector<16xf32>, vector<16xi1> -> vector<16xf32>
      %add3A_414 = vector.broadcast %add3A_404 : f32 to vector<16xf32>
      %add3A_415 = arith.addf %masked_cumsum3A_413, %add3A_414 : vector<16xf32>
      %le3A_416 = arith.constant 2.550000e+01 : f32
      %le3A_417 = vector.broadcast %le3A_416 : f32 to vector<16xf32>
      %le3A_418 = arith.cmpf ole, %add3A_415, %le3A_417 : vector<16xf32>
      %jit3A_419 = arith.constant 0.000000e+00 : f32
      %broadcast_in_dim3A_420 = vector.broadcast %jit3A_419 : f32 to vector<16xf32>
      %select_n3A_421 = arith.select %le3A_418, %add3A_415, %broadcast_in_dim3A_420 : vector<16xi1>, vector<16xf32>
      %mul3A_422 = arith.mulf %select_n3A_421, %get3A_410 : vector<16xf32>
      %swap3A_423 = arith.constant 0 : i32
      %swap3A_424 = arith.constant 1 : i32
      %swap3A_425 = arith.index_cast %swap3A_423 : i32 to index
      %swap3A_426 = arith.index_cast %swap3A_424 : i32 to index
      %swap3A_427 = arith.constant 48 : index
      %swap3A_428 = tpu.vector_load %arg5[%swap3A_425, %swap3A_426, %swap3A_427] {strides = array<i32>} : memref<2x8x128xf32, #tpu.memory_space<vmem>>, vector<16xf32>,
      tpu.vector_store %arg5[%swap3A_425, %swap3A_426, %swap3A_427], %mul3A_422 {strides = array<i32>} : memref<2x8x128xf32, #tpu.memory_space<vmem>>, vector<16xf32>,
      %reduce_sum3A_429 = arith.constant true
      %reduce_sum3A_430 = vector.broadcast %reduce_sum3A_429 : i1 to vector<16xi1>
      %reduce_sum3A_431 = tpu.scan <sum>, %get3A_410 masked %reduce_sum3A_430 : vector<16xf32>, vector<16xi1> -> vector<16xf32>
      %reduce_sum3A_432 = vector.extract %reduce_sum3A_431[15] : f32 from vector<16xf32>
      %add3A_433 = arith.addf %add3A_404, %reduce_sum3A_432 : f32
      %get3A_434 = arith.constant 0 : i32
      %get3A_435 = arith.constant 1 : i32
      %get3A_436 = arith.index_cast %get3A_434 : i32 to index
      %get3A_437 = arith.index_cast %get3A_435 : i32 to index
      %get3A_438 = arith.constant 64 : index
      %get3A_439 = tpu.vector_load %arg4[%get3A_436, %get3A_437, %get3A_438] {strides = array<i32>} : memref<2x8x128xf32, #tpu.memory_space<vmem>>, vector<16xf32>,
      %broadcast_in_dim3A_440 = arith.constant true
      %broadcast_in_dim3A_441 = vector.broadcast %broadcast_in_dim3A_440 : i1 to vector<16xi1>
      %masked_cumsum3A_442 = tpu.scan <sum>, %get3A_439 masked %broadcast_in_dim3A_441 : vector<16xf32>, vector<16xi1> -> vector<16xf32>
      %add3A_443 = vector.broadcast %add3A_433 : f32 to vector<16xf32>
      %add3A_444 = arith.addf %masked_cumsum3A_442, %add3A_443 : vector<16xf32>
      %le3A_445 = arith.constant 2.550000e+01 : f32
      %le3A_446 = vector.broadcast %le3A_445 : f32 to vector<16xf32>
      %le3A_447 = arith.cmpf ole, %add3A_444, %le3A_446 : vector<16xf32>
      %jit3A_448 = arith.constant 0.000000e+00 : f32
      %broadcast_in_dim3A_449 = vector.broadcast %jit3A_448 : f32 to vector<16xf32>
      %select_n3A_450 = arith.select %le3A_447, %add3A_444, %broadcast_in_dim3A_449 : vector<16xi1>, vector<16xf32>
      %mul3A_451 = arith.mulf %select_n3A_450, %get3A_439 : vector<16xf32>
      %swap3A_452 = arith.constant 0 : i32
      %swap3A_453 = arith.constant 1 : i32
      %swap3A_454 = arith.index_cast %swap3A_452 : i32 to index
      %swap3A_455 = arith.index_cast %swap3A_453 : i32 to index
      %swap3A_456 = arith.constant 64 : index
      %swap3A_457 = tpu.vector_load %arg5[%swap3A_454, %swap3A_455, %swap3A_456] {strides = array<i32>} : memref<2x8x128xf32, #tpu.memory_space<vmem>>, vector<16xf32>,
      tpu.vector_store %arg5[%swap3A_454, %swap3A_455, %swap3A_456], %mul3A_451 {strides = array<i32>} : memref<2x8x128xf32, #tpu.memory_space<vmem>>, vector<16xf32>,
      %reduce_sum3A_458 = arith.constant true
      %reduce_sum3A_459 = vector.broadcast %reduce_sum3A_458 : i1 to vector<16xi1>
      %reduce_sum3A_460 = tpu.scan <sum>, %get3A_439 masked %reduce_sum3A_459 : vector<16xf32>, vector<16xi1> -> vector<16xf32>
      %reduce_sum3A_461 = vector.extract %reduce_sum3A_460[15] : f32 from vector<16xf32>
      %add3A_462 = arith.addf %add3A_433, %reduce_sum3A_461 : f32
      %get3A_463 = arith.constant 0 : i32
      %get3A_464 = arith.constant 1 : i32
      %get3A_465 = arith.index_cast %get3A_463 : i32 to index
      %get3A_466 = arith.index_cast %get3A_464 : i32 to index
      %get3A_467 = arith.constant 80 : index
      %get3A_468 = tpu.vector_load %arg4[%get3A_465, %get3A_466, %get3A_467] {strides = array<i32>} : memref<2x8x128xf32, #tpu.memory_space<vmem>>, vector<16xf32>,
      %broadcast_in_dim3A_469 = arith.constant true
      %broadcast_in_dim3A_470 = vector.broadcast %broadcast_in_dim3A_469 : i1 to vector<16xi1>
      %masked_cumsum3A_471 = tpu.scan <sum>, %get3A_468 masked %broadcast_in_dim3A_470 : vector<16xf32>, vector<16xi1> -> vector<16xf32>
      %add3A_472 = vector.broadcast %add3A_462 : f32 to vector<16xf32>
      %add3A_473 = arith.addf %masked_cumsum3A_471, %add3A_472 : vector<16xf32>
      %le3A_474 = arith.constant 2.550000e+01 : f32
      %le3A_475 = vector.broadcast %le3A_474 : f32 to vector<16xf32>
      %le3A_476 = arith.cmpf ole, %add3A_473, %le3A_475 : vector<16xf32>
      %jit3A_477 = arith.constant 0.000000e+00 : f32
      %broadcast_in_dim3A_478 = vector.broadcast %jit3A_477 : f32 to vector<16xf32>
      %select_n3A_479 = arith.select %le3A_476, %add3A_473, %broadcast_in_dim3A_478 : vector<16xi1>, vector<16xf32>
      %mul3A_480 = arith.mulf %select_n3A_479, %get3A_468 : vector<16xf32>
      %swap3A_481 = arith.constant 0 : i32
      %swap3A_482 = arith.constant 1 : i32
      %swap3A_483 = arith.index_cast %swap3A_481 : i32 to index
      %swap3A_484 = arith.index_cast %swap3A_482 : i32 to index
      %swap3A_485 = arith.constant 80 : index
      %swap3A_486 = tpu.vector_load %arg5[%swap3A_483, %swap3A_484, %swap3A_485] {strides = array<i32>} : memref<2x8x128xf32, #tpu.memory_space<vmem>>, vector<16xf32>,
      tpu.vector_store %arg5[%swap3A_483, %swap3A_484, %swap3A_485], %mul3A_480 {strides = array<i32>} : memref<2x8x128xf32, #tpu.memory_space<vmem>>, vector<16xf32>,
      %reduce_sum3A_487 = arith.constant true
      %reduce_sum3A_488 = vector.broadcast %reduce_sum3A_487 : i1 to vector<16xi1>
      %reduce_sum3A_489 = tpu.scan <sum>, %get3A_468 masked %reduce_sum3A_488 : vector<16xf32>, vector<16xi1> -> vector<16xf32>
      %reduce_sum3A_490 = vector.extract %reduce_sum3A_489[15] : f32 from vector<16xf32>
      %add3A_491 = arith.addf %add3A_462, %reduce_sum3A_490 : f32
      %get3A_492 = arith.constant 0 : i32
      %get3A_493 = arith.constant 1 : i32
      %get3A_494 = arith.index_cast %get3A_492 : i32 to index
      %get3A_495 = arith.index_cast %get3A_493 : i32 to index
      %get3A_496 = arith.constant 96 : index
      %get3A_497 = tpu.vector_load %arg4[%get3A_494, %get3A_495, %get3A_496] {strides = array<i32>} : memref<2x8x128xf32, #tpu.memory_space<vmem>>, vector<16xf32>,
      %broadcast_in_dim3A_498 = arith.constant true
      %broadcast_in_dim3A_499 = vector.broadcast %broadcast_in_dim3A_498 : i1 to vector<16xi1>
      %masked_cumsum3A_500 = tpu.scan <sum>, %get3A_497 masked %broadcast_in_dim3A_499 : vector<16xf32>, vector<16xi1> -> vector<16xf32>
      %add3A_501 = vector.broadcast %add3A_491 : f32 to vector<16xf32>
      %add3A_502 = arith.addf %masked_cumsum3A_500, %add3A_501 : vector<16xf32>
      %le3A_503 = arith.constant 2.550000e+01 : f32
      %le3A_504 = vector.broadcast %le3A_503 : f32 to vector<16xf32>
      %le3A_505 = arith.cmpf ole, %add3A_502, %le3A_504 : vector<16xf32>
      %jit3A_506 = arith.constant 0.000000e+00 : f32
      %broadcast_in_dim3A_507 = vector.broadcast %jit3A_506 : f32 to vector<16xf32>
      %select_n3A_508 = arith.select %le3A_505, %add3A_502, %broadcast_in_dim3A_507 : vector<16xi1>, vector<16xf32>
      %mul3A_509 = arith.mulf %select_n3A_508, %get3A_497 : vector<16xf32>
      %swap3A_510 = arith.constant 0 : i32
      %swap3A_511 = arith.constant 1 : i32
      %swap3A_512 = arith.index_cast %swap3A_510 : i32 to index
      %swap3A_513 = arith.index_cast %swap3A_511 : i32 to index
      %swap3A_514 = arith.constant 96 : index
      %swap3A_515 = tpu.vector_load %arg5[%swap3A_512, %swap3A_513, %swap3A_514] {strides = array<i32>} : memref<2x8x128xf32, #tpu.memory_space<vmem>>, vector<16xf32>,
      tpu.vector_store %arg5[%swap3A_512, %swap3A_513, %swap3A_514], %mul3A_509 {strides = array<i32>} : memref<2x8x128xf32, #tpu.memory_space<vmem>>, vector<16xf32>,
      %reduce_sum3A_516 = arith.constant true
      %reduce_sum3A_517 = vector.broadcast %reduce_sum3A_516 : i1 to vector<16xi1>
      %reduce_sum3A_518 = tpu.scan <sum>, %get3A_497 masked %reduce_sum3A_517 : vector<16xf32>, vector<16xi1> -> vector<16xf32>
      %reduce_sum3A_519 = vector.extract %reduce_sum3A_518[15] : f32 from vector<16xf32>
      %add3A_520 = arith.addf %add3A_491, %reduce_sum3A_519 : f32
      %get3A_521 = arith.constant 0 : i32
      %get3A_522 = arith.constant 1 : i32
      %get3A_523 = arith.index_cast %get3A_521 : i32 to index
      %get3A_524 = arith.index_cast %get3A_522 : i32 to index
      %get3A_525 = arith.constant 112 : index
      %get3A_526 = tpu.vector_load %arg4[%get3A_523, %get3A_524, %get3A_525] {strides = array<i32>} : memref<2x8x128xf32, #tpu.memory_space<vmem>>, vector<16xf32>,
      %broadcast_in_dim3A_527 = arith.constant true
      %broadcast_in_dim3A_528 = vector.broadcast %broadcast_in_dim3A_527 : i1 to vector<16xi1>
      %masked_cumsum3A_529 = tpu.scan <sum>, %get3A_526 masked %broadcast_in_dim3A_528 : vector<16xf32>, vector<16xi1> -> vector<16xf32>
      %add3A_530 = vector.broadcast %add3A_520 : f32 to vector<16xf32>
      %add3A_531 = arith.addf %masked_cumsum3A_529, %add3A_530 : vector<16xf32>
      %le3A_532 = arith.constant 2.550000e+01 : f32
      %le3A_533 = vector.broadcast %le3A_532 : f32 to vector<16xf32>
      %le3A_534 = arith.cmpf ole, %add3A_531, %le3A_533 : vector<16xf32>
      %jit3A_535 = arith.constant 0.000000e+00 : f32
      %broadcast_in_dim3A_536 = vector.broadcast %jit3A_535 : f32 to vector<16xf32>
      %select_n3A_537 = arith.select %le3A_534, %add3A_531, %broadcast_in_dim3A_536 : vector<16xi1>, vector<16xf32>
      %mul3A_538 = arith.mulf %select_n3A_537, %get3A_526 : vector<16xf32>
      %swap3A_539 = arith.constant 0 : i32
      %swap3A_540 = arith.constant 1 : i32
      %swap3A_541 = arith.index_cast %swap3A_539 : i32 to index
      %swap3A_542 = arith.index_cast %swap3A_540 : i32 to index
      %swap3A_543 = arith.constant 112 : index
      %swap3A_544 = tpu.vector_load %arg5[%swap3A_541, %swap3A_542, %swap3A_543] {strides = array<i32>} : memref<2x8x128xf32, #tpu.memory_space<vmem>>, vector<16xf32>,
      tpu.vector_store %arg5[%swap3A_541, %swap3A_542, %swap3A_543], %mul3A_538 {strides = array<i32>} : memref<2x8x128xf32, #tpu.memory_space<vmem>>, vector<16xf32>,
      %reduce_sum3A_545 = arith.constant true
      %reduce_sum3A_546 = vector.broadcast %reduce_sum3A_545 : i1 to vector<16xi1>
      %reduce_sum3A_547 = tpu.scan <sum>, %get3A_526 masked %reduce_sum3A_546 : vector<16xf32>, vector<16xi1> -> vector<16xf32>
      %reduce_sum3A_548 = vector.extract %reduce_sum3A_547[15] : f32 from vector<16xf32>
      %add3A_549 = arith.addf %add3A_520, %reduce_sum3A_548 : f32
      %get3A_550 = arith.constant 0 : i32
      %get3A_551 = arith.constant 2 : i32
      %get3A_552 = arith.index_cast %get3A_550 : i32 to index
      %get3A_553 = arith.index_cast %get3A_551 : i32 to index
      %get3A_554 = arith.constant 0 : index
      %get3A_555 = tpu.vector_load %arg4[%get3A_552, %get3A_553, %get3A_554] {strides = array<i32>} : memref<2x8x128xf32, #tpu.memory_space<vmem>>, vector<16xf32>,
      %broadcast_in_dim3A_556 = arith.constant true
      %broadcast_in_dim3A_557 = vector.broadcast %broadcast_in_dim3A_556 : i1 to vector<16xi1>
      %masked_cumsum3A_558 = tpu.scan <sum>, %get3A_555 masked %broadcast_in_dim3A_557 : vector<16xf32>, vector<16xi1> -> vector<16xf32>
      %add3A_559 = arith.constant 0.000000e+00 : f32
      %add3A_560 = vector.broadcast %add3A_559 : f32 to vector<16xf32>
      %add3A_561 = arith.addf %masked_cumsum3A_558, %add3A_560 : vector<16xf32>
      %le3A_562 = arith.constant 2.550000e+01 : f32
      %le3A_563 = vector.broadcast %le3A_562 : f32 to vector<16xf32>
      %le3A_564 = arith.cmpf ole, %add3A_561, %le3A_563 : vector<16xf32>
      %jit3A_565 = arith.constant 0.000000e+00 : f32
      %broadcast_in_dim3A_566 = vector.broadcast %jit3A_565 : f32 to vector<16xf32>
      %select_n3A_567 = arith.select %le3A_564, %add3A_561, %broadcast_in_dim3A_566 : vector<16xi1>, vector<16xf32>
      %mul3A_568 = arith.mulf %select_n3A_567, %get3A_555 : vector<16xf32>
      %swap3A_569 = arith.constant 0 : i32
      %swap3A_570 = arith.constant 2 : i32
      %swap3A_571 = arith.index_cast %swap3A_569 : i32 to index
      %swap3A_572 = arith.index_cast %swap3A_570 : i32 to index
      %swap3A_573 = arith.constant 0 : index
      %swap3A_574 = tpu.vector_load %arg5[%swap3A_571, %swap3A_572, %swap3A_573] {strides = array<i32>} : memref<2x8x128xf32, #tpu.memory_space<vmem>>, vector<16xf32>,
      tpu.vector_store %arg5[%swap3A_571, %swap3A_572, %swap3A_573], %mul3A_568 {strides = array<i32>} : memref<2x8x128xf32, #tpu.memory_space<vmem>>, vector<16xf32>,
      %reduce_sum3A_575 = arith.constant true
      %reduce_sum3A_576 = vector.broadcast %reduce_sum3A_575 : i1 to vector<16xi1>
      %reduce_sum3A_577 = tpu.scan <sum>, %get3A_555 masked %reduce_sum3A_576 : vector<16xf32>, vector<16xi1> -> vector<16xf32>
      %reduce_sum3A_578 = vector.extract %reduce_sum3A_577[15] : f32 from vector<16xf32>
      %add3A_579 = arith.constant 0.000000e+00 : f32
      %add3A_580 = arith.addf %add3A_579, %reduce_sum3A_578 : f32
      %get3A_581 = arith.constant 0 : i32
      %get3A_582 = arith.constant 2 : i32
      %get3A_583 = arith.index_cast %get3A_581 : i32 to index
      %get3A_584 = arith.index_cast %get3A_582 : i32 to index
      %get3A_585 = arith.constant 16 : index
      %get3A_586 = tpu.vector_load %arg4[%get3A_583, %get3A_584, %get3A_585] {strides = array<i32>} : memref<2x8x128xf32, #tpu.memory_space<vmem>>, vector<16xf32>,
      %broadcast_in_dim3A_587 = arith.constant true
      %broadcast_in_dim3A_588 = vector.broadcast %broadcast_in_dim3A_587 : i1 to vector<16xi1>
      %masked_cumsum3A_589 = tpu.scan <sum>, %get3A_586 masked %broadcast_in_dim3A_588 : vector<16xf32>, vector<16xi1> -> vector<16xf32>
      %add3A_590 = vector.broadcast %add3A_580 : f32 to vector<16xf32>
      %add3A_591 = arith.addf %masked_cumsum3A_589, %add3A_590 : vector<16xf32>
      %le3A_592 = arith.constant 2.550000e+01 : f32
      %le3A_593 = vector.broadcast %le3A_592 : f32 to vector<16xf32>
      %le3A_594 = arith.cmpf ole, %add3A_591, %le3A_593 : vector<16xf32>
      %jit3A_595 = arith.constant 0.000000e+00 : f32
      %broadcast_in_dim3A_596 = vector.broadcast %jit3A_595 : f32 to vector<16xf32>
      %select_n3A_597 = arith.select %le3A_594, %add3A_591, %broadcast_in_dim3A_596 : vector<16xi1>, vector<16xf32>
      %mul3A_598 = arith.mulf %select_n3A_597, %get3A_586 : vector<16xf32>
      %swap3A_599 = arith.constant 0 : i32
      %swap3A_600 = arith.constant 2 : i32
      %swap3A_601 = arith.index_cast %swap3A_599 : i32 to index
      %swap3A_602 = arith.index_cast %swap3A_600 : i32 to index
      %swap3A_603 = arith.constant 16 : index
      %swap3A_604 = tpu.vector_load %arg5[%swap3A_601, %swap3A_602, %swap3A_603] {strides = array<i32>} : memref<2x8x128xf32, #tpu.memory_space<vmem>>, vector<16xf32>,
      tpu.vector_store %arg5[%swap3A_601, %swap3A_602, %swap3A_603], %mul3A_598 {strides = array<i32>} : memref<2x8x128xf32, #tpu.memory_space<vmem>>, vector<16xf32>,
      %reduce_sum3A_605 = arith.constant true
      %reduce_sum3A_606 = vector.broadcast %reduce_sum3A_605 : i1 to vector<16xi1>
      %reduce_sum3A_607 = tpu.scan <sum>, %get3A_586 masked %reduce_sum3A_606 : vector<16xf32>, vector<16xi1> -> vector<16xf32>
      %reduce_sum3A_608 = vector.extract %reduce_sum3A_607[15] : f32 from vector<16xf32>
      %add3A_609 = arith.addf %add3A_580, %reduce_sum3A_608 : f32
      %get3A_610 = arith.constant 0 : i32
      %get3A_611 = arith.constant 2 : i32
      %get3A_612 = arith.index_cast %get3A_610 : i32 to index
      %get3A_613 = arith.index_cast %get3A_611 : i32 to index
      %get3A_614 = arith.constant 32 : index
      %get3A_615 = tpu.vector_load %arg4[%get3A_612, %get3A_613, %get3A_614] {strides = array<i32>} : memref<2x8x128xf32, #tpu.memory_space<vmem>>, vector<16xf32>,
      %broadcast_in_dim3A_616 = arith.constant true
      %broadcast_in_dim3A_617 = vector.broadcast %broadcast_in_dim3A_616 : i1 to vector<16xi1>
      %masked_cumsum3A_618 = tpu.scan <sum>, %get3A_615 masked %broadcast_in_dim3A_617 : vector<16xf32>, vector<16xi1> -> vector<16xf32>
      %add3A_619 = vector.broadcast %add3A_609 : f32 to vector<16xf32>
      %add3A_620 = arith.addf %masked_cumsum3A_618, %add3A_619 : vector<16xf32>
      %le3A_621 = arith.constant 2.550000e+01 : f32
      %le3A_622 = vector.broadcast %le3A_621 : f32 to vector<16xf32>
      %le3A_623 = arith.cmpf ole, %add3A_620, %le3A_622 : vector<16xf32>
      %jit3A_624 = arith.constant 0.000000e+00 : f32
      %broadcast_in_dim3A_625 = vector.broadcast %jit3A_624 : f32 to vector<16xf32>
      %select_n3A_626 = arith.select %le3A_623, %add3A_620, %broadcast_in_dim3A_625 : vector<16xi1>, vector<16xf32>
      %mul3A_627 = arith.mulf %select_n3A_626, %get3A_615 : vector<16xf32>
      %swap3A_628 = arith.constant 0 : i32
      %swap3A_629 = arith.constant 2 : i32
      %swap3A_630 = arith.index_cast %swap3A_628 : i32 to index
      %swap3A_631 = arith.index_cast %swap3A_629 : i32 to index
      %swap3A_632 = arith.constant 32 : index
      %swap3A_633 = tpu.vector_load %arg5[%swap3A_630, %swap3A_631, %swap3A_632] {strides = array<i32>} : memref<2x8x128xf32, #tpu.memory_space<vmem>>, vector<16xf32>,
      tpu.vector_store %arg5[%swap3A_630, %swap3A_631, %swap3A_632], %mul3A_627 {strides = array<i32>} : memref<2x8x128xf32, #tpu.memory_space<vmem>>, vector<16xf32>,
      %reduce_sum3A_634 = arith.constant true
      %reduce_sum3A_635 = vector.broadcast %reduce_sum3A_634 : i1 to vector<16xi1>
      %reduce_sum3A_636 = tpu.scan <sum>, %get3A_615 masked %reduce_sum3A_635 : vector<16xf32>, vector<16xi1> -> vector<16xf32>
      %reduce_sum3A_637 = vector.extract %reduce_sum3A_636[15] : f32 from vector<16xf32>
      %add3A_638 = arith.addf %add3A_609, %reduce_sum3A_637 : f32
      %get3A_639 = arith.constant 0 : i32
      %get3A_640 = arith.constant 2 : i32
      %get3A_641 = arith.index_cast %get3A_639 : i32 to index
      %get3A_642 = arith.index_cast %get3A_640 : i32 to index
      %get3A_643 = arith.constant 48 : index
      %get3A_644 = tpu.vector_load %arg4[%get3A_641, %get3A_642, %get3A_643] {strides = array<i32>} : memref<2x8x128xf32, #tpu.memory_space<vmem>>, vector<16xf32>,
      %broadcast_in_dim3A_645 = arith.constant true
      %broadcast_in_dim3A_646 = vector.broadcast %broadcast_in_dim3A_645 : i1 to vector<16xi1>
      %masked_cumsum3A_647 = tpu.scan <sum>, %get3A_644 masked %broadcast_in_dim3A_646 : vector<16xf32>, vector<16xi1> -> vector<16xf32>
      %add3A_648 = vector.broadcast %add3A_638 : f32 to vector<16xf32>
      %add3A_649 = arith.addf %masked_cumsum3A_647, %add3A_648 : vector<16xf32>
      %le3A_650 = arith.constant 2.550000e+01 : f32
      %le3A_651 = vector.broadcast %le3A_650 : f32 to vector<16xf32>
      %le3A_652 = arith.cmpf ole, %add3A_649, %le3A_651 : vector<16xf32>
      %jit3A_653 = arith.constant 0.000000e+00 : f32
      %broadcast_in_dim3A_654 = vector.broadcast %jit3A_653 : f32 to vector<16xf32>
      %select_n3A_655 = arith.select %le3A_652, %add3A_649, %broadcast_in_dim3A_654 : vector<16xi1>, vector<16xf32>
      %mul3A_656 = arith.mulf %select_n3A_655, %get3A_644 : vector<16xf32>
      %swap3A_657 = arith.constant 0 : i32
      %swap3A_658 = arith.constant 2 : i32
      %swap3A_659 = arith.index_cast %swap3A_657 : i32 to index
      %swap3A_660 = arith.index_cast %swap3A_658 : i32 to index
      %swap3A_661 = arith.constant 48 : index
      %swap3A_662 = tpu.vector_load %arg5[%swap3A_659, %swap3A_660, %swap3A_661] {strides = array<i32>} : memref<2x8x128xf32, #tpu.memory_space<vmem>>, vector<16xf32>,
      tpu.vector_store %arg5[%swap3A_659, %swap3A_660, %swap3A_661], %mul3A_656 {strides = array<i32>} : memref<2x8x128xf32, #tpu.memory_space<vmem>>, vector<16xf32>,
      %reduce_sum3A_663 = arith.constant true
      %reduce_sum3A_664 = vector.broadcast %reduce_sum3A_663 : i1 to vector<16xi1>
      %reduce_sum3A_665 = tpu.scan <sum>, %get3A_644 masked %reduce_sum3A_664 : vector<16xf32>, vector<16xi1> -> vector<16xf32>
      %reduce_sum3A_666 = vector.extract %reduce_sum3A_665[15] : f32 from vector<16xf32>
      %add3A_667 = arith.addf %add3A_638, %reduce_sum3A_666 : f32
      %get3A_668 = arith.constant 0 : i32
      %get3A_669 = arith.constant 2 : i32
      %get3A_670 = arith.index_cast %get3A_668 : i32 to index
      %get3A_671 = arith.index_cast %get3A_669 : i32 to index
      %get3A_672 = arith.constant 64 : index
      %get3A_673 = tpu.vector_load %arg4[%get3A_670, %get3A_671, %get3A_672] {strides = array<i32>} : memref<2x8x128xf32, #tpu.memory_space<vmem>>, vector<16xf32>,
      %broadcast_in_dim3A_674 = arith.constant true
      %broadcast_in_dim3A_675 = vector.broadcast %broadcast_in_dim3A_674 : i1 to vector<16xi1>
      %masked_cumsum3A_676 = tpu.scan <sum>, %get3A_673 masked %broadcast_in_dim3A_675 : vector<16xf32>, vector<16xi1> -> vector<16xf32>
      %add3A_677 = vector.broadcast %add3A_667 : f32 to vector<16xf32>
      %add3A_678 = arith.addf %masked_cumsum3A_676, %add3A_677 : vector<16xf32>
      %le3A_679 = arith.constant 2.550000e+01 : f32
      %le3A_680 = vector.broadcast %le3A_679 : f32 to vector<16xf32>
      %le3A_681 = arith.cmpf ole, %add3A_678, %le3A_680 : vector<16xf32>
      %jit3A_682 = arith.constant 0.000000e+00 : f32
      %broadcast_in_dim3A_683 = vector.broadcast %jit3A_682 : f32 to vector<16xf32>
      %select_n3A_684 = arith.select %le3A_681, %add3A_678, %broadcast_in_dim3A_683 : vector<16xi1>, vector<16xf32>
      %mul3A_685 = arith.mulf %select_n3A_684, %get3A_673 : vector<16xf32>
      %swap3A_686 = arith.constant 0 : i32
      %swap3A_687 = arith.constant 2 : i32
      %swap3A_688 = arith.index_cast %swap3A_686 : i32 to index
      %swap3A_689 = arith.index_cast %swap3A_687 : i32 to index
      %swap3A_690 = arith.constant 64 : index
      %swap3A_691 = tpu.vector_load %arg5[%swap3A_688, %swap3A_689, %swap3A_690] {strides = array<i32>} : memref<2x8x128xf32, #tpu.memory_space<vmem>>, vector<16xf32>,
      tpu.vector_store %arg5[%swap3A_688, %swap3A_689, %swap3A_690], %mul3A_685 {strides = array<i32>} : memref<2x8x128xf32, #tpu.memory_space<vmem>>, vector<16xf32>,
      %reduce_sum3A_692 = arith.constant true
      %reduce_sum3A_693 = vector.broadcast %reduce_sum3A_692 : i1 to vector<16xi1>
      %reduce_sum3A_694 = tpu.scan <sum>, %get3A_673 masked %reduce_sum3A_693 : vector<16xf32>, vector<16xi1> -> vector<16xf32>
      %reduce_sum3A_695 = vector.extract %reduce_sum3A_694[15] : f32 from vector<16xf32>
      %add3A_696 = arith.addf %add3A_667, %reduce_sum3A_695 : f32
      %get3A_697 = arith.constant 0 : i32
      %get3A_698 = arith.constant 2 : i32
      %get3A_699 = arith.index_cast %get3A_697 : i32 to index
      %get3A_700 = arith.index_cast %get3A_698 : i32 to index
      %get3A_701 = arith.constant 80 : index
      %get3A_702 = tpu.vector_load %arg4[%get3A_699, %get3A_700, %get3A_701] {strides = array<i32>} : memref<2x8x128xf32, #tpu.memory_space<vmem>>, vector<16xf32>,
      %broadcast_in_dim3A_703 = arith.constant true
      %broadcast_in_dim3A_704 = vector.broadcast %broadcast_in_dim3A_703 : i1 to vector<16xi1>
      %masked_cumsum3A_705 = tpu.scan <sum>, %get3A_702 masked %broadcast_in_dim3A_704 : vector<16xf32>, vector<16xi1> -> vector<16xf32>
      %add3A_706 = vector.broadcast %add3A_696 : f32 to vector<16xf32>
      %add3A_707 = arith.addf %masked_cumsum3A_705, %add3A_706 : vector<16xf32>
      %le3A_708 = arith.constant 2.550000e+01 : f32
      %le3A_709 = vector.broadcast %le3A_708 : f32 to vector<16xf32>
      %le3A_710 = arith.cmpf ole, %add3A_707, %le3A_709 : vector<16xf32>
      %jit3A_711 = arith.constant 0.000000e+00 : f32
      %broadcast_in_dim3A_712 = vector.broadcast %jit3A_711 : f32 to vector<16xf32>
      %select_n3A_713 = arith.select %le3A_710, %add3A_707, %broadcast_in_dim3A_712 : vector<16xi1>, vector<16xf32>
      %mul3A_714 = arith.mulf %select_n3A_713, %get3A_702 : vector<16xf32>
      %swap3A_715 = arith.constant 0 : i32
      %swap3A_716 = arith.constant 2 : i32
      %swap3A_717 = arith.index_cast %swap3A_715 : i32 to index
      %swap3A_718 = arith.index_cast %swap3A_716 : i32 to index
      %swap3A_719 = arith.constant 80 : index
      %swap3A_720 = tpu.vector_load %arg5[%swap3A_717, %swap3A_718, %swap3A_719] {strides = array<i32>} : memref<2x8x128xf32, #tpu.memory_space<vmem>>, vector<16xf32>,
      tpu.vector_store %arg5[%swap3A_717, %swap3A_718, %swap3A_719], %mul3A_714 {strides = array<i32>} : memref<2x8x128xf32, #tpu.memory_space<vmem>>, vector<16xf32>,
      %reduce_sum3A_721 = arith.constant true
      %reduce_sum3A_722 = vector.broadcast %reduce_sum3A_721 : i1 to vector<16xi1>
      %reduce_sum3A_723 = tpu.scan <sum>, %get3A_702 masked %reduce_sum3A_722 : vector<16xf32>, vector<16xi1> -> vector<16xf32>
      %reduce_sum3A_724 = vector.extract %reduce_sum3A_723[15] : f32 from vector<16xf32>
      %add3A_725 = arith.addf %add3A_696, %reduce_sum3A_724 : f32
      %get3A_726 = arith.constant 0 : i32
      %get3A_727 = arith.constant 2 : i32
      %get3A_728 = arith.index_cast %get3A_726 : i32 to index
      %get3A_729 = arith.index_cast %get3A_727 : i32 to index
      %get3A_730 = arith.constant 96 : index
      %get3A_731 = tpu.vector_load %arg4[%get3A_728, %get3A_729, %get3A_730] {strides = array<i32>} : memref<2x8x128xf32, #tpu.memory_space<vmem>>, vector<16xf32>,
      %broadcast_in_dim3A_732 = arith.constant true
      %broadcast_in_dim3A_733 = vector.broadcast %broadcast_in_dim3A_732 : i1 to vector<16xi1>
      %masked_cumsum3A_734 = tpu.scan <sum>, %get3A_731 masked %broadcast_in_dim3A_733 : vector<16xf32>, vector<16xi1> -> vector<16xf32>
      %add3A_735 = vector.broadcast %add3A_725 : f32 to vector<16xf32>
      %add3A_736 = arith.addf %masked_cumsum3A_734, %add3A_735 : vector<16xf32>
      %le3A_737 = arith.constant 2.550000e+01 : f32
      %le3A_738 = vector.broadcast %le3A_737 : f32 to vector<16xf32>
      %le3A_739 = arith.cmpf ole, %add3A_736, %le3A_738 : vector<16xf32>
      %jit3A_740 = arith.constant 0.000000e+00 : f32
      %broadcast_in_dim3A_741 = vector.broadcast %jit3A_740 : f32 to vector<16xf32>
      %select_n3A_742 = arith.select %le3A_739, %add3A_736, %broadcast_in_dim3A_741 : vector<16xi1>, vector<16xf32>
      %mul3A_743 = arith.mulf %select_n3A_742, %get3A_731 : vector<16xf32>
      %swap3A_744 = arith.constant 0 : i32
      %swap3A_745 = arith.constant 2 : i32
      %swap3A_746 = arith.index_cast %swap3A_744 : i32 to index
      %swap3A_747 = arith.index_cast %swap3A_745 : i32 to index
      %swap3A_748 = arith.constant 96 : index
      %swap3A_749 = tpu.vector_load %arg5[%swap3A_746, %swap3A_747, %swap3A_748] {strides = array<i32>} : memref<2x8x128xf32, #tpu.memory_space<vmem>>, vector<16xf32>,
      tpu.vector_store %arg5[%swap3A_746, %swap3A_747, %swap3A_748], %mul3A_743 {strides = array<i32>} : memref<2x8x128xf32, #tpu.memory_space<vmem>>, vector<16xf32>,
      %reduce_sum3A_750 = arith.constant true
      %reduce_sum3A_751 = vector.broadcast %reduce_sum3A_750 : i1 to vector<16xi1>
      %reduce_sum3A_752 = tpu.scan <sum>, %get3A_731 masked %reduce_sum3A_751 : vector<16xf32>, vector<16xi1> -> vector<16xf32>
      %reduce_sum3A_753 = vector.extract %reduce_sum3A_752[15] : f32 from vector<16xf32>
      %add3A_754 = arith.addf %add3A_725, %reduce_sum3A_753 : f32
      %get3A_755 = arith.constant 0 : i32
      %get3A_756 = arith.constant 2 : i32
      %get3A_757 = arith.index_cast %get3A_755 : i32 to index
      %get3A_758 = arith.index_cast %get3A_756 : i32 to index
      %get3A_759 = arith.constant 112 : index
      %get3A_760 = tpu.vector_load %arg4[%get3A_757, %get3A_758, %get3A_759] {strides = array<i32>} : memref<2x8x128xf32, #tpu.memory_space<vmem>>, vector<16xf32>,
      %broadcast_in_dim3A_761 = arith.constant true
      %broadcast_in_dim3A_762 = vector.broadcast %broadcast_in_dim3A_761 : i1 to vector<16xi1>
      %masked_cumsum3A_763 = tpu.scan <sum>, %get3A_760 masked %broadcast_in_dim3A_762 : vector<16xf32>, vector<16xi1> -> vector<16xf32>
      %add3A_764 = vector.broadcast %add3A_754 : f32 to vector<16xf32>
      %add3A_765 = arith.addf %masked_cumsum3A_763, %add3A_764 : vector<16xf32>
      %le3A_766 = arith.constant 2.550000e+01 : f32
      %le3A_767 = vector.broadcast %le3A_766 : f32 to vector<16xf32>
      %le3A_768 = arith.cmpf ole, %add3A_765, %le3A_767 : vector<16xf32>
      %jit3A_769 = arith.constant 0.000000e+00 : f32
      %broadcast_in_dim3A_770 = vector.broadcast %jit3A_769 : f32 to vector<16xf32>
      %select_n3A_771 = arith.select %le3A_768, %add3A_765, %broadcast_in_dim3A_770 : vector<16xi1>, vector<16xf32>
      %mul3A_772 = arith.mulf %select_n3A_771, %get3A_760 : vector<16xf32>
      %swap3A_773 = arith.constant 0 : i32
      %swap3A_774 = arith.constant 2 : i32
      %swap3A_775 = arith.index_cast %swap3A_773 : i32 to index
      %swap3A_776 = arith.index_cast %swap3A_774 : i32 to index
      %swap3A_777 = arith.constant 112 : index
      %swap3A_778 = tpu.vector_load %arg5[%swap3A_775, %swap3A_776, %swap3A_777] {strides = array<i32>} : memref<2x8x128xf32, #tpu.memory_space<vmem>>, vector<16xf32>,
      tpu.vector_store %arg5[%swap3A_775, %swap3A_776, %swap3A_777], %mul3A_772 {strides = array<i32>} : memref<2x8x128xf32, #tpu.memory_space<vmem>>, vector<16xf32>,
      %reduce_sum3A_779 = arith.constant true
      %reduce_sum3A_780 = vector.broadcast %reduce_sum3A_779 : i1 to vector<16xi1>
      %reduce_sum3A_781 = tpu.scan <sum>, %get3A_760 masked %reduce_sum3A_780 : vector<16xf32>, vector<16xi1> -> vector<16xf32>
      %reduce_sum3A_782 = vector.extract %reduce_sum3A_781[15] : f32 from vector<16xf32>
      %add3A_783 = arith.addf %add3A_754, %reduce_sum3A_782 : f32
      %get3A_784 = arith.constant 0 : i32
      %get3A_785 = arith.constant 3 : i32
      %get3A_786 = arith.index_cast %get3A_784 : i32 to index
      %get3A_787 = arith.index_cast %get3A_785 : i32 to index
      %get3A_788 = arith.constant 0 : index
      %get3A_789 = tpu.vector_load %arg4[%get3A_786, %get3A_787, %get3A_788] {strides = array<i32>} : memref<2x8x128xf32, #tpu.memory_space<vmem>>, vector<16xf32>,
      %broadcast_in_dim3A_790 = arith.constant true
      %broadcast_in_dim3A_791 = vector.broadcast %broadcast_in_dim3A_790 : i1 to vector<16xi1>
      %masked_cumsum3A_792 = tpu.scan <sum>, %get3A_789 masked %broadcast_in_dim3A_791 : vector<16xf32>, vector<16xi1> -> vector<16xf32>
      %add3A_793 = arith.constant 0.000000e+00 : f32
      %add3A_794 = vector.broadcast %add3A_793 : f32 to vector<16xf32>
      %add3A_795 = arith.addf %masked_cumsum3A_792, %add3A_794 : vector<16xf32>
      %le3A_796 = arith.constant 2.550000e+01 : f32
      %le3A_797 = vector.broadcast %le3A_796 : f32 to vector<16xf32>
      %le3A_798 = arith.cmpf ole, %add3A_795, %le3A_797 : vector<16xf32>
      %jit3A_799 = arith.constant 0.000000e+00 : f32
      %broadcast_in_dim3A_800 = vector.broadcast %jit3A_799 : f32 to vector<16xf32>
      %select_n3A_801 = arith.select %le3A_798, %add3A_795, %broadcast_in_dim3A_800 : vector<16xi1>, vector<16xf32>
      %mul3A_802 = arith.mulf %select_n3A_801, %get3A_789 : vector<16xf32>
      %swap3A_803 = arith.constant 0 : i32
      %swap3A_804 = arith.constant 3 : i32
      %swap3A_805 = arith.index_cast %swap3A_803 : i32 to index
      %swap3A_806 = arith.index_cast %swap3A_804 : i32 to index
      %swap3A_807 = arith.constant 0 : index
      %swap3A_808 = tpu.vector_load %arg5[%swap3A_805, %swap3A_806, %swap3A_807] {strides = array<i32>} : memref<2x8x128xf32, #tpu.memory_space<vmem>>, vector<16xf32>,
      tpu.vector_store %arg5[%swap3A_805, %swap3A_806, %swap3A_807], %mul3A_802 {strides = array<i32>} : memref<2x8x128xf32, #tpu.memory_space<vmem>>, vector<16xf32>,
      %reduce_sum3A_809 = arith.constant true
      %reduce_sum3A_810 = vector.broadcast %reduce_sum3A_809 : i1 to vector<16xi1>
      %reduce_sum3A_811 = tpu.scan <sum>, %get3A_789 masked %reduce_sum3A_810 : vector<16xf32>, vector<16xi1> -> vector<16xf32>
      %reduce_sum3A_812 = vector.extract %reduce_sum3A_811[15] : f32 from vector<16xf32>
      %add3A_813 = arith.constant 0.000000e+00 : f32
      %add3A_814 = arith.addf %add3A_813, %reduce_sum3A_812 : f32
      %get3A_815 = arith.constant 0 : i32
      %get3A_816 = arith.constant 3 : i32
      %get3A_817 = arith.index_cast %get3A_815 : i32 to index
      %get3A_818 = arith.index_cast %get3A_816 : i32 to index
      %get3A_819 = arith.constant 16 : index
      %get3A_820 = tpu.vector_load %arg4[%get3A_817, %get3A_818, %get3A_819] {strides = array<i32>} : memref<2x8x128xf32, #tpu.memory_space<vmem>>, vector<16xf32>,
      %broadcast_in_dim3A_821 = arith.constant true
      %broadcast_in_dim3A_822 = vector.broadcast %broadcast_in_dim3A_821 : i1 to vector<16xi1>
      %masked_cumsum3A_823 = tpu.scan <sum>, %get3A_820 masked %broadcast_in_dim3A_822 : vector<16xf32>, vector<16xi1> -> vector<16xf32>
      %add3A_824 = vector.broadcast %add3A_814 : f32 to vector<16xf32>
      %add3A_825 = arith.addf %masked_cumsum3A_823, %add3A_824 : vector<16xf32>
      %le3A_826 = arith.constant 2.550000e+01 : f32
      %le3A_827 = vector.broadcast %le3A_826 : f32 to vector<16xf32>
      %le3A_828 = arith.cmpf ole, %add3A_825, %le3A_827 : vector<16xf32>
      %jit3A_829 = arith.constant 0.000000e+00 : f32
      %broadcast_in_dim3A_830 = vector.broadcast %jit3A_829 : f32 to vector<16xf32>
      %select_n3A_831 = arith.select %le3A_828, %add3A_825, %broadcast_in_dim3A_830 : vector<16xi1>, vector<16xf32>
      %mul3A_832 = arith.mulf %select_n3A_831, %get3A_820 : vector<16xf32>
      %swap3A_833 = arith.constant 0 : i32
      %swap3A_834 = arith.constant 3 : i32
      %swap3A_835 = arith.index_cast %swap3A_833 : i32 to index
      %swap3A_836 = arith.index_cast %swap3A_834 : i32 to index
      %swap3A_837 = arith.constant 16 : index
      %swap3A_838 = tpu.vector_load %arg5[%swap3A_835, %swap3A_836, %swap3A_837] {strides = array<i32>} : memref<2x8x128xf32, #tpu.memory_space<vmem>>, vector<16xf32>,
      tpu.vector_store %arg5[%swap3A_835, %swap3A_836, %swap3A_837], %mul3A_832 {strides = array<i32>} : memref<2x8x128xf32, #tpu.memory_space<vmem>>, vector<16xf32>,
      %reduce_sum3A_839 = arith.constant true
      %reduce_sum3A_840 = vector.broadcast %reduce_sum3A_839 : i1 to vector<16xi1>
      %reduce_sum3A_841 = tpu.scan <sum>, %get3A_820 masked %reduce_sum3A_840 : vector<16xf32>, vector<16xi1> -> vector<16xf32>
      %reduce_sum3A_842 = vector.extract %reduce_sum3A_841[15] : f32 from vector<16xf32>
      %add3A_843 = arith.addf %add3A_814, %reduce_sum3A_842 : f32
      %get3A_844 = arith.constant 0 : i32
      %get3A_845 = arith.constant 3 : i32
      %get3A_846 = arith.index_cast %get3A_844 : i32 to index
      %get3A_847 = arith.index_cast %get3A_845 : i32 to index
      %get3A_848 = arith.constant 32 : index
      %get3A_849 = tpu.vector_load %arg4[%get3A_846, %get3A_847, %get3A_848] {strides = array<i32>} : memref<2x8x128xf32, #tpu.memory_space<vmem>>, vector<16xf32>,
      %broadcast_in_dim3A_850 = arith.constant true
      %broadcast_in_dim3A_851 = vector.broadcast %broadcast_in_dim3A_850 : i1 to vector<16xi1>
      %masked_cumsum3A_852 = tpu.scan <sum>, %get3A_849 masked %broadcast_in_dim3A_851 : vector<16xf32>, vector<16xi1> -> vector<16xf32>
      %add3A_853 = vector.broadcast %add3A_843 : f32 to vector<16xf32>
      %add3A_854 = arith.addf %masked_cumsum3A_852, %add3A_853 : vector<16xf32>
      %le3A_855 = arith.constant 2.550000e+01 : f32
      %le3A_856 = vector.broadcast %le3A_855 : f32 to vector<16xf32>
      %le3A_857 = arith.cmpf ole, %add3A_854, %le3A_856 : vector<16xf32>
      %jit3A_858 = arith.constant 0.000000e+00 : f32
      %broadcast_in_dim3A_859 = vector.broadcast %jit3A_858 : f32 to vector<16xf32>
      %select_n3A_860 = arith.select %le3A_857, %add3A_854, %broadcast_in_dim3A_859 : vector<16xi1>, vector<16xf32>
      %mul3A_861 = arith.mulf %select_n3A_860, %get3A_849 : vector<16xf32>
      %swap3A_862 = arith.constant 0 : i32
      %swap3A_863 = arith.constant 3 : i32
      %swap3A_864 = arith.index_cast %swap3A_862 : i32 to index
      %swap3A_865 = arith.index_cast %swap3A_863 : i32 to index
      %swap3A_866 = arith.constant 32 : index
      %swap3A_867 = tpu.vector_load %arg5[%swap3A_864, %swap3A_865, %swap3A_866] {strides = array<i32>} : memref<2x8x128xf32, #tpu.memory_space<vmem>>, vector<16xf32>,
      tpu.vector_store %arg5[%swap3A_864, %swap3A_865, %swap3A_866], %mul3A_861 {strides = array<i32>} : memref<2x8x128xf32, #tpu.memory_space<vmem>>, vector<16xf32>,
      %reduce_sum3A_868 = arith.constant true
      %reduce_sum3A_869 = vector.broadcast %reduce_sum3A_868 : i1 to vector<16xi1>
      %reduce_sum3A_870 = tpu.scan <sum>, %get3A_849 masked %reduce_sum3A_869 : vector<16xf32>, vector<16xi1> -> vector<16xf32>
      %reduce_sum3A_871 = vector.extract %reduce_sum3A_870[15] : f32 from vector<16xf32>
      %add3A_872 = arith.addf %add3A_843, %reduce_sum3A_871 : f32
      %get3A_873 = arith.constant 0 : i32
      %get3A_874 = arith.constant 3 : i32
      %get3A_875 = arith.index_cast %get3A_873 : i32 to index
      %get3A_876 = arith.index_cast %get3A_874 : i32 to index
      %get3A_877 = arith.constant 48 : index
      %get3A_878 = tpu.vector_load %arg4[%get3A_875, %get3A_876, %get3A_877] {strides = array<i32>} : memref<2x8x128xf32, #tpu.memory_space<vmem>>, vector<16xf32>,
      %broadcast_in_dim3A_879 = arith.constant true
      %broadcast_in_dim3A_880 = vector.broadcast %broadcast_in_dim3A_879 : i1 to vector<16xi1>
      %masked_cumsum3A_881 = tpu.scan <sum>, %get3A_878 masked %broadcast_in_dim3A_880 : vector<16xf32>, vector<16xi1> -> vector<16xf32>
      %add3A_882 = vector.broadcast %add3A_872 : f32 to vector<16xf32>
      %add3A_883 = arith.addf %masked_cumsum3A_881, %add3A_882 : vector<16xf32>
      %le3A_884 = arith.constant 2.550000e+01 : f32
      %le3A_885 = vector.broadcast %le3A_884 : f32 to vector<16xf32>
      %le3A_886 = arith.cmpf ole, %add3A_883, %le3A_885 : vector<16xf32>
      %jit3A_887 = arith.constant 0.000000e+00 : f32
      %broadcast_in_dim3A_888 = vector.broadcast %jit3A_887 : f32 to vector<16xf32>
      %select_n3A_889 = arith.select %le3A_886, %add3A_883, %broadcast_in_dim3A_888 : vector<16xi1>, vector<16xf32>
      %mul3A_890 = arith.mulf %select_n3A_889, %get3A_878 : vector<16xf32>
      %swap3A_891 = arith.constant 0 : i32
      %swap3A_892 = arith.constant 3 : i32
      %swap3A_893 = arith.index_cast %swap3A_891 : i32 to index
      %swap3A_894 = arith.index_cast %swap3A_892 : i32 to index
      %swap3A_895 = arith.constant 48 : index
      %swap3A_896 = tpu.vector_load %arg5[%swap3A_893, %swap3A_894, %swap3A_895] {strides = array<i32>} : memref<2x8x128xf32, #tpu.memory_space<vmem>>, vector<16xf32>,
      tpu.vector_store %arg5[%swap3A_893, %swap3A_894, %swap3A_895], %mul3A_890 {strides = array<i32>} : memref<2x8x128xf32, #tpu.memory_space<vmem>>, vector<16xf32>,
      %reduce_sum3A_897 = arith.constant true
      %reduce_sum3A_898 = vector.broadcast %reduce_sum3A_897 : i1 to vector<16xi1>
      %reduce_sum3A_899 = tpu.scan <sum>, %get3A_878 masked %reduce_sum3A_898 : vector<16xf32>, vector<16xi1> -> vector<16xf32>
      %reduce_sum3A_900 = vector.extract %reduce_sum3A_899[15] : f32 from vector<16xf32>
      %add3A_901 = arith.addf %add3A_872, %reduce_sum3A_900 : f32
      %get3A_902 = arith.constant 0 : i32
      %get3A_903 = arith.constant 3 : i32
      %get3A_904 = arith.index_cast %get3A_902 : i32 to index
      %get3A_905 = arith.index_cast %get3A_903 : i32 to index
      %get3A_906 = arith.constant 64 : index
      %get3A_907 = tpu.vector_load %arg4[%get3A_904, %get3A_905, %get3A_906] {strides = array<i32>} : memref<2x8x128xf32, #tpu.memory_space<vmem>>, vector<16xf32>,
      %broadcast_in_dim3A_908 = arith.constant true
      %broadcast_in_dim3A_909 = vector.broadcast %broadcast_in_dim3A_908 : i1 to vector<16xi1>
      %masked_cumsum3A_910 = tpu.scan <sum>, %get3A_907 masked %broadcast_in_dim3A_909 : vector<16xf32>, vector<16xi1> -> vector<16xf32>
      %add3A_911 = vector.broadcast %add3A_901 : f32 to vector<16xf32>
      %add3A_912 = arith.addf %masked_cumsum3A_910, %add3A_911 : vector<16xf32>
      %le3A_913 = arith.constant 2.550000e+01 : f32
      %le3A_914 = vector.broadcast %le3A_913 : f32 to vector<16xf32>
      %le3A_915 = arith.cmpf ole, %add3A_912, %le3A_914 : vector<16xf32>
      %jit3A_916 = arith.constant 0.000000e+00 : f32
      %broadcast_in_dim3A_917 = vector.broadcast %jit3A_916 : f32 to vector<16xf32>
      %select_n3A_918 = arith.select %le3A_915, %add3A_912, %broadcast_in_dim3A_917 : vector<16xi1>, vector<16xf32>
      %mul3A_919 = arith.mulf %select_n3A_918, %get3A_907 : vector<16xf32>
      %swap3A_920 = arith.constant 0 : i32
      %swap3A_921 = arith.constant 3 : i32
      %swap3A_922 = arith.index_cast %swap3A_920 : i32 to index
      %swap3A_923 = arith.index_cast %swap3A_921 : i32 to index
      %swap3A_924 = arith.constant 64 : index
      %swap3A_925 = tpu.vector_load %arg5[%swap3A_922, %swap3A_923, %swap3A_924] {strides = array<i32>} : memref<2x8x128xf32, #tpu.memory_space<vmem>>, vector<16xf32>,
      tpu.vector_store %arg5[%swap3A_922, %swap3A_923, %swap3A_924], %mul3A_919 {strides = array<i32>} : memref<2x8x128xf32, #tpu.memory_space<vmem>>, vector<16xf32>,
      %reduce_sum3A_926 = arith.constant true
      %reduce_sum3A_927 = vector.broadcast %reduce_sum3A_926 : i1 to vector<16xi1>
      %reduce_sum3A_928 = tpu.scan <sum>, %get3A_907 masked %reduce_sum3A_927 : vector<16xf32>, vector<16xi1> -> vector<16xf32>
      %reduce_sum3A_929 = vector.extract %reduce_sum3A_928[15] : f32 from vector<16xf32>
      %add3A_930 = arith.addf %add3A_901, %reduce_sum3A_929 : f32
      %get3A_931 = arith.constant 0 : i32
      %get3A_932 = arith.constant 3 : i32
      %get3A_933 = arith.index_cast %get3A_931 : i32 to index
      %get3A_934 = arith.index_cast %get3A_932 : i32 to index
      %get3A_935 = arith.constant 80 : index
      %get3A_936 = tpu.vector_load %arg4[%get3A_933, %get3A_934, %get3A_935] {strides = array<i32>} : memref<2x8x128xf32, #tpu.memory_space<vmem>>, vector<16xf32>,
      %broadcast_in_dim3A_937 = arith.constant true
      %broadcast_in_dim3A_938 = vector.broadcast %broadcast_in_dim3A_937 : i1 to vector<16xi1>
      %masked_cumsum3A_939 = tpu.scan <sum>, %get3A_936 masked %broadcast_in_dim3A_938 : vector<16xf32>, vector<16xi1> -> vector<16xf32>
      %add3A_940 = vector.broadcast %add3A_930 : f32 to vector<16xf32>
      %add3A_941 = arith.addf %masked_cumsum3A_939, %add3A_940 : vector<16xf32>
      %le3A_942 = arith.constant 2.550000e+01 : f32
      %le3A_943 = vector.broadcast %le3A_942 : f32 to vector<16xf32>
      %le3A_944 = arith.cmpf ole, %add3A_941, %le3A_943 : vector<16xf32>
      %jit3A_945 = arith.constant 0.000000e+00 : f32
      %broadcast_in_dim3A_946 = vector.broadcast %jit3A_945 : f32 to vector<16xf32>
      %select_n3A_947 = arith.select %le3A_944, %add3A_941, %broadcast_in_dim3A_946 : vector<16xi1>, vector<16xf32>
      %mul3A_948 = arith.mulf %select_n3A_947, %get3A_936 : vector<16xf32>
      %swap3A_949 = arith.constant 0 : i32
      %swap3A_950 = arith.constant 3 : i32
      %swap3A_951 = arith.index_cast %swap3A_949 : i32 to index
      %swap3A_952 = arith.index_cast %swap3A_950 : i32 to index
      %swap3A_953 = arith.constant 80 : index
      %swap3A_954 = tpu.vector_load %arg5[%swap3A_951, %swap3A_952, %swap3A_953] {strides = array<i32>} : memref<2x8x128xf32, #tpu.memory_space<vmem>>, vector<16xf32>,
      tpu.vector_store %arg5[%swap3A_951, %swap3A_952, %swap3A_953], %mul3A_948 {strides = array<i32>} : memref<2x8x128xf32, #tpu.memory_space<vmem>>, vector<16xf32>,
      %reduce_sum3A_955 = arith.constant true
      %reduce_sum3A_956 = vector.broadcast %reduce_sum3A_955 : i1 to vector<16xi1>
      %reduce_sum3A_957 = tpu.scan <sum>, %get3A_936 masked %reduce_sum3A_956 : vector<16xf32>, vector<16xi1> -> vector<16xf32>
      %reduce_sum3A_958 = vector.extract %reduce_sum3A_957[15] : f32 from vector<16xf32>
      %add3A_959 = arith.addf %add3A_930, %reduce_sum3A_958 : f32
      %get3A_960 = arith.constant 0 : i32
      %get3A_961 = arith.constant 3 : i32
      %get3A_962 = arith.index_cast %get3A_960 : i32 to index
      %get3A_963 = arith.index_cast %get3A_961 : i32 to index
      %get3A_964 = arith.constant 96 : index
      %get3A_965 = tpu.vector_load %arg4[%get3A_962, %get3A_963, %get3A_964] {strides = array<i32>} : memref<2x8x128xf32, #tpu.memory_space<vmem>>, vector<16xf32>,
      %broadcast_in_dim3A_966 = arith.constant true
      %broadcast_in_dim3A_967 = vector.broadcast %broadcast_in_dim3A_966 : i1 to vector<16xi1>
      %masked_cumsum3A_968 = tpu.scan <sum>, %get3A_965 masked %broadcast_in_dim3A_967 : vector<16xf32>, vector<16xi1> -> vector<16xf32>
      %add3A_969 = vector.broadcast %add3A_959 : f32 to vector<16xf32>
      %add3A_970 = arith.addf %masked_cumsum3A_968, %add3A_969 : vector<16xf32>
      %le3A_971 = arith.constant 2.550000e+01 : f32
      %le3A_972 = vector.broadcast %le3A_971 : f32 to vector<16xf32>
      %le3A_973 = arith.cmpf ole, %add3A_970, %le3A_972 : vector<16xf32>
      %jit3A_974 = arith.constant 0.000000e+00 : f32
      %broadcast_in_dim3A_975 = vector.broadcast %jit3A_974 : f32 to vector<16xf32>
      %select_n3A_976 = arith.select %le3A_973, %add3A_970, %broadcast_in_dim3A_975 : vector<16xi1>, vector<16xf32>
      %mul3A_977 = arith.mulf %select_n3A_976, %get3A_965 : vector<16xf32>
      %swap3A_978 = arith.constant 0 : i32
      %swap3A_979 = arith.constant 3 : i32
      %swap3A_980 = arith.index_cast %swap3A_978 : i32 to index
      %swap3A_981 = arith.index_cast %swap3A_979 : i32 to index
      %swap3A_982 = arith.constant 96 : index
      %swap3A_983 = tpu.vector_load %arg5[%swap3A_980, %swap3A_981, %swap3A_982] {strides = array<i32>} : memref<2x8x128xf32, #tpu.memory_space<vmem>>, vector<16xf32>,
      tpu.vector_store %arg5[%swap3A_980, %swap3A_981, %swap3A_982], %mul3A_977 {strides = array<i32>} : memref<2x8x128xf32, #tpu.memory_space<vmem>>, vector<16xf32>,
      %reduce_sum3A_984 = arith.constant true
      %reduce_sum3A_985 = vector.broadcast %reduce_sum3A_984 : i1 to vector<16xi1>
      %reduce_sum3A_986 = tpu.scan <sum>, %get3A_965 masked %reduce_sum3A_985 : vector<16xf32>, vector<16xi1> -> vector<16xf32>
      %reduce_sum3A_987 = vector.extract %reduce_sum3A_986[15] : f32 from vector<16xf32>
      %add3A_988 = arith.addf %add3A_959, %reduce_sum3A_987 : f32
      %get3A_989 = arith.constant 0 : i32
      %get3A_990 = arith.constant 3 : i32
      %get3A_991 = arith.index_cast %get3A_989 : i32 to index
      %get3A_992 = arith.index_cast %get3A_990 : i32 to index
      %get3A_993 = arith.constant 112 : index
      %get3A_994 = tpu.vector_load %arg4[%get3A_991, %get3A_992, %get3A_993] {strides = array<i32>} : memref<2x8x128xf32, #tpu.memory_space<vmem>>, vector<16xf32>,
      %broadcast_in_dim3A_995 = arith.constant true
      %broadcast_in_dim3A_996 = vector.broadcast %broadcast_in_dim3A_995 : i1 to vector<16xi1>
      %masked_cumsum3A_997 = tpu.scan <sum>, %get3A_994 masked %broadcast_in_dim3A_996 : vector<16xf32>, vector<16xi1> -> vector<16xf32>
      %add3A_998 = vector.broadcast %add3A_988 : f32 to vector<16xf32>
      %add3A_999 = arith.addf %masked_cumsum3A_997, %add3A_998 : vector<16xf32>
      %le3A_1000 = arith.constant 2.550000e+01 : f32
      %le3A_1001 = vector.broadcast %le3A_1000 : f32 to vector<16xf32>
      %le3A_1002 = arith.cmpf ole, %add3A_999, %le3A_1001 : vector<16xf32>
      %jit3A_1003 = arith.constant 0.000000e+00 : f32
      %broadcast_in_dim3A_1004 = vector.broadcast %jit3A_1003 : f32 to vector<16xf32>
      %select_n3A_1005 = arith.select %le3A_1002, %add3A_999, %broadcast_in_dim3A_1004 : vector<16xi1>, vector<16xf32>
      %mul3A_1006 = arith.mulf %select_n3A_1005, %get3A_994 : vector<16xf32>
      %swap3A_1007 = arith.constant 0 : i32
      %swap3A_1008 = arith.constant 3 : i32
      %swap3A_1009 = arith.index_cast %swap3A_1007 : i32 to index
      %swap3A_1010 = arith.index_cast %swap3A_1008 : i32 to index
      %swap3A_1011 = arith.constant 112 : index
      %swap3A_1012 = tpu.vector_load %arg5[%swap3A_1009, %swap3A_1010, %swap3A_1011] {strides = array<i32>} : memref<2x8x128xf32, #tpu.memory_space<vmem>>, vector<16xf32>,
      tpu.vector_store %arg5[%swap3A_1009, %swap3A_1010, %swap3A_1011], %mul3A_1006 {strides = array<i32>} : memref<2x8x128xf32, #tpu.memory_space<vmem>>, vector<16xf32>,
      %reduce_sum3A_1013 = arith.constant true
      %reduce_sum3A_1014 = vector.broadcast %reduce_sum3A_1013 : i1 to vector<16xi1>
      %reduce_sum3A_1015 = tpu.scan <sum>, %get3A_994 masked %reduce_sum3A_1014 : vector<16xf32>, vector<16xi1> -> vector<16xf32>
      %reduce_sum3A_1016 = vector.extract %reduce_sum3A_1015[15] : f32 from vector<16xf32>
      %add3A_1017 = arith.addf %add3A_988, %reduce_sum3A_1016 : f32
      %get3A_1018 = arith.constant 0 : i32
      %get3A_1019 = arith.constant 4 : i32
      %get3A_1020 = arith.index_cast %get3A_1018 : i32 to index
      %get3A_1021 = arith.index_cast %get3A_1019 : i32 to index
      %get3A_1022 = arith.constant 0 : index
      %get3A_1023 = tpu.vector_load %arg4[%get3A_1020, %get3A_1021, %get3A_1022] {strides = array<i32>} : memref<2x8x128xf32, #tpu.memory_space<vmem>>, vector<16xf32>,
      %broadcast_in_dim3A_1024 = arith.constant true
      %broadcast_in_dim3A_1025 = vector.broadcast %broadcast_in_dim3A_1024 : i1 to vector<16xi1>
      %masked_cumsum3A_1026 = tpu.scan <sum>, %get3A_1023 masked %broadcast_in_dim3A_1025 : vector<16xf32>, vector<16xi1> -> vector<16xf32>
      %add3A_1027 = arith.constant 0.000000e+00 : f32
      %add3A_1028 = vector.broadcast %add3A_1027 : f32 to vector<16xf32>
      %add3A_1029 = arith.addf %masked_cumsum3A_1026, %add3A_1028 : vector<16xf32>
      %le3A_1030 = arith.constant 2.550000e+01 : f32
      %le3A_1031 = vector.broadcast %le3A_1030 : f32 to vector<16xf32>
      %le3A_1032 = arith.cmpf ole, %add3A_1029, %le3A_1031 : vector<16xf32>
      %jit3A_1033 = arith.constant 0.000000e+00 : f32
      %broadcast_in_dim3A_1034 = vector.broadcast %jit3A_1033 : f32 to vector<16xf32>
      %select_n3A_1035 = arith.select %le3A_1032, %add3A_1029, %broadcast_in_dim3A_1034 : vector<16xi1>, vector<16xf32>
      %mul3A_1036 = arith.mulf %select_n3A_1035, %get3A_1023 : vector<16xf32>
      %swap3A_1037 = arith.constant 0 : i32
      %swap3A_1038 = arith.constant 4 : i32
      %swap3A_1039 = arith.index_cast %swap3A_1037 : i32 to index
      %swap3A_1040 = arith.index_cast %swap3A_1038 : i32 to index
      %swap3A_1041 = arith.constant 0 : index
      %swap3A_1042 = tpu.vector_load %arg5[%swap3A_1039, %swap3A_1040, %swap3A_1041] {strides = array<i32>} : memref<2x8x128xf32, #tpu.memory_space<vmem>>, vector<16xf32>,
      tpu.vector_store %arg5[%swap3A_1039, %swap3A_1040, %swap3A_1041], %mul3A_1036 {strides = array<i32>} : memref<2x8x128xf32, #tpu.memory_space<vmem>>, vector<16xf32>,
      %reduce_sum3A_1043 = arith.constant true
      %reduce_sum3A_1044 = vector.broadcast %reduce_sum3A_1043 : i1 to vector<16xi1>
      %reduce_sum3A_1045 = tpu.scan <sum>, %get3A_1023 masked %reduce_sum3A_1044 : vector<16xf32>, vector<16xi1> -> vector<16xf32>
      %reduce_sum3A_1046 = vector.extract %reduce_sum3A_1045[15] : f32 from vector<16xf32>
      %add3A_1047 = arith.constant 0.000000e+00 : f32
      %add3A_1048 = arith.addf %add3A_1047, %reduce_sum3A_1046 : f32
      %get3A_1049 = arith.constant 0 : i32
      %get3A_1050 = arith.constant 4 : i32
      %get3A_1051 = arith.index_cast %get3A_1049 : i32 to index
      %get3A_1052 = arith.index_cast %get3A_1050 : i32 to index
      %get3A_1053 = arith.constant 16 : index
      %get3A_1054 = tpu.vector_load %arg4[%get3A_1051, %get3A_1052, %get3A_1053] {strides = array<i32>} : memref<2x8x128xf32, #tpu.memory_space<vmem>>, vector<16xf32>,
      %broadcast_in_dim3A_1055 = arith.constant true
      %broadcast_in_dim3A_1056 = vector.broadcast %broadcast_in_dim3A_1055 : i1 to vector<16xi1>
      %masked_cumsum3A_1057 = tpu.scan <sum>, %get3A_1054 masked %broadcast_in_dim3A_1056 : vector<16xf32>, vector<16xi1> -> vector<16xf32>
      %add3A_1058 = vector.broadcast %add3A_1048 : f32 to vector<16xf32>
      %add3A_1059 = arith.addf %masked_cumsum3A_1057, %add3A_1058 : vector<16xf32>
      %le3A_1060 = arith.constant 2.550000e+01 : f32
      %le3A_1061 = vector.broadcast %le3A_1060 : f32 to vector<16xf32>
      %le3A_1062 = arith.cmpf ole, %add3A_1059, %le3A_1061 : vector<16xf32>
      %jit3A_1063 = arith.constant 0.000000e+00 : f32
      %broadcast_in_dim3A_1064 = vector.broadcast %jit3A_1063 : f32 to vector<16xf32>
      %select_n3A_1065 = arith.select %le3A_1062, %add3A_1059, %broadcast_in_dim3A_1064 : vector<16xi1>, vector<16xf32>
      %mul3A_1066 = arith.mulf %select_n3A_1065, %get3A_1054 : vector<16xf32>
      %swap3A_1067 = arith.constant 0 : i32
      %swap3A_1068 = arith.constant 4 : i32
      %swap3A_1069 = arith.index_cast %swap3A_1067 : i32 to index
      %swap3A_1070 = arith.index_cast %swap3A_1068 : i32 to index
      %swap3A_1071 = arith.constant 16 : index
      %swap3A_1072 = tpu.vector_load %arg5[%swap3A_1069, %swap3A_1070, %swap3A_1071] {strides = array<i32>} : memref<2x8x128xf32, #tpu.memory_space<vmem>>, vector<16xf32>,
      tpu.vector_store %arg5[%swap3A_1069, %swap3A_1070, %swap3A_1071], %mul3A_1066 {strides = array<i32>} : memref<2x8x128xf32, #tpu.memory_space<vmem>>, vector<16xf32>,
      %reduce_sum3A_1073 = arith.constant true
      %reduce_sum3A_1074 = vector.broadcast %reduce_sum3A_1073 : i1 to vector<16xi1>
      %reduce_sum3A_1075 = tpu.scan <sum>, %get3A_1054 masked %reduce_sum3A_1074 : vector<16xf32>, vector<16xi1> -> vector<16xf32>
      %reduce_sum3A_1076 = vector.extract %reduce_sum3A_1075[15] : f32 from vector<16xf32>
      %add3A_1077 = arith.addf %add3A_1048, %reduce_sum3A_1076 : f32
      %get3A_1078 = arith.constant 0 : i32
      %get3A_1079 = arith.constant 4 : i32
      %get3A_1080 = arith.index_cast %get3A_1078 : i32 to index
      %get3A_1081 = arith.index_cast %get3A_1079 : i32 to index
      %get3A_1082 = arith.constant 32 : index
      %get3A_1083 = tpu.vector_load %arg4[%get3A_1080, %get3A_1081, %get3A_1082] {strides = array<i32>} : memref<2x8x128xf32, #tpu.memory_space<vmem>>, vector<16xf32>,
      %broadcast_in_dim3A_1084 = arith.constant true
      %broadcast_in_dim3A_1085 = vector.broadcast %broadcast_in_dim3A_1084 : i1 to vector<16xi1>
      %masked_cumsum3A_1086 = tpu.scan <sum>, %get3A_1083 masked %broadcast_in_dim3A_1085 : vector<16xf32>, vector<16xi1> -> vector<16xf32>
      %add3A_1087 = vector.broadcast %add3A_1077 : f32 to vector<16xf32>
      %add3A_1088 = arith.addf %masked_cumsum3A_1086, %add3A_1087 : vector<16xf32>
      %le3A_1089 = arith.constant 2.550000e+01 : f32
      %le3A_1090 = vector.broadcast %le3A_1089 : f32 to vector<16xf32>
      %le3A_1091 = arith.cmpf ole, %add3A_1088, %le3A_1090 : vector<16xf32>
      %jit3A_1092 = arith.constant 0.000000e+00 : f32
      %broadcast_in_dim3A_1093 = vector.broadcast %jit3A_1092 : f32 to vector<16xf32>
      %select_n3A_1094 = arith.select %le3A_1091, %add3A_1088, %broadcast_in_dim3A_1093 : vector<16xi1>, vector<16xf32>
      %mul3A_1095 = arith.mulf %select_n3A_1094, %get3A_1083 : vector<16xf32>
      %swap3A_1096 = arith.constant 0 : i32
      %swap3A_1097 = arith.constant 4 : i32
      %swap3A_1098 = arith.index_cast %swap3A_1096 : i32 to index
      %swap3A_1099 = arith.index_cast %swap3A_1097 : i32 to index
      %swap3A_1100 = arith.constant 32 : index
      %swap3A_1101 = tpu.vector_load %arg5[%swap3A_1098, %swap3A_1099, %swap3A_1100] {strides = array<i32>} : memref<2x8x128xf32, #tpu.memory_space<vmem>>, vector<16xf32>,
      tpu.vector_store %arg5[%swap3A_1098, %swap3A_1099, %swap3A_1100], %mul3A_1095 {strides = array<i32>} : memref<2x8x128xf32, #tpu.memory_space<vmem>>, vector<16xf32>,
      %reduce_sum3A_1102 = arith.constant true
      %reduce_sum3A_1103 = vector.broadcast %reduce_sum3A_1102 : i1 to vector<16xi1>
      %reduce_sum3A_1104 = tpu.scan <sum>, %get3A_1083 masked %reduce_sum3A_1103 : vector<16xf32>, vector<16xi1> -> vector<16xf32>
      %reduce_sum3A_1105 = vector.extract %reduce_sum3A_1104[15] : f32 from vector<16xf32>
      %add3A_1106 = arith.addf %add3A_1077, %reduce_sum3A_1105 : f32
      %get3A_1107 = arith.constant 0 : i32
      %get3A_1108 = arith.constant 4 : i32
      %get3A_1109 = arith.index_cast %get3A_1107 : i32 to index
      %get3A_1110 = arith.index_cast %get3A_1108 : i32 to index
      %get3A_1111 = arith.constant 48 : index
      %get3A_1112 = tpu.vector_load %arg4[%get3A_1109, %get3A_1110, %get3A_1111] {strides = array<i32>} : memref<2x8x128xf32, #tpu.memory_space<vmem>>, vector<16xf32>,
      %broadcast_in_dim3A_1113 = arith.constant true
      %broadcast_in_dim3A_1114 = vector.broadcast %broadcast_in_dim3A_1113 : i1 to vector<16xi1>
      %masked_cumsum3A_1115 = tpu.scan <sum>, %get3A_1112 masked %broadcast_in_dim3A_1114 : vector<16xf32>, vector<16xi1> -> vector<16xf32>
      %add3A_1116 = vector.broadcast %add3A_1106 : f32 to vector<16xf32>
      %add3A_1117 = arith.addf %masked_cumsum3A_1115, %add3A_1116 : vector<16xf32>
      %le3A_1118 = arith.constant 2.550000e+01 : f32
      %le3A_1119 = vector.broadcast %le3A_1118 : f32 to vector<16xf32>
      %le3A_1120 = arith.cmpf ole, %add3A_1117, %le3A_1119 : vector<16xf32>
      %jit3A_1121 = arith.constant 0.000000e+00 : f32
      %broadcast_in_dim3A_1122 = vector.broadcast %jit3A_1121 : f32 to vector<16xf32>
      %select_n3A_1123 = arith.select %le3A_1120, %add3A_1117, %broadcast_in_dim3A_1122 : vector<16xi1>, vector<16xf32>
      %mul3A_1124 = arith.mulf %select_n3A_1123, %get3A_1112 : vector<16xf32>
      %swap3A_1125 = arith.constant 0 : i32
      %swap3A_1126 = arith.constant 4 : i32
      %swap3A_1127 = arith.index_cast %swap3A_1125 : i32 to index
      %swap3A_1128 = arith.index_cast %swap3A_1126 : i32 to index
      %swap3A_1129 = arith.constant 48 : index
      %swap3A_1130 = tpu.vector_load %arg5[%swap3A_1127, %swap3A_1128, %swap3A_1129] {strides = array<i32>} : memref<2x8x128xf32, #tpu.memory_space<vmem>>, vector<16xf32>,
      tpu.vector_store %arg5[%swap3A_1127, %swap3A_1128, %swap3A_1129], %mul3A_1124 {strides = array<i32>} : memref<2x8x128xf32, #tpu.memory_space<vmem>>, vector<16xf32>,
      %reduce_sum3A_1131 = arith.constant true
      %reduce_sum3A_1132 = vector.broadcast %reduce_sum3A_1131 : i1 to vector<16xi1>
      %reduce_sum3A_1133 = tpu.scan <sum>, %get3A_1112 masked %reduce_sum3A_1132 : vector<16xf32>, vector<16xi1> -> vector<16xf32>
      %reduce_sum3A_1134 = vector.extract %reduce_sum3A_1133[15] : f32 from vector<16xf32>
      %add3A_1135 = arith.addf %add3A_1106, %reduce_sum3A_1134 : f32
      %get3A_1136 = arith.constant 0 : i32
      %get3A_1137 = arith.constant 4 : i32
      %get3A_1138 = arith.index_cast %get3A_1136 : i32 to index
      %get3A_1139 = arith.index_cast %get3A_1137 : i32 to index
      %get3A_1140 = arith.constant 64 : index
      %get3A_1141 = tpu.vector_load %arg4[%get3A_1138, %get3A_1139, %get3A_1140] {strides = array<i32>} : memref<2x8x128xf32, #tpu.memory_space<vmem>>, vector<16xf32>,
      %broadcast_in_dim3A_1142 = arith.constant true
      %broadcast_in_dim3A_1143 = vector.broadcast %broadcast_in_dim3A_1142 : i1 to vector<16xi1>
      %masked_cumsum3A_1144 = tpu.scan <sum>, %get3A_1141 masked %broadcast_in_dim3A_1143 : vector<16xf32>, vector<16xi1> -> vector<16xf32>
      %add3A_1145 = vector.broadcast %add3A_1135 : f32 to vector<16xf32>
      %add3A_1146 = arith.addf %masked_cumsum3A_1144, %add3A_1145 : vector<16xf32>
      %le3A_1147 = arith.constant 2.550000e+01 : f32
      %le3A_1148 = vector.broadcast %le3A_1147 : f32 to vector<16xf32>
      %le3A_1149 = arith.cmpf ole, %add3A_1146, %le3A_1148 : vector<16xf32>
      %jit3A_1150 = arith.constant 0.000000e+00 : f32
      %broadcast_in_dim3A_1151 = vector.broadcast %jit3A_1150 : f32 to vector<16xf32>
      %select_n3A_1152 = arith.select %le3A_1149, %add3A_1146, %broadcast_in_dim3A_1151 : vector<16xi1>, vector<16xf32>
      %mul3A_1153 = arith.mulf %select_n3A_1152, %get3A_1141 : vector<16xf32>
      %swap3A_1154 = arith.constant 0 : i32
      %swap3A_1155 = arith.constant 4 : i32
      %swap3A_1156 = arith.index_cast %swap3A_1154 : i32 to index
      %swap3A_1157 = arith.index_cast %swap3A_1155 : i32 to index
      %swap3A_1158 = arith.constant 64 : index
      %swap3A_1159 = tpu.vector_load %arg5[%swap3A_1156, %swap3A_1157, %swap3A_1158] {strides = array<i32>} : memref<2x8x128xf32, #tpu.memory_space<vmem>>, vector<16xf32>,
      tpu.vector_store %arg5[%swap3A_1156, %swap3A_1157, %swap3A_1158], %mul3A_1153 {strides = array<i32>} : memref<2x8x128xf32, #tpu.memory_space<vmem>>, vector<16xf32>,
      %reduce_sum3A_1160 = arith.constant true
      %reduce_sum3A_1161 = vector.broadcast %reduce_sum3A_1160 : i1 to vector<16xi1>
      %reduce_sum3A_1162 = tpu.scan <sum>, %get3A_1141 masked %reduce_sum3A_1161 : vector<16xf32>, vector<16xi1> -> vector<16xf32>
      %reduce_sum3A_1163 = vector.extract %reduce_sum3A_1162[15] : f32 from vector<16xf32>
      %add3A_1164 = arith.addf %add3A_1135, %reduce_sum3A_1163 : f32
      %get3A_1165 = arith.constant 0 : i32
      %get3A_1166 = arith.constant 4 : i32
      %get3A_1167 = arith.index_cast %get3A_1165 : i32 to index
      %get3A_1168 = arith.index_cast %get3A_1166 : i32 to index
      %get3A_1169 = arith.constant 80 : index
      %get3A_1170 = tpu.vector_load %arg4[%get3A_1167, %get3A_1168, %get3A_1169] {strides = array<i32>} : memref<2x8x128xf32, #tpu.memory_space<vmem>>, vector<16xf32>,
      %broadcast_in_dim3A_1171 = arith.constant true
      %broadcast_in_dim3A_1172 = vector.broadcast %broadcast_in_dim3A_1171 : i1 to vector<16xi1>
      %masked_cumsum3A_1173 = tpu.scan <sum>, %get3A_1170 masked %broadcast_in_dim3A_1172 : vector<16xf32>, vector<16xi1> -> vector<16xf32>
      %add3A_1174 = vector.broadcast %add3A_1164 : f32 to vector<16xf32>
      %add3A_1175 = arith.addf %masked_cumsum3A_1173, %add3A_1174 : vector<16xf32>
      %le3A_1176 = arith.constant 2.550000e+01 : f32
      %le3A_1177 = vector.broadcast %le3A_1176 : f32 to vector<16xf32>
      %le3A_1178 = arith.cmpf ole, %add3A_1175, %le3A_1177 : vector<16xf32>
      %jit3A_1179 = arith.constant 0.000000e+00 : f32
      %broadcast_in_dim3A_1180 = vector.broadcast %jit3A_1179 : f32 to vector<16xf32>
      %select_n3A_1181 = arith.select %le3A_1178, %add3A_1175, %broadcast_in_dim3A_1180 : vector<16xi1>, vector<16xf32>
      %mul3A_1182 = arith.mulf %select_n3A_1181, %get3A_1170 : vector<16xf32>
      %swap3A_1183 = arith.constant 0 : i32
      %swap3A_1184 = arith.constant 4 : i32
      %swap3A_1185 = arith.index_cast %swap3A_1183 : i32 to index
      %swap3A_1186 = arith.index_cast %swap3A_1184 : i32 to index
      %swap3A_1187 = arith.constant 80 : index
      %swap3A_1188 = tpu.vector_load %arg5[%swap3A_1185, %swap3A_1186, %swap3A_1187] {strides = array<i32>} : memref<2x8x128xf32, #tpu.memory_space<vmem>>, vector<16xf32>,
      tpu.vector_store %arg5[%swap3A_1185, %swap3A_1186, %swap3A_1187], %mul3A_1182 {strides = array<i32>} : memref<2x8x128xf32, #tpu.memory_space<vmem>>, vector<16xf32>,
      %reduce_sum3A_1189 = arith.constant true
      %reduce_sum3A_1190 = vector.broadcast %reduce_sum3A_1189 : i1 to vector<16xi1>
      %reduce_sum3A_1191 = tpu.scan <sum>, %get3A_1170 masked %reduce_sum3A_1190 : vector<16xf32>, vector<16xi1> -> vector<16xf32>
      %reduce_sum3A_1192 = vector.extract %reduce_sum3A_1191[15] : f32 from vector<16xf32>
      %add3A_1193 = arith.addf %add3A_1164, %reduce_sum3A_1192 : f32
      %get3A_1194 = arith.constant 0 : i32
      %get3A_1195 = arith.constant 4 : i32
      %get3A_1196 = arith.index_cast %get3A_1194 : i32 to index
      %get3A_1197 = arith.index_cast %get3A_1195 : i32 to index
      %get3A_1198 = arith.constant 96 : index
      %get3A_1199 = tpu.vector_load %arg4[%get3A_1196, %get3A_1197, %get3A_1198] {strides = array<i32>} : memref<2x8x128xf32, #tpu.memory_space<vmem>>, vector<16xf32>,
      %broadcast_in_dim3A_1200 = arith.constant true
      %broadcast_in_dim3A_1201 = vector.broadcast %broadcast_in_dim3A_1200 : i1 to vector<16xi1>
      %masked_cumsum3A_1202 = tpu.scan <sum>, %get3A_1199 masked %broadcast_in_dim3A_1201 : vector<16xf32>, vector<16xi1> -> vector<16xf32>
      %add3A_1203 = vector.broadcast %add3A_1193 : f32 to vector<16xf32>
      %add3A_1204 = arith.addf %masked_cumsum3A_1202, %add3A_1203 : vector<16xf32>
      %le3A_1205 = arith.constant 2.550000e+01 : f32
      %le3A_1206 = vector.broadcast %le3A_1205 : f32 to vector<16xf32>
      %le3A_1207 = arith.cmpf ole, %add3A_1204, %le3A_1206 : vector<16xf32>
      %jit3A_1208 = arith.constant 0.000000e+00 : f32
      %broadcast_in_dim3A_1209 = vector.broadcast %jit3A_1208 : f32 to vector<16xf32>
      %select_n3A_1210 = arith.select %le3A_1207, %add3A_1204, %broadcast_in_dim3A_1209 : vector<16xi1>, vector<16xf32>
      %mul3A_1211 = arith.mulf %select_n3A_1210, %get3A_1199 : vector<16xf32>
      %swap3A_1212 = arith.constant 0 : i32
      %swap3A_1213 = arith.constant 4 : i32
      %swap3A_1214 = arith.index_cast %swap3A_1212 : i32 to index
      %swap3A_1215 = arith.index_cast %swap3A_1213 : i32 to index
      %swap3A_1216 = arith.constant 96 : index
      %swap3A_1217 = tpu.vector_load %arg5[%swap3A_1214, %swap3A_1215, %swap3A_1216] {strides = array<i32>} : memref<2x8x128xf32, #tpu.memory_space<vmem>>, vector<16xf32>,
      tpu.vector_store %arg5[%swap3A_1214, %swap3A_1215, %swap3A_1216], %mul3A_1211 {strides = array<i32>} : memref<2x8x128xf32, #tpu.memory_space<vmem>>, vector<16xf32>,
      %reduce_sum3A_1218 = arith.constant true
      %reduce_sum3A_1219 = vector.broadcast %reduce_sum3A_1218 : i1 to vector<16xi1>
      %reduce_sum3A_1220 = tpu.scan <sum>, %get3A_1199 masked %reduce_sum3A_1219 : vector<16xf32>, vector<16xi1> -> vector<16xf32>
      %reduce_sum3A_1221 = vector.extract %reduce_sum3A_1220[15] : f32 from vector<16xf32>
      %add3A_1222 = arith.addf %add3A_1193, %reduce_sum3A_1221 : f32
      %get3A_1223 = arith.constant 0 : i32
      %get3A_1224 = arith.constant 4 : i32
      %get3A_1225 = arith.index_cast %get3A_1223 : i32 to index
      %get3A_1226 = arith.index_cast %get3A_1224 : i32 to index
      %get3A_1227 = arith.constant 112 : index
      %get3A_1228 = tpu.vector_load %arg4[%get3A_1225, %get3A_1226, %get3A_1227] {strides = array<i32>} : memref<2x8x128xf32, #tpu.memory_space<vmem>>, vector<16xf32>,
      %broadcast_in_dim3A_1229 = arith.constant true
      %broadcast_in_dim3A_1230 = vector.broadcast %broadcast_in_dim3A_1229 : i1 to vector<16xi1>
      %masked_cumsum3A_1231 = tpu.scan <sum>, %get3A_1228 masked %broadcast_in_dim3A_1230 : vector<16xf32>, vector<16xi1> -> vector<16xf32>
      %add3A_1232 = vector.broadcast %add3A_1222 : f32 to vector<16xf32>
      %add3A_1233 = arith.addf %masked_cumsum3A_1231, %add3A_1232 : vector<16xf32>
      %le3A_1234 = arith.constant 2.550000e+01 : f32
      %le3A_1235 = vector.broadcast %le3A_1234 : f32 to vector<16xf32>
      %le3A_1236 = arith.cmpf ole, %add3A_1233, %le3A_1235 : vector<16xf32>
      %jit3A_1237 = arith.constant 0.000000e+00 : f32
      %broadcast_in_dim3A_1238 = vector.broadcast %jit3A_1237 : f32 to vector<16xf32>
      %select_n3A_1239 = arith.select %le3A_1236, %add3A_1233, %broadcast_in_dim3A_1238 : vector<16xi1>, vector<16xf32>
      %mul3A_1240 = arith.mulf %select_n3A_1239, %get3A_1228 : vector<16xf32>
      %swap3A_1241 = arith.constant 0 : i32
      %swap3A_1242 = arith.constant 4 : i32
      %swap3A_1243 = arith.index_cast %swap3A_1241 : i32 to index
      %swap3A_1244 = arith.index_cast %swap3A_1242 : i32 to index
      %swap3A_1245 = arith.constant 112 : index
      %swap3A_1246 = tpu.vector_load %arg5[%swap3A_1243, %swap3A_1244, %swap3A_1245] {strides = array<i32>} : memref<2x8x128xf32, #tpu.memory_space<vmem>>, vector<16xf32>,
      tpu.vector_store %arg5[%swap3A_1243, %swap3A_1244, %swap3A_1245], %mul3A_1240 {strides = array<i32>} : memref<2x8x128xf32, #tpu.memory_space<vmem>>, vector<16xf32>,
      %reduce_sum3A_1247 = arith.constant true
      %reduce_sum3A_1248 = vector.broadcast %reduce_sum3A_1247 : i1 to vector<16xi1>
      %reduce_sum3A_1249 = tpu.scan <sum>, %get3A_1228 masked %reduce_sum3A_1248 : vector<16xf32>, vector<16xi1> -> vector<16xf32>
      %reduce_sum3A_1250 = vector.extract %reduce_sum3A_1249[15] : f32 from vector<16xf32>
      %add3A_1251 = arith.addf %add3A_1222, %reduce_sum3A_1250 : f32
      %get3A_1252 = arith.constant 0 : i32
      %get3A_1253 = arith.constant 5 : i32
      %get3A_1254 = arith.index_cast %get3A_1252 : i32 to index
      %get3A_1255 = arith.index_cast %get3A_1253 : i32 to index
      %get3A_1256 = arith.constant 0 : index
      %get3A_1257 = tpu.vector_load %arg4[%get3A_1254, %get3A_1255, %get3A_1256] {strides = array<i32>} : memref<2x8x128xf32, #tpu.memory_space<vmem>>, vector<16xf32>,
      %broadcast_in_dim3A_1258 = arith.constant true
      %broadcast_in_dim3A_1259 = vector.broadcast %broadcast_in_dim3A_1258 : i1 to vector<16xi1>
      %masked_cumsum3A_1260 = tpu.scan <sum>, %get3A_1257 masked %broadcast_in_dim3A_1259 : vector<16xf32>, vector<16xi1> -> vector<16xf32>
      %add3A_1261 = arith.constant 0.000000e+00 : f32
      %add3A_1262 = vector.broadcast %add3A_1261 : f32 to vector<16xf32>
      %add3A_1263 = arith.addf %masked_cumsum3A_1260, %add3A_1262 : vector<16xf32>
      %le3A_1264 = arith.constant 2.550000e+01 : f32
      %le3A_1265 = vector.broadcast %le3A_1264 : f32 to vector<16xf32>
      %le3A_1266 = arith.cmpf ole, %add3A_1263, %le3A_1265 : vector<16xf32>
      %jit3A_1267 = arith.constant 0.000000e+00 : f32
      %broadcast_in_dim3A_1268 = vector.broadcast %jit3A_1267 : f32 to vector<16xf32>
      %select_n3A_1269 = arith.select %le3A_1266, %add3A_1263, %broadcast_in_dim3A_1268 : vector<16xi1>, vector<16xf32>
      %mul3A_1270 = arith.mulf %select_n3A_1269, %get3A_1257 : vector<16xf32>
      %swap3A_1271 = arith.constant 0 : i32
      %swap3A_1272 = arith.constant 5 : i32
      %swap3A_1273 = arith.index_cast %swap3A_1271 : i32 to index
      %swap3A_1274 = arith.index_cast %swap3A_1272 : i32 to index
      %swap3A_1275 = arith.constant 0 : index
      %swap3A_1276 = tpu.vector_load %arg5[%swap3A_1273, %swap3A_1274, %swap3A_1275] {strides = array<i32>} : memref<2x8x128xf32, #tpu.memory_space<vmem>>, vector<16xf32>,
      tpu.vector_store %arg5[%swap3A_1273, %swap3A_1274, %swap3A_1275], %mul3A_1270 {strides = array<i32>} : memref<2x8x128xf32, #tpu.memory_space<vmem>>, vector<16xf32>,
      %reduce_sum3A_1277 = arith.constant true
      %reduce_sum3A_1278 = vector.broadcast %reduce_sum3A_1277 : i1 to vector<16xi1>
      %reduce_sum3A_1279 = tpu.scan <sum>, %get3A_1257 masked %reduce_sum3A_1278 : vector<16xf32>, vector<16xi1> -> vector<16xf32>
      %reduce_sum3A_1280 = vector.extract %reduce_sum3A_1279[15] : f32 from vector<16xf32>
      %add3A_1281 = arith.constant 0.000000e+00 : f32
      %add3A_1282 = arith.addf %add3A_1281, %reduce_sum3A_1280 : f32
      %get3A_1283 = arith.constant 0 : i32
      %get3A_1284 = arith.constant 5 : i32
      %get3A_1285 = arith.index_cast %get3A_1283 : i32 to index
      %get3A_1286 = arith.index_cast %get3A_1284 : i32 to index
      %get3A_1287 = arith.constant 16 : index
      %get3A_1288 = tpu.vector_load %arg4[%get3A_1285, %get3A_1286, %get3A_1287] {strides = array<i32>} : memref<2x8x128xf32, #tpu.memory_space<vmem>>, vector<16xf32>,
      %broadcast_in_dim3A_1289 = arith.constant true
      %broadcast_in_dim3A_1290 = vector.broadcast %broadcast_in_dim3A_1289 : i1 to vector<16xi1>
      %masked_cumsum3A_1291 = tpu.scan <sum>, %get3A_1288 masked %broadcast_in_dim3A_1290 : vector<16xf32>, vector<16xi1> -> vector<16xf32>
      %add3A_1292 = vector.broadcast %add3A_1282 : f32 to vector<16xf32>
      %add3A_1293 = arith.addf %masked_cumsum3A_1291, %add3A_1292 : vector<16xf32>
      %le3A_1294 = arith.constant 2.550000e+01 : f32
      %le3A_1295 = vector.broadcast %le3A_1294 : f32 to vector<16xf32>
      %le3A_1296 = arith.cmpf ole, %add3A_1293, %le3A_1295 : vector<16xf32>
      %jit3A_1297 = arith.constant 0.000000e+00 : f32
      %broadcast_in_dim3A_1298 = vector.broadcast %jit3A_1297 : f32 to vector<16xf32>
      %select_n3A_1299 = arith.select %le3A_1296, %add3A_1293, %broadcast_in_dim3A_1298 : vector<16xi1>, vector<16xf32>
      %mul3A_1300 = arith.mulf %select_n3A_1299, %get3A_1288 : vector<16xf32>
      %swap3A_1301 = arith.constant 0 : i32
      %swap3A_1302 = arith.constant 5 : i32
      %swap3A_1303 = arith.index_cast %swap3A_1301 : i32 to index
      %swap3A_1304 = arith.index_cast %swap3A_1302 : i32 to index
      %swap3A_1305 = arith.constant 16 : index
      %swap3A_1306 = tpu.vector_load %arg5[%swap3A_1303, %swap3A_1304, %swap3A_1305] {strides = array<i32>} : memref<2x8x128xf32, #tpu.memory_space<vmem>>, vector<16xf32>,
      tpu.vector_store %arg5[%swap3A_1303, %swap3A_1304, %swap3A_1305], %mul3A_1300 {strides = array<i32>} : memref<2x8x128xf32, #tpu.memory_space<vmem>>, vector<16xf32>,
      %reduce_sum3A_1307 = arith.constant true
      %reduce_sum3A_1308 = vector.broadcast %reduce_sum3A_1307 : i1 to vector<16xi1>
      %reduce_sum3A_1309 = tpu.scan <sum>, %get3A_1288 masked %reduce_sum3A_1308 : vector<16xf32>, vector<16xi1> -> vector<16xf32>
      %reduce_sum3A_1310 = vector.extract %reduce_sum3A_1309[15] : f32 from vector<16xf32>
      %add3A_1311 = arith.addf %add3A_1282, %reduce_sum3A_1310 : f32
      %get3A_1312 = arith.constant 0 : i32
      %get3A_1313 = arith.constant 5 : i32
      %get3A_1314 = arith.index_cast %get3A_1312 : i32 to index
      %get3A_1315 = arith.index_cast %get3A_1313 : i32 to index
      %get3A_1316 = arith.constant 32 : index
      %get3A_1317 = tpu.vector_load %arg4[%get3A_1314, %get3A_1315, %get3A_1316] {strides = array<i32>} : memref<2x8x128xf32, #tpu.memory_space<vmem>>, vector<16xf32>,
      %broadcast_in_dim3A_1318 = arith.constant true
      %broadcast_in_dim3A_1319 = vector.broadcast %broadcast_in_dim3A_1318 : i1 to vector<16xi1>
      %masked_cumsum3A_1320 = tpu.scan <sum>, %get3A_1317 masked %broadcast_in_dim3A_1319 : vector<16xf32>, vector<16xi1> -> vector<16xf32>
      %add3A_1321 = vector.broadcast %add3A_1311 : f32 to vector<16xf32>
      %add3A_1322 = arith.addf %masked_cumsum3A_1320, %add3A_1321 : vector<16xf32>
      %le3A_1323 = arith.constant 2.550000e+01 : f32
      %le3A_1324 = vector.broadcast %le3A_1323 : f32 to vector<16xf32>
      %le3A_1325 = arith.cmpf ole, %add3A_1322, %le3A_1324 : vector<16xf32>
      %jit3A_1326 = arith.constant 0.000000e+00 : f32
      %broadcast_in_dim3A_1327 = vector.broadcast %jit3A_1326 : f32 to vector<16xf32>
      %select_n3A_1328 = arith.select %le3A_1325, %add3A_1322, %broadcast_in_dim3A_1327 : vector<16xi1>, vector<16xf32>
      %mul3A_1329 = arith.mulf %select_n3A_1328, %get3A_1317 : vector<16xf32>
      %swap3A_1330 = arith.constant 0 : i32
      %swap3A_1331 = arith.constant 5 : i32
      %swap3A_1332 = arith.index_cast %swap3A_1330 : i32 to index
      %swap3A_1333 = arith.index_cast %swap3A_1331 : i32 to index
      %swap3A_1334 = arith.constant 32 : index
      %swap3A_1335 = tpu.vector_load %arg5[%swap3A_1332, %swap3A_1333, %swap3A_1334] {strides = array<i32>} : memref<2x8x128xf32, #tpu.memory_space<vmem>>, vector<16xf32>,
      tpu.vector_store %arg5[%swap3A_1332, %swap3A_1333, %swap3A_1334], %mul3A_1329 {strides = array<i32>} : memref<2x8x128xf32, #tpu.memory_space<vmem>>, vector<16xf32>,
      %reduce_sum3A_1336 = arith.constant true
      %reduce_sum3A_1337 = vector.broadcast %reduce_sum3A_1336 : i1 to vector<16xi1>
      %reduce_sum3A_1338 = tpu.scan <sum>, %get3A_1317 masked %reduce_sum3A_1337 : vector<16xf32>, vector<16xi1> -> vector<16xf32>
      %reduce_sum3A_1339 = vector.extract %reduce_sum3A_1338[15] : f32 from vector<16xf32>
      %add3A_1340 = arith.addf %add3A_1311, %reduce_sum3A_1339 : f32
      %get3A_1341 = arith.constant 0 : i32
      %get3A_1342 = arith.constant 5 : i32
      %get3A_1343 = arith.index_cast %get3A_1341 : i32 to index
      %get3A_1344 = arith.index_cast %get3A_1342 : i32 to index
      %get3A_1345 = arith.constant 48 : index
      %get3A_1346 = tpu.vector_load %arg4[%get3A_1343, %get3A_1344, %get3A_1345] {strides = array<i32>} : memref<2x8x128xf32, #tpu.memory_space<vmem>>, vector<16xf32>,
      %broadcast_in_dim3A_1347 = arith.constant true
      %broadcast_in_dim3A_1348 = vector.broadcast %broadcast_in_dim3A_1347 : i1 to vector<16xi1>
      %masked_cumsum3A_1349 = tpu.scan <sum>, %get3A_1346 masked %broadcast_in_dim3A_1348 : vector<16xf32>, vector<16xi1> -> vector<16xf32>
      %add3A_1350 = vector.broadcast %add3A_1340 : f32 to vector<16xf32>
      %add3A_1351 = arith.addf %masked_cumsum3A_1349, %add3A_1350 : vector<16xf32>
      %le3A_1352 = arith.constant 2.550000e+01 : f32
      %le3A_1353 = vector.broadcast %le3A_1352 : f32 to vector<16xf32>
      %le3A_1354 = arith.cmpf ole, %add3A_1351, %le3A_1353 : vector<16xf32>
      %jit3A_1355 = arith.constant 0.000000e+00 : f32
      %broadcast_in_dim3A_1356 = vector.broadcast %jit3A_1355 : f32 to vector<16xf32>
      %select_n3A_1357 = arith.select %le3A_1354, %add3A_1351, %broadcast_in_dim3A_1356 : vector<16xi1>, vector<16xf32>
      %mul3A_1358 = arith.mulf %select_n3A_1357, %get3A_1346 : vector<16xf32>
      %swap3A_1359 = arith.constant 0 : i32
      %swap3A_1360 = arith.constant 5 : i32
      %swap3A_1361 = arith.index_cast %swap3A_1359 : i32 to index
      %swap3A_1362 = arith.index_cast %swap3A_1360 : i32 to index
      %swap3A_1363 = arith.constant 48 : index
      %swap3A_1364 = tpu.vector_load %arg5[%swap3A_1361, %swap3A_1362, %swap3A_1363] {strides = array<i32>} : memref<2x8x128xf32, #tpu.memory_space<vmem>>, vector<16xf32>,
      tpu.vector_store %arg5[%swap3A_1361, %swap3A_1362, %swap3A_1363], %mul3A_1358 {strides = array<i32>} : memref<2x8x128xf32, #tpu.memory_space<vmem>>, vector<16xf32>,
      %reduce_sum3A_1365 = arith.constant true
      %reduce_sum3A_1366 = vector.broadcast %reduce_sum3A_1365 : i1 to vector<16xi1>
      %reduce_sum3A_1367 = tpu.scan <sum>, %get3A_1346 masked %reduce_sum3A_1366 : vector<16xf32>, vector<16xi1> -> vector<16xf32>
      %reduce_sum3A_1368 = vector.extract %reduce_sum3A_1367[15] : f32 from vector<16xf32>
      %add3A_1369 = arith.addf %add3A_1340, %reduce_sum3A_1368 : f32
      %get3A_1370 = arith.constant 0 : i32
      %get3A_1371 = arith.constant 5 : i32
      %get3A_1372 = arith.index_cast %get3A_1370 : i32 to index
      %get3A_1373 = arith.index_cast %get3A_1371 : i32 to index
      %get3A_1374 = arith.constant 64 : index
      %get3A_1375 = tpu.vector_load %arg4[%get3A_1372, %get3A_1373, %get3A_1374] {strides = array<i32>} : memref<2x8x128xf32, #tpu.memory_space<vmem>>, vector<16xf32>,
      %broadcast_in_dim3A_1376 = arith.constant true
      %broadcast_in_dim3A_1377 = vector.broadcast %broadcast_in_dim3A_1376 : i1 to vector<16xi1>
      %masked_cumsum3A_1378 = tpu.scan <sum>, %get3A_1375 masked %broadcast_in_dim3A_1377 : vector<16xf32>, vector<16xi1> -> vector<16xf32>
      %add3A_1379 = vector.broadcast %add3A_1369 : f32 to vector<16xf32>
      %add3A_1380 = arith.addf %masked_cumsum3A_1378, %add3A_1379 : vector<16xf32>
      %le3A_1381 = arith.constant 2.550000e+01 : f32
      %le3A_1382 = vector.broadcast %le3A_1381 : f32 to vector<16xf32>
      %le3A_1383 = arith.cmpf ole, %add3A_1380, %le3A_1382 : vector<16xf32>
      %jit3A_1384 = arith.constant 0.000000e+00 : f32
      %broadcast_in_dim3A_1385 = vector.broadcast %jit3A_1384 : f32 to vector<16xf32>
      %select_n3A_1386 = arith.select %le3A_1383, %add3A_1380, %broadcast_in_dim3A_1385 : vector<16xi1>, vector<16xf32>
      %mul3A_1387 = arith.mulf %select_n3A_1386, %get3A_1375 : vector<16xf32>
      %swap3A_1388 = arith.constant 0 : i32
      %swap3A_1389 = arith.constant 5 : i32
      %swap3A_1390 = arith.index_cast %swap3A_1388 : i32 to index
      %swap3A_1391 = arith.index_cast %swap3A_1389 : i32 to index
      %swap3A_1392 = arith.constant 64 : index
      %swap3A_1393 = tpu.vector_load %arg5[%swap3A_1390, %swap3A_1391, %swap3A_1392] {strides = array<i32>} : memref<2x8x128xf32, #tpu.memory_space<vmem>>, vector<16xf32>,
      tpu.vector_store %arg5[%swap3A_1390, %swap3A_1391, %swap3A_1392], %mul3A_1387 {strides = array<i32>} : memref<2x8x128xf32, #tpu.memory_space<vmem>>, vector<16xf32>,
      %reduce_sum3A_1394 = arith.constant true
      %reduce_sum3A_1395 = vector.broadcast %reduce_sum3A_1394 : i1 to vector<16xi1>
      %reduce_sum3A_1396 = tpu.scan <sum>, %get3A_1375 masked %reduce_sum3A_1395 : vector<16xf32>, vector<16xi1> -> vector<16xf32>
      %reduce_sum3A_1397 = vector.extract %reduce_sum3A_1396[15] : f32 from vector<16xf32>
      %add3A_1398 = arith.addf %add3A_1369, %reduce_sum3A_1397 : f32
      %get3A_1399 = arith.constant 0 : i32
      %get3A_1400 = arith.constant 5 : i32
      %get3A_1401 = arith.index_cast %get3A_1399 : i32 to index
      %get3A_1402 = arith.index_cast %get3A_1400 : i32 to index
      %get3A_1403 = arith.constant 80 : index
      %get3A_1404 = tpu.vector_load %arg4[%get3A_1401, %get3A_1402, %get3A_1403] {strides = array<i32>} : memref<2x8x128xf32, #tpu.memory_space<vmem>>, vector<16xf32>,
      %broadcast_in_dim3A_1405 = arith.constant true
      %broadcast_in_dim3A_1406 = vector.broadcast %broadcast_in_dim3A_1405 : i1 to vector<16xi1>
      %masked_cumsum3A_1407 = tpu.scan <sum>, %get3A_1404 masked %broadcast_in_dim3A_1406 : vector<16xf32>, vector<16xi1> -> vector<16xf32>
      %add3A_1408 = vector.broadcast %add3A_1398 : f32 to vector<16xf32>
      %add3A_1409 = arith.addf %masked_cumsum3A_1407, %add3A_1408 : vector<16xf32>
      %le3A_1410 = arith.constant 2.550000e+01 : f32
      %le3A_1411 = vector.broadcast %le3A_1410 : f32 to vector<16xf32>
      %le3A_1412 = arith.cmpf ole, %add3A_1409, %le3A_1411 : vector<16xf32>
      %jit3A_1413 = arith.constant 0.000000e+00 : f32
      %broadcast_in_dim3A_1414 = vector.broadcast %jit3A_1413 : f32 to vector<16xf32>
      %select_n3A_1415 = arith.select %le3A_1412, %add3A_1409, %broadcast_in_dim3A_1414 : vector<16xi1>, vector<16xf32>
      %mul3A_1416 = arith.mulf %select_n3A_1415, %get3A_1404 : vector<16xf32>
      %swap3A_1417 = arith.constant 0 : i32
      %swap3A_1418 = arith.constant 5 : i32
      %swap3A_1419 = arith.index_cast %swap3A_1417 : i32 to index
      %swap3A_1420 = arith.index_cast %swap3A_1418 : i32 to index
      %swap3A_1421 = arith.constant 80 : index
      %swap3A_1422 = tpu.vector_load %arg5[%swap3A_1419, %swap3A_1420, %swap3A_1421] {strides = array<i32>} : memref<2x8x128xf32, #tpu.memory_space<vmem>>, vector<16xf32>,
      tpu.vector_store %arg5[%swap3A_1419, %swap3A_1420, %swap3A_1421], %mul3A_1416 {strides = array<i32>} : memref<2x8x128xf32, #tpu.memory_space<vmem>>, vector<16xf32>,
      %reduce_sum3A_1423 = arith.constant true
      %reduce_sum3A_1424 = vector.broadcast %reduce_sum3A_1423 : i1 to vector<16xi1>
      %reduce_sum3A_1425 = tpu.scan <sum>, %get3A_1404 masked %reduce_sum3A_1424 : vector<16xf32>, vector<16xi1> -> vector<16xf32>
      %reduce_sum3A_1426 = vector.extract %reduce_sum3A_1425[15] : f32 from vector<16xf32>
      %add3A_1427 = arith.addf %add3A_1398, %reduce_sum3A_1426 : f32
      %get3A_1428 = arith.constant 0 : i32
      %get3A_1429 = arith.constant 5 : i32
      %get3A_1430 = arith.index_cast %get3A_1428 : i32 to index
      %get3A_1431 = arith.index_cast %get3A_1429 : i32 to index
      %get3A_1432 = arith.constant 96 : index
      %get3A_1433 = tpu.vector_load %arg4[%get3A_1430, %get3A_1431, %get3A_1432] {strides = array<i32>} : memref<2x8x128xf32, #tpu.memory_space<vmem>>, vector<16xf32>,
      %broadcast_in_dim3A_1434 = arith.constant true
      %broadcast_in_dim3A_1435 = vector.broadcast %broadcast_in_dim3A_1434 : i1 to vector<16xi1>
      %masked_cumsum3A_1436 = tpu.scan <sum>, %get3A_1433 masked %broadcast_in_dim3A_1435 : vector<16xf32>, vector<16xi1> -> vector<16xf32>
      %add3A_1437 = vector.broadcast %add3A_1427 : f32 to vector<16xf32>
      %add3A_1438 = arith.addf %masked_cumsum3A_1436, %add3A_1437 : vector<16xf32>
      %le3A_1439 = arith.constant 2.550000e+01 : f32
      %le3A_1440 = vector.broadcast %le3A_1439 : f32 to vector<16xf32>
      %le3A_1441 = arith.cmpf ole, %add3A_1438, %le3A_1440 : vector<16xf32>
      %jit3A_1442 = arith.constant 0.000000e+00 : f32
      %broadcast_in_dim3A_1443 = vector.broadcast %jit3A_1442 : f32 to vector<16xf32>
      %select_n3A_1444 = arith.select %le3A_1441, %add3A_1438, %broadcast_in_dim3A_1443 : vector<16xi1>, vector<16xf32>
      %mul3A_1445 = arith.mulf %select_n3A_1444, %get3A_1433 : vector<16xf32>
      %swap3A_1446 = arith.constant 0 : i32
      %swap3A_1447 = arith.constant 5 : i32
      %swap3A_1448 = arith.index_cast %swap3A_1446 : i32 to index
      %swap3A_1449 = arith.index_cast %swap3A_1447 : i32 to index
      %swap3A_1450 = arith.constant 96 : index
      %swap3A_1451 = tpu.vector_load %arg5[%swap3A_1448, %swap3A_1449, %swap3A_1450] {strides = array<i32>} : memref<2x8x128xf32, #tpu.memory_space<vmem>>, vector<16xf32>,
      tpu.vector_store %arg5[%swap3A_1448, %swap3A_1449, %swap3A_1450], %mul3A_1445 {strides = array<i32>} : memref<2x8x128xf32, #tpu.memory_space<vmem>>, vector<16xf32>,
      %reduce_sum3A_1452 = arith.constant true
      %reduce_sum3A_1453 = vector.broadcast %reduce_sum3A_1452 : i1 to vector<16xi1>
      %reduce_sum3A_1454 = tpu.scan <sum>, %get3A_1433 masked %reduce_sum3A_1453 : vector<16xf32>, vector<16xi1> -> vector<16xf32>
      %reduce_sum3A_1455 = vector.extract %reduce_sum3A_1454[15] : f32 from vector<16xf32>
      %add3A_1456 = arith.addf %add3A_1427, %reduce_sum3A_1455 : f32
      %get3A_1457 = arith.constant 0 : i32
      %get3A_1458 = arith.constant 5 : i32
      %get3A_1459 = arith.index_cast %get3A_1457 : i32 to index
      %get3A_1460 = arith.index_cast %get3A_1458 : i32 to index
      %get3A_1461 = arith.constant 112 : index
      %get3A_1462 = tpu.vector_load %arg4[%get3A_1459, %get3A_1460, %get3A_1461] {strides = array<i32>} : memref<2x8x128xf32, #tpu.memory_space<vmem>>, vector<16xf32>,
      %broadcast_in_dim3A_1463 = arith.constant true
      %broadcast_in_dim3A_1464 = vector.broadcast %broadcast_in_dim3A_1463 : i1 to vector<16xi1>
      %masked_cumsum3A_1465 = tpu.scan <sum>, %get3A_1462 masked %broadcast_in_dim3A_1464 : vector<16xf32>, vector<16xi1> -> vector<16xf32>
      %add3A_1466 = vector.broadcast %add3A_1456 : f32 to vector<16xf32>
      %add3A_1467 = arith.addf %masked_cumsum3A_1465, %add3A_1466 : vector<16xf32>
      %le3A_1468 = arith.constant 2.550000e+01 : f32
      %le3A_1469 = vector.broadcast %le3A_1468 : f32 to vector<16xf32>
      %le3A_1470 = arith.cmpf ole, %add3A_1467, %le3A_1469 : vector<16xf32>
      %jit3A_1471 = arith.constant 0.000000e+00 : f32
      %broadcast_in_dim3A_1472 = vector.broadcast %jit3A_1471 : f32 to vector<16xf32>
      %select_n3A_1473 = arith.select %le3A_1470, %add3A_1467, %broadcast_in_dim3A_1472 : vector<16xi1>, vector<16xf32>
      %mul3A_1474 = arith.mulf %select_n3A_1473, %get3A_1462 : vector<16xf32>
      %swap3A_1475 = arith.constant 0 : i32
      %swap3A_1476 = arith.constant 5 : i32
      %swap3A_1477 = arith.index_cast %swap3A_1475 : i32 to index
      %swap3A_1478 = arith.index_cast %swap3A_1476 : i32 to index
      %swap3A_1479 = arith.constant 112 : index
      %swap3A_1480 = tpu.vector_load %arg5[%swap3A_1477, %swap3A_1478, %swap3A_1479] {strides = array<i32>} : memref<2x8x128xf32, #tpu.memory_space<vmem>>, vector<16xf32>,
      tpu.vector_store %arg5[%swap3A_1477, %swap3A_1478, %swap3A_1479], %mul3A_1474 {strides = array<i32>} : memref<2x8x128xf32, #tpu.memory_space<vmem>>, vector<16xf32>,
      %reduce_sum3A_1481 = arith.constant true
      %reduce_sum3A_1482 = vector.broadcast %reduce_sum3A_1481 : i1 to vector<16xi1>
      %reduce_sum3A_1483 = tpu.scan <sum>, %get3A_1462 masked %reduce_sum3A_1482 : vector<16xf32>, vector<16xi1> -> vector<16xf32>
      %reduce_sum3A_1484 = vector.extract %reduce_sum3A_1483[15] : f32 from vector<16xf32>
      %add3A_1485 = arith.addf %add3A_1456, %reduce_sum3A_1484 : f32
      %get3A_1486 = arith.constant 0 : i32
      %get3A_1487 = arith.constant 6 : i32
      %get3A_1488 = arith.index_cast %get3A_1486 : i32 to index
      %get3A_1489 = arith.index_cast %get3A_1487 : i32 to index
      %get3A_1490 = arith.constant 0 : index
      %get3A_1491 = tpu.vector_load %arg4[%get3A_1488, %get3A_1489, %get3A_1490] {strides = array<i32>} : memref<2x8x128xf32, #tpu.memory_space<vmem>>, vector<16xf32>,
      %broadcast_in_dim3A_1492 = arith.constant true
      %broadcast_in_dim3A_1493 = vector.broadcast %broadcast_in_dim3A_1492 : i1 to vector<16xi1>
      %masked_cumsum3A_1494 = tpu.scan <sum>, %get3A_1491 masked %broadcast_in_dim3A_1493 : vector<16xf32>, vector<16xi1> -> vector<16xf32>
      %add3A_1495 = arith.constant 0.000000e+00 : f32
      %add3A_1496 = vector.broadcast %add3A_1495 : f32 to vector<16xf32>
      %add3A_1497 = arith.addf %masked_cumsum3A_1494, %add3A_1496 : vector<16xf32>
      %le3A_1498 = arith.constant 2.550000e+01 : f32
      %le3A_1499 = vector.broadcast %le3A_1498 : f32 to vector<16xf32>
      %le3A_1500 = arith.cmpf ole, %add3A_1497, %le3A_1499 : vector<16xf32>
      %jit3A_1501 = arith.constant 0.000000e+00 : f32
      %broadcast_in_dim3A_1502 = vector.broadcast %jit3A_1501 : f32 to vector<16xf32>
      %select_n3A_1503 = arith.select %le3A_1500, %add3A_1497, %broadcast_in_dim3A_1502 : vector<16xi1>, vector<16xf32>
      %mul3A_1504 = arith.mulf %select_n3A_1503, %get3A_1491 : vector<16xf32>
      %swap3A_1505 = arith.constant 0 : i32
      %swap3A_1506 = arith.constant 6 : i32
      %swap3A_1507 = arith.index_cast %swap3A_1505 : i32 to index
      %swap3A_1508 = arith.index_cast %swap3A_1506 : i32 to index
      %swap3A_1509 = arith.constant 0 : index
      %swap3A_1510 = tpu.vector_load %arg5[%swap3A_1507, %swap3A_1508, %swap3A_1509] {strides = array<i32>} : memref<2x8x128xf32, #tpu.memory_space<vmem>>, vector<16xf32>,
      tpu.vector_store %arg5[%swap3A_1507, %swap3A_1508, %swap3A_1509], %mul3A_1504 {strides = array<i32>} : memref<2x8x128xf32, #tpu.memory_space<vmem>>, vector<16xf32>,
      %reduce_sum3A_1511 = arith.constant true
      %reduce_sum3A_1512 = vector.broadcast %reduce_sum3A_1511 : i1 to vector<16xi1>
      %reduce_sum3A_1513 = tpu.scan <sum>, %get3A_1491 masked %reduce_sum3A_1512 : vector<16xf32>, vector<16xi1> -> vector<16xf32>
      %reduce_sum3A_1514 = vector.extract %reduce_sum3A_1513[15] : f32 from vector<16xf32>
      %add3A_1515 = arith.constant 0.000000e+00 : f32
      %add3A_1516 = arith.addf %add3A_1515, %reduce_sum3A_1514 : f32
      %get3A_1517 = arith.constant 0 : i32
      %get3A_1518 = arith.constant 6 : i32
      %get3A_1519 = arith.index_cast %get3A_1517 : i32 to index
      %get3A_1520 = arith.index_cast %get3A_1518 : i32 to index
      %get3A_1521 = arith.constant 16 : index
      %get3A_1522 = tpu.vector_load %arg4[%get3A_1519, %get3A_1520, %get3A_1521] {strides = array<i32>} : memref<2x8x128xf32, #tpu.memory_space<vmem>>, vector<16xf32>,
      %broadcast_in_dim3A_1523 = arith.constant true
      %broadcast_in_dim3A_1524 = vector.broadcast %broadcast_in_dim3A_1523 : i1 to vector<16xi1>
      %masked_cumsum3A_1525 = tpu.scan <sum>, %get3A_1522 masked %broadcast_in_dim3A_1524 : vector<16xf32>, vector<16xi1> -> vector<16xf32>
      %add3A_1526 = vector.broadcast %add3A_1516 : f32 to vector<16xf32>
      %add3A_1527 = arith.addf %masked_cumsum3A_1525, %add3A_1526 : vector<16xf32>
      %le3A_1528 = arith.constant 2.550000e+01 : f32
      %le3A_1529 = vector.broadcast %le3A_1528 : f32 to vector<16xf32>
      %le3A_1530 = arith.cmpf ole, %add3A_1527, %le3A_1529 : vector<16xf32>
      %jit3A_1531 = arith.constant 0.000000e+00 : f32
      %broadcast_in_dim3A_1532 = vector.broadcast %jit3A_1531 : f32 to vector<16xf32>
      %select_n3A_1533 = arith.select %le3A_1530, %add3A_1527, %broadcast_in_dim3A_1532 : vector<16xi1>, vector<16xf32>
      %mul3A_1534 = arith.mulf %select_n3A_1533, %get3A_1522 : vector<16xf32>
      %swap3A_1535 = arith.constant 0 : i32
      %swap3A_1536 = arith.constant 6 : i32
      %swap3A_1537 = arith.index_cast %swap3A_1535 : i32 to index
      %swap3A_1538 = arith.index_cast %swap3A_1536 : i32 to index
      %swap3A_1539 = arith.constant 16 : index
      %swap3A_1540 = tpu.vector_load %arg5[%swap3A_1537, %swap3A_1538, %swap3A_1539] {strides = array<i32>} : memref<2x8x128xf32, #tpu.memory_space<vmem>>, vector<16xf32>,
      tpu.vector_store %arg5[%swap3A_1537, %swap3A_1538, %swap3A_1539], %mul3A_1534 {strides = array<i32>} : memref<2x8x128xf32, #tpu.memory_space<vmem>>, vector<16xf32>,
      %reduce_sum3A_1541 = arith.constant true
      %reduce_sum3A_1542 = vector.broadcast %reduce_sum3A_1541 : i1 to vector<16xi1>
      %reduce_sum3A_1543 = tpu.scan <sum>, %get3A_1522 masked %reduce_sum3A_1542 : vector<16xf32>, vector<16xi1> -> vector<16xf32>
      %reduce_sum3A_1544 = vector.extract %reduce_sum3A_1543[15] : f32 from vector<16xf32>
      %add3A_1545 = arith.addf %add3A_1516, %reduce_sum3A_1544 : f32
      %get3A_1546 = arith.constant 0 : i32
      %get3A_1547 = arith.constant 6 : i32
      %get3A_1548 = arith.index_cast %get3A_1546 : i32 to index
      %get3A_1549 = arith.index_cast %get3A_1547 : i32 to index
      %get3A_1550 = arith.constant 32 : index
      %get3A_1551 = tpu.vector_load %arg4[%get3A_1548, %get3A_1549, %get3A_1550] {strides = array<i32>} : memref<2x8x128xf32, #tpu.memory_space<vmem>>, vector<16xf32>,
      %broadcast_in_dim3A_1552 = arith.constant true
      %broadcast_in_dim3A_1553 = vector.broadcast %broadcast_in_dim3A_1552 : i1 to vector<16xi1>
      %masked_cumsum3A_1554 = tpu.scan <sum>, %get3A_1551 masked %broadcast_in_dim3A_1553 : vector<16xf32>, vector<16xi1> -> vector<16xf32>
      %add3A_1555 = vector.broadcast %add3A_1545 : f32 to vector<16xf32>
      %add3A_1556 = arith.addf %masked_cumsum3A_1554, %add3A_1555 : vector<16xf32>
      %le3A_1557 = arith.constant 2.550000e+01 : f32
      %le3A_1558 = vector.broadcast %le3A_1557 : f32 to vector<16xf32>
      %le3A_1559 = arith.cmpf ole, %add3A_1556, %le3A_1558 : vector<16xf32>
      %jit3A_1560 = arith.constant 0.000000e+00 : f32
      %broadcast_in_dim3A_1561 = vector.broadcast %jit3A_1560 : f32 to vector<16xf32>
      %select_n3A_1562 = arith.select %le3A_1559, %add3A_1556, %broadcast_in_dim3A_1561 : vector<16xi1>, vector<16xf32>
      %mul3A_1563 = arith.mulf %select_n3A_1562, %get3A_1551 : vector<16xf32>
      %swap3A_1564 = arith.constant 0 : i32
      %swap3A_1565 = arith.constant 6 : i32
      %swap3A_1566 = arith.index_cast %swap3A_1564 : i32 to index
      %swap3A_1567 = arith.index_cast %swap3A_1565 : i32 to index
      %swap3A_1568 = arith.constant 32 : index
      %swap3A_1569 = tpu.vector_load %arg5[%swap3A_1566, %swap3A_1567, %swap3A_1568] {strides = array<i32>} : memref<2x8x128xf32, #tpu.memory_space<vmem>>, vector<16xf32>,
      tpu.vector_store %arg5[%swap3A_1566, %swap3A_1567, %swap3A_1568], %mul3A_1563 {strides = array<i32>} : memref<2x8x128xf32, #tpu.memory_space<vmem>>, vector<16xf32>,
      %reduce_sum3A_1570 = arith.constant true
      %reduce_sum3A_1571 = vector.broadcast %reduce_sum3A_1570 : i1 to vector<16xi1>
      %reduce_sum3A_1572 = tpu.scan <sum>, %get3A_1551 masked %reduce_sum3A_1571 : vector<16xf32>, vector<16xi1> -> vector<16xf32>
      %reduce_sum3A_1573 = vector.extract %reduce_sum3A_1572[15] : f32 from vector<16xf32>
      %add3A_1574 = arith.addf %add3A_1545, %reduce_sum3A_1573 : f32
      %get3A_1575 = arith.constant 0 : i32
      %get3A_1576 = arith.constant 6 : i32
      %get3A_1577 = arith.index_cast %get3A_1575 : i32 to index
      %get3A_1578 = arith.index_cast %get3A_1576 : i32 to index
      %get3A_1579 = arith.constant 48 : index
      %get3A_1580 = tpu.vector_load %arg4[%get3A_1577, %get3A_1578, %get3A_1579] {strides = array<i32>} : memref<2x8x128xf32, #tpu.memory_space<vmem>>, vector<16xf32>,
      %broadcast_in_dim3A_1581 = arith.constant true
      %broadcast_in_dim3A_1582 = vector.broadcast %broadcast_in_dim3A_1581 : i1 to vector<16xi1>
      %masked_cumsum3A_1583 = tpu.scan <sum>, %get3A_1580 masked %broadcast_in_dim3A_1582 : vector<16xf32>, vector<16xi1> -> vector<16xf32>
      %add3A_1584 = vector.broadcast %add3A_1574 : f32 to vector<16xf32>
      %add3A_1585 = arith.addf %masked_cumsum3A_1583, %add3A_1584 : vector<16xf32>
      %le3A_1586 = arith.constant 2.550000e+01 : f32
      %le3A_1587 = vector.broadcast %le3A_1586 : f32 to vector<16xf32>
      %le3A_1588 = arith.cmpf ole, %add3A_1585, %le3A_1587 : vector<16xf32>
      %jit3A_1589 = arith.constant 0.000000e+00 : f32
      %broadcast_in_dim3A_1590 = vector.broadcast %jit3A_1589 : f32 to vector<16xf32>
      %select_n3A_1591 = arith.select %le3A_1588, %add3A_1585, %broadcast_in_dim3A_1590 : vector<16xi1>, vector<16xf32>
      %mul3A_1592 = arith.mulf %select_n3A_1591, %get3A_1580 : vector<16xf32>
      %swap3A_1593 = arith.constant 0 : i32
      %swap3A_1594 = arith.constant 6 : i32
      %swap3A_1595 = arith.index_cast %swap3A_1593 : i32 to index
      %swap3A_1596 = arith.index_cast %swap3A_1594 : i32 to index
      %swap3A_1597 = arith.constant 48 : index
      %swap3A_1598 = tpu.vector_load %arg5[%swap3A_1595, %swap3A_1596, %swap3A_1597] {strides = array<i32>} : memref<2x8x128xf32, #tpu.memory_space<vmem>>, vector<16xf32>,
      tpu.vector_store %arg5[%swap3A_1595, %swap3A_1596, %swap3A_1597], %mul3A_1592 {strides = array<i32>} : memref<2x8x128xf32, #tpu.memory_space<vmem>>, vector<16xf32>,
      %reduce_sum3A_1599 = arith.constant true
      %reduce_sum3A_1600 = vector.broadcast %reduce_sum3A_1599 : i1 to vector<16xi1>
      %reduce_sum3A_1601 = tpu.scan <sum>, %get3A_1580 masked %reduce_sum3A_1600 : vector<16xf32>, vector<16xi1> -> vector<16xf32>
      %reduce_sum3A_1602 = vector.extract %reduce_sum3A_1601[15] : f32 from vector<16xf32>
      %add3A_1603 = arith.addf %add3A_1574, %reduce_sum3A_1602 : f32
      %get3A_1604 = arith.constant 0 : i32
      %get3A_1605 = arith.constant 6 : i32
      %get3A_1606 = arith.index_cast %get3A_1604 : i32 to index
      %get3A_1607 = arith.index_cast %get3A_1605 : i32 to index
      %get3A_1608 = arith.constant 64 : index
      %get3A_1609 = tpu.vector_load %arg4[%get3A_1606, %get3A_1607, %get3A_1608] {strides = array<i32>} : memref<2x8x128xf32, #tpu.memory_space<vmem>>, vector<16xf32>,
      %broadcast_in_dim3A_1610 = arith.constant true
      %broadcast_in_dim3A_1611 = vector.broadcast %broadcast_in_dim3A_1610 : i1 to vector<16xi1>
      %masked_cumsum3A_1612 = tpu.scan <sum>, %get3A_1609 masked %broadcast_in_dim3A_1611 : vector<16xf32>, vector<16xi1> -> vector<16xf32>
      %add3A_1613 = vector.broadcast %add3A_1603 : f32 to vector<16xf32>
      %add3A_1614 = arith.addf %masked_cumsum3A_1612, %add3A_1613 : vector<16xf32>
      %le3A_1615 = arith.constant 2.550000e+01 : f32
      %le3A_1616 = vector.broadcast %le3A_1615 : f32 to vector<16xf32>
      %le3A_1617 = arith.cmpf ole, %add3A_1614, %le3A_1616 : vector<16xf32>
      %jit3A_1618 = arith.constant 0.000000e+00 : f32
      %broadcast_in_dim3A_1619 = vector.broadcast %jit3A_1618 : f32 to vector<16xf32>
      %select_n3A_1620 = arith.select %le3A_1617, %add3A_1614, %broadcast_in_dim3A_1619 : vector<16xi1>, vector<16xf32>
      %mul3A_1621 = arith.mulf %select_n3A_1620, %get3A_1609 : vector<16xf32>
      %swap3A_1622 = arith.constant 0 : i32
      %swap3A_1623 = arith.constant 6 : i32
      %swap3A_1624 = arith.index_cast %swap3A_1622 : i32 to index
      %swap3A_1625 = arith.index_cast %swap3A_1623 : i32 to index
      %swap3A_1626 = arith.constant 64 : index
      %swap3A_1627 = tpu.vector_load %arg5[%swap3A_1624, %swap3A_1625, %swap3A_1626] {strides = array<i32>} : memref<2x8x128xf32, #tpu.memory_space<vmem>>, vector<16xf32>,
      tpu.vector_store %arg5[%swap3A_1624, %swap3A_1625, %swap3A_1626], %mul3A_1621 {strides = array<i32>} : memref<2x8x128xf32, #tpu.memory_space<vmem>>, vector<16xf32>,
      %reduce_sum3A_1628 = arith.constant true
      %reduce_sum3A_1629 = vector.broadcast %reduce_sum3A_1628 : i1 to vector<16xi1>
      %reduce_sum3A_1630 = tpu.scan <sum>, %get3A_1609 masked %reduce_sum3A_1629 : vector<16xf32>, vector<16xi1> -> vector<16xf32>
      %reduce_sum3A_1631 = vector.extract %reduce_sum3A_1630[15] : f32 from vector<16xf32>
      %add3A_1632 = arith.addf %add3A_1603, %reduce_sum3A_1631 : f32
      %get3A_1633 = arith.constant 0 : i32
      %get3A_1634 = arith.constant 6 : i32
      %get3A_1635 = arith.index_cast %get3A_1633 : i32 to index
      %get3A_1636 = arith.index_cast %get3A_1634 : i32 to index
      %get3A_1637 = arith.constant 80 : index
      %get3A_1638 = tpu.vector_load %arg4[%get3A_1635, %get3A_1636, %get3A_1637] {strides = array<i32>} : memref<2x8x128xf32, #tpu.memory_space<vmem>>, vector<16xf32>,
      %broadcast_in_dim3A_1639 = arith.constant true
      %broadcast_in_dim3A_1640 = vector.broadcast %broadcast_in_dim3A_1639 : i1 to vector<16xi1>
      %masked_cumsum3A_1641 = tpu.scan <sum>, %get3A_1638 masked %broadcast_in_dim3A_1640 : vector<16xf32>, vector<16xi1> -> vector<16xf32>
      %add3A_1642 = vector.broadcast %add3A_1632 : f32 to vector<16xf32>
      %add3A_1643 = arith.addf %masked_cumsum3A_1641, %add3A_1642 : vector<16xf32>
      %le3A_1644 = arith.constant 2.550000e+01 : f32
      %le3A_1645 = vector.broadcast %le3A_1644 : f32 to vector<16xf32>
      %le3A_1646 = arith.cmpf ole, %add3A_1643, %le3A_1645 : vector<16xf32>
      %jit3A_1647 = arith.constant 0.000000e+00 : f32
      %broadcast_in_dim3A_1648 = vector.broadcast %jit3A_1647 : f32 to vector<16xf32>
      %select_n3A_1649 = arith.select %le3A_1646, %add3A_1643, %broadcast_in_dim3A_1648 : vector<16xi1>, vector<16xf32>
      %mul3A_1650 = arith.mulf %select_n3A_1649, %get3A_1638 : vector<16xf32>
      %swap3A_1651 = arith.constant 0 : i32
      %swap3A_1652 = arith.constant 6 : i32
      %swap3A_1653 = arith.index_cast %swap3A_1651 : i32 to index
      %swap3A_1654 = arith.index_cast %swap3A_1652 : i32 to index
      %swap3A_1655 = arith.constant 80 : index
      %swap3A_1656 = tpu.vector_load %arg5[%swap3A_1653, %swap3A_1654, %swap3A_1655] {strides = array<i32>} : memref<2x8x128xf32, #tpu.memory_space<vmem>>, vector<16xf32>,
      tpu.vector_store %arg5[%swap3A_1653, %swap3A_1654, %swap3A_1655], %mul3A_1650 {strides = array<i32>} : memref<2x8x128xf32, #tpu.memory_space<vmem>>, vector<16xf32>,
      %reduce_sum3A_1657 = arith.constant true
      %reduce_sum3A_1658 = vector.broadcast %reduce_sum3A_1657 : i1 to vector<16xi1>
      %reduce_sum3A_1659 = tpu.scan <sum>, %get3A_1638 masked %reduce_sum3A_1658 : vector<16xf32>, vector<16xi1> -> vector<16xf32>
      %reduce_sum3A_1660 = vector.extract %reduce_sum3A_1659[15] : f32 from vector<16xf32>
      %add3A_1661 = arith.addf %add3A_1632, %reduce_sum3A_1660 : f32
      %get3A_1662 = arith.constant 0 : i32
      %get3A_1663 = arith.constant 6 : i32
      %get3A_1664 = arith.index_cast %get3A_1662 : i32 to index
      %get3A_1665 = arith.index_cast %get3A_1663 : i32 to index
      %get3A_1666 = arith.constant 96 : index
      %get3A_1667 = tpu.vector_load %arg4[%get3A_1664, %get3A_1665, %get3A_1666] {strides = array<i32>} : memref<2x8x128xf32, #tpu.memory_space<vmem>>, vector<16xf32>,
      %broadcast_in_dim3A_1668 = arith.constant true
      %broadcast_in_dim3A_1669 = vector.broadcast %broadcast_in_dim3A_1668 : i1 to vector<16xi1>
      %masked_cumsum3A_1670 = tpu.scan <sum>, %get3A_1667 masked %broadcast_in_dim3A_1669 : vector<16xf32>, vector<16xi1> -> vector<16xf32>
      %add3A_1671 = vector.broadcast %add3A_1661 : f32 to vector<16xf32>
      %add3A_1672 = arith.addf %masked_cumsum3A_1670, %add3A_1671 : vector<16xf32>
      %le3A_1673 = arith.constant 2.550000e+01 : f32
      %le3A_1674 = vector.broadcast %le3A_1673 : f32 to vector<16xf32>
      %le3A_1675 = arith.cmpf ole, %add3A_1672, %le3A_1674 : vector<16xf32>
      %jit3A_1676 = arith.constant 0.000000e+00 : f32
      %broadcast_in_dim3A_1677 = vector.broadcast %jit3A_1676 : f32 to vector<16xf32>
      %select_n3A_1678 = arith.select %le3A_1675, %add3A_1672, %broadcast_in_dim3A_1677 : vector<16xi1>, vector<16xf32>
      %mul3A_1679 = arith.mulf %select_n3A_1678, %get3A_1667 : vector<16xf32>
      %swap3A_1680 = arith.constant 0 : i32
      %swap3A_1681 = arith.constant 6 : i32
      %swap3A_1682 = arith.index_cast %swap3A_1680 : i32 to index
      %swap3A_1683 = arith.index_cast %swap3A_1681 : i32 to index
      %swap3A_1684 = arith.constant 96 : index
      %swap3A_1685 = tpu.vector_load %arg5[%swap3A_1682, %swap3A_1683, %swap3A_1684] {strides = array<i32>} : memref<2x8x128xf32, #tpu.memory_space<vmem>>, vector<16xf32>,
      tpu.vector_store %arg5[%swap3A_1682, %swap3A_1683, %swap3A_1684], %mul3A_1679 {strides = array<i32>} : memref<2x8x128xf32, #tpu.memory_space<vmem>>, vector<16xf32>,
      %reduce_sum3A_1686 = arith.constant true
      %reduce_sum3A_1687 = vector.broadcast %reduce_sum3A_1686 : i1 to vector<16xi1>
      %reduce_sum3A_1688 = tpu.scan <sum>, %get3A_1667 masked %reduce_sum3A_1687 : vector<16xf32>, vector<16xi1> -> vector<16xf32>
      %reduce_sum3A_1689 = vector.extract %reduce_sum3A_1688[15] : f32 from vector<16xf32>
      %add3A_1690 = arith.addf %add3A_1661, %reduce_sum3A_1689 : f32
      %get3A_1691 = arith.constant 0 : i32
      %get3A_1692 = arith.constant 6 : i32
      %get3A_1693 = arith.index_cast %get3A_1691 : i32 to index
      %get3A_1694 = arith.index_cast %get3A_1692 : i32 to index
      %get3A_1695 = arith.constant 112 : index
      %get3A_1696 = tpu.vector_load %arg4[%get3A_1693, %get3A_1694, %get3A_1695] {strides = array<i32>} : memref<2x8x128xf32, #tpu.memory_space<vmem>>, vector<16xf32>,
      %broadcast_in_dim3A_1697 = arith.constant true
      %broadcast_in_dim3A_1698 = vector.broadcast %broadcast_in_dim3A_1697 : i1 to vector<16xi1>
      %masked_cumsum3A_1699 = tpu.scan <sum>, %get3A_1696 masked %broadcast_in_dim3A_1698 : vector<16xf32>, vector<16xi1> -> vector<16xf32>
      %add3A_1700 = vector.broadcast %add3A_1690 : f32 to vector<16xf32>
      %add3A_1701 = arith.addf %masked_cumsum3A_1699, %add3A_1700 : vector<16xf32>
      %le3A_1702 = arith.constant 2.550000e+01 : f32
      %le3A_1703 = vector.broadcast %le3A_1702 : f32 to vector<16xf32>
      %le3A_1704 = arith.cmpf ole, %add3A_1701, %le3A_1703 : vector<16xf32>
      %jit3A_1705 = arith.constant 0.000000e+00 : f32
      %broadcast_in_dim3A_1706 = vector.broadcast %jit3A_1705 : f32 to vector<16xf32>
      %select_n3A_1707 = arith.select %le3A_1704, %add3A_1701, %broadcast_in_dim3A_1706 : vector<16xi1>, vector<16xf32>
      %mul3A_1708 = arith.mulf %select_n3A_1707, %get3A_1696 : vector<16xf32>
      %swap3A_1709 = arith.constant 0 : i32
      %swap3A_1710 = arith.constant 6 : i32
      %swap3A_1711 = arith.index_cast %swap3A_1709 : i32 to index
      %swap3A_1712 = arith.index_cast %swap3A_1710 : i32 to index
      %swap3A_1713 = arith.constant 112 : index
      %swap3A_1714 = tpu.vector_load %arg5[%swap3A_1711, %swap3A_1712, %swap3A_1713] {strides = array<i32>} : memref<2x8x128xf32, #tpu.memory_space<vmem>>, vector<16xf32>,
      tpu.vector_store %arg5[%swap3A_1711, %swap3A_1712, %swap3A_1713], %mul3A_1708 {strides = array<i32>} : memref<2x8x128xf32, #tpu.memory_space<vmem>>, vector<16xf32>,
      %reduce_sum3A_1715 = arith.constant true
      %reduce_sum3A_1716 = vector.broadcast %reduce_sum3A_1715 : i1 to vector<16xi1>
      %reduce_sum3A_1717 = tpu.scan <sum>, %get3A_1696 masked %reduce_sum3A_1716 : vector<16xf32>, vector<16xi1> -> vector<16xf32>
      %reduce_sum3A_1718 = vector.extract %reduce_sum3A_1717[15] : f32 from vector<16xf32>
      %add3A_1719 = arith.addf %add3A_1690, %reduce_sum3A_1718 : f32
      %get3A_1720 = arith.constant 0 : i32
      %get3A_1721 = arith.constant 7 : i32
      %get3A_1722 = arith.index_cast %get3A_1720 : i32 to index
      %get3A_1723 = arith.index_cast %get3A_1721 : i32 to index
      %get3A_1724 = arith.constant 0 : index
      %get3A_1725 = tpu.vector_load %arg4[%get3A_1722, %get3A_1723, %get3A_1724] {strides = array<i32>} : memref<2x8x128xf32, #tpu.memory_space<vmem>>, vector<16xf32>,
      %broadcast_in_dim3A_1726 = arith.constant true
      %broadcast_in_dim3A_1727 = vector.broadcast %broadcast_in_dim3A_1726 : i1 to vector<16xi1>
      %masked_cumsum3A_1728 = tpu.scan <sum>, %get3A_1725 masked %broadcast_in_dim3A_1727 : vector<16xf32>, vector<16xi1> -> vector<16xf32>
      %add3A_1729 = arith.constant 0.000000e+00 : f32
      %add3A_1730 = vector.broadcast %add3A_1729 : f32 to vector<16xf32>
      %add3A_1731 = arith.addf %masked_cumsum3A_1728, %add3A_1730 : vector<16xf32>
      %le3A_1732 = arith.constant 2.550000e+01 : f32
      %le3A_1733 = vector.broadcast %le3A_1732 : f32 to vector<16xf32>
      %le3A_1734 = arith.cmpf ole, %add3A_1731, %le3A_1733 : vector<16xf32>
      %jit3A_1735 = arith.constant 0.000000e+00 : f32
      %broadcast_in_dim3A_1736 = vector.broadcast %jit3A_1735 : f32 to vector<16xf32>
      %select_n3A_1737 = arith.select %le3A_1734, %add3A_1731, %broadcast_in_dim3A_1736 : vector<16xi1>, vector<16xf32>
      %mul3A_1738 = arith.mulf %select_n3A_1737, %get3A_1725 : vector<16xf32>
      %swap3A_1739 = arith.constant 0 : i32
      %swap3A_1740 = arith.constant 7 : i32
      %swap3A_1741 = arith.index_cast %swap3A_1739 : i32 to index
      %swap3A_1742 = arith.index_cast %swap3A_1740 : i32 to index
      %swap3A_1743 = arith.constant 0 : index
      %swap3A_1744 = tpu.vector_load %arg5[%swap3A_1741, %swap3A_1742, %swap3A_1743] {strides = array<i32>} : memref<2x8x128xf32, #tpu.memory_space<vmem>>, vector<16xf32>,
      tpu.vector_store %arg5[%swap3A_1741, %swap3A_1742, %swap3A_1743], %mul3A_1738 {strides = array<i32>} : memref<2x8x128xf32, #tpu.memory_space<vmem>>, vector<16xf32>,
      %reduce_sum3A_1745 = arith.constant true
      %reduce_sum3A_1746 = vector.broadcast %reduce_sum3A_1745 : i1 to vector<16xi1>
      %reduce_sum3A_1747 = tpu.scan <sum>, %get3A_1725 masked %reduce_sum3A_1746 : vector<16xf32>, vector<16xi1> -> vector<16xf32>
      %reduce_sum3A_1748 = vector.extract %reduce_sum3A_1747[15] : f32 from vector<16xf32>
      %add3A_1749 = arith.constant 0.000000e+00 : f32
      %add3A_1750 = arith.addf %add3A_1749, %reduce_sum3A_1748 : f32
      %get3A_1751 = arith.constant 0 : i32
      %get3A_1752 = arith.constant 7 : i32
      %get3A_1753 = arith.index_cast %get3A_1751 : i32 to index
      %get3A_1754 = arith.index_cast %get3A_1752 : i32 to index
      %get3A_1755 = arith.constant 16 : index
      %get3A_1756 = tpu.vector_load %arg4[%get3A_1753, %get3A_1754, %get3A_1755] {strides = array<i32>} : memref<2x8x128xf32, #tpu.memory_space<vmem>>, vector<16xf32>,
      %broadcast_in_dim3A_1757 = arith.constant true
      %broadcast_in_dim3A_1758 = vector.broadcast %broadcast_in_dim3A_1757 : i1 to vector<16xi1>
      %masked_cumsum3A_1759 = tpu.scan <sum>, %get3A_1756 masked %broadcast_in_dim3A_1758 : vector<16xf32>, vector<16xi1> -> vector<16xf32>
      %add3A_1760 = vector.broadcast %add3A_1750 : f32 to vector<16xf32>
      %add3A_1761 = arith.addf %masked_cumsum3A_1759, %add3A_1760 : vector<16xf32>
      %le3A_1762 = arith.constant 2.550000e+01 : f32
      %le3A_1763 = vector.broadcast %le3A_1762 : f32 to vector<16xf32>
      %le3A_1764 = arith.cmpf ole, %add3A_1761, %le3A_1763 : vector<16xf32>
      %jit3A_1765 = arith.constant 0.000000e+00 : f32
      %broadcast_in_dim3A_1766 = vector.broadcast %jit3A_1765 : f32 to vector<16xf32>
      %select_n3A_1767 = arith.select %le3A_1764, %add3A_1761, %broadcast_in_dim3A_1766 : vector<16xi1>, vector<16xf32>
      %mul3A_1768 = arith.mulf %select_n3A_1767, %get3A_1756 : vector<16xf32>
      %swap3A_1769 = arith.constant 0 : i32
      %swap3A_1770 = arith.constant 7 : i32
      %swap3A_1771 = arith.index_cast %swap3A_1769 : i32 to index
      %swap3A_1772 = arith.index_cast %swap3A_1770 : i32 to index
      %swap3A_1773 = arith.constant 16 : index
      %swap3A_1774 = tpu.vector_load %arg5[%swap3A_1771, %swap3A_1772, %swap3A_1773] {strides = array<i32>} : memref<2x8x128xf32, #tpu.memory_space<vmem>>, vector<16xf32>,
      tpu.vector_store %arg5[%swap3A_1771, %swap3A_1772, %swap3A_1773], %mul3A_1768 {strides = array<i32>} : memref<2x8x128xf32, #tpu.memory_space<vmem>>, vector<16xf32>,
      %reduce_sum3A_1775 = arith.constant true
      %reduce_sum3A_1776 = vector.broadcast %reduce_sum3A_1775 : i1 to vector<16xi1>
      %reduce_sum3A_1777 = tpu.scan <sum>, %get3A_1756 masked %reduce_sum3A_1776 : vector<16xf32>, vector<16xi1> -> vector<16xf32>
      %reduce_sum3A_1778 = vector.extract %reduce_sum3A_1777[15] : f32 from vector<16xf32>
      %add3A_1779 = arith.addf %add3A_1750, %reduce_sum3A_1778 : f32
      %get3A_1780 = arith.constant 0 : i32
      %get3A_1781 = arith.constant 7 : i32
      %get3A_1782 = arith.index_cast %get3A_1780 : i32 to index
      %get3A_1783 = arith.index_cast %get3A_1781 : i32 to index
      %get3A_1784 = arith.constant 32 : index
      %get3A_1785 = tpu.vector_load %arg4[%get3A_1782, %get3A_1783, %get3A_1784] {strides = array<i32>} : memref<2x8x128xf32, #tpu.memory_space<vmem>>, vector<16xf32>,
      %broadcast_in_dim3A_1786 = arith.constant true
      %broadcast_in_dim3A_1787 = vector.broadcast %broadcast_in_dim3A_1786 : i1 to vector<16xi1>
      %masked_cumsum3A_1788 = tpu.scan <sum>, %get3A_1785 masked %broadcast_in_dim3A_1787 : vector<16xf32>, vector<16xi1> -> vector<16xf32>
      %add3A_1789 = vector.broadcast %add3A_1779 : f32 to vector<16xf32>
      %add3A_1790 = arith.addf %masked_cumsum3A_1788, %add3A_1789 : vector<16xf32>
      %le3A_1791 = arith.constant 2.550000e+01 : f32
      %le3A_1792 = vector.broadcast %le3A_1791 : f32 to vector<16xf32>
      %le3A_1793 = arith.cmpf ole, %add3A_1790, %le3A_1792 : vector<16xf32>
      %jit3A_1794 = arith.constant 0.000000e+00 : f32
      %broadcast_in_dim3A_1795 = vector.broadcast %jit3A_1794 : f32 to vector<16xf32>
      %select_n3A_1796 = arith.select %le3A_1793, %add3A_1790, %broadcast_in_dim3A_1795 : vector<16xi1>, vector<16xf32>
      %mul3A_1797 = arith.mulf %select_n3A_1796, %get3A_1785 : vector<16xf32>
      %swap3A_1798 = arith.constant 0 : i32
      %swap3A_1799 = arith.constant 7 : i32
      %swap3A_1800 = arith.index_cast %swap3A_1798 : i32 to index
      %swap3A_1801 = arith.index_cast %swap3A_1799 : i32 to index
      %swap3A_1802 = arith.constant 32 : index
      %swap3A_1803 = tpu.vector_load %arg5[%swap3A_1800, %swap3A_1801, %swap3A_1802] {strides = array<i32>} : memref<2x8x128xf32, #tpu.memory_space<vmem>>, vector<16xf32>,
      tpu.vector_store %arg5[%swap3A_1800, %swap3A_1801, %swap3A_1802], %mul3A_1797 {strides = array<i32>} : memref<2x8x128xf32, #tpu.memory_space<vmem>>, vector<16xf32>,
      %reduce_sum3A_1804 = arith.constant true
      %reduce_sum3A_1805 = vector.broadcast %reduce_sum3A_1804 : i1 to vector<16xi1>
      %reduce_sum3A_1806 = tpu.scan <sum>, %get3A_1785 masked %reduce_sum3A_1805 : vector<16xf32>, vector<16xi1> -> vector<16xf32>
      %reduce_sum3A_1807 = vector.extract %reduce_sum3A_1806[15] : f32 from vector<16xf32>
      %add3A_1808 = arith.addf %add3A_1779, %reduce_sum3A_1807 : f32
      %get3A_1809 = arith.constant 0 : i32
      %get3A_1810 = arith.constant 7 : i32
      %get3A_1811 = arith.index_cast %get3A_1809 : i32 to index
      %get3A_1812 = arith.index_cast %get3A_1810 : i32 to index
      %get3A_1813 = arith.constant 48 : index
      %get3A_1814 = tpu.vector_load %arg4[%get3A_1811, %get3A_1812, %get3A_1813] {strides = array<i32>} : memref<2x8x128xf32, #tpu.memory_space<vmem>>, vector<16xf32>,
      %broadcast_in_dim3A_1815 = arith.constant true
      %broadcast_in_dim3A_1816 = vector.broadcast %broadcast_in_dim3A_1815 : i1 to vector<16xi1>
      %masked_cumsum3A_1817 = tpu.scan <sum>, %get3A_1814 masked %broadcast_in_dim3A_1816 : vector<16xf32>, vector<16xi1> -> vector<16xf32>
      %add3A_1818 = vector.broadcast %add3A_1808 : f32 to vector<16xf32>
      %add3A_1819 = arith.addf %masked_cumsum3A_1817, %add3A_1818 : vector<16xf32>
      %le3A_1820 = arith.constant 2.550000e+01 : f32
      %le3A_1821 = vector.broadcast %le3A_1820 : f32 to vector<16xf32>
      %le3A_1822 = arith.cmpf ole, %add3A_1819, %le3A_1821 : vector<16xf32>
      %jit3A_1823 = arith.constant 0.000000e+00 : f32
      %broadcast_in_dim3A_1824 = vector.broadcast %jit3A_1823 : f32 to vector<16xf32>
      %select_n3A_1825 = arith.select %le3A_1822, %add3A_1819, %broadcast_in_dim3A_1824 : vector<16xi1>, vector<16xf32>
      %mul3A_1826 = arith.mulf %select_n3A_1825, %get3A_1814 : vector<16xf32>
      %swap3A_1827 = arith.constant 0 : i32
      %swap3A_1828 = arith.constant 7 : i32
      %swap3A_1829 = arith.index_cast %swap3A_1827 : i32 to index
      %swap3A_1830 = arith.index_cast %swap3A_1828 : i32 to index
      %swap3A_1831 = arith.constant 48 : index
      %swap3A_1832 = tpu.vector_load %arg5[%swap3A_1829, %swap3A_1830, %swap3A_1831] {strides = array<i32>} : memref<2x8x128xf32, #tpu.memory_space<vmem>>, vector<16xf32>,
      tpu.vector_store %arg5[%swap3A_1829, %swap3A_1830, %swap3A_1831], %mul3A_1826 {strides = array<i32>} : memref<2x8x128xf32, #tpu.memory_space<vmem>>, vector<16xf32>,
      %reduce_sum3A_1833 = arith.constant true
      %reduce_sum3A_1834 = vector.broadcast %reduce_sum3A_1833 : i1 to vector<16xi1>
      %reduce_sum3A_1835 = tpu.scan <sum>, %get3A_1814 masked %reduce_sum3A_1834 : vector<16xf32>, vector<16xi1> -> vector<16xf32>
      %reduce_sum3A_1836 = vector.extract %reduce_sum3A_1835[15] : f32 from vector<16xf32>
      %add3A_1837 = arith.addf %add3A_1808, %reduce_sum3A_1836 : f32
      %get3A_1838 = arith.constant 0 : i32
      %get3A_1839 = arith.constant 7 : i32
      %get3A_1840 = arith.index_cast %get3A_1838 : i32 to index
      %get3A_1841 = arith.index_cast %get3A_1839 : i32 to index
      %get3A_1842 = arith.constant 64 : index
      %get3A_1843 = tpu.vector_load %arg4[%get3A_1840, %get3A_1841, %get3A_1842] {strides = array<i32>} : memref<2x8x128xf32, #tpu.memory_space<vmem>>, vector<16xf32>,
      %broadcast_in_dim3A_1844 = arith.constant true
      %broadcast_in_dim3A_1845 = vector.broadcast %broadcast_in_dim3A_1844 : i1 to vector<16xi1>
      %masked_cumsum3A_1846 = tpu.scan <sum>, %get3A_1843 masked %broadcast_in_dim3A_1845 : vector<16xf32>, vector<16xi1> -> vector<16xf32>
      %add3A_1847 = vector.broadcast %add3A_1837 : f32 to vector<16xf32>
      %add3A_1848 = arith.addf %masked_cumsum3A_1846, %add3A_1847 : vector<16xf32>
      %le3A_1849 = arith.constant 2.550000e+01 : f32
      %le3A_1850 = vector.broadcast %le3A_1849 : f32 to vector<16xf32>
      %le3A_1851 = arith.cmpf ole, %add3A_1848, %le3A_1850 : vector<16xf32>
      %jit3A_1852 = arith.constant 0.000000e+00 : f32
      %broadcast_in_dim3A_1853 = vector.broadcast %jit3A_1852 : f32 to vector<16xf32>
      %select_n3A_1854 = arith.select %le3A_1851, %add3A_1848, %broadcast_in_dim3A_1853 : vector<16xi1>, vector<16xf32>
      %mul3A_1855 = arith.mulf %select_n3A_1854, %get3A_1843 : vector<16xf32>
      %swap3A_1856 = arith.constant 0 : i32
      %swap3A_1857 = arith.constant 7 : i32
      %swap3A_1858 = arith.index_cast %swap3A_1856 : i32 to index
      %swap3A_1859 = arith.index_cast %swap3A_1857 : i32 to index
      %swap3A_1860 = arith.constant 64 : index
      %swap3A_1861 = tpu.vector_load %arg5[%swap3A_1858, %swap3A_1859, %swap3A_1860] {strides = array<i32>} : memref<2x8x128xf32, #tpu.memory_space<vmem>>, vector<16xf32>,
      tpu.vector_store %arg5[%swap3A_1858, %swap3A_1859, %swap3A_1860], %mul3A_1855 {strides = array<i32>} : memref<2x8x128xf32, #tpu.memory_space<vmem>>, vector<16xf32>,
      %reduce_sum3A_1862 = arith.constant true
      %reduce_sum3A_1863 = vector.broadcast %reduce_sum3A_1862 : i1 to vector<16xi1>
      %reduce_sum3A_1864 = tpu.scan <sum>, %get3A_1843 masked %reduce_sum3A_1863 : vector<16xf32>, vector<16xi1> -> vector<16xf32>
      %reduce_sum3A_1865 = vector.extract %reduce_sum3A_1864[15] : f32 from vector<16xf32>
      %add3A_1866 = arith.addf %add3A_1837, %reduce_sum3A_1865 : f32
      %get3A_1867 = arith.constant 0 : i32
      %get3A_1868 = arith.constant 7 : i32
      %get3A_1869 = arith.index_cast %get3A_1867 : i32 to index
      %get3A_1870 = arith.index_cast %get3A_1868 : i32 to index
      %get3A_1871 = arith.constant 80 : index
      %get3A_1872 = tpu.vector_load %arg4[%get3A_1869, %get3A_1870, %get3A_1871] {strides = array<i32>} : memref<2x8x128xf32, #tpu.memory_space<vmem>>, vector<16xf32>,
      %broadcast_in_dim3A_1873 = arith.constant true
      %broadcast_in_dim3A_1874 = vector.broadcast %broadcast_in_dim3A_1873 : i1 to vector<16xi1>
      %masked_cumsum3A_1875 = tpu.scan <sum>, %get3A_1872 masked %broadcast_in_dim3A_1874 : vector<16xf32>, vector<16xi1> -> vector<16xf32>
      %add3A_1876 = vector.broadcast %add3A_1866 : f32 to vector<16xf32>
      %add3A_1877 = arith.addf %masked_cumsum3A_1875, %add3A_1876 : vector<16xf32>
      %le3A_1878 = arith.constant 2.550000e+01 : f32
      %le3A_1879 = vector.broadcast %le3A_1878 : f32 to vector<16xf32>
      %le3A_1880 = arith.cmpf ole, %add3A_1877, %le3A_1879 : vector<16xf32>
      %jit3A_1881 = arith.constant 0.000000e+00 : f32
      %broadcast_in_dim3A_1882 = vector.broadcast %jit3A_1881 : f32 to vector<16xf32>
      %select_n3A_1883 = arith.select %le3A_1880, %add3A_1877, %broadcast_in_dim3A_1882 : vector<16xi1>, vector<16xf32>
      %mul3A_1884 = arith.mulf %select_n3A_1883, %get3A_1872 : vector<16xf32>
      %swap3A_1885 = arith.constant 0 : i32
      %swap3A_1886 = arith.constant 7 : i32
      %swap3A_1887 = arith.index_cast %swap3A_1885 : i32 to index
      %swap3A_1888 = arith.index_cast %swap3A_1886 : i32 to index
      %swap3A_1889 = arith.constant 80 : index
      %swap3A_1890 = tpu.vector_load %arg5[%swap3A_1887, %swap3A_1888, %swap3A_1889] {strides = array<i32>} : memref<2x8x128xf32, #tpu.memory_space<vmem>>, vector<16xf32>,
      tpu.vector_store %arg5[%swap3A_1887, %swap3A_1888, %swap3A_1889], %mul3A_1884 {strides = array<i32>} : memref<2x8x128xf32, #tpu.memory_space<vmem>>, vector<16xf32>,
      %reduce_sum3A_1891 = arith.constant true
      %reduce_sum3A_1892 = vector.broadcast %reduce_sum3A_1891 : i1 to vector<16xi1>
      %reduce_sum3A_1893 = tpu.scan <sum>, %get3A_1872 masked %reduce_sum3A_1892 : vector<16xf32>, vector<16xi1> -> vector<16xf32>
      %reduce_sum3A_1894 = vector.extract %reduce_sum3A_1893[15] : f32 from vector<16xf32>
      %add3A_1895 = arith.addf %add3A_1866, %reduce_sum3A_1894 : f32
      %get3A_1896 = arith.constant 0 : i32
      %get3A_1897 = arith.constant 7 : i32
      %get3A_1898 = arith.index_cast %get3A_1896 : i32 to index
      %get3A_1899 = arith.index_cast %get3A_1897 : i32 to index
      %get3A_1900 = arith.constant 96 : index
      %get3A_1901 = tpu.vector_load %arg4[%get3A_1898, %get3A_1899, %get3A_1900] {strides = array<i32>} : memref<2x8x128xf32, #tpu.memory_space<vmem>>, vector<16xf32>,
      %broadcast_in_dim3A_1902 = arith.constant true
      %broadcast_in_dim3A_1903 = vector.broadcast %broadcast_in_dim3A_1902 : i1 to vector<16xi1>
      %masked_cumsum3A_1904 = tpu.scan <sum>, %get3A_1901 masked %broadcast_in_dim3A_1903 : vector<16xf32>, vector<16xi1> -> vector<16xf32>
      %add3A_1905 = vector.broadcast %add3A_1895 : f32 to vector<16xf32>
      %add3A_1906 = arith.addf %masked_cumsum3A_1904, %add3A_1905 : vector<16xf32>
      %le3A_1907 = arith.constant 2.550000e+01 : f32
      %le3A_1908 = vector.broadcast %le3A_1907 : f32 to vector<16xf32>
      %le3A_1909 = arith.cmpf ole, %add3A_1906, %le3A_1908 : vector<16xf32>
      %jit3A_1910 = arith.constant 0.000000e+00 : f32
      %broadcast_in_dim3A_1911 = vector.broadcast %jit3A_1910 : f32 to vector<16xf32>
      %select_n3A_1912 = arith.select %le3A_1909, %add3A_1906, %broadcast_in_dim3A_1911 : vector<16xi1>, vector<16xf32>
      %mul3A_1913 = arith.mulf %select_n3A_1912, %get3A_1901 : vector<16xf32>
      %swap3A_1914 = arith.constant 0 : i32
      %swap3A_1915 = arith.constant 7 : i32
      %swap3A_1916 = arith.index_cast %swap3A_1914 : i32 to index
      %swap3A_1917 = arith.index_cast %swap3A_1915 : i32 to index
      %swap3A_1918 = arith.constant 96 : index
      %swap3A_1919 = tpu.vector_load %arg5[%swap3A_1916, %swap3A_1917, %swap3A_1918] {strides = array<i32>} : memref<2x8x128xf32, #tpu.memory_space<vmem>>, vector<16xf32>,
      tpu.vector_store %arg5[%swap3A_1916, %swap3A_1917, %swap3A_1918], %mul3A_1913 {strides = array<i32>} : memref<2x8x128xf32, #tpu.memory_space<vmem>>, vector<16xf32>,
      %reduce_sum3A_1920 = arith.constant true
      %reduce_sum3A_1921 = vector.broadcast %reduce_sum3A_1920 : i1 to vector<16xi1>
      %reduce_sum3A_1922 = tpu.scan <sum>, %get3A_1901 masked %reduce_sum3A_1921 : vector<16xf32>, vector<16xi1> -> vector<16xf32>
      %reduce_sum3A_1923 = vector.extract %reduce_sum3A_1922[15] : f32 from vector<16xf32>
      %add3A_1924 = arith.addf %add3A_1895, %reduce_sum3A_1923 : f32
      %get3A_1925 = arith.constant 0 : i32
      %get3A_1926 = arith.constant 7 : i32
      %get3A_1927 = arith.index_cast %get3A_1925 : i32 to index
      %get3A_1928 = arith.index_cast %get3A_1926 : i32 to index
      %get3A_1929 = arith.constant 112 : index
      %get3A_1930 = tpu.vector_load %arg4[%get3A_1927, %get3A_1928, %get3A_1929] {strides = array<i32>} : memref<2x8x128xf32, #tpu.memory_space<vmem>>, vector<16xf32>,
      %broadcast_in_dim3A_1931 = arith.constant true
      %broadcast_in_dim3A_1932 = vector.broadcast %broadcast_in_dim3A_1931 : i1 to vector<16xi1>
      %masked_cumsum3A_1933 = tpu.scan <sum>, %get3A_1930 masked %broadcast_in_dim3A_1932 : vector<16xf32>, vector<16xi1> -> vector<16xf32>
      %add3A_1934 = vector.broadcast %add3A_1924 : f32 to vector<16xf32>
      %add3A_1935 = arith.addf %masked_cumsum3A_1933, %add3A_1934 : vector<16xf32>
      %le3A_1936 = arith.constant 2.550000e+01 : f32
      %le3A_1937 = vector.broadcast %le3A_1936 : f32 to vector<16xf32>
      %le3A_1938 = arith.cmpf ole, %add3A_1935, %le3A_1937 : vector<16xf32>
      %jit3A_1939 = arith.constant 0.000000e+00 : f32
      %broadcast_in_dim3A_1940 = vector.broadcast %jit3A_1939 : f32 to vector<16xf32>
      %select_n3A_1941 = arith.select %le3A_1938, %add3A_1935, %broadcast_in_dim3A_1940 : vector<16xi1>, vector<16xf32>
      %mul3A_1942 = arith.mulf %select_n3A_1941, %get3A_1930 : vector<16xf32>
      %swap3A_1943 = arith.constant 0 : i32
      %swap3A_1944 = arith.constant 7 : i32
      %swap3A_1945 = arith.index_cast %swap3A_1943 : i32 to index
      %swap3A_1946 = arith.index_cast %swap3A_1944 : i32 to index
      %swap3A_1947 = arith.constant 112 : index
      %swap3A_1948 = tpu.vector_load %arg5[%swap3A_1945, %swap3A_1946, %swap3A_1947] {strides = array<i32>} : memref<2x8x128xf32, #tpu.memory_space<vmem>>, vector<16xf32>,
      tpu.vector_store %arg5[%swap3A_1945, %swap3A_1946, %swap3A_1947], %mul3A_1942 {strides = array<i32>} : memref<2x8x128xf32, #tpu.memory_space<vmem>>, vector<16xf32>,
      %reduce_sum3A_1949 = arith.constant true
      %reduce_sum3A_1950 = vector.broadcast %reduce_sum3A_1949 : i1 to vector<16xi1>
      %reduce_sum3A_1951 = tpu.scan <sum>, %get3A_1930 masked %reduce_sum3A_1950 : vector<16xf32>, vector<16xi1> -> vector<16xf32>
      %reduce_sum3A_1952 = vector.extract %reduce_sum3A_1951[15] : f32 from vector<16xf32>
      %add3A_1953 = arith.addf %add3A_1924, %reduce_sum3A_1952 : f32
      %mul3A_1954 = arith.constant 8 : i32
      %mul3A_1955 = arith.muli %add3A_71, %mul3A_1954 : i32
      %add3A_1956 = arith.addi %mul3A_2, %mul3A_1955 : i32
      %dma_start3A_1957 = arith.constant 0 : i32
      %dma_start3A_1958 = arith.constant 0 : i32
      %dma_start3A_1959 = arith.constant 0 : i32
      %dma_start3A_1960 = tpu.memref_slice %arg5[%dma_start3A_1957, %dma_start3A_1958, %dma_start3A_1959] : memref<2x8x128xf32, #tpu.memory_space<vmem>> -> memref<1x8x128xf32, #tpu.memory_space<vmem>>
      %dma_start3A_1961 = tpu.memref_squeeze %dma_start3A_1960 : memref<1x8x128xf32, #tpu.memory_space<vmem>> -> memref<8x128xf32, #tpu.memory_space<vmem>>
      %dma_start3A_1962 = arith.constant 0 : i32
      %dma_start3A_1963 = tpu.memref_slice %arg3[%add3A_1956, %dma_start3A_1962] : memref<4096x128xf32, #tpu.memory_space<hbm>> -> memref<8x128xf32, #tpu.memory_space<hbm>>
      %dma_start3A_1964 = arith.constant 0 : i32
      %dma_start3A_1965 = tpu.memref_slice %arg3[%add3A_1956, %dma_start3A_1964] : memref<4096x128xf32, #tpu.memory_space<hbm>> -> memref<8x128xf32, #tpu.memory_space<hbm>>
      %dma_start3A_1966 = arith.constant 0 : i32
      %dma_start3A_1967 = arith.constant 0 : i32
      %dma_start3A_1968 = tpu.memref_slice %arg5[%dma_start3A_1957, %dma_start3A_1966, %dma_start3A_1967] : memref<2x8x128xf32, #tpu.memory_space<vmem>> -> memref<1x8x128xf32, #tpu.memory_space<vmem>>
      %dma_start3A_1969 = tpu.memref_squeeze %dma_start3A_1968 : memref<1x8x128xf32, #tpu.memory_space<vmem>> -> memref<8x128xf32, #tpu.memory_space<vmem>>
      tpu.enqueue_dma source(%dma_start3A_1969 : memref<8x128xf32, #tpu.memory_space<vmem>>) target(%dma_start3A_1965 : memref<8x128xf32, #tpu.memory_space<hbm>>) target_semaphore(%arg8 : memref<!tpu.dma_semaphore, #tpu.memory_space<semaphore_mem>>)
      %add3A_1970 = arith.constant 2 : i32
      %add3A_1971 = arith.addi %add3A_71, %add3A_1970 : i32
      %lt3A = arith.constant 16 : i32
      %lt3A_1972 = arith.cmpi slt, %add3A_1971, %lt3A : i32
      %convert_element_type3A_1973 = arith.extui %lt3A_1972 : i1 to i32
      %cond3A_1974 = arith.constant 0 : i32
      %cond3A_1975 = arith.cmpi ne, %convert_element_type3A_1973, %cond3A_1974 : i32
      scf.if %cond3A_1975 {
        %add3A_3894 = arith.constant 2 : i32
        %add3A_3895 = arith.addi %add3A_71, %add3A_3894 : i32
        %mul3A_3896 = arith.constant 8 : i32
        %mul3A_3897 = arith.muli %add3A_3895, %mul3A_3896 : i32
        %add3A_3898 = arith.addi %mul3A_2, %mul3A_3897 : i32
        %dma_start3A_3899 = arith.constant 0 : i32
        %dma_start3A_3900 = arith.constant 0 : i32
        %dma_start3A_3901 = arith.constant 0 : i32
        %dma_start3A_3902 = tpu.memref_slice %arg4[%dma_start3A_3899, %dma_start3A_3900, %dma_start3A_3901] : memref<2x8x128xf32, #tpu.memory_space<vmem>> -> memref<1x8x128xf32, #tpu.memory_space<vmem>>
        %dma_start3A_3903 = tpu.memref_squeeze %dma_start3A_3902 : memref<1x8x128xf32, #tpu.memory_space<vmem>> -> memref<8x128xf32, #tpu.memory_space<vmem>>
        %dma_start3A_3904 = arith.constant 0 : i32
        %dma_start3A_3905 = tpu.memref_slice %arg2[%add3A_3898, %dma_start3A_3904] : memref<4096x4096xf32, #tpu.memory_space<hbm>> -> memref<8x128xf32, #tpu.memory_space<hbm>>
        %dma_start3A_3906 = arith.constant 0 : i32
        %dma_start3A_3907 = arith.constant 0 : i32
        %dma_start3A_3908 = tpu.memref_slice %arg4[%dma_start3A_3899, %dma_start3A_3906, %dma_start3A_3907] : memref<2x8x128xf32, #tpu.memory_space<vmem>> -> memref<1x8x128xf32, #tpu.memory_space<vmem>>
        %dma_start3A_3909 = tpu.memref_squeeze %dma_start3A_3908 : memref<1x8x128xf32, #tpu.memory_space<vmem>> -> memref<8x128xf32, #tpu.memory_space<vmem>>
        %dma_start3A_3910 = arith.constant 0 : i32
        %dma_start3A_3911 = tpu.memref_slice %arg2[%add3A_3898, %dma_start3A_3910] : memref<4096x4096xf32, #tpu.memory_space<hbm>> -> memref<8x128xf32, #tpu.memory_space<hbm>>
        tpu.enqueue_dma source(%dma_start3A_3911 : memref<8x128xf32, #tpu.memory_space<hbm>>) target(%dma_start3A_3909 : memref<8x128xf32, #tpu.memory_space<vmem>>) target_semaphore(%arg6 : memref<!tpu.dma_semaphore, #tpu.memory_space<semaphore_mem>>)
      } else {
      }
      %add3A_1976 = arith.constant 1 : i32
      %add3A_1977 = arith.addi %add3A_69, %add3A_1976 : i32
      %mul3A_1978 = arith.constant 8 : i32
      %mul3A_1979 = arith.muli %add3A_1977, %mul3A_1978 : i32
      %add3A_1980 = arith.addi %mul3A_2, %mul3A_1979 : i32
      %dma_wait3A_1981 = arith.constant 1 : i32
      %dma_wait3A_1982 = arith.constant 0 : i32
      %dma_wait3A_1983 = arith.constant 0 : i32
      %dma_wait3A_1984 = tpu.memref_slice %arg4[%dma_wait3A_1981, %dma_wait3A_1982, %dma_wait3A_1983] : memref<2x8x128xf32, #tpu.memory_space<vmem>> -> memref<1x8x128xf32, #tpu.memory_space<vmem>>
      %dma_wait3A_1985 = tpu.memref_squeeze %dma_wait3A_1984 : memref<1x8x128xf32, #tpu.memory_space<vmem>> -> memref<8x128xf32, #tpu.memory_space<vmem>>
      %dma_wait3A_1986 = arith.constant 0 : i32
      %dma_wait3A_1987 = tpu.memref_slice %arg2[%add3A_1980, %dma_wait3A_1986] : memref<4096x4096xf32, #tpu.memory_space<hbm>> -> memref<8x128xf32, #tpu.memory_space<hbm>>
      %dma_wait3A_1988 = arith.constant 0 : i32
      %dma_wait3A_1989 = arith.constant 0 : i32
      %dma_wait3A_1990 = tpu.memref_slice %arg4[%dma_wait3A_1981, %dma_wait3A_1988, %dma_wait3A_1989] : memref<2x8x128xf32, #tpu.memory_space<vmem>> -> memref<1x8x128xf32, #tpu.memory_space<vmem>>
      %dma_wait3A_1991 = tpu.memref_squeeze %dma_wait3A_1990 : memref<1x8x128xf32, #tpu.memory_space<vmem>> -> memref<8x128xf32, #tpu.memory_space<vmem>>
      %dma_wait3A_1992 = arith.constant 0 : i32
      %dma_wait3A_1993 = tpu.memref_slice %arg2[%add3A_1980, %dma_wait3A_1992] : memref<4096x4096xf32, #tpu.memory_space<hbm>> -> memref<8x128xf32, #tpu.memory_space<hbm>>
      tpu.wait_dma2 semaphore(%arg7 : memref<!tpu.dma_semaphore, #tpu.memory_space<semaphore_mem>>) src(%dma_wait3A_1993 : memref<8x128xf32, #tpu.memory_space<hbm>>) dst(%dma_wait3A_1991 : memref<8x128xf32, #tpu.memory_space<vmem>>)
      %ge3A_1994 = arith.constant 2 : i32
      %ge3A_1995 = arith.cmpi sge, %add3A_1977, %ge3A_1994 : i32
      %convert_element_type3A_1996 = arith.extui %ge3A_1995 : i1 to i32
      %cond3A_1997 = arith.constant 0 : i32
      %cond3A_1998 = arith.cmpi ne, %convert_element_type3A_1996, %cond3A_1997 : i32
      scf.if %cond3A_1998 {
        %sub3A = arith.constant 2 : i32
        %sub3A_3894 = arith.subi %add3A_1977, %sub3A : i32
        %mul3A_3895 = arith.constant 8 : i32
        %mul3A_3896 = arith.muli %sub3A_3894, %mul3A_3895 : i32
        %add3A_3897 = arith.addi %mul3A_2, %mul3A_3896 : i32
        %dma_wait3A_3898 = arith.constant 1 : i32
        %dma_wait3A_3899 = arith.constant 0 : i32
        %dma_wait3A_3900 = arith.constant 0 : i32
        %dma_wait3A_3901 = tpu.memref_slice %arg5[%dma_wait3A_3898, %dma_wait3A_3899, %dma_wait3A_3900] : memref<2x8x128xf32, #tpu.memory_space<vmem>> -> memref<1x8x128xf32, #tpu.memory_space<vmem>>
        %dma_wait3A_3902 = tpu.memref_squeeze %dma_wait3A_3901 : memref<1x8x128xf32, #tpu.memory_space<vmem>> -> memref<8x128xf32, #tpu.memory_space<vmem>>
        %dma_wait3A_3903 = arith.constant 0 : i32
        %dma_wait3A_3904 = tpu.memref_slice %arg3[%add3A_3897, %dma_wait3A_3903] : memref<4096x128xf32, #tpu.memory_space<hbm>> -> memref<8x128xf32, #tpu.memory_space<hbm>>
        %dma_wait3A_3905 = arith.constant 0 : i32
        %dma_wait3A_3906 = tpu.memref_slice %arg3[%add3A_3897, %dma_wait3A_3905] : memref<4096x128xf32, #tpu.memory_space<hbm>> -> memref<8x128xf32, #tpu.memory_space<hbm>>
        %dma_wait3A_3907 = arith.constant 0 : i32
        %dma_wait3A_3908 = arith.constant 0 : i32
        %dma_wait3A_3909 = tpu.memref_slice %arg5[%dma_wait3A_3898, %dma_wait3A_3907, %dma_wait3A_3908] : memref<2x8x128xf32, #tpu.memory_space<vmem>> -> memref<1x8x128xf32, #tpu.memory_space<vmem>>
        %dma_wait3A_3910 = tpu.memref_squeeze %dma_wait3A_3909 : memref<1x8x128xf32, #tpu.memory_space<vmem>> -> memref<8x128xf32, #tpu.memory_space<vmem>>
        tpu.wait_dma2 semaphore(%arg9 : memref<!tpu.dma_semaphore, #tpu.memory_space<semaphore_mem>>) src(%dma_wait3A_3910 : memref<8x128xf32, #tpu.memory_space<vmem>>) dst(%dma_wait3A_3906 : memref<8x128xf32, #tpu.memory_space<hbm>>)
      } else {
      }
      %get3A_1999 = arith.constant 1 : i32
      %get3A_2000 = arith.constant 0 : i32
      %get3A_2001 = arith.index_cast %get3A_1999 : i32 to index
      %get3A_2002 = arith.index_cast %get3A_2000 : i32 to index
      %get3A_2003 = arith.constant 0 : index
      %get3A_2004 = tpu.vector_load %arg4[%get3A_2001, %get3A_2002, %get3A_2003] {strides = array<i32>} : memref<2x8x128xf32, #tpu.memory_space<vmem>>, vector<16xf32>,
      %broadcast_in_dim3A_2005 = arith.constant true
      %broadcast_in_dim3A_2006 = vector.broadcast %broadcast_in_dim3A_2005 : i1 to vector<16xi1>
      %masked_cumsum3A_2007 = tpu.scan <sum>, %get3A_2004 masked %broadcast_in_dim3A_2006 : vector<16xf32>, vector<16xi1> -> vector<16xf32>
      %add3A_2008 = arith.constant 0.000000e+00 : f32
      %add3A_2009 = vector.broadcast %add3A_2008 : f32 to vector<16xf32>
      %add3A_2010 = arith.addf %masked_cumsum3A_2007, %add3A_2009 : vector<16xf32>
      %le3A_2011 = arith.constant 2.550000e+01 : f32
      %le3A_2012 = vector.broadcast %le3A_2011 : f32 to vector<16xf32>
      %le3A_2013 = arith.cmpf ole, %add3A_2010, %le3A_2012 : vector<16xf32>
      %jit3A_2014 = arith.constant 0.000000e+00 : f32
      %broadcast_in_dim3A_2015 = vector.broadcast %jit3A_2014 : f32 to vector<16xf32>
      %select_n3A_2016 = arith.select %le3A_2013, %add3A_2010, %broadcast_in_dim3A_2015 : vector<16xi1>, vector<16xf32>
      %mul3A_2017 = arith.mulf %select_n3A_2016, %get3A_2004 : vector<16xf32>
      %swap3A_2018 = arith.constant 1 : i32
      %swap3A_2019 = arith.constant 0 : i32
      %swap3A_2020 = arith.index_cast %swap3A_2018 : i32 to index
      %swap3A_2021 = arith.index_cast %swap3A_2019 : i32 to index
      %swap3A_2022 = arith.constant 0 : index
      %swap3A_2023 = tpu.vector_load %arg5[%swap3A_2020, %swap3A_2021, %swap3A_2022] {strides = array<i32>} : memref<2x8x128xf32, #tpu.memory_space<vmem>>, vector<16xf32>,
      tpu.vector_store %arg5[%swap3A_2020, %swap3A_2021, %swap3A_2022], %mul3A_2017 {strides = array<i32>} : memref<2x8x128xf32, #tpu.memory_space<vmem>>, vector<16xf32>,
      %reduce_sum3A_2024 = arith.constant true
      %reduce_sum3A_2025 = vector.broadcast %reduce_sum3A_2024 : i1 to vector<16xi1>
      %reduce_sum3A_2026 = tpu.scan <sum>, %get3A_2004 masked %reduce_sum3A_2025 : vector<16xf32>, vector<16xi1> -> vector<16xf32>
      %reduce_sum3A_2027 = vector.extract %reduce_sum3A_2026[15] : f32 from vector<16xf32>
      %add3A_2028 = arith.constant 0.000000e+00 : f32
      %add3A_2029 = arith.addf %add3A_2028, %reduce_sum3A_2027 : f32
      %get3A_2030 = arith.constant 1 : i32
      %get3A_2031 = arith.constant 0 : i32
      %get3A_2032 = arith.index_cast %get3A_2030 : i32 to index
      %get3A_2033 = arith.index_cast %get3A_2031 : i32 to index
      %get3A_2034 = arith.constant 16 : index
      %get3A_2035 = tpu.vector_load %arg4[%get3A_2032, %get3A_2033, %get3A_2034] {strides = array<i32>} : memref<2x8x128xf32, #tpu.memory_space<vmem>>, vector<16xf32>,
      %broadcast_in_dim3A_2036 = arith.constant true
      %broadcast_in_dim3A_2037 = vector.broadcast %broadcast_in_dim3A_2036 : i1 to vector<16xi1>
      %masked_cumsum3A_2038 = tpu.scan <sum>, %get3A_2035 masked %broadcast_in_dim3A_2037 : vector<16xf32>, vector<16xi1> -> vector<16xf32>
      %add3A_2039 = vector.broadcast %add3A_2029 : f32 to vector<16xf32>
      %add3A_2040 = arith.addf %masked_cumsum3A_2038, %add3A_2039 : vector<16xf32>
      %le3A_2041 = arith.constant 2.550000e+01 : f32
      %le3A_2042 = vector.broadcast %le3A_2041 : f32 to vector<16xf32>
      %le3A_2043 = arith.cmpf ole, %add3A_2040, %le3A_2042 : vector<16xf32>
      %jit3A_2044 = arith.constant 0.000000e+00 : f32
      %broadcast_in_dim3A_2045 = vector.broadcast %jit3A_2044 : f32 to vector<16xf32>
      %select_n3A_2046 = arith.select %le3A_2043, %add3A_2040, %broadcast_in_dim3A_2045 : vector<16xi1>, vector<16xf32>
      %mul3A_2047 = arith.mulf %select_n3A_2046, %get3A_2035 : vector<16xf32>
      %swap3A_2048 = arith.constant 1 : i32
      %swap3A_2049 = arith.constant 0 : i32
      %swap3A_2050 = arith.index_cast %swap3A_2048 : i32 to index
      %swap3A_2051 = arith.index_cast %swap3A_2049 : i32 to index
      %swap3A_2052 = arith.constant 16 : index
      %swap3A_2053 = tpu.vector_load %arg5[%swap3A_2050, %swap3A_2051, %swap3A_2052] {strides = array<i32>} : memref<2x8x128xf32, #tpu.memory_space<vmem>>, vector<16xf32>,
      tpu.vector_store %arg5[%swap3A_2050, %swap3A_2051, %swap3A_2052], %mul3A_2047 {strides = array<i32>} : memref<2x8x128xf32, #tpu.memory_space<vmem>>, vector<16xf32>,
      %reduce_sum3A_2054 = arith.constant true
      %reduce_sum3A_2055 = vector.broadcast %reduce_sum3A_2054 : i1 to vector<16xi1>
      %reduce_sum3A_2056 = tpu.scan <sum>, %get3A_2035 masked %reduce_sum3A_2055 : vector<16xf32>, vector<16xi1> -> vector<16xf32>
      %reduce_sum3A_2057 = vector.extract %reduce_sum3A_2056[15] : f32 from vector<16xf32>
      %add3A_2058 = arith.addf %add3A_2029, %reduce_sum3A_2057 : f32
      %get3A_2059 = arith.constant 1 : i32
      %get3A_2060 = arith.constant 0 : i32
      %get3A_2061 = arith.index_cast %get3A_2059 : i32 to index
      %get3A_2062 = arith.index_cast %get3A_2060 : i32 to index
      %get3A_2063 = arith.constant 32 : index
      %get3A_2064 = tpu.vector_load %arg4[%get3A_2061, %get3A_2062, %get3A_2063] {strides = array<i32>} : memref<2x8x128xf32, #tpu.memory_space<vmem>>, vector<16xf32>,
      %broadcast_in_dim3A_2065 = arith.constant true
      %broadcast_in_dim3A_2066 = vector.broadcast %broadcast_in_dim3A_2065 : i1 to vector<16xi1>
      %masked_cumsum3A_2067 = tpu.scan <sum>, %get3A_2064 masked %broadcast_in_dim3A_2066 : vector<16xf32>, vector<16xi1> -> vector<16xf32>
      %add3A_2068 = vector.broadcast %add3A_2058 : f32 to vector<16xf32>
      %add3A_2069 = arith.addf %masked_cumsum3A_2067, %add3A_2068 : vector<16xf32>
      %le3A_2070 = arith.constant 2.550000e+01 : f32
      %le3A_2071 = vector.broadcast %le3A_2070 : f32 to vector<16xf32>
      %le3A_2072 = arith.cmpf ole, %add3A_2069, %le3A_2071 : vector<16xf32>
      %jit3A_2073 = arith.constant 0.000000e+00 : f32
      %broadcast_in_dim3A_2074 = vector.broadcast %jit3A_2073 : f32 to vector<16xf32>
      %select_n3A_2075 = arith.select %le3A_2072, %add3A_2069, %broadcast_in_dim3A_2074 : vector<16xi1>, vector<16xf32>
      %mul3A_2076 = arith.mulf %select_n3A_2075, %get3A_2064 : vector<16xf32>
      %swap3A_2077 = arith.constant 1 : i32
      %swap3A_2078 = arith.constant 0 : i32
      %swap3A_2079 = arith.index_cast %swap3A_2077 : i32 to index
      %swap3A_2080 = arith.index_cast %swap3A_2078 : i32 to index
      %swap3A_2081 = arith.constant 32 : index
      %swap3A_2082 = tpu.vector_load %arg5[%swap3A_2079, %swap3A_2080, %swap3A_2081] {strides = array<i32>} : memref<2x8x128xf32, #tpu.memory_space<vmem>>, vector<16xf32>,
      tpu.vector_store %arg5[%swap3A_2079, %swap3A_2080, %swap3A_2081], %mul3A_2076 {strides = array<i32>} : memref<2x8x128xf32, #tpu.memory_space<vmem>>, vector<16xf32>,
      %reduce_sum3A_2083 = arith.constant true
      %reduce_sum3A_2084 = vector.broadcast %reduce_sum3A_2083 : i1 to vector<16xi1>
      %reduce_sum3A_2085 = tpu.scan <sum>, %get3A_2064 masked %reduce_sum3A_2084 : vector<16xf32>, vector<16xi1> -> vector<16xf32>
      %reduce_sum3A_2086 = vector.extract %reduce_sum3A_2085[15] : f32 from vector<16xf32>
      %add3A_2087 = arith.addf %add3A_2058, %reduce_sum3A_2086 : f32
      %get3A_2088 = arith.constant 1 : i32
      %get3A_2089 = arith.constant 0 : i32
      %get3A_2090 = arith.index_cast %get3A_2088 : i32 to index
      %get3A_2091 = arith.index_cast %get3A_2089 : i32 to index
      %get3A_2092 = arith.constant 48 : index
      %get3A_2093 = tpu.vector_load %arg4[%get3A_2090, %get3A_2091, %get3A_2092] {strides = array<i32>} : memref<2x8x128xf32, #tpu.memory_space<vmem>>, vector<16xf32>,
      %broadcast_in_dim3A_2094 = arith.constant true
      %broadcast_in_dim3A_2095 = vector.broadcast %broadcast_in_dim3A_2094 : i1 to vector<16xi1>
      %masked_cumsum3A_2096 = tpu.scan <sum>, %get3A_2093 masked %broadcast_in_dim3A_2095 : vector<16xf32>, vector<16xi1> -> vector<16xf32>
      %add3A_2097 = vector.broadcast %add3A_2087 : f32 to vector<16xf32>
      %add3A_2098 = arith.addf %masked_cumsum3A_2096, %add3A_2097 : vector<16xf32>
      %le3A_2099 = arith.constant 2.550000e+01 : f32
      %le3A_2100 = vector.broadcast %le3A_2099 : f32 to vector<16xf32>
      %le3A_2101 = arith.cmpf ole, %add3A_2098, %le3A_2100 : vector<16xf32>
      %jit3A_2102 = arith.constant 0.000000e+00 : f32
      %broadcast_in_dim3A_2103 = vector.broadcast %jit3A_2102 : f32 to vector<16xf32>
      %select_n3A_2104 = arith.select %le3A_2101, %add3A_2098, %broadcast_in_dim3A_2103 : vector<16xi1>, vector<16xf32>
      %mul3A_2105 = arith.mulf %select_n3A_2104, %get3A_2093 : vector<16xf32>
      %swap3A_2106 = arith.constant 1 : i32
      %swap3A_2107 = arith.constant 0 : i32
      %swap3A_2108 = arith.index_cast %swap3A_2106 : i32 to index
      %swap3A_2109 = arith.index_cast %swap3A_2107 : i32 to index
      %swap3A_2110 = arith.constant 48 : index
      %swap3A_2111 = tpu.vector_load %arg5[%swap3A_2108, %swap3A_2109, %swap3A_2110] {strides = array<i32>} : memref<2x8x128xf32, #tpu.memory_space<vmem>>, vector<16xf32>,
      tpu.vector_store %arg5[%swap3A_2108, %swap3A_2109, %swap3A_2110], %mul3A_2105 {strides = array<i32>} : memref<2x8x128xf32, #tpu.memory_space<vmem>>, vector<16xf32>,
      %reduce_sum3A_2112 = arith.constant true
      %reduce_sum3A_2113 = vector.broadcast %reduce_sum3A_2112 : i1 to vector<16xi1>
      %reduce_sum3A_2114 = tpu.scan <sum>, %get3A_2093 masked %reduce_sum3A_2113 : vector<16xf32>, vector<16xi1> -> vector<16xf32>
      %reduce_sum3A_2115 = vector.extract %reduce_sum3A_2114[15] : f32 from vector<16xf32>
      %add3A_2116 = arith.addf %add3A_2087, %reduce_sum3A_2115 : f32
      %get3A_2117 = arith.constant 1 : i32
      %get3A_2118 = arith.constant 0 : i32
      %get3A_2119 = arith.index_cast %get3A_2117 : i32 to index
      %get3A_2120 = arith.index_cast %get3A_2118 : i32 to index
      %get3A_2121 = arith.constant 64 : index
      %get3A_2122 = tpu.vector_load %arg4[%get3A_2119, %get3A_2120, %get3A_2121] {strides = array<i32>} : memref<2x8x128xf32, #tpu.memory_space<vmem>>, vector<16xf32>,
      %broadcast_in_dim3A_2123 = arith.constant true
      %broadcast_in_dim3A_2124 = vector.broadcast %broadcast_in_dim3A_2123 : i1 to vector<16xi1>
      %masked_cumsum3A_2125 = tpu.scan <sum>, %get3A_2122 masked %broadcast_in_dim3A_2124 : vector<16xf32>, vector<16xi1> -> vector<16xf32>
      %add3A_2126 = vector.broadcast %add3A_2116 : f32 to vector<16xf32>
      %add3A_2127 = arith.addf %masked_cumsum3A_2125, %add3A_2126 : vector<16xf32>
      %le3A_2128 = arith.constant 2.550000e+01 : f32
      %le3A_2129 = vector.broadcast %le3A_2128 : f32 to vector<16xf32>
      %le3A_2130 = arith.cmpf ole, %add3A_2127, %le3A_2129 : vector<16xf32>
      %jit3A_2131 = arith.constant 0.000000e+00 : f32
      %broadcast_in_dim3A_2132 = vector.broadcast %jit3A_2131 : f32 to vector<16xf32>
      %select_n3A_2133 = arith.select %le3A_2130, %add3A_2127, %broadcast_in_dim3A_2132 : vector<16xi1>, vector<16xf32>
      %mul3A_2134 = arith.mulf %select_n3A_2133, %get3A_2122 : vector<16xf32>
      %swap3A_2135 = arith.constant 1 : i32
      %swap3A_2136 = arith.constant 0 : i32
      %swap3A_2137 = arith.index_cast %swap3A_2135 : i32 to index
      %swap3A_2138 = arith.index_cast %swap3A_2136 : i32 to index
      %swap3A_2139 = arith.constant 64 : index
      %swap3A_2140 = tpu.vector_load %arg5[%swap3A_2137, %swap3A_2138, %swap3A_2139] {strides = array<i32>} : memref<2x8x128xf32, #tpu.memory_space<vmem>>, vector<16xf32>,
      tpu.vector_store %arg5[%swap3A_2137, %swap3A_2138, %swap3A_2139], %mul3A_2134 {strides = array<i32>} : memref<2x8x128xf32, #tpu.memory_space<vmem>>, vector<16xf32>,
      %reduce_sum3A_2141 = arith.constant true
      %reduce_sum3A_2142 = vector.broadcast %reduce_sum3A_2141 : i1 to vector<16xi1>
      %reduce_sum3A_2143 = tpu.scan <sum>, %get3A_2122 masked %reduce_sum3A_2142 : vector<16xf32>, vector<16xi1> -> vector<16xf32>
      %reduce_sum3A_2144 = vector.extract %reduce_sum3A_2143[15] : f32 from vector<16xf32>
      %add3A_2145 = arith.addf %add3A_2116, %reduce_sum3A_2144 : f32
      %get3A_2146 = arith.constant 1 : i32
      %get3A_2147 = arith.constant 0 : i32
      %get3A_2148 = arith.index_cast %get3A_2146 : i32 to index
      %get3A_2149 = arith.index_cast %get3A_2147 : i32 to index
      %get3A_2150 = arith.constant 80 : index
      %get3A_2151 = tpu.vector_load %arg4[%get3A_2148, %get3A_2149, %get3A_2150] {strides = array<i32>} : memref<2x8x128xf32, #tpu.memory_space<vmem>>, vector<16xf32>,
      %broadcast_in_dim3A_2152 = arith.constant true
      %broadcast_in_dim3A_2153 = vector.broadcast %broadcast_in_dim3A_2152 : i1 to vector<16xi1>
      %masked_cumsum3A_2154 = tpu.scan <sum>, %get3A_2151 masked %broadcast_in_dim3A_2153 : vector<16xf32>, vector<16xi1> -> vector<16xf32>
      %add3A_2155 = vector.broadcast %add3A_2145 : f32 to vector<16xf32>
      %add3A_2156 = arith.addf %masked_cumsum3A_2154, %add3A_2155 : vector<16xf32>
      %le3A_2157 = arith.constant 2.550000e+01 : f32
      %le3A_2158 = vector.broadcast %le3A_2157 : f32 to vector<16xf32>
      %le3A_2159 = arith.cmpf ole, %add3A_2156, %le3A_2158 : vector<16xf32>
      %jit3A_2160 = arith.constant 0.000000e+00 : f32
      %broadcast_in_dim3A_2161 = vector.broadcast %jit3A_2160 : f32 to vector<16xf32>
      %select_n3A_2162 = arith.select %le3A_2159, %add3A_2156, %broadcast_in_dim3A_2161 : vector<16xi1>, vector<16xf32>
      %mul3A_2163 = arith.mulf %select_n3A_2162, %get3A_2151 : vector<16xf32>
      %swap3A_2164 = arith.constant 1 : i32
      %swap3A_2165 = arith.constant 0 : i32
      %swap3A_2166 = arith.index_cast %swap3A_2164 : i32 to index
      %swap3A_2167 = arith.index_cast %swap3A_2165 : i32 to index
      %swap3A_2168 = arith.constant 80 : index
      %swap3A_2169 = tpu.vector_load %arg5[%swap3A_2166, %swap3A_2167, %swap3A_2168] {strides = array<i32>} : memref<2x8x128xf32, #tpu.memory_space<vmem>>, vector<16xf32>,
      tpu.vector_store %arg5[%swap3A_2166, %swap3A_2167, %swap3A_2168], %mul3A_2163 {strides = array<i32>} : memref<2x8x128xf32, #tpu.memory_space<vmem>>, vector<16xf32>,
      %reduce_sum3A_2170 = arith.constant true
      %reduce_sum3A_2171 = vector.broadcast %reduce_sum3A_2170 : i1 to vector<16xi1>
      %reduce_sum3A_2172 = tpu.scan <sum>, %get3A_2151 masked %reduce_sum3A_2171 : vector<16xf32>, vector<16xi1> -> vector<16xf32>
      %reduce_sum3A_2173 = vector.extract %reduce_sum3A_2172[15] : f32 from vector<16xf32>
      %add3A_2174 = arith.addf %add3A_2145, %reduce_sum3A_2173 : f32
      %get3A_2175 = arith.constant 1 : i32
      %get3A_2176 = arith.constant 0 : i32
      %get3A_2177 = arith.index_cast %get3A_2175 : i32 to index
      %get3A_2178 = arith.index_cast %get3A_2176 : i32 to index
      %get3A_2179 = arith.constant 96 : index
      %get3A_2180 = tpu.vector_load %arg4[%get3A_2177, %get3A_2178, %get3A_2179] {strides = array<i32>} : memref<2x8x128xf32, #tpu.memory_space<vmem>>, vector<16xf32>,
      %broadcast_in_dim3A_2181 = arith.constant true
      %broadcast_in_dim3A_2182 = vector.broadcast %broadcast_in_dim3A_2181 : i1 to vector<16xi1>
      %masked_cumsum3A_2183 = tpu.scan <sum>, %get3A_2180 masked %broadcast_in_dim3A_2182 : vector<16xf32>, vector<16xi1> -> vector<16xf32>
      %add3A_2184 = vector.broadcast %add3A_2174 : f32 to vector<16xf32>
      %add3A_2185 = arith.addf %masked_cumsum3A_2183, %add3A_2184 : vector<16xf32>
      %le3A_2186 = arith.constant 2.550000e+01 : f32
      %le3A_2187 = vector.broadcast %le3A_2186 : f32 to vector<16xf32>
      %le3A_2188 = arith.cmpf ole, %add3A_2185, %le3A_2187 : vector<16xf32>
      %jit3A_2189 = arith.constant 0.000000e+00 : f32
      %broadcast_in_dim3A_2190 = vector.broadcast %jit3A_2189 : f32 to vector<16xf32>
      %select_n3A_2191 = arith.select %le3A_2188, %add3A_2185, %broadcast_in_dim3A_2190 : vector<16xi1>, vector<16xf32>
      %mul3A_2192 = arith.mulf %select_n3A_2191, %get3A_2180 : vector<16xf32>
      %swap3A_2193 = arith.constant 1 : i32
      %swap3A_2194 = arith.constant 0 : i32
      %swap3A_2195 = arith.index_cast %swap3A_2193 : i32 to index
      %swap3A_2196 = arith.index_cast %swap3A_2194 : i32 to index
      %swap3A_2197 = arith.constant 96 : index
      %swap3A_2198 = tpu.vector_load %arg5[%swap3A_2195, %swap3A_2196, %swap3A_2197] {strides = array<i32>} : memref<2x8x128xf32, #tpu.memory_space<vmem>>, vector<16xf32>,
      tpu.vector_store %arg5[%swap3A_2195, %swap3A_2196, %swap3A_2197], %mul3A_2192 {strides = array<i32>} : memref<2x8x128xf32, #tpu.memory_space<vmem>>, vector<16xf32>,
      %reduce_sum3A_2199 = arith.constant true
      %reduce_sum3A_2200 = vector.broadcast %reduce_sum3A_2199 : i1 to vector<16xi1>
      %reduce_sum3A_2201 = tpu.scan <sum>, %get3A_2180 masked %reduce_sum3A_2200 : vector<16xf32>, vector<16xi1> -> vector<16xf32>
      %reduce_sum3A_2202 = vector.extract %reduce_sum3A_2201[15] : f32 from vector<16xf32>
      %add3A_2203 = arith.addf %add3A_2174, %reduce_sum3A_2202 : f32
      %get3A_2204 = arith.constant 1 : i32
      %get3A_2205 = arith.constant 0 : i32
      %get3A_2206 = arith.index_cast %get3A_2204 : i32 to index
      %get3A_2207 = arith.index_cast %get3A_2205 : i32 to index
      %get3A_2208 = arith.constant 112 : index
      %get3A_2209 = tpu.vector_load %arg4[%get3A_2206, %get3A_2207, %get3A_2208] {strides = array<i32>} : memref<2x8x128xf32, #tpu.memory_space<vmem>>, vector<16xf32>,
      %broadcast_in_dim3A_2210 = arith.constant true
      %broadcast_in_dim3A_2211 = vector.broadcast %broadcast_in_dim3A_2210 : i1 to vector<16xi1>
      %masked_cumsum3A_2212 = tpu.scan <sum>, %get3A_2209 masked %broadcast_in_dim3A_2211 : vector<16xf32>, vector<16xi1> -> vector<16xf32>
      %add3A_2213 = vector.broadcast %add3A_2203 : f32 to vector<16xf32>
      %add3A_2214 = arith.addf %masked_cumsum3A_2212, %add3A_2213 : vector<16xf32>
      %le3A_2215 = arith.constant 2.550000e+01 : f32
      %le3A_2216 = vector.broadcast %le3A_2215 : f32 to vector<16xf32>
      %le3A_2217 = arith.cmpf ole, %add3A_2214, %le3A_2216 : vector<16xf32>
      %jit3A_2218 = arith.constant 0.000000e+00 : f32
      %broadcast_in_dim3A_2219 = vector.broadcast %jit3A_2218 : f32 to vector<16xf32>
      %select_n3A_2220 = arith.select %le3A_2217, %add3A_2214, %broadcast_in_dim3A_2219 : vector<16xi1>, vector<16xf32>
      %mul3A_2221 = arith.mulf %select_n3A_2220, %get3A_2209 : vector<16xf32>
      %swap3A_2222 = arith.constant 1 : i32
      %swap3A_2223 = arith.constant 0 : i32
      %swap3A_2224 = arith.index_cast %swap3A_2222 : i32 to index
      %swap3A_2225 = arith.index_cast %swap3A_2223 : i32 to index
      %swap3A_2226 = arith.constant 112 : index
      %swap3A_2227 = tpu.vector_load %arg5[%swap3A_2224, %swap3A_2225, %swap3A_2226] {strides = array<i32>} : memref<2x8x128xf32, #tpu.memory_space<vmem>>, vector<16xf32>,
      tpu.vector_store %arg5[%swap3A_2224, %swap3A_2225, %swap3A_2226], %mul3A_2221 {strides = array<i32>} : memref<2x8x128xf32, #tpu.memory_space<vmem>>, vector<16xf32>,
      %reduce_sum3A_2228 = arith.constant true
      %reduce_sum3A_2229 = vector.broadcast %reduce_sum3A_2228 : i1 to vector<16xi1>
      %reduce_sum3A_2230 = tpu.scan <sum>, %get3A_2209 masked %reduce_sum3A_2229 : vector<16xf32>, vector<16xi1> -> vector<16xf32>
      %reduce_sum3A_2231 = vector.extract %reduce_sum3A_2230[15] : f32 from vector<16xf32>
      %add3A_2232 = arith.addf %add3A_2203, %reduce_sum3A_2231 : f32
      %get3A_2233 = arith.constant 1 : i32
      %get3A_2234 = arith.constant 1 : i32
      %get3A_2235 = arith.index_cast %get3A_2233 : i32 to index
      %get3A_2236 = arith.index_cast %get3A_2234 : i32 to index
      %get3A_2237 = arith.constant 0 : index
      %get3A_2238 = tpu.vector_load %arg4[%get3A_2235, %get3A_2236, %get3A_2237] {strides = array<i32>} : memref<2x8x128xf32, #tpu.memory_space<vmem>>, vector<16xf32>,
      %broadcast_in_dim3A_2239 = arith.constant true
      %broadcast_in_dim3A_2240 = vector.broadcast %broadcast_in_dim3A_2239 : i1 to vector<16xi1>
      %masked_cumsum3A_2241 = tpu.scan <sum>, %get3A_2238 masked %broadcast_in_dim3A_2240 : vector<16xf32>, vector<16xi1> -> vector<16xf32>
      %add3A_2242 = arith.constant 0.000000e+00 : f32
      %add3A_2243 = vector.broadcast %add3A_2242 : f32 to vector<16xf32>
      %add3A_2244 = arith.addf %masked_cumsum3A_2241, %add3A_2243 : vector<16xf32>
      %le3A_2245 = arith.constant 2.550000e+01 : f32
      %le3A_2246 = vector.broadcast %le3A_2245 : f32 to vector<16xf32>
      %le3A_2247 = arith.cmpf ole, %add3A_2244, %le3A_2246 : vector<16xf32>
      %jit3A_2248 = arith.constant 0.000000e+00 : f32
      %broadcast_in_dim3A_2249 = vector.broadcast %jit3A_2248 : f32 to vector<16xf32>
      %select_n3A_2250 = arith.select %le3A_2247, %add3A_2244, %broadcast_in_dim3A_2249 : vector<16xi1>, vector<16xf32>
      %mul3A_2251 = arith.mulf %select_n3A_2250, %get3A_2238 : vector<16xf32>
      %swap3A_2252 = arith.constant 1 : i32
      %swap3A_2253 = arith.constant 1 : i32
      %swap3A_2254 = arith.index_cast %swap3A_2252 : i32 to index
      %swap3A_2255 = arith.index_cast %swap3A_2253 : i32 to index
      %swap3A_2256 = arith.constant 0 : index
      %swap3A_2257 = tpu.vector_load %arg5[%swap3A_2254, %swap3A_2255, %swap3A_2256] {strides = array<i32>} : memref<2x8x128xf32, #tpu.memory_space<vmem>>, vector<16xf32>,
      tpu.vector_store %arg5[%swap3A_2254, %swap3A_2255, %swap3A_2256], %mul3A_2251 {strides = array<i32>} : memref<2x8x128xf32, #tpu.memory_space<vmem>>, vector<16xf32>,
      %reduce_sum3A_2258 = arith.constant true
      %reduce_sum3A_2259 = vector.broadcast %reduce_sum3A_2258 : i1 to vector<16xi1>
      %reduce_sum3A_2260 = tpu.scan <sum>, %get3A_2238 masked %reduce_sum3A_2259 : vector<16xf32>, vector<16xi1> -> vector<16xf32>
      %reduce_sum3A_2261 = vector.extract %reduce_sum3A_2260[15] : f32 from vector<16xf32>
      %add3A_2262 = arith.constant 0.000000e+00 : f32
      %add3A_2263 = arith.addf %add3A_2262, %reduce_sum3A_2261 : f32
      %get3A_2264 = arith.constant 1 : i32
      %get3A_2265 = arith.constant 1 : i32
      %get3A_2266 = arith.index_cast %get3A_2264 : i32 to index
      %get3A_2267 = arith.index_cast %get3A_2265 : i32 to index
      %get3A_2268 = arith.constant 16 : index
      %get3A_2269 = tpu.vector_load %arg4[%get3A_2266, %get3A_2267, %get3A_2268] {strides = array<i32>} : memref<2x8x128xf32, #tpu.memory_space<vmem>>, vector<16xf32>,
      %broadcast_in_dim3A_2270 = arith.constant true
      %broadcast_in_dim3A_2271 = vector.broadcast %broadcast_in_dim3A_2270 : i1 to vector<16xi1>
      %masked_cumsum3A_2272 = tpu.scan <sum>, %get3A_2269 masked %broadcast_in_dim3A_2271 : vector<16xf32>, vector<16xi1> -> vector<16xf32>
      %add3A_2273 = vector.broadcast %add3A_2263 : f32 to vector<16xf32>
      %add3A_2274 = arith.addf %masked_cumsum3A_2272, %add3A_2273 : vector<16xf32>
      %le3A_2275 = arith.constant 2.550000e+01 : f32
      %le3A_2276 = vector.broadcast %le3A_2275 : f32 to vector<16xf32>
      %le3A_2277 = arith.cmpf ole, %add3A_2274, %le3A_2276 : vector<16xf32>
      %jit3A_2278 = arith.constant 0.000000e+00 : f32
      %broadcast_in_dim3A_2279 = vector.broadcast %jit3A_2278 : f32 to vector<16xf32>
      %select_n3A_2280 = arith.select %le3A_2277, %add3A_2274, %broadcast_in_dim3A_2279 : vector<16xi1>, vector<16xf32>
      %mul3A_2281 = arith.mulf %select_n3A_2280, %get3A_2269 : vector<16xf32>
      %swap3A_2282 = arith.constant 1 : i32
      %swap3A_2283 = arith.constant 1 : i32
      %swap3A_2284 = arith.index_cast %swap3A_2282 : i32 to index
      %swap3A_2285 = arith.index_cast %swap3A_2283 : i32 to index
      %swap3A_2286 = arith.constant 16 : index
      %swap3A_2287 = tpu.vector_load %arg5[%swap3A_2284, %swap3A_2285, %swap3A_2286] {strides = array<i32>} : memref<2x8x128xf32, #tpu.memory_space<vmem>>, vector<16xf32>,
      tpu.vector_store %arg5[%swap3A_2284, %swap3A_2285, %swap3A_2286], %mul3A_2281 {strides = array<i32>} : memref<2x8x128xf32, #tpu.memory_space<vmem>>, vector<16xf32>,
      %reduce_sum3A_2288 = arith.constant true
      %reduce_sum3A_2289 = vector.broadcast %reduce_sum3A_2288 : i1 to vector<16xi1>
      %reduce_sum3A_2290 = tpu.scan <sum>, %get3A_2269 masked %reduce_sum3A_2289 : vector<16xf32>, vector<16xi1> -> vector<16xf32>
      %reduce_sum3A_2291 = vector.extract %reduce_sum3A_2290[15] : f32 from vector<16xf32>
      %add3A_2292 = arith.addf %add3A_2263, %reduce_sum3A_2291 : f32
      %get3A_2293 = arith.constant 1 : i32
      %get3A_2294 = arith.constant 1 : i32
      %get3A_2295 = arith.index_cast %get3A_2293 : i32 to index
      %get3A_2296 = arith.index_cast %get3A_2294 : i32 to index
      %get3A_2297 = arith.constant 32 : index
      %get3A_2298 = tpu.vector_load %arg4[%get3A_2295, %get3A_2296, %get3A_2297] {strides = array<i32>} : memref<2x8x128xf32, #tpu.memory_space<vmem>>, vector<16xf32>,
      %broadcast_in_dim3A_2299 = arith.constant true
      %broadcast_in_dim3A_2300 = vector.broadcast %broadcast_in_dim3A_2299 : i1 to vector<16xi1>
      %masked_cumsum3A_2301 = tpu.scan <sum>, %get3A_2298 masked %broadcast_in_dim3A_2300 : vector<16xf32>, vector<16xi1> -> vector<16xf32>
      %add3A_2302 = vector.broadcast %add3A_2292 : f32 to vector<16xf32>
      %add3A_2303 = arith.addf %masked_cumsum3A_2301, %add3A_2302 : vector<16xf32>
      %le3A_2304 = arith.constant 2.550000e+01 : f32
      %le3A_2305 = vector.broadcast %le3A_2304 : f32 to vector<16xf32>
      %le3A_2306 = arith.cmpf ole, %add3A_2303, %le3A_2305 : vector<16xf32>
      %jit3A_2307 = arith.constant 0.000000e+00 : f32
      %broadcast_in_dim3A_2308 = vector.broadcast %jit3A_2307 : f32 to vector<16xf32>
      %select_n3A_2309 = arith.select %le3A_2306, %add3A_2303, %broadcast_in_dim3A_2308 : vector<16xi1>, vector<16xf32>
      %mul3A_2310 = arith.mulf %select_n3A_2309, %get3A_2298 : vector<16xf32>
      %swap3A_2311 = arith.constant 1 : i32
      %swap3A_2312 = arith.constant 1 : i32
      %swap3A_2313 = arith.index_cast %swap3A_2311 : i32 to index
      %swap3A_2314 = arith.index_cast %swap3A_2312 : i32 to index
      %swap3A_2315 = arith.constant 32 : index
      %swap3A_2316 = tpu.vector_load %arg5[%swap3A_2313, %swap3A_2314, %swap3A_2315] {strides = array<i32>} : memref<2x8x128xf32, #tpu.memory_space<vmem>>, vector<16xf32>,
      tpu.vector_store %arg5[%swap3A_2313, %swap3A_2314, %swap3A_2315], %mul3A_2310 {strides = array<i32>} : memref<2x8x128xf32, #tpu.memory_space<vmem>>, vector<16xf32>,
      %reduce_sum3A_2317 = arith.constant true
      %reduce_sum3A_2318 = vector.broadcast %reduce_sum3A_2317 : i1 to vector<16xi1>
      %reduce_sum3A_2319 = tpu.scan <sum>, %get3A_2298 masked %reduce_sum3A_2318 : vector<16xf32>, vector<16xi1> -> vector<16xf32>
      %reduce_sum3A_2320 = vector.extract %reduce_sum3A_2319[15] : f32 from vector<16xf32>
      %add3A_2321 = arith.addf %add3A_2292, %reduce_sum3A_2320 : f32
      %get3A_2322 = arith.constant 1 : i32
      %get3A_2323 = arith.constant 1 : i32
      %get3A_2324 = arith.index_cast %get3A_2322 : i32 to index
      %get3A_2325 = arith.index_cast %get3A_2323 : i32 to index
      %get3A_2326 = arith.constant 48 : index
      %get3A_2327 = tpu.vector_load %arg4[%get3A_2324, %get3A_2325, %get3A_2326] {strides = array<i32>} : memref<2x8x128xf32, #tpu.memory_space<vmem>>, vector<16xf32>,
      %broadcast_in_dim3A_2328 = arith.constant true
      %broadcast_in_dim3A_2329 = vector.broadcast %broadcast_in_dim3A_2328 : i1 to vector<16xi1>
      %masked_cumsum3A_2330 = tpu.scan <sum>, %get3A_2327 masked %broadcast_in_dim3A_2329 : vector<16xf32>, vector<16xi1> -> vector<16xf32>
      %add3A_2331 = vector.broadcast %add3A_2321 : f32 to vector<16xf32>
      %add3A_2332 = arith.addf %masked_cumsum3A_2330, %add3A_2331 : vector<16xf32>
      %le3A_2333 = arith.constant 2.550000e+01 : f32
      %le3A_2334 = vector.broadcast %le3A_2333 : f32 to vector<16xf32>
      %le3A_2335 = arith.cmpf ole, %add3A_2332, %le3A_2334 : vector<16xf32>
      %jit3A_2336 = arith.constant 0.000000e+00 : f32
      %broadcast_in_dim3A_2337 = vector.broadcast %jit3A_2336 : f32 to vector<16xf32>
      %select_n3A_2338 = arith.select %le3A_2335, %add3A_2332, %broadcast_in_dim3A_2337 : vector<16xi1>, vector<16xf32>
      %mul3A_2339 = arith.mulf %select_n3A_2338, %get3A_2327 : vector<16xf32>
      %swap3A_2340 = arith.constant 1 : i32
      %swap3A_2341 = arith.constant 1 : i32
      %swap3A_2342 = arith.index_cast %swap3A_2340 : i32 to index
      %swap3A_2343 = arith.index_cast %swap3A_2341 : i32 to index
      %swap3A_2344 = arith.constant 48 : index
      %swap3A_2345 = tpu.vector_load %arg5[%swap3A_2342, %swap3A_2343, %swap3A_2344] {strides = array<i32>} : memref<2x8x128xf32, #tpu.memory_space<vmem>>, vector<16xf32>,
      tpu.vector_store %arg5[%swap3A_2342, %swap3A_2343, %swap3A_2344], %mul3A_2339 {strides = array<i32>} : memref<2x8x128xf32, #tpu.memory_space<vmem>>, vector<16xf32>,
      %reduce_sum3A_2346 = arith.constant true
      %reduce_sum3A_2347 = vector.broadcast %reduce_sum3A_2346 : i1 to vector<16xi1>
      %reduce_sum3A_2348 = tpu.scan <sum>, %get3A_2327 masked %reduce_sum3A_2347 : vector<16xf32>, vector<16xi1> -> vector<16xf32>
      %reduce_sum3A_2349 = vector.extract %reduce_sum3A_2348[15] : f32 from vector<16xf32>
      %add3A_2350 = arith.addf %add3A_2321, %reduce_sum3A_2349 : f32
      %get3A_2351 = arith.constant 1 : i32
      %get3A_2352 = arith.constant 1 : i32
      %get3A_2353 = arith.index_cast %get3A_2351 : i32 to index
      %get3A_2354 = arith.index_cast %get3A_2352 : i32 to index
      %get3A_2355 = arith.constant 64 : index
      %get3A_2356 = tpu.vector_load %arg4[%get3A_2353, %get3A_2354, %get3A_2355] {strides = array<i32>} : memref<2x8x128xf32, #tpu.memory_space<vmem>>, vector<16xf32>,
      %broadcast_in_dim3A_2357 = arith.constant true
      %broadcast_in_dim3A_2358 = vector.broadcast %broadcast_in_dim3A_2357 : i1 to vector<16xi1>
      %masked_cumsum3A_2359 = tpu.scan <sum>, %get3A_2356 masked %broadcast_in_dim3A_2358 : vector<16xf32>, vector<16xi1> -> vector<16xf32>
      %add3A_2360 = vector.broadcast %add3A_2350 : f32 to vector<16xf32>
      %add3A_2361 = arith.addf %masked_cumsum3A_2359, %add3A_2360 : vector<16xf32>
      %le3A_2362 = arith.constant 2.550000e+01 : f32
      %le3A_2363 = vector.broadcast %le3A_2362 : f32 to vector<16xf32>
      %le3A_2364 = arith.cmpf ole, %add3A_2361, %le3A_2363 : vector<16xf32>
      %jit3A_2365 = arith.constant 0.000000e+00 : f32
      %broadcast_in_dim3A_2366 = vector.broadcast %jit3A_2365 : f32 to vector<16xf32>
      %select_n3A_2367 = arith.select %le3A_2364, %add3A_2361, %broadcast_in_dim3A_2366 : vector<16xi1>, vector<16xf32>
      %mul3A_2368 = arith.mulf %select_n3A_2367, %get3A_2356 : vector<16xf32>
      %swap3A_2369 = arith.constant 1 : i32
      %swap3A_2370 = arith.constant 1 : i32
      %swap3A_2371 = arith.index_cast %swap3A_2369 : i32 to index
      %swap3A_2372 = arith.index_cast %swap3A_2370 : i32 to index
      %swap3A_2373 = arith.constant 64 : index
      %swap3A_2374 = tpu.vector_load %arg5[%swap3A_2371, %swap3A_2372, %swap3A_2373] {strides = array<i32>} : memref<2x8x128xf32, #tpu.memory_space<vmem>>, vector<16xf32>,
      tpu.vector_store %arg5[%swap3A_2371, %swap3A_2372, %swap3A_2373], %mul3A_2368 {strides = array<i32>} : memref<2x8x128xf32, #tpu.memory_space<vmem>>, vector<16xf32>,
      %reduce_sum3A_2375 = arith.constant true
      %reduce_sum3A_2376 = vector.broadcast %reduce_sum3A_2375 : i1 to vector<16xi1>
      %reduce_sum3A_2377 = tpu.scan <sum>, %get3A_2356 masked %reduce_sum3A_2376 : vector<16xf32>, vector<16xi1> -> vector<16xf32>
      %reduce_sum3A_2378 = vector.extract %reduce_sum3A_2377[15] : f32 from vector<16xf32>
      %add3A_2379 = arith.addf %add3A_2350, %reduce_sum3A_2378 : f32
      %get3A_2380 = arith.constant 1 : i32
      %get3A_2381 = arith.constant 1 : i32
      %get3A_2382 = arith.index_cast %get3A_2380 : i32 to index
      %get3A_2383 = arith.index_cast %get3A_2381 : i32 to index
      %get3A_2384 = arith.constant 80 : index
      %get3A_2385 = tpu.vector_load %arg4[%get3A_2382, %get3A_2383, %get3A_2384] {strides = array<i32>} : memref<2x8x128xf32, #tpu.memory_space<vmem>>, vector<16xf32>,
      %broadcast_in_dim3A_2386 = arith.constant true
      %broadcast_in_dim3A_2387 = vector.broadcast %broadcast_in_dim3A_2386 : i1 to vector<16xi1>
      %masked_cumsum3A_2388 = tpu.scan <sum>, %get3A_2385 masked %broadcast_in_dim3A_2387 : vector<16xf32>, vector<16xi1> -> vector<16xf32>
      %add3A_2389 = vector.broadcast %add3A_2379 : f32 to vector<16xf32>
      %add3A_2390 = arith.addf %masked_cumsum3A_2388, %add3A_2389 : vector<16xf32>
      %le3A_2391 = arith.constant 2.550000e+01 : f32
      %le3A_2392 = vector.broadcast %le3A_2391 : f32 to vector<16xf32>
      %le3A_2393 = arith.cmpf ole, %add3A_2390, %le3A_2392 : vector<16xf32>
      %jit3A_2394 = arith.constant 0.000000e+00 : f32
      %broadcast_in_dim3A_2395 = vector.broadcast %jit3A_2394 : f32 to vector<16xf32>
      %select_n3A_2396 = arith.select %le3A_2393, %add3A_2390, %broadcast_in_dim3A_2395 : vector<16xi1>, vector<16xf32>
      %mul3A_2397 = arith.mulf %select_n3A_2396, %get3A_2385 : vector<16xf32>
      %swap3A_2398 = arith.constant 1 : i32
      %swap3A_2399 = arith.constant 1 : i32
      %swap3A_2400 = arith.index_cast %swap3A_2398 : i32 to index
      %swap3A_2401 = arith.index_cast %swap3A_2399 : i32 to index
      %swap3A_2402 = arith.constant 80 : index
      %swap3A_2403 = tpu.vector_load %arg5[%swap3A_2400, %swap3A_2401, %swap3A_2402] {strides = array<i32>} : memref<2x8x128xf32, #tpu.memory_space<vmem>>, vector<16xf32>,
      tpu.vector_store %arg5[%swap3A_2400, %swap3A_2401, %swap3A_2402], %mul3A_2397 {strides = array<i32>} : memref<2x8x128xf32, #tpu.memory_space<vmem>>, vector<16xf32>,
      %reduce_sum3A_2404 = arith.constant true
      %reduce_sum3A_2405 = vector.broadcast %reduce_sum3A_2404 : i1 to vector<16xi1>
      %reduce_sum3A_2406 = tpu.scan <sum>, %get3A_2385 masked %reduce_sum3A_2405 : vector<16xf32>, vector<16xi1> -> vector<16xf32>
      %reduce_sum3A_2407 = vector.extract %reduce_sum3A_2406[15] : f32 from vector<16xf32>
      %add3A_2408 = arith.addf %add3A_2379, %reduce_sum3A_2407 : f32
      %get3A_2409 = arith.constant 1 : i32
      %get3A_2410 = arith.constant 1 : i32
      %get3A_2411 = arith.index_cast %get3A_2409 : i32 to index
      %get3A_2412 = arith.index_cast %get3A_2410 : i32 to index
      %get3A_2413 = arith.constant 96 : index
      %get3A_2414 = tpu.vector_load %arg4[%get3A_2411, %get3A_2412, %get3A_2413] {strides = array<i32>} : memref<2x8x128xf32, #tpu.memory_space<vmem>>, vector<16xf32>,
      %broadcast_in_dim3A_2415 = arith.constant true
      %broadcast_in_dim3A_2416 = vector.broadcast %broadcast_in_dim3A_2415 : i1 to vector<16xi1>
      %masked_cumsum3A_2417 = tpu.scan <sum>, %get3A_2414 masked %broadcast_in_dim3A_2416 : vector<16xf32>, vector<16xi1> -> vector<16xf32>
      %add3A_2418 = vector.broadcast %add3A_2408 : f32 to vector<16xf32>
      %add3A_2419 = arith.addf %masked_cumsum3A_2417, %add3A_2418 : vector<16xf32>
      %le3A_2420 = arith.constant 2.550000e+01 : f32
      %le3A_2421 = vector.broadcast %le3A_2420 : f32 to vector<16xf32>
      %le3A_2422 = arith.cmpf ole, %add3A_2419, %le3A_2421 : vector<16xf32>
      %jit3A_2423 = arith.constant 0.000000e+00 : f32
      %broadcast_in_dim3A_2424 = vector.broadcast %jit3A_2423 : f32 to vector<16xf32>
      %select_n3A_2425 = arith.select %le3A_2422, %add3A_2419, %broadcast_in_dim3A_2424 : vector<16xi1>, vector<16xf32>
      %mul3A_2426 = arith.mulf %select_n3A_2425, %get3A_2414 : vector<16xf32>
      %swap3A_2427 = arith.constant 1 : i32
      %swap3A_2428 = arith.constant 1 : i32
      %swap3A_2429 = arith.index_cast %swap3A_2427 : i32 to index
      %swap3A_2430 = arith.index_cast %swap3A_2428 : i32 to index
      %swap3A_2431 = arith.constant 96 : index
      %swap3A_2432 = tpu.vector_load %arg5[%swap3A_2429, %swap3A_2430, %swap3A_2431] {strides = array<i32>} : memref<2x8x128xf32, #tpu.memory_space<vmem>>, vector<16xf32>,
      tpu.vector_store %arg5[%swap3A_2429, %swap3A_2430, %swap3A_2431], %mul3A_2426 {strides = array<i32>} : memref<2x8x128xf32, #tpu.memory_space<vmem>>, vector<16xf32>,
      %reduce_sum3A_2433 = arith.constant true
      %reduce_sum3A_2434 = vector.broadcast %reduce_sum3A_2433 : i1 to vector<16xi1>
      %reduce_sum3A_2435 = tpu.scan <sum>, %get3A_2414 masked %reduce_sum3A_2434 : vector<16xf32>, vector<16xi1> -> vector<16xf32>
      %reduce_sum3A_2436 = vector.extract %reduce_sum3A_2435[15] : f32 from vector<16xf32>
      %add3A_2437 = arith.addf %add3A_2408, %reduce_sum3A_2436 : f32
      %get3A_2438 = arith.constant 1 : i32
      %get3A_2439 = arith.constant 1 : i32
      %get3A_2440 = arith.index_cast %get3A_2438 : i32 to index
      %get3A_2441 = arith.index_cast %get3A_2439 : i32 to index
      %get3A_2442 = arith.constant 112 : index
      %get3A_2443 = tpu.vector_load %arg4[%get3A_2440, %get3A_2441, %get3A_2442] {strides = array<i32>} : memref<2x8x128xf32, #tpu.memory_space<vmem>>, vector<16xf32>,
      %broadcast_in_dim3A_2444 = arith.constant true
      %broadcast_in_dim3A_2445 = vector.broadcast %broadcast_in_dim3A_2444 : i1 to vector<16xi1>
      %masked_cumsum3A_2446 = tpu.scan <sum>, %get3A_2443 masked %broadcast_in_dim3A_2445 : vector<16xf32>, vector<16xi1> -> vector<16xf32>
      %add3A_2447 = vector.broadcast %add3A_2437 : f32 to vector<16xf32>
      %add3A_2448 = arith.addf %masked_cumsum3A_2446, %add3A_2447 : vector<16xf32>
      %le3A_2449 = arith.constant 2.550000e+01 : f32
      %le3A_2450 = vector.broadcast %le3A_2449 : f32 to vector<16xf32>
      %le3A_2451 = arith.cmpf ole, %add3A_2448, %le3A_2450 : vector<16xf32>
      %jit3A_2452 = arith.constant 0.000000e+00 : f32
      %broadcast_in_dim3A_2453 = vector.broadcast %jit3A_2452 : f32 to vector<16xf32>
      %select_n3A_2454 = arith.select %le3A_2451, %add3A_2448, %broadcast_in_dim3A_2453 : vector<16xi1>, vector<16xf32>
      %mul3A_2455 = arith.mulf %select_n3A_2454, %get3A_2443 : vector<16xf32>
      %swap3A_2456 = arith.constant 1 : i32
      %swap3A_2457 = arith.constant 1 : i32
      %swap3A_2458 = arith.index_cast %swap3A_2456 : i32 to index
      %swap3A_2459 = arith.index_cast %swap3A_2457 : i32 to index
      %swap3A_2460 = arith.constant 112 : index
      %swap3A_2461 = tpu.vector_load %arg5[%swap3A_2458, %swap3A_2459, %swap3A_2460] {strides = array<i32>} : memref<2x8x128xf32, #tpu.memory_space<vmem>>, vector<16xf32>,
      tpu.vector_store %arg5[%swap3A_2458, %swap3A_2459, %swap3A_2460], %mul3A_2455 {strides = array<i32>} : memref<2x8x128xf32, #tpu.memory_space<vmem>>, vector<16xf32>,
      %reduce_sum3A_2462 = arith.constant true
      %reduce_sum3A_2463 = vector.broadcast %reduce_sum3A_2462 : i1 to vector<16xi1>
      %reduce_sum3A_2464 = tpu.scan <sum>, %get3A_2443 masked %reduce_sum3A_2463 : vector<16xf32>, vector<16xi1> -> vector<16xf32>
      %reduce_sum3A_2465 = vector.extract %reduce_sum3A_2464[15] : f32 from vector<16xf32>
      %add3A_2466 = arith.addf %add3A_2437, %reduce_sum3A_2465 : f32
      %get3A_2467 = arith.constant 1 : i32
      %get3A_2468 = arith.constant 2 : i32
      %get3A_2469 = arith.index_cast %get3A_2467 : i32 to index
      %get3A_2470 = arith.index_cast %get3A_2468 : i32 to index
      %get3A_2471 = arith.constant 0 : index
      %get3A_2472 = tpu.vector_load %arg4[%get3A_2469, %get3A_2470, %get3A_2471] {strides = array<i32>} : memref<2x8x128xf32, #tpu.memory_space<vmem>>, vector<16xf32>,
      %broadcast_in_dim3A_2473 = arith.constant true
      %broadcast_in_dim3A_2474 = vector.broadcast %broadcast_in_dim3A_2473 : i1 to vector<16xi1>
      %masked_cumsum3A_2475 = tpu.scan <sum>, %get3A_2472 masked %broadcast_in_dim3A_2474 : vector<16xf32>, vector<16xi1> -> vector<16xf32>
      %add3A_2476 = arith.constant 0.000000e+00 : f32
      %add3A_2477 = vector.broadcast %add3A_2476 : f32 to vector<16xf32>
      %add3A_2478 = arith.addf %masked_cumsum3A_2475, %add3A_2477 : vector<16xf32>
      %le3A_2479 = arith.constant 2.550000e+01 : f32
      %le3A_2480 = vector.broadcast %le3A_2479 : f32 to vector<16xf32>
      %le3A_2481 = arith.cmpf ole, %add3A_2478, %le3A_2480 : vector<16xf32>
      %jit3A_2482 = arith.constant 0.000000e+00 : f32
      %broadcast_in_dim3A_2483 = vector.broadcast %jit3A_2482 : f32 to vector<16xf32>
      %select_n3A_2484 = arith.select %le3A_2481, %add3A_2478, %broadcast_in_dim3A_2483 : vector<16xi1>, vector<16xf32>
      %mul3A_2485 = arith.mulf %select_n3A_2484, %get3A_2472 : vector<16xf32>
      %swap3A_2486 = arith.constant 1 : i32
      %swap3A_2487 = arith.constant 2 : i32
      %swap3A_2488 = arith.index_cast %swap3A_2486 : i32 to index
      %swap3A_2489 = arith.index_cast %swap3A_2487 : i32 to index
      %swap3A_2490 = arith.constant 0 : index
      %swap3A_2491 = tpu.vector_load %arg5[%swap3A_2488, %swap3A_2489, %swap3A_2490] {strides = array<i32>} : memref<2x8x128xf32, #tpu.memory_space<vmem>>, vector<16xf32>,
      tpu.vector_store %arg5[%swap3A_2488, %swap3A_2489, %swap3A_2490], %mul3A_2485 {strides = array<i32>} : memref<2x8x128xf32, #tpu.memory_space<vmem>>, vector<16xf32>,
      %reduce_sum3A_2492 = arith.constant true
      %reduce_sum3A_2493 = vector.broadcast %reduce_sum3A_2492 : i1 to vector<16xi1>
      %reduce_sum3A_2494 = tpu.scan <sum>, %get3A_2472 masked %reduce_sum3A_2493 : vector<16xf32>, vector<16xi1> -> vector<16xf32>
      %reduce_sum3A_2495 = vector.extract %reduce_sum3A_2494[15] : f32 from vector<16xf32>
      %add3A_2496 = arith.constant 0.000000e+00 : f32
      %add3A_2497 = arith.addf %add3A_2496, %reduce_sum3A_2495 : f32
      %get3A_2498 = arith.constant 1 : i32
      %get3A_2499 = arith.constant 2 : i32
      %get3A_2500 = arith.index_cast %get3A_2498 : i32 to index
      %get3A_2501 = arith.index_cast %get3A_2499 : i32 to index
      %get3A_2502 = arith.constant 16 : index
      %get3A_2503 = tpu.vector_load %arg4[%get3A_2500, %get3A_2501, %get3A_2502] {strides = array<i32>} : memref<2x8x128xf32, #tpu.memory_space<vmem>>, vector<16xf32>,
      %broadcast_in_dim3A_2504 = arith.constant true
      %broadcast_in_dim3A_2505 = vector.broadcast %broadcast_in_dim3A_2504 : i1 to vector<16xi1>
      %masked_cumsum3A_2506 = tpu.scan <sum>, %get3A_2503 masked %broadcast_in_dim3A_2505 : vector<16xf32>, vector<16xi1> -> vector<16xf32>
      %add3A_2507 = vector.broadcast %add3A_2497 : f32 to vector<16xf32>
      %add3A_2508 = arith.addf %masked_cumsum3A_2506, %add3A_2507 : vector<16xf32>
      %le3A_2509 = arith.constant 2.550000e+01 : f32
      %le3A_2510 = vector.broadcast %le3A_2509 : f32 to vector<16xf32>
      %le3A_2511 = arith.cmpf ole, %add3A_2508, %le3A_2510 : vector<16xf32>
      %jit3A_2512 = arith.constant 0.000000e+00 : f32
      %broadcast_in_dim3A_2513 = vector.broadcast %jit3A_2512 : f32 to vector<16xf32>
      %select_n3A_2514 = arith.select %le3A_2511, %add3A_2508, %broadcast_in_dim3A_2513 : vector<16xi1>, vector<16xf32>
      %mul3A_2515 = arith.mulf %select_n3A_2514, %get3A_2503 : vector<16xf32>
      %swap3A_2516 = arith.constant 1 : i32
      %swap3A_2517 = arith.constant 2 : i32
      %swap3A_2518 = arith.index_cast %swap3A_2516 : i32 to index
      %swap3A_2519 = arith.index_cast %swap3A_2517 : i32 to index
      %swap3A_2520 = arith.constant 16 : index
      %swap3A_2521 = tpu.vector_load %arg5[%swap3A_2518, %swap3A_2519, %swap3A_2520] {strides = array<i32>} : memref<2x8x128xf32, #tpu.memory_space<vmem>>, vector<16xf32>,
      tpu.vector_store %arg5[%swap3A_2518, %swap3A_2519, %swap3A_2520], %mul3A_2515 {strides = array<i32>} : memref<2x8x128xf32, #tpu.memory_space<vmem>>, vector<16xf32>,
      %reduce_sum3A_2522 = arith.constant true
      %reduce_sum3A_2523 = vector.broadcast %reduce_sum3A_2522 : i1 to vector<16xi1>
      %reduce_sum3A_2524 = tpu.scan <sum>, %get3A_2503 masked %reduce_sum3A_2523 : vector<16xf32>, vector<16xi1> -> vector<16xf32>
      %reduce_sum3A_2525 = vector.extract %reduce_sum3A_2524[15] : f32 from vector<16xf32>
      %add3A_2526 = arith.addf %add3A_2497, %reduce_sum3A_2525 : f32
      %get3A_2527 = arith.constant 1 : i32
      %get3A_2528 = arith.constant 2 : i32
      %get3A_2529 = arith.index_cast %get3A_2527 : i32 to index
      %get3A_2530 = arith.index_cast %get3A_2528 : i32 to index
      %get3A_2531 = arith.constant 32 : index
      %get3A_2532 = tpu.vector_load %arg4[%get3A_2529, %get3A_2530, %get3A_2531] {strides = array<i32>} : memref<2x8x128xf32, #tpu.memory_space<vmem>>, vector<16xf32>,
      %broadcast_in_dim3A_2533 = arith.constant true
      %broadcast_in_dim3A_2534 = vector.broadcast %broadcast_in_dim3A_2533 : i1 to vector<16xi1>
      %masked_cumsum3A_2535 = tpu.scan <sum>, %get3A_2532 masked %broadcast_in_dim3A_2534 : vector<16xf32>, vector<16xi1> -> vector<16xf32>
      %add3A_2536 = vector.broadcast %add3A_2526 : f32 to vector<16xf32>
      %add3A_2537 = arith.addf %masked_cumsum3A_2535, %add3A_2536 : vector<16xf32>
      %le3A_2538 = arith.constant 2.550000e+01 : f32
      %le3A_2539 = vector.broadcast %le3A_2538 : f32 to vector<16xf32>
      %le3A_2540 = arith.cmpf ole, %add3A_2537, %le3A_2539 : vector<16xf32>
      %jit3A_2541 = arith.constant 0.000000e+00 : f32
      %broadcast_in_dim3A_2542 = vector.broadcast %jit3A_2541 : f32 to vector<16xf32>
      %select_n3A_2543 = arith.select %le3A_2540, %add3A_2537, %broadcast_in_dim3A_2542 : vector<16xi1>, vector<16xf32>
      %mul3A_2544 = arith.mulf %select_n3A_2543, %get3A_2532 : vector<16xf32>
      %swap3A_2545 = arith.constant 1 : i32
      %swap3A_2546 = arith.constant 2 : i32
      %swap3A_2547 = arith.index_cast %swap3A_2545 : i32 to index
      %swap3A_2548 = arith.index_cast %swap3A_2546 : i32 to index
      %swap3A_2549 = arith.constant 32 : index
      %swap3A_2550 = tpu.vector_load %arg5[%swap3A_2547, %swap3A_2548, %swap3A_2549] {strides = array<i32>} : memref<2x8x128xf32, #tpu.memory_space<vmem>>, vector<16xf32>,
      tpu.vector_store %arg5[%swap3A_2547, %swap3A_2548, %swap3A_2549], %mul3A_2544 {strides = array<i32>} : memref<2x8x128xf32, #tpu.memory_space<vmem>>, vector<16xf32>,
      %reduce_sum3A_2551 = arith.constant true
      %reduce_sum3A_2552 = vector.broadcast %reduce_sum3A_2551 : i1 to vector<16xi1>
      %reduce_sum3A_2553 = tpu.scan <sum>, %get3A_2532 masked %reduce_sum3A_2552 : vector<16xf32>, vector<16xi1> -> vector<16xf32>
      %reduce_sum3A_2554 = vector.extract %reduce_sum3A_2553[15] : f32 from vector<16xf32>
      %add3A_2555 = arith.addf %add3A_2526, %reduce_sum3A_2554 : f32
      %get3A_2556 = arith.constant 1 : i32
      %get3A_2557 = arith.constant 2 : i32
      %get3A_2558 = arith.index_cast %get3A_2556 : i32 to index
      %get3A_2559 = arith.index_cast %get3A_2557 : i32 to index
      %get3A_2560 = arith.constant 48 : index
      %get3A_2561 = tpu.vector_load %arg4[%get3A_2558, %get3A_2559, %get3A_2560] {strides = array<i32>} : memref<2x8x128xf32, #tpu.memory_space<vmem>>, vector<16xf32>,
      %broadcast_in_dim3A_2562 = arith.constant true
      %broadcast_in_dim3A_2563 = vector.broadcast %broadcast_in_dim3A_2562 : i1 to vector<16xi1>
      %masked_cumsum3A_2564 = tpu.scan <sum>, %get3A_2561 masked %broadcast_in_dim3A_2563 : vector<16xf32>, vector<16xi1> -> vector<16xf32>
      %add3A_2565 = vector.broadcast %add3A_2555 : f32 to vector<16xf32>
      %add3A_2566 = arith.addf %masked_cumsum3A_2564, %add3A_2565 : vector<16xf32>
      %le3A_2567 = arith.constant 2.550000e+01 : f32
      %le3A_2568 = vector.broadcast %le3A_2567 : f32 to vector<16xf32>
      %le3A_2569 = arith.cmpf ole, %add3A_2566, %le3A_2568 : vector<16xf32>
      %jit3A_2570 = arith.constant 0.000000e+00 : f32
      %broadcast_in_dim3A_2571 = vector.broadcast %jit3A_2570 : f32 to vector<16xf32>
      %select_n3A_2572 = arith.select %le3A_2569, %add3A_2566, %broadcast_in_dim3A_2571 : vector<16xi1>, vector<16xf32>
      %mul3A_2573 = arith.mulf %select_n3A_2572, %get3A_2561 : vector<16xf32>
      %swap3A_2574 = arith.constant 1 : i32
      %swap3A_2575 = arith.constant 2 : i32
      %swap3A_2576 = arith.index_cast %swap3A_2574 : i32 to index
      %swap3A_2577 = arith.index_cast %swap3A_2575 : i32 to index
      %swap3A_2578 = arith.constant 48 : index
      %swap3A_2579 = tpu.vector_load %arg5[%swap3A_2576, %swap3A_2577, %swap3A_2578] {strides = array<i32>} : memref<2x8x128xf32, #tpu.memory_space<vmem>>, vector<16xf32>,
      tpu.vector_store %arg5[%swap3A_2576, %swap3A_2577, %swap3A_2578], %mul3A_2573 {strides = array<i32>} : memref<2x8x128xf32, #tpu.memory_space<vmem>>, vector<16xf32>,
      %reduce_sum3A_2580 = arith.constant true
      %reduce_sum3A_2581 = vector.broadcast %reduce_sum3A_2580 : i1 to vector<16xi1>
      %reduce_sum3A_2582 = tpu.scan <sum>, %get3A_2561 masked %reduce_sum3A_2581 : vector<16xf32>, vector<16xi1> -> vector<16xf32>
      %reduce_sum3A_2583 = vector.extract %reduce_sum3A_2582[15] : f32 from vector<16xf32>
      %add3A_2584 = arith.addf %add3A_2555, %reduce_sum3A_2583 : f32
      %get3A_2585 = arith.constant 1 : i32
      %get3A_2586 = arith.constant 2 : i32
      %get3A_2587 = arith.index_cast %get3A_2585 : i32 to index
      %get3A_2588 = arith.index_cast %get3A_2586 : i32 to index
      %get3A_2589 = arith.constant 64 : index
      %get3A_2590 = tpu.vector_load %arg4[%get3A_2587, %get3A_2588, %get3A_2589] {strides = array<i32>} : memref<2x8x128xf32, #tpu.memory_space<vmem>>, vector<16xf32>,
      %broadcast_in_dim3A_2591 = arith.constant true
      %broadcast_in_dim3A_2592 = vector.broadcast %broadcast_in_dim3A_2591 : i1 to vector<16xi1>
      %masked_cumsum3A_2593 = tpu.scan <sum>, %get3A_2590 masked %broadcast_in_dim3A_2592 : vector<16xf32>, vector<16xi1> -> vector<16xf32>
      %add3A_2594 = vector.broadcast %add3A_2584 : f32 to vector<16xf32>
      %add3A_2595 = arith.addf %masked_cumsum3A_2593, %add3A_2594 : vector<16xf32>
      %le3A_2596 = arith.constant 2.550000e+01 : f32
      %le3A_2597 = vector.broadcast %le3A_2596 : f32 to vector<16xf32>
      %le3A_2598 = arith.cmpf ole, %add3A_2595, %le3A_2597 : vector<16xf32>
      %jit3A_2599 = arith.constant 0.000000e+00 : f32
      %broadcast_in_dim3A_2600 = vector.broadcast %jit3A_2599 : f32 to vector<16xf32>
      %select_n3A_2601 = arith.select %le3A_2598, %add3A_2595, %broadcast_in_dim3A_2600 : vector<16xi1>, vector<16xf32>
      %mul3A_2602 = arith.mulf %select_n3A_2601, %get3A_2590 : vector<16xf32>
      %swap3A_2603 = arith.constant 1 : i32
      %swap3A_2604 = arith.constant 2 : i32
      %swap3A_2605 = arith.index_cast %swap3A_2603 : i32 to index
      %swap3A_2606 = arith.index_cast %swap3A_2604 : i32 to index
      %swap3A_2607 = arith.constant 64 : index
      %swap3A_2608 = tpu.vector_load %arg5[%swap3A_2605, %swap3A_2606, %swap3A_2607] {strides = array<i32>} : memref<2x8x128xf32, #tpu.memory_space<vmem>>, vector<16xf32>,
      tpu.vector_store %arg5[%swap3A_2605, %swap3A_2606, %swap3A_2607], %mul3A_2602 {strides = array<i32>} : memref<2x8x128xf32, #tpu.memory_space<vmem>>, vector<16xf32>,
      %reduce_sum3A_2609 = arith.constant true
      %reduce_sum3A_2610 = vector.broadcast %reduce_sum3A_2609 : i1 to vector<16xi1>
      %reduce_sum3A_2611 = tpu.scan <sum>, %get3A_2590 masked %reduce_sum3A_2610 : vector<16xf32>, vector<16xi1> -> vector<16xf32>
      %reduce_sum3A_2612 = vector.extract %reduce_sum3A_2611[15] : f32 from vector<16xf32>
      %add3A_2613 = arith.addf %add3A_2584, %reduce_sum3A_2612 : f32
      %get3A_2614 = arith.constant 1 : i32
      %get3A_2615 = arith.constant 2 : i32
      %get3A_2616 = arith.index_cast %get3A_2614 : i32 to index
      %get3A_2617 = arith.index_cast %get3A_2615 : i32 to index
      %get3A_2618 = arith.constant 80 : index
      %get3A_2619 = tpu.vector_load %arg4[%get3A_2616, %get3A_2617, %get3A_2618] {strides = array<i32>} : memref<2x8x128xf32, #tpu.memory_space<vmem>>, vector<16xf32>,
      %broadcast_in_dim3A_2620 = arith.constant true
      %broadcast_in_dim3A_2621 = vector.broadcast %broadcast_in_dim3A_2620 : i1 to vector<16xi1>
      %masked_cumsum3A_2622 = tpu.scan <sum>, %get3A_2619 masked %broadcast_in_dim3A_2621 : vector<16xf32>, vector<16xi1> -> vector<16xf32>
      %add3A_2623 = vector.broadcast %add3A_2613 : f32 to vector<16xf32>
      %add3A_2624 = arith.addf %masked_cumsum3A_2622, %add3A_2623 : vector<16xf32>
      %le3A_2625 = arith.constant 2.550000e+01 : f32
      %le3A_2626 = vector.broadcast %le3A_2625 : f32 to vector<16xf32>
      %le3A_2627 = arith.cmpf ole, %add3A_2624, %le3A_2626 : vector<16xf32>
      %jit3A_2628 = arith.constant 0.000000e+00 : f32
      %broadcast_in_dim3A_2629 = vector.broadcast %jit3A_2628 : f32 to vector<16xf32>
      %select_n3A_2630 = arith.select %le3A_2627, %add3A_2624, %broadcast_in_dim3A_2629 : vector<16xi1>, vector<16xf32>
      %mul3A_2631 = arith.mulf %select_n3A_2630, %get3A_2619 : vector<16xf32>
      %swap3A_2632 = arith.constant 1 : i32
      %swap3A_2633 = arith.constant 2 : i32
      %swap3A_2634 = arith.index_cast %swap3A_2632 : i32 to index
      %swap3A_2635 = arith.index_cast %swap3A_2633 : i32 to index
      %swap3A_2636 = arith.constant 80 : index
      %swap3A_2637 = tpu.vector_load %arg5[%swap3A_2634, %swap3A_2635, %swap3A_2636] {strides = array<i32>} : memref<2x8x128xf32, #tpu.memory_space<vmem>>, vector<16xf32>,
      tpu.vector_store %arg5[%swap3A_2634, %swap3A_2635, %swap3A_2636], %mul3A_2631 {strides = array<i32>} : memref<2x8x128xf32, #tpu.memory_space<vmem>>, vector<16xf32>,
      %reduce_sum3A_2638 = arith.constant true
      %reduce_sum3A_2639 = vector.broadcast %reduce_sum3A_2638 : i1 to vector<16xi1>
      %reduce_sum3A_2640 = tpu.scan <sum>, %get3A_2619 masked %reduce_sum3A_2639 : vector<16xf32>, vector<16xi1> -> vector<16xf32>
      %reduce_sum3A_2641 = vector.extract %reduce_sum3A_2640[15] : f32 from vector<16xf32>
      %add3A_2642 = arith.addf %add3A_2613, %reduce_sum3A_2641 : f32
      %get3A_2643 = arith.constant 1 : i32
      %get3A_2644 = arith.constant 2 : i32
      %get3A_2645 = arith.index_cast %get3A_2643 : i32 to index
      %get3A_2646 = arith.index_cast %get3A_2644 : i32 to index
      %get3A_2647 = arith.constant 96 : index
      %get3A_2648 = tpu.vector_load %arg4[%get3A_2645, %get3A_2646, %get3A_2647] {strides = array<i32>} : memref<2x8x128xf32, #tpu.memory_space<vmem>>, vector<16xf32>,
      %broadcast_in_dim3A_2649 = arith.constant true
      %broadcast_in_dim3A_2650 = vector.broadcast %broadcast_in_dim3A_2649 : i1 to vector<16xi1>
      %masked_cumsum3A_2651 = tpu.scan <sum>, %get3A_2648 masked %broadcast_in_dim3A_2650 : vector<16xf32>, vector<16xi1> -> vector<16xf32>
      %add3A_2652 = vector.broadcast %add3A_2642 : f32 to vector<16xf32>
      %add3A_2653 = arith.addf %masked_cumsum3A_2651, %add3A_2652 : vector<16xf32>
      %le3A_2654 = arith.constant 2.550000e+01 : f32
      %le3A_2655 = vector.broadcast %le3A_2654 : f32 to vector<16xf32>
      %le3A_2656 = arith.cmpf ole, %add3A_2653, %le3A_2655 : vector<16xf32>
      %jit3A_2657 = arith.constant 0.000000e+00 : f32
      %broadcast_in_dim3A_2658 = vector.broadcast %jit3A_2657 : f32 to vector<16xf32>
      %select_n3A_2659 = arith.select %le3A_2656, %add3A_2653, %broadcast_in_dim3A_2658 : vector<16xi1>, vector<16xf32>
      %mul3A_2660 = arith.mulf %select_n3A_2659, %get3A_2648 : vector<16xf32>
      %swap3A_2661 = arith.constant 1 : i32
      %swap3A_2662 = arith.constant 2 : i32
      %swap3A_2663 = arith.index_cast %swap3A_2661 : i32 to index
      %swap3A_2664 = arith.index_cast %swap3A_2662 : i32 to index
      %swap3A_2665 = arith.constant 96 : index
      %swap3A_2666 = tpu.vector_load %arg5[%swap3A_2663, %swap3A_2664, %swap3A_2665] {strides = array<i32>} : memref<2x8x128xf32, #tpu.memory_space<vmem>>, vector<16xf32>,
      tpu.vector_store %arg5[%swap3A_2663, %swap3A_2664, %swap3A_2665], %mul3A_2660 {strides = array<i32>} : memref<2x8x128xf32, #tpu.memory_space<vmem>>, vector<16xf32>,
      %reduce_sum3A_2667 = arith.constant true
      %reduce_sum3A_2668 = vector.broadcast %reduce_sum3A_2667 : i1 to vector<16xi1>
      %reduce_sum3A_2669 = tpu.scan <sum>, %get3A_2648 masked %reduce_sum3A_2668 : vector<16xf32>, vector<16xi1> -> vector<16xf32>
      %reduce_sum3A_2670 = vector.extract %reduce_sum3A_2669[15] : f32 from vector<16xf32>
      %add3A_2671 = arith.addf %add3A_2642, %reduce_sum3A_2670 : f32
      %get3A_2672 = arith.constant 1 : i32
      %get3A_2673 = arith.constant 2 : i32
      %get3A_2674 = arith.index_cast %get3A_2672 : i32 to index
      %get3A_2675 = arith.index_cast %get3A_2673 : i32 to index
      %get3A_2676 = arith.constant 112 : index
      %get3A_2677 = tpu.vector_load %arg4[%get3A_2674, %get3A_2675, %get3A_2676] {strides = array<i32>} : memref<2x8x128xf32, #tpu.memory_space<vmem>>, vector<16xf32>,
      %broadcast_in_dim3A_2678 = arith.constant true
      %broadcast_in_dim3A_2679 = vector.broadcast %broadcast_in_dim3A_2678 : i1 to vector<16xi1>
      %masked_cumsum3A_2680 = tpu.scan <sum>, %get3A_2677 masked %broadcast_in_dim3A_2679 : vector<16xf32>, vector<16xi1> -> vector<16xf32>
      %add3A_2681 = vector.broadcast %add3A_2671 : f32 to vector<16xf32>
      %add3A_2682 = arith.addf %masked_cumsum3A_2680, %add3A_2681 : vector<16xf32>
      %le3A_2683 = arith.constant 2.550000e+01 : f32
      %le3A_2684 = vector.broadcast %le3A_2683 : f32 to vector<16xf32>
      %le3A_2685 = arith.cmpf ole, %add3A_2682, %le3A_2684 : vector<16xf32>
      %jit3A_2686 = arith.constant 0.000000e+00 : f32
      %broadcast_in_dim3A_2687 = vector.broadcast %jit3A_2686 : f32 to vector<16xf32>
      %select_n3A_2688 = arith.select %le3A_2685, %add3A_2682, %broadcast_in_dim3A_2687 : vector<16xi1>, vector<16xf32>
      %mul3A_2689 = arith.mulf %select_n3A_2688, %get3A_2677 : vector<16xf32>
      %swap3A_2690 = arith.constant 1 : i32
      %swap3A_2691 = arith.constant 2 : i32
      %swap3A_2692 = arith.index_cast %swap3A_2690 : i32 to index
      %swap3A_2693 = arith.index_cast %swap3A_2691 : i32 to index
      %swap3A_2694 = arith.constant 112 : index
      %swap3A_2695 = tpu.vector_load %arg5[%swap3A_2692, %swap3A_2693, %swap3A_2694] {strides = array<i32>} : memref<2x8x128xf32, #tpu.memory_space<vmem>>, vector<16xf32>,
      tpu.vector_store %arg5[%swap3A_2692, %swap3A_2693, %swap3A_2694], %mul3A_2689 {strides = array<i32>} : memref<2x8x128xf32, #tpu.memory_space<vmem>>, vector<16xf32>,
      %reduce_sum3A_2696 = arith.constant true
      %reduce_sum3A_2697 = vector.broadcast %reduce_sum3A_2696 : i1 to vector<16xi1>
      %reduce_sum3A_2698 = tpu.scan <sum>, %get3A_2677 masked %reduce_sum3A_2697 : vector<16xf32>, vector<16xi1> -> vector<16xf32>
      %reduce_sum3A_2699 = vector.extract %reduce_sum3A_2698[15] : f32 from vector<16xf32>
      %add3A_2700 = arith.addf %add3A_2671, %reduce_sum3A_2699 : f32
      %get3A_2701 = arith.constant 1 : i32
      %get3A_2702 = arith.constant 3 : i32
      %get3A_2703 = arith.index_cast %get3A_2701 : i32 to index
      %get3A_2704 = arith.index_cast %get3A_2702 : i32 to index
      %get3A_2705 = arith.constant 0 : index
      %get3A_2706 = tpu.vector_load %arg4[%get3A_2703, %get3A_2704, %get3A_2705] {strides = array<i32>} : memref<2x8x128xf32, #tpu.memory_space<vmem>>, vector<16xf32>,
      %broadcast_in_dim3A_2707 = arith.constant true
      %broadcast_in_dim3A_2708 = vector.broadcast %broadcast_in_dim3A_2707 : i1 to vector<16xi1>
      %masked_cumsum3A_2709 = tpu.scan <sum>, %get3A_2706 masked %broadcast_in_dim3A_2708 : vector<16xf32>, vector<16xi1> -> vector<16xf32>
      %add3A_2710 = arith.constant 0.000000e+00 : f32
      %add3A_2711 = vector.broadcast %add3A_2710 : f32 to vector<16xf32>
      %add3A_2712 = arith.addf %masked_cumsum3A_2709, %add3A_2711 : vector<16xf32>
      %le3A_2713 = arith.constant 2.550000e+01 : f32
      %le3A_2714 = vector.broadcast %le3A_2713 : f32 to vector<16xf32>
      %le3A_2715 = arith.cmpf ole, %add3A_2712, %le3A_2714 : vector<16xf32>
      %jit3A_2716 = arith.constant 0.000000e+00 : f32
      %broadcast_in_dim3A_2717 = vector.broadcast %jit3A_2716 : f32 to vector<16xf32>
      %select_n3A_2718 = arith.select %le3A_2715, %add3A_2712, %broadcast_in_dim3A_2717 : vector<16xi1>, vector<16xf32>
      %mul3A_2719 = arith.mulf %select_n3A_2718, %get3A_2706 : vector<16xf32>
      %swap3A_2720 = arith.constant 1 : i32
      %swap3A_2721 = arith.constant 3 : i32
      %swap3A_2722 = arith.index_cast %swap3A_2720 : i32 to index
      %swap3A_2723 = arith.index_cast %swap3A_2721 : i32 to index
      %swap3A_2724 = arith.constant 0 : index
      %swap3A_2725 = tpu.vector_load %arg5[%swap3A_2722, %swap3A_2723, %swap3A_2724] {strides = array<i32>} : memref<2x8x128xf32, #tpu.memory_space<vmem>>, vector<16xf32>,
      tpu.vector_store %arg5[%swap3A_2722, %swap3A_2723, %swap3A_2724], %mul3A_2719 {strides = array<i32>} : memref<2x8x128xf32, #tpu.memory_space<vmem>>, vector<16xf32>,
      %reduce_sum3A_2726 = arith.constant true
      %reduce_sum3A_2727 = vector.broadcast %reduce_sum3A_2726 : i1 to vector<16xi1>
      %reduce_sum3A_2728 = tpu.scan <sum>, %get3A_2706 masked %reduce_sum3A_2727 : vector<16xf32>, vector<16xi1> -> vector<16xf32>
      %reduce_sum3A_2729 = vector.extract %reduce_sum3A_2728[15] : f32 from vector<16xf32>
      %add3A_2730 = arith.constant 0.000000e+00 : f32
      %add3A_2731 = arith.addf %add3A_2730, %reduce_sum3A_2729 : f32
      %get3A_2732 = arith.constant 1 : i32
      %get3A_2733 = arith.constant 3 : i32
      %get3A_2734 = arith.index_cast %get3A_2732 : i32 to index
      %get3A_2735 = arith.index_cast %get3A_2733 : i32 to index
      %get3A_2736 = arith.constant 16 : index
      %get3A_2737 = tpu.vector_load %arg4[%get3A_2734, %get3A_2735, %get3A_2736] {strides = array<i32>} : memref<2x8x128xf32, #tpu.memory_space<vmem>>, vector<16xf32>,
      %broadcast_in_dim3A_2738 = arith.constant true
      %broadcast_in_dim3A_2739 = vector.broadcast %broadcast_in_dim3A_2738 : i1 to vector<16xi1>
      %masked_cumsum3A_2740 = tpu.scan <sum>, %get3A_2737 masked %broadcast_in_dim3A_2739 : vector<16xf32>, vector<16xi1> -> vector<16xf32>
      %add3A_2741 = vector.broadcast %add3A_2731 : f32 to vector<16xf32>
      %add3A_2742 = arith.addf %masked_cumsum3A_2740, %add3A_2741 : vector<16xf32>
      %le3A_2743 = arith.constant 2.550000e+01 : f32
      %le3A_2744 = vector.broadcast %le3A_2743 : f32 to vector<16xf32>
      %le3A_2745 = arith.cmpf ole, %add3A_2742, %le3A_2744 : vector<16xf32>
      %jit3A_2746 = arith.constant 0.000000e+00 : f32
      %broadcast_in_dim3A_2747 = vector.broadcast %jit3A_2746 : f32 to vector<16xf32>
      %select_n3A_2748 = arith.select %le3A_2745, %add3A_2742, %broadcast_in_dim3A_2747 : vector<16xi1>, vector<16xf32>
      %mul3A_2749 = arith.mulf %select_n3A_2748, %get3A_2737 : vector<16xf32>
      %swap3A_2750 = arith.constant 1 : i32
      %swap3A_2751 = arith.constant 3 : i32
      %swap3A_2752 = arith.index_cast %swap3A_2750 : i32 to index
      %swap3A_2753 = arith.index_cast %swap3A_2751 : i32 to index
      %swap3A_2754 = arith.constant 16 : index
      %swap3A_2755 = tpu.vector_load %arg5[%swap3A_2752, %swap3A_2753, %swap3A_2754] {strides = array<i32>} : memref<2x8x128xf32, #tpu.memory_space<vmem>>, vector<16xf32>,
      tpu.vector_store %arg5[%swap3A_2752, %swap3A_2753, %swap3A_2754], %mul3A_2749 {strides = array<i32>} : memref<2x8x128xf32, #tpu.memory_space<vmem>>, vector<16xf32>,
      %reduce_sum3A_2756 = arith.constant true
      %reduce_sum3A_2757 = vector.broadcast %reduce_sum3A_2756 : i1 to vector<16xi1>
      %reduce_sum3A_2758 = tpu.scan <sum>, %get3A_2737 masked %reduce_sum3A_2757 : vector<16xf32>, vector<16xi1> -> vector<16xf32>
      %reduce_sum3A_2759 = vector.extract %reduce_sum3A_2758[15] : f32 from vector<16xf32>
      %add3A_2760 = arith.addf %add3A_2731, %reduce_sum3A_2759 : f32
      %get3A_2761 = arith.constant 1 : i32
      %get3A_2762 = arith.constant 3 : i32
      %get3A_2763 = arith.index_cast %get3A_2761 : i32 to index
      %get3A_2764 = arith.index_cast %get3A_2762 : i32 to index
      %get3A_2765 = arith.constant 32 : index
      %get3A_2766 = tpu.vector_load %arg4[%get3A_2763, %get3A_2764, %get3A_2765] {strides = array<i32>} : memref<2x8x128xf32, #tpu.memory_space<vmem>>, vector<16xf32>,
      %broadcast_in_dim3A_2767 = arith.constant true
      %broadcast_in_dim3A_2768 = vector.broadcast %broadcast_in_dim3A_2767 : i1 to vector<16xi1>
      %masked_cumsum3A_2769 = tpu.scan <sum>, %get3A_2766 masked %broadcast_in_dim3A_2768 : vector<16xf32>, vector<16xi1> -> vector<16xf32>
      %add3A_2770 = vector.broadcast %add3A_2760 : f32 to vector<16xf32>
      %add3A_2771 = arith.addf %masked_cumsum3A_2769, %add3A_2770 : vector<16xf32>
      %le3A_2772 = arith.constant 2.550000e+01 : f32
      %le3A_2773 = vector.broadcast %le3A_2772 : f32 to vector<16xf32>
      %le3A_2774 = arith.cmpf ole, %add3A_2771, %le3A_2773 : vector<16xf32>
      %jit3A_2775 = arith.constant 0.000000e+00 : f32
      %broadcast_in_dim3A_2776 = vector.broadcast %jit3A_2775 : f32 to vector<16xf32>
      %select_n3A_2777 = arith.select %le3A_2774, %add3A_2771, %broadcast_in_dim3A_2776 : vector<16xi1>, vector<16xf32>
      %mul3A_2778 = arith.mulf %select_n3A_2777, %get3A_2766 : vector<16xf32>
      %swap3A_2779 = arith.constant 1 : i32
      %swap3A_2780 = arith.constant 3 : i32
      %swap3A_2781 = arith.index_cast %swap3A_2779 : i32 to index
      %swap3A_2782 = arith.index_cast %swap3A_2780 : i32 to index
      %swap3A_2783 = arith.constant 32 : index
      %swap3A_2784 = tpu.vector_load %arg5[%swap3A_2781, %swap3A_2782, %swap3A_2783] {strides = array<i32>} : memref<2x8x128xf32, #tpu.memory_space<vmem>>, vector<16xf32>,
      tpu.vector_store %arg5[%swap3A_2781, %swap3A_2782, %swap3A_2783], %mul3A_2778 {strides = array<i32>} : memref<2x8x128xf32, #tpu.memory_space<vmem>>, vector<16xf32>,
      %reduce_sum3A_2785 = arith.constant true
      %reduce_sum3A_2786 = vector.broadcast %reduce_sum3A_2785 : i1 to vector<16xi1>
      %reduce_sum3A_2787 = tpu.scan <sum>, %get3A_2766 masked %reduce_sum3A_2786 : vector<16xf32>, vector<16xi1> -> vector<16xf32>
      %reduce_sum3A_2788 = vector.extract %reduce_sum3A_2787[15] : f32 from vector<16xf32>
      %add3A_2789 = arith.addf %add3A_2760, %reduce_sum3A_2788 : f32
      %get3A_2790 = arith.constant 1 : i32
      %get3A_2791 = arith.constant 3 : i32
      %get3A_2792 = arith.index_cast %get3A_2790 : i32 to index
      %get3A_2793 = arith.index_cast %get3A_2791 : i32 to index
      %get3A_2794 = arith.constant 48 : index
      %get3A_2795 = tpu.vector_load %arg4[%get3A_2792, %get3A_2793, %get3A_2794] {strides = array<i32>} : memref<2x8x128xf32, #tpu.memory_space<vmem>>, vector<16xf32>,
      %broadcast_in_dim3A_2796 = arith.constant true
      %broadcast_in_dim3A_2797 = vector.broadcast %broadcast_in_dim3A_2796 : i1 to vector<16xi1>
      %masked_cumsum3A_2798 = tpu.scan <sum>, %get3A_2795 masked %broadcast_in_dim3A_2797 : vector<16xf32>, vector<16xi1> -> vector<16xf32>
      %add3A_2799 = vector.broadcast %add3A_2789 : f32 to vector<16xf32>
      %add3A_2800 = arith.addf %masked_cumsum3A_2798, %add3A_2799 : vector<16xf32>
      %le3A_2801 = arith.constant 2.550000e+01 : f32
      %le3A_2802 = vector.broadcast %le3A_2801 : f32 to vector<16xf32>
      %le3A_2803 = arith.cmpf ole, %add3A_2800, %le3A_2802 : vector<16xf32>
      %jit3A_2804 = arith.constant 0.000000e+00 : f32
      %broadcast_in_dim3A_2805 = vector.broadcast %jit3A_2804 : f32 to vector<16xf32>
      %select_n3A_2806 = arith.select %le3A_2803, %add3A_2800, %broadcast_in_dim3A_2805 : vector<16xi1>, vector<16xf32>
      %mul3A_2807 = arith.mulf %select_n3A_2806, %get3A_2795 : vector<16xf32>
      %swap3A_2808 = arith.constant 1 : i32
      %swap3A_2809 = arith.constant 3 : i32
      %swap3A_2810 = arith.index_cast %swap3A_2808 : i32 to index
      %swap3A_2811 = arith.index_cast %swap3A_2809 : i32 to index
      %swap3A_2812 = arith.constant 48 : index
      %swap3A_2813 = tpu.vector_load %arg5[%swap3A_2810, %swap3A_2811, %swap3A_2812] {strides = array<i32>} : memref<2x8x128xf32, #tpu.memory_space<vmem>>, vector<16xf32>,
      tpu.vector_store %arg5[%swap3A_2810, %swap3A_2811, %swap3A_2812], %mul3A_2807 {strides = array<i32>} : memref<2x8x128xf32, #tpu.memory_space<vmem>>, vector<16xf32>,
      %reduce_sum3A_2814 = arith.constant true
      %reduce_sum3A_2815 = vector.broadcast %reduce_sum3A_2814 : i1 to vector<16xi1>
      %reduce_sum3A_2816 = tpu.scan <sum>, %get3A_2795 masked %reduce_sum3A_2815 : vector<16xf32>, vector<16xi1> -> vector<16xf32>
      %reduce_sum3A_2817 = vector.extract %reduce_sum3A_2816[15] : f32 from vector<16xf32>
      %add3A_2818 = arith.addf %add3A_2789, %reduce_sum3A_2817 : f32
      %get3A_2819 = arith.constant 1 : i32
      %get3A_2820 = arith.constant 3 : i32
      %get3A_2821 = arith.index_cast %get3A_2819 : i32 to index
      %get3A_2822 = arith.index_cast %get3A_2820 : i32 to index
      %get3A_2823 = arith.constant 64 : index
      %get3A_2824 = tpu.vector_load %arg4[%get3A_2821, %get3A_2822, %get3A_2823] {strides = array<i32>} : memref<2x8x128xf32, #tpu.memory_space<vmem>>, vector<16xf32>,
      %broadcast_in_dim3A_2825 = arith.constant true
      %broadcast_in_dim3A_2826 = vector.broadcast %broadcast_in_dim3A_2825 : i1 to vector<16xi1>
      %masked_cumsum3A_2827 = tpu.scan <sum>, %get3A_2824 masked %broadcast_in_dim3A_2826 : vector<16xf32>, vector<16xi1> -> vector<16xf32>
      %add3A_2828 = vector.broadcast %add3A_2818 : f32 to vector<16xf32>
      %add3A_2829 = arith.addf %masked_cumsum3A_2827, %add3A_2828 : vector<16xf32>
      %le3A_2830 = arith.constant 2.550000e+01 : f32
      %le3A_2831 = vector.broadcast %le3A_2830 : f32 to vector<16xf32>
      %le3A_2832 = arith.cmpf ole, %add3A_2829, %le3A_2831 : vector<16xf32>
      %jit3A_2833 = arith.constant 0.000000e+00 : f32
      %broadcast_in_dim3A_2834 = vector.broadcast %jit3A_2833 : f32 to vector<16xf32>
      %select_n3A_2835 = arith.select %le3A_2832, %add3A_2829, %broadcast_in_dim3A_2834 : vector<16xi1>, vector<16xf32>
      %mul3A_2836 = arith.mulf %select_n3A_2835, %get3A_2824 : vector<16xf32>
      %swap3A_2837 = arith.constant 1 : i32
      %swap3A_2838 = arith.constant 3 : i32
      %swap3A_2839 = arith.index_cast %swap3A_2837 : i32 to index
      %swap3A_2840 = arith.index_cast %swap3A_2838 : i32 to index
      %swap3A_2841 = arith.constant 64 : index
      %swap3A_2842 = tpu.vector_load %arg5[%swap3A_2839, %swap3A_2840, %swap3A_2841] {strides = array<i32>} : memref<2x8x128xf32, #tpu.memory_space<vmem>>, vector<16xf32>,
      tpu.vector_store %arg5[%swap3A_2839, %swap3A_2840, %swap3A_2841], %mul3A_2836 {strides = array<i32>} : memref<2x8x128xf32, #tpu.memory_space<vmem>>, vector<16xf32>,
      %reduce_sum3A_2843 = arith.constant true
      %reduce_sum3A_2844 = vector.broadcast %reduce_sum3A_2843 : i1 to vector<16xi1>
      %reduce_sum3A_2845 = tpu.scan <sum>, %get3A_2824 masked %reduce_sum3A_2844 : vector<16xf32>, vector<16xi1> -> vector<16xf32>
      %reduce_sum3A_2846 = vector.extract %reduce_sum3A_2845[15] : f32 from vector<16xf32>
      %add3A_2847 = arith.addf %add3A_2818, %reduce_sum3A_2846 : f32
      %get3A_2848 = arith.constant 1 : i32
      %get3A_2849 = arith.constant 3 : i32
      %get3A_2850 = arith.index_cast %get3A_2848 : i32 to index
      %get3A_2851 = arith.index_cast %get3A_2849 : i32 to index
      %get3A_2852 = arith.constant 80 : index
      %get3A_2853 = tpu.vector_load %arg4[%get3A_2850, %get3A_2851, %get3A_2852] {strides = array<i32>} : memref<2x8x128xf32, #tpu.memory_space<vmem>>, vector<16xf32>,
      %broadcast_in_dim3A_2854 = arith.constant true
      %broadcast_in_dim3A_2855 = vector.broadcast %broadcast_in_dim3A_2854 : i1 to vector<16xi1>
      %masked_cumsum3A_2856 = tpu.scan <sum>, %get3A_2853 masked %broadcast_in_dim3A_2855 : vector<16xf32>, vector<16xi1> -> vector<16xf32>
      %add3A_2857 = vector.broadcast %add3A_2847 : f32 to vector<16xf32>
      %add3A_2858 = arith.addf %masked_cumsum3A_2856, %add3A_2857 : vector<16xf32>
      %le3A_2859 = arith.constant 2.550000e+01 : f32
      %le3A_2860 = vector.broadcast %le3A_2859 : f32 to vector<16xf32>
      %le3A_2861 = arith.cmpf ole, %add3A_2858, %le3A_2860 : vector<16xf32>
      %jit3A_2862 = arith.constant 0.000000e+00 : f32
      %broadcast_in_dim3A_2863 = vector.broadcast %jit3A_2862 : f32 to vector<16xf32>
      %select_n3A_2864 = arith.select %le3A_2861, %add3A_2858, %broadcast_in_dim3A_2863 : vector<16xi1>, vector<16xf32>
      %mul3A_2865 = arith.mulf %select_n3A_2864, %get3A_2853 : vector<16xf32>
      %swap3A_2866 = arith.constant 1 : i32
      %swap3A_2867 = arith.constant 3 : i32
      %swap3A_2868 = arith.index_cast %swap3A_2866 : i32 to index
      %swap3A_2869 = arith.index_cast %swap3A_2867 : i32 to index
      %swap3A_2870 = arith.constant 80 : index
      %swap3A_2871 = tpu.vector_load %arg5[%swap3A_2868, %swap3A_2869, %swap3A_2870] {strides = array<i32>} : memref<2x8x128xf32, #tpu.memory_space<vmem>>, vector<16xf32>,
      tpu.vector_store %arg5[%swap3A_2868, %swap3A_2869, %swap3A_2870], %mul3A_2865 {strides = array<i32>} : memref<2x8x128xf32, #tpu.memory_space<vmem>>, vector<16xf32>,
      %reduce_sum3A_2872 = arith.constant true
      %reduce_sum3A_2873 = vector.broadcast %reduce_sum3A_2872 : i1 to vector<16xi1>
      %reduce_sum3A_2874 = tpu.scan <sum>, %get3A_2853 masked %reduce_sum3A_2873 : vector<16xf32>, vector<16xi1> -> vector<16xf32>
      %reduce_sum3A_2875 = vector.extract %reduce_sum3A_2874[15] : f32 from vector<16xf32>
      %add3A_2876 = arith.addf %add3A_2847, %reduce_sum3A_2875 : f32
      %get3A_2877 = arith.constant 1 : i32
      %get3A_2878 = arith.constant 3 : i32
      %get3A_2879 = arith.index_cast %get3A_2877 : i32 to index
      %get3A_2880 = arith.index_cast %get3A_2878 : i32 to index
      %get3A_2881 = arith.constant 96 : index
      %get3A_2882 = tpu.vector_load %arg4[%get3A_2879, %get3A_2880, %get3A_2881] {strides = array<i32>} : memref<2x8x128xf32, #tpu.memory_space<vmem>>, vector<16xf32>,
      %broadcast_in_dim3A_2883 = arith.constant true
      %broadcast_in_dim3A_2884 = vector.broadcast %broadcast_in_dim3A_2883 : i1 to vector<16xi1>
      %masked_cumsum3A_2885 = tpu.scan <sum>, %get3A_2882 masked %broadcast_in_dim3A_2884 : vector<16xf32>, vector<16xi1> -> vector<16xf32>
      %add3A_2886 = vector.broadcast %add3A_2876 : f32 to vector<16xf32>
      %add3A_2887 = arith.addf %masked_cumsum3A_2885, %add3A_2886 : vector<16xf32>
      %le3A_2888 = arith.constant 2.550000e+01 : f32
      %le3A_2889 = vector.broadcast %le3A_2888 : f32 to vector<16xf32>
      %le3A_2890 = arith.cmpf ole, %add3A_2887, %le3A_2889 : vector<16xf32>
      %jit3A_2891 = arith.constant 0.000000e+00 : f32
      %broadcast_in_dim3A_2892 = vector.broadcast %jit3A_2891 : f32 to vector<16xf32>
      %select_n3A_2893 = arith.select %le3A_2890, %add3A_2887, %broadcast_in_dim3A_2892 : vector<16xi1>, vector<16xf32>
      %mul3A_2894 = arith.mulf %select_n3A_2893, %get3A_2882 : vector<16xf32>
      %swap3A_2895 = arith.constant 1 : i32
      %swap3A_2896 = arith.constant 3 : i32
      %swap3A_2897 = arith.index_cast %swap3A_2895 : i32 to index
      %swap3A_2898 = arith.index_cast %swap3A_2896 : i32 to index
      %swap3A_2899 = arith.constant 96 : index
      %swap3A_2900 = tpu.vector_load %arg5[%swap3A_2897, %swap3A_2898, %swap3A_2899] {strides = array<i32>} : memref<2x8x128xf32, #tpu.memory_space<vmem>>, vector<16xf32>,
      tpu.vector_store %arg5[%swap3A_2897, %swap3A_2898, %swap3A_2899], %mul3A_2894 {strides = array<i32>} : memref<2x8x128xf32, #tpu.memory_space<vmem>>, vector<16xf32>,
      %reduce_sum3A_2901 = arith.constant true
      %reduce_sum3A_2902 = vector.broadcast %reduce_sum3A_2901 : i1 to vector<16xi1>
      %reduce_sum3A_2903 = tpu.scan <sum>, %get3A_2882 masked %reduce_sum3A_2902 : vector<16xf32>, vector<16xi1> -> vector<16xf32>
      %reduce_sum3A_2904 = vector.extract %reduce_sum3A_2903[15] : f32 from vector<16xf32>
      %add3A_2905 = arith.addf %add3A_2876, %reduce_sum3A_2904 : f32
      %get3A_2906 = arith.constant 1 : i32
      %get3A_2907 = arith.constant 3 : i32
      %get3A_2908 = arith.index_cast %get3A_2906 : i32 to index
      %get3A_2909 = arith.index_cast %get3A_2907 : i32 to index
      %get3A_2910 = arith.constant 112 : index
      %get3A_2911 = tpu.vector_load %arg4[%get3A_2908, %get3A_2909, %get3A_2910] {strides = array<i32>} : memref<2x8x128xf32, #tpu.memory_space<vmem>>, vector<16xf32>,
      %broadcast_in_dim3A_2912 = arith.constant true
      %broadcast_in_dim3A_2913 = vector.broadcast %broadcast_in_dim3A_2912 : i1 to vector<16xi1>
      %masked_cumsum3A_2914 = tpu.scan <sum>, %get3A_2911 masked %broadcast_in_dim3A_2913 : vector<16xf32>, vector<16xi1> -> vector<16xf32>
      %add3A_2915 = vector.broadcast %add3A_2905 : f32 to vector<16xf32>
      %add3A_2916 = arith.addf %masked_cumsum3A_2914, %add3A_2915 : vector<16xf32>
      %le3A_2917 = arith.constant 2.550000e+01 : f32
      %le3A_2918 = vector.broadcast %le3A_2917 : f32 to vector<16xf32>
      %le3A_2919 = arith.cmpf ole, %add3A_2916, %le3A_2918 : vector<16xf32>
      %jit3A_2920 = arith.constant 0.000000e+00 : f32
      %broadcast_in_dim3A_2921 = vector.broadcast %jit3A_2920 : f32 to vector<16xf32>
      %select_n3A_2922 = arith.select %le3A_2919, %add3A_2916, %broadcast_in_dim3A_2921 : vector<16xi1>, vector<16xf32>
      %mul3A_2923 = arith.mulf %select_n3A_2922, %get3A_2911 : vector<16xf32>
      %swap3A_2924 = arith.constant 1 : i32
      %swap3A_2925 = arith.constant 3 : i32
      %swap3A_2926 = arith.index_cast %swap3A_2924 : i32 to index
      %swap3A_2927 = arith.index_cast %swap3A_2925 : i32 to index
      %swap3A_2928 = arith.constant 112 : index
      %swap3A_2929 = tpu.vector_load %arg5[%swap3A_2926, %swap3A_2927, %swap3A_2928] {strides = array<i32>} : memref<2x8x128xf32, #tpu.memory_space<vmem>>, vector<16xf32>,
      tpu.vector_store %arg5[%swap3A_2926, %swap3A_2927, %swap3A_2928], %mul3A_2923 {strides = array<i32>} : memref<2x8x128xf32, #tpu.memory_space<vmem>>, vector<16xf32>,
      %reduce_sum3A_2930 = arith.constant true
      %reduce_sum3A_2931 = vector.broadcast %reduce_sum3A_2930 : i1 to vector<16xi1>
      %reduce_sum3A_2932 = tpu.scan <sum>, %get3A_2911 masked %reduce_sum3A_2931 : vector<16xf32>, vector<16xi1> -> vector<16xf32>
      %reduce_sum3A_2933 = vector.extract %reduce_sum3A_2932[15] : f32 from vector<16xf32>
      %add3A_2934 = arith.addf %add3A_2905, %reduce_sum3A_2933 : f32
      %get3A_2935 = arith.constant 1 : i32
      %get3A_2936 = arith.constant 4 : i32
      %get3A_2937 = arith.index_cast %get3A_2935 : i32 to index
      %get3A_2938 = arith.index_cast %get3A_2936 : i32 to index
      %get3A_2939 = arith.constant 0 : index
      %get3A_2940 = tpu.vector_load %arg4[%get3A_2937, %get3A_2938, %get3A_2939] {strides = array<i32>} : memref<2x8x128xf32, #tpu.memory_space<vmem>>, vector<16xf32>,
      %broadcast_in_dim3A_2941 = arith.constant true
      %broadcast_in_dim3A_2942 = vector.broadcast %broadcast_in_dim3A_2941 : i1 to vector<16xi1>
      %masked_cumsum3A_2943 = tpu.scan <sum>, %get3A_2940 masked %broadcast_in_dim3A_2942 : vector<16xf32>, vector<16xi1> -> vector<16xf32>
      %add3A_2944 = arith.constant 0.000000e+00 : f32
      %add3A_2945 = vector.broadcast %add3A_2944 : f32 to vector<16xf32>
      %add3A_2946 = arith.addf %masked_cumsum3A_2943, %add3A_2945 : vector<16xf32>
      %le3A_2947 = arith.constant 2.550000e+01 : f32
      %le3A_2948 = vector.broadcast %le3A_2947 : f32 to vector<16xf32>
      %le3A_2949 = arith.cmpf ole, %add3A_2946, %le3A_2948 : vector<16xf32>
      %jit3A_2950 = arith.constant 0.000000e+00 : f32
      %broadcast_in_dim3A_2951 = vector.broadcast %jit3A_2950 : f32 to vector<16xf32>
      %select_n3A_2952 = arith.select %le3A_2949, %add3A_2946, %broadcast_in_dim3A_2951 : vector<16xi1>, vector<16xf32>
      %mul3A_2953 = arith.mulf %select_n3A_2952, %get3A_2940 : vector<16xf32>
      %swap3A_2954 = arith.constant 1 : i32
      %swap3A_2955 = arith.constant 4 : i32
      %swap3A_2956 = arith.index_cast %swap3A_2954 : i32 to index
      %swap3A_2957 = arith.index_cast %swap3A_2955 : i32 to index
      %swap3A_2958 = arith.constant 0 : index
      %swap3A_2959 = tpu.vector_load %arg5[%swap3A_2956, %swap3A_2957, %swap3A_2958] {strides = array<i32>} : memref<2x8x128xf32, #tpu.memory_space<vmem>>, vector<16xf32>,
      tpu.vector_store %arg5[%swap3A_2956, %swap3A_2957, %swap3A_2958], %mul3A_2953 {strides = array<i32>} : memref<2x8x128xf32, #tpu.memory_space<vmem>>, vector<16xf32>,
      %reduce_sum3A_2960 = arith.constant true
      %reduce_sum3A_2961 = vector.broadcast %reduce_sum3A_2960 : i1 to vector<16xi1>
      %reduce_sum3A_2962 = tpu.scan <sum>, %get3A_2940 masked %reduce_sum3A_2961 : vector<16xf32>, vector<16xi1> -> vector<16xf32>
      %reduce_sum3A_2963 = vector.extract %reduce_sum3A_2962[15] : f32 from vector<16xf32>
      %add3A_2964 = arith.constant 0.000000e+00 : f32
      %add3A_2965 = arith.addf %add3A_2964, %reduce_sum3A_2963 : f32
      %get3A_2966 = arith.constant 1 : i32
      %get3A_2967 = arith.constant 4 : i32
      %get3A_2968 = arith.index_cast %get3A_2966 : i32 to index
      %get3A_2969 = arith.index_cast %get3A_2967 : i32 to index
      %get3A_2970 = arith.constant 16 : index
      %get3A_2971 = tpu.vector_load %arg4[%get3A_2968, %get3A_2969, %get3A_2970] {strides = array<i32>} : memref<2x8x128xf32, #tpu.memory_space<vmem>>, vector<16xf32>,
      %broadcast_in_dim3A_2972 = arith.constant true
      %broadcast_in_dim3A_2973 = vector.broadcast %broadcast_in_dim3A_2972 : i1 to vector<16xi1>
      %masked_cumsum3A_2974 = tpu.scan <sum>, %get3A_2971 masked %broadcast_in_dim3A_2973 : vector<16xf32>, vector<16xi1> -> vector<16xf32>
      %add3A_2975 = vector.broadcast %add3A_2965 : f32 to vector<16xf32>
      %add3A_2976 = arith.addf %masked_cumsum3A_2974, %add3A_2975 : vector<16xf32>
      %le3A_2977 = arith.constant 2.550000e+01 : f32
      %le3A_2978 = vector.broadcast %le3A_2977 : f32 to vector<16xf32>
      %le3A_2979 = arith.cmpf ole, %add3A_2976, %le3A_2978 : vector<16xf32>
      %jit3A_2980 = arith.constant 0.000000e+00 : f32
      %broadcast_in_dim3A_2981 = vector.broadcast %jit3A_2980 : f32 to vector<16xf32>
      %select_n3A_2982 = arith.select %le3A_2979, %add3A_2976, %broadcast_in_dim3A_2981 : vector<16xi1>, vector<16xf32>
      %mul3A_2983 = arith.mulf %select_n3A_2982, %get3A_2971 : vector<16xf32>
      %swap3A_2984 = arith.constant 1 : i32
      %swap3A_2985 = arith.constant 4 : i32
      %swap3A_2986 = arith.index_cast %swap3A_2984 : i32 to index
      %swap3A_2987 = arith.index_cast %swap3A_2985 : i32 to index
      %swap3A_2988 = arith.constant 16 : index
      %swap3A_2989 = tpu.vector_load %arg5[%swap3A_2986, %swap3A_2987, %swap3A_2988] {strides = array<i32>} : memref<2x8x128xf32, #tpu.memory_space<vmem>>, vector<16xf32>,
      tpu.vector_store %arg5[%swap3A_2986, %swap3A_2987, %swap3A_2988], %mul3A_2983 {strides = array<i32>} : memref<2x8x128xf32, #tpu.memory_space<vmem>>, vector<16xf32>,
      %reduce_sum3A_2990 = arith.constant true
      %reduce_sum3A_2991 = vector.broadcast %reduce_sum3A_2990 : i1 to vector<16xi1>
      %reduce_sum3A_2992 = tpu.scan <sum>, %get3A_2971 masked %reduce_sum3A_2991 : vector<16xf32>, vector<16xi1> -> vector<16xf32>
      %reduce_sum3A_2993 = vector.extract %reduce_sum3A_2992[15] : f32 from vector<16xf32>
      %add3A_2994 = arith.addf %add3A_2965, %reduce_sum3A_2993 : f32
      %get3A_2995 = arith.constant 1 : i32
      %get3A_2996 = arith.constant 4 : i32
      %get3A_2997 = arith.index_cast %get3A_2995 : i32 to index
      %get3A_2998 = arith.index_cast %get3A_2996 : i32 to index
      %get3A_2999 = arith.constant 32 : index
      %get3A_3000 = tpu.vector_load %arg4[%get3A_2997, %get3A_2998, %get3A_2999] {strides = array<i32>} : memref<2x8x128xf32, #tpu.memory_space<vmem>>, vector<16xf32>,
      %broadcast_in_dim3A_3001 = arith.constant true
      %broadcast_in_dim3A_3002 = vector.broadcast %broadcast_in_dim3A_3001 : i1 to vector<16xi1>
      %masked_cumsum3A_3003 = tpu.scan <sum>, %get3A_3000 masked %broadcast_in_dim3A_3002 : vector<16xf32>, vector<16xi1> -> vector<16xf32>
      %add3A_3004 = vector.broadcast %add3A_2994 : f32 to vector<16xf32>
      %add3A_3005 = arith.addf %masked_cumsum3A_3003, %add3A_3004 : vector<16xf32>
      %le3A_3006 = arith.constant 2.550000e+01 : f32
      %le3A_3007 = vector.broadcast %le3A_3006 : f32 to vector<16xf32>
      %le3A_3008 = arith.cmpf ole, %add3A_3005, %le3A_3007 : vector<16xf32>
      %jit3A_3009 = arith.constant 0.000000e+00 : f32
      %broadcast_in_dim3A_3010 = vector.broadcast %jit3A_3009 : f32 to vector<16xf32>
      %select_n3A_3011 = arith.select %le3A_3008, %add3A_3005, %broadcast_in_dim3A_3010 : vector<16xi1>, vector<16xf32>
      %mul3A_3012 = arith.mulf %select_n3A_3011, %get3A_3000 : vector<16xf32>
      %swap3A_3013 = arith.constant 1 : i32
      %swap3A_3014 = arith.constant 4 : i32
      %swap3A_3015 = arith.index_cast %swap3A_3013 : i32 to index
      %swap3A_3016 = arith.index_cast %swap3A_3014 : i32 to index
      %swap3A_3017 = arith.constant 32 : index
      %swap3A_3018 = tpu.vector_load %arg5[%swap3A_3015, %swap3A_3016, %swap3A_3017] {strides = array<i32>} : memref<2x8x128xf32, #tpu.memory_space<vmem>>, vector<16xf32>,
      tpu.vector_store %arg5[%swap3A_3015, %swap3A_3016, %swap3A_3017], %mul3A_3012 {strides = array<i32>} : memref<2x8x128xf32, #tpu.memory_space<vmem>>, vector<16xf32>,
      %reduce_sum3A_3019 = arith.constant true
      %reduce_sum3A_3020 = vector.broadcast %reduce_sum3A_3019 : i1 to vector<16xi1>
      %reduce_sum3A_3021 = tpu.scan <sum>, %get3A_3000 masked %reduce_sum3A_3020 : vector<16xf32>, vector<16xi1> -> vector<16xf32>
      %reduce_sum3A_3022 = vector.extract %reduce_sum3A_3021[15] : f32 from vector<16xf32>
      %add3A_3023 = arith.addf %add3A_2994, %reduce_sum3A_3022 : f32
      %get3A_3024 = arith.constant 1 : i32
      %get3A_3025 = arith.constant 4 : i32
      %get3A_3026 = arith.index_cast %get3A_3024 : i32 to index
      %get3A_3027 = arith.index_cast %get3A_3025 : i32 to index
      %get3A_3028 = arith.constant 48 : index
      %get3A_3029 = tpu.vector_load %arg4[%get3A_3026, %get3A_3027, %get3A_3028] {strides = array<i32>} : memref<2x8x128xf32, #tpu.memory_space<vmem>>, vector<16xf32>,
      %broadcast_in_dim3A_3030 = arith.constant true
      %broadcast_in_dim3A_3031 = vector.broadcast %broadcast_in_dim3A_3030 : i1 to vector<16xi1>
      %masked_cumsum3A_3032 = tpu.scan <sum>, %get3A_3029 masked %broadcast_in_dim3A_3031 : vector<16xf32>, vector<16xi1> -> vector<16xf32>
      %add3A_3033 = vector.broadcast %add3A_3023 : f32 to vector<16xf32>
      %add3A_3034 = arith.addf %masked_cumsum3A_3032, %add3A_3033 : vector<16xf32>
      %le3A_3035 = arith.constant 2.550000e+01 : f32
      %le3A_3036 = vector.broadcast %le3A_3035 : f32 to vector<16xf32>
      %le3A_3037 = arith.cmpf ole, %add3A_3034, %le3A_3036 : vector<16xf32>
      %jit3A_3038 = arith.constant 0.000000e+00 : f32
      %broadcast_in_dim3A_3039 = vector.broadcast %jit3A_3038 : f32 to vector<16xf32>
      %select_n3A_3040 = arith.select %le3A_3037, %add3A_3034, %broadcast_in_dim3A_3039 : vector<16xi1>, vector<16xf32>
      %mul3A_3041 = arith.mulf %select_n3A_3040, %get3A_3029 : vector<16xf32>
      %swap3A_3042 = arith.constant 1 : i32
      %swap3A_3043 = arith.constant 4 : i32
      %swap3A_3044 = arith.index_cast %swap3A_3042 : i32 to index
      %swap3A_3045 = arith.index_cast %swap3A_3043 : i32 to index
      %swap3A_3046 = arith.constant 48 : index
      %swap3A_3047 = tpu.vector_load %arg5[%swap3A_3044, %swap3A_3045, %swap3A_3046] {strides = array<i32>} : memref<2x8x128xf32, #tpu.memory_space<vmem>>, vector<16xf32>,
      tpu.vector_store %arg5[%swap3A_3044, %swap3A_3045, %swap3A_3046], %mul3A_3041 {strides = array<i32>} : memref<2x8x128xf32, #tpu.memory_space<vmem>>, vector<16xf32>,
      %reduce_sum3A_3048 = arith.constant true
      %reduce_sum3A_3049 = vector.broadcast %reduce_sum3A_3048 : i1 to vector<16xi1>
      %reduce_sum3A_3050 = tpu.scan <sum>, %get3A_3029 masked %reduce_sum3A_3049 : vector<16xf32>, vector<16xi1> -> vector<16xf32>
      %reduce_sum3A_3051 = vector.extract %reduce_sum3A_3050[15] : f32 from vector<16xf32>
      %add3A_3052 = arith.addf %add3A_3023, %reduce_sum3A_3051 : f32
      %get3A_3053 = arith.constant 1 : i32
      %get3A_3054 = arith.constant 4 : i32
      %get3A_3055 = arith.index_cast %get3A_3053 : i32 to index
      %get3A_3056 = arith.index_cast %get3A_3054 : i32 to index
      %get3A_3057 = arith.constant 64 : index
      %get3A_3058 = tpu.vector_load %arg4[%get3A_3055, %get3A_3056, %get3A_3057] {strides = array<i32>} : memref<2x8x128xf32, #tpu.memory_space<vmem>>, vector<16xf32>,
      %broadcast_in_dim3A_3059 = arith.constant true
      %broadcast_in_dim3A_3060 = vector.broadcast %broadcast_in_dim3A_3059 : i1 to vector<16xi1>
      %masked_cumsum3A_3061 = tpu.scan <sum>, %get3A_3058 masked %broadcast_in_dim3A_3060 : vector<16xf32>, vector<16xi1> -> vector<16xf32>
      %add3A_3062 = vector.broadcast %add3A_3052 : f32 to vector<16xf32>
      %add3A_3063 = arith.addf %masked_cumsum3A_3061, %add3A_3062 : vector<16xf32>
      %le3A_3064 = arith.constant 2.550000e+01 : f32
      %le3A_3065 = vector.broadcast %le3A_3064 : f32 to vector<16xf32>
      %le3A_3066 = arith.cmpf ole, %add3A_3063, %le3A_3065 : vector<16xf32>
      %jit3A_3067 = arith.constant 0.000000e+00 : f32
      %broadcast_in_dim3A_3068 = vector.broadcast %jit3A_3067 : f32 to vector<16xf32>
      %select_n3A_3069 = arith.select %le3A_3066, %add3A_3063, %broadcast_in_dim3A_3068 : vector<16xi1>, vector<16xf32>
      %mul3A_3070 = arith.mulf %select_n3A_3069, %get3A_3058 : vector<16xf32>
      %swap3A_3071 = arith.constant 1 : i32
      %swap3A_3072 = arith.constant 4 : i32
      %swap3A_3073 = arith.index_cast %swap3A_3071 : i32 to index
      %swap3A_3074 = arith.index_cast %swap3A_3072 : i32 to index
      %swap3A_3075 = arith.constant 64 : index
      %swap3A_3076 = tpu.vector_load %arg5[%swap3A_3073, %swap3A_3074, %swap3A_3075] {strides = array<i32>} : memref<2x8x128xf32, #tpu.memory_space<vmem>>, vector<16xf32>,
      tpu.vector_store %arg5[%swap3A_3073, %swap3A_3074, %swap3A_3075], %mul3A_3070 {strides = array<i32>} : memref<2x8x128xf32, #tpu.memory_space<vmem>>, vector<16xf32>,
      %reduce_sum3A_3077 = arith.constant true
      %reduce_sum3A_3078 = vector.broadcast %reduce_sum3A_3077 : i1 to vector<16xi1>
      %reduce_sum3A_3079 = tpu.scan <sum>, %get3A_3058 masked %reduce_sum3A_3078 : vector<16xf32>, vector<16xi1> -> vector<16xf32>
      %reduce_sum3A_3080 = vector.extract %reduce_sum3A_3079[15] : f32 from vector<16xf32>
      %add3A_3081 = arith.addf %add3A_3052, %reduce_sum3A_3080 : f32
      %get3A_3082 = arith.constant 1 : i32
      %get3A_3083 = arith.constant 4 : i32
      %get3A_3084 = arith.index_cast %get3A_3082 : i32 to index
      %get3A_3085 = arith.index_cast %get3A_3083 : i32 to index
      %get3A_3086 = arith.constant 80 : index
      %get3A_3087 = tpu.vector_load %arg4[%get3A_3084, %get3A_3085, %get3A_3086] {strides = array<i32>} : memref<2x8x128xf32, #tpu.memory_space<vmem>>, vector<16xf32>,
      %broadcast_in_dim3A_3088 = arith.constant true
      %broadcast_in_dim3A_3089 = vector.broadcast %broadcast_in_dim3A_3088 : i1 to vector<16xi1>
      %masked_cumsum3A_3090 = tpu.scan <sum>, %get3A_3087 masked %broadcast_in_dim3A_3089 : vector<16xf32>, vector<16xi1> -> vector<16xf32>
      %add3A_3091 = vector.broadcast %add3A_3081 : f32 to vector<16xf32>
      %add3A_3092 = arith.addf %masked_cumsum3A_3090, %add3A_3091 : vector<16xf32>
      %le3A_3093 = arith.constant 2.550000e+01 : f32
      %le3A_3094 = vector.broadcast %le3A_3093 : f32 to vector<16xf32>
      %le3A_3095 = arith.cmpf ole, %add3A_3092, %le3A_3094 : vector<16xf32>
      %jit3A_3096 = arith.constant 0.000000e+00 : f32
      %broadcast_in_dim3A_3097 = vector.broadcast %jit3A_3096 : f32 to vector<16xf32>
      %select_n3A_3098 = arith.select %le3A_3095, %add3A_3092, %broadcast_in_dim3A_3097 : vector<16xi1>, vector<16xf32>
      %mul3A_3099 = arith.mulf %select_n3A_3098, %get3A_3087 : vector<16xf32>
      %swap3A_3100 = arith.constant 1 : i32
      %swap3A_3101 = arith.constant 4 : i32
      %swap3A_3102 = arith.index_cast %swap3A_3100 : i32 to index
      %swap3A_3103 = arith.index_cast %swap3A_3101 : i32 to index
      %swap3A_3104 = arith.constant 80 : index
      %swap3A_3105 = tpu.vector_load %arg5[%swap3A_3102, %swap3A_3103, %swap3A_3104] {strides = array<i32>} : memref<2x8x128xf32, #tpu.memory_space<vmem>>, vector<16xf32>,
      tpu.vector_store %arg5[%swap3A_3102, %swap3A_3103, %swap3A_3104], %mul3A_3099 {strides = array<i32>} : memref<2x8x128xf32, #tpu.memory_space<vmem>>, vector<16xf32>,
      %reduce_sum3A_3106 = arith.constant true
      %reduce_sum3A_3107 = vector.broadcast %reduce_sum3A_3106 : i1 to vector<16xi1>
      %reduce_sum3A_3108 = tpu.scan <sum>, %get3A_3087 masked %reduce_sum3A_3107 : vector<16xf32>, vector<16xi1> -> vector<16xf32>
      %reduce_sum3A_3109 = vector.extract %reduce_sum3A_3108[15] : f32 from vector<16xf32>
      %add3A_3110 = arith.addf %add3A_3081, %reduce_sum3A_3109 : f32
      %get3A_3111 = arith.constant 1 : i32
      %get3A_3112 = arith.constant 4 : i32
      %get3A_3113 = arith.index_cast %get3A_3111 : i32 to index
      %get3A_3114 = arith.index_cast %get3A_3112 : i32 to index
      %get3A_3115 = arith.constant 96 : index
      %get3A_3116 = tpu.vector_load %arg4[%get3A_3113, %get3A_3114, %get3A_3115] {strides = array<i32>} : memref<2x8x128xf32, #tpu.memory_space<vmem>>, vector<16xf32>,
      %broadcast_in_dim3A_3117 = arith.constant true
      %broadcast_in_dim3A_3118 = vector.broadcast %broadcast_in_dim3A_3117 : i1 to vector<16xi1>
      %masked_cumsum3A_3119 = tpu.scan <sum>, %get3A_3116 masked %broadcast_in_dim3A_3118 : vector<16xf32>, vector<16xi1> -> vector<16xf32>
      %add3A_3120 = vector.broadcast %add3A_3110 : f32 to vector<16xf32>
      %add3A_3121 = arith.addf %masked_cumsum3A_3119, %add3A_3120 : vector<16xf32>
      %le3A_3122 = arith.constant 2.550000e+01 : f32
      %le3A_3123 = vector.broadcast %le3A_3122 : f32 to vector<16xf32>
      %le3A_3124 = arith.cmpf ole, %add3A_3121, %le3A_3123 : vector<16xf32>
      %jit3A_3125 = arith.constant 0.000000e+00 : f32
      %broadcast_in_dim3A_3126 = vector.broadcast %jit3A_3125 : f32 to vector<16xf32>
      %select_n3A_3127 = arith.select %le3A_3124, %add3A_3121, %broadcast_in_dim3A_3126 : vector<16xi1>, vector<16xf32>
      %mul3A_3128 = arith.mulf %select_n3A_3127, %get3A_3116 : vector<16xf32>
      %swap3A_3129 = arith.constant 1 : i32
      %swap3A_3130 = arith.constant 4 : i32
      %swap3A_3131 = arith.index_cast %swap3A_3129 : i32 to index
      %swap3A_3132 = arith.index_cast %swap3A_3130 : i32 to index
      %swap3A_3133 = arith.constant 96 : index
      %swap3A_3134 = tpu.vector_load %arg5[%swap3A_3131, %swap3A_3132, %swap3A_3133] {strides = array<i32>} : memref<2x8x128xf32, #tpu.memory_space<vmem>>, vector<16xf32>,
      tpu.vector_store %arg5[%swap3A_3131, %swap3A_3132, %swap3A_3133], %mul3A_3128 {strides = array<i32>} : memref<2x8x128xf32, #tpu.memory_space<vmem>>, vector<16xf32>,
      %reduce_sum3A_3135 = arith.constant true
      %reduce_sum3A_3136 = vector.broadcast %reduce_sum3A_3135 : i1 to vector<16xi1>
      %reduce_sum3A_3137 = tpu.scan <sum>, %get3A_3116 masked %reduce_sum3A_3136 : vector<16xf32>, vector<16xi1> -> vector<16xf32>
      %reduce_sum3A_3138 = vector.extract %reduce_sum3A_3137[15] : f32 from vector<16xf32>
      %add3A_3139 = arith.addf %add3A_3110, %reduce_sum3A_3138 : f32
      %get3A_3140 = arith.constant 1 : i32
      %get3A_3141 = arith.constant 4 : i32
      %get3A_3142 = arith.index_cast %get3A_3140 : i32 to index
      %get3A_3143 = arith.index_cast %get3A_3141 : i32 to index
      %get3A_3144 = arith.constant 112 : index
      %get3A_3145 = tpu.vector_load %arg4[%get3A_3142, %get3A_3143, %get3A_3144] {strides = array<i32>} : memref<2x8x128xf32, #tpu.memory_space<vmem>>, vector<16xf32>,
      %broadcast_in_dim3A_3146 = arith.constant true
      %broadcast_in_dim3A_3147 = vector.broadcast %broadcast_in_dim3A_3146 : i1 to vector<16xi1>
      %masked_cumsum3A_3148 = tpu.scan <sum>, %get3A_3145 masked %broadcast_in_dim3A_3147 : vector<16xf32>, vector<16xi1> -> vector<16xf32>
      %add3A_3149 = vector.broadcast %add3A_3139 : f32 to vector<16xf32>
      %add3A_3150 = arith.addf %masked_cumsum3A_3148, %add3A_3149 : vector<16xf32>
      %le3A_3151 = arith.constant 2.550000e+01 : f32
      %le3A_3152 = vector.broadcast %le3A_3151 : f32 to vector<16xf32>
      %le3A_3153 = arith.cmpf ole, %add3A_3150, %le3A_3152 : vector<16xf32>
      %jit3A_3154 = arith.constant 0.000000e+00 : f32
      %broadcast_in_dim3A_3155 = vector.broadcast %jit3A_3154 : f32 to vector<16xf32>
      %select_n3A_3156 = arith.select %le3A_3153, %add3A_3150, %broadcast_in_dim3A_3155 : vector<16xi1>, vector<16xf32>
      %mul3A_3157 = arith.mulf %select_n3A_3156, %get3A_3145 : vector<16xf32>
      %swap3A_3158 = arith.constant 1 : i32
      %swap3A_3159 = arith.constant 4 : i32
      %swap3A_3160 = arith.index_cast %swap3A_3158 : i32 to index
      %swap3A_3161 = arith.index_cast %swap3A_3159 : i32 to index
      %swap3A_3162 = arith.constant 112 : index
      %swap3A_3163 = tpu.vector_load %arg5[%swap3A_3160, %swap3A_3161, %swap3A_3162] {strides = array<i32>} : memref<2x8x128xf32, #tpu.memory_space<vmem>>, vector<16xf32>,
      tpu.vector_store %arg5[%swap3A_3160, %swap3A_3161, %swap3A_3162], %mul3A_3157 {strides = array<i32>} : memref<2x8x128xf32, #tpu.memory_space<vmem>>, vector<16xf32>,
      %reduce_sum3A_3164 = arith.constant true
      %reduce_sum3A_3165 = vector.broadcast %reduce_sum3A_3164 : i1 to vector<16xi1>
      %reduce_sum3A_3166 = tpu.scan <sum>, %get3A_3145 masked %reduce_sum3A_3165 : vector<16xf32>, vector<16xi1> -> vector<16xf32>
      %reduce_sum3A_3167 = vector.extract %reduce_sum3A_3166[15] : f32 from vector<16xf32>
      %add3A_3168 = arith.addf %add3A_3139, %reduce_sum3A_3167 : f32
      %get3A_3169 = arith.constant 1 : i32
      %get3A_3170 = arith.constant 5 : i32
      %get3A_3171 = arith.index_cast %get3A_3169 : i32 to index
      %get3A_3172 = arith.index_cast %get3A_3170 : i32 to index
      %get3A_3173 = arith.constant 0 : index
      %get3A_3174 = tpu.vector_load %arg4[%get3A_3171, %get3A_3172, %get3A_3173] {strides = array<i32>} : memref<2x8x128xf32, #tpu.memory_space<vmem>>, vector<16xf32>,
      %broadcast_in_dim3A_3175 = arith.constant true
      %broadcast_in_dim3A_3176 = vector.broadcast %broadcast_in_dim3A_3175 : i1 to vector<16xi1>
      %masked_cumsum3A_3177 = tpu.scan <sum>, %get3A_3174 masked %broadcast_in_dim3A_3176 : vector<16xf32>, vector<16xi1> -> vector<16xf32>
      %add3A_3178 = arith.constant 0.000000e+00 : f32
      %add3A_3179 = vector.broadcast %add3A_3178 : f32 to vector<16xf32>
      %add3A_3180 = arith.addf %masked_cumsum3A_3177, %add3A_3179 : vector<16xf32>
      %le3A_3181 = arith.constant 2.550000e+01 : f32
      %le3A_3182 = vector.broadcast %le3A_3181 : f32 to vector<16xf32>
      %le3A_3183 = arith.cmpf ole, %add3A_3180, %le3A_3182 : vector<16xf32>
      %jit3A_3184 = arith.constant 0.000000e+00 : f32
      %broadcast_in_dim3A_3185 = vector.broadcast %jit3A_3184 : f32 to vector<16xf32>
      %select_n3A_3186 = arith.select %le3A_3183, %add3A_3180, %broadcast_in_dim3A_3185 : vector<16xi1>, vector<16xf32>
      %mul3A_3187 = arith.mulf %select_n3A_3186, %get3A_3174 : vector<16xf32>
      %swap3A_3188 = arith.constant 1 : i32
      %swap3A_3189 = arith.constant 5 : i32
      %swap3A_3190 = arith.index_cast %swap3A_3188 : i32 to index
      %swap3A_3191 = arith.index_cast %swap3A_3189 : i32 to index
      %swap3A_3192 = arith.constant 0 : index
      %swap3A_3193 = tpu.vector_load %arg5[%swap3A_3190, %swap3A_3191, %swap3A_3192] {strides = array<i32>} : memref<2x8x128xf32, #tpu.memory_space<vmem>>, vector<16xf32>,
      tpu.vector_store %arg5[%swap3A_3190, %swap3A_3191, %swap3A_3192], %mul3A_3187 {strides = array<i32>} : memref<2x8x128xf32, #tpu.memory_space<vmem>>, vector<16xf32>,
      %reduce_sum3A_3194 = arith.constant true
      %reduce_sum3A_3195 = vector.broadcast %reduce_sum3A_3194 : i1 to vector<16xi1>
      %reduce_sum3A_3196 = tpu.scan <sum>, %get3A_3174 masked %reduce_sum3A_3195 : vector<16xf32>, vector<16xi1> -> vector<16xf32>
      %reduce_sum3A_3197 = vector.extract %reduce_sum3A_3196[15] : f32 from vector<16xf32>
      %add3A_3198 = arith.constant 0.000000e+00 : f32
      %add3A_3199 = arith.addf %add3A_3198, %reduce_sum3A_3197 : f32
      %get3A_3200 = arith.constant 1 : i32
      %get3A_3201 = arith.constant 5 : i32
      %get3A_3202 = arith.index_cast %get3A_3200 : i32 to index
      %get3A_3203 = arith.index_cast %get3A_3201 : i32 to index
      %get3A_3204 = arith.constant 16 : index
      %get3A_3205 = tpu.vector_load %arg4[%get3A_3202, %get3A_3203, %get3A_3204] {strides = array<i32>} : memref<2x8x128xf32, #tpu.memory_space<vmem>>, vector<16xf32>,
      %broadcast_in_dim3A_3206 = arith.constant true
      %broadcast_in_dim3A_3207 = vector.broadcast %broadcast_in_dim3A_3206 : i1 to vector<16xi1>
      %masked_cumsum3A_3208 = tpu.scan <sum>, %get3A_3205 masked %broadcast_in_dim3A_3207 : vector<16xf32>, vector<16xi1> -> vector<16xf32>
      %add3A_3209 = vector.broadcast %add3A_3199 : f32 to vector<16xf32>
      %add3A_3210 = arith.addf %masked_cumsum3A_3208, %add3A_3209 : vector<16xf32>
      %le3A_3211 = arith.constant 2.550000e+01 : f32
      %le3A_3212 = vector.broadcast %le3A_3211 : f32 to vector<16xf32>
      %le3A_3213 = arith.cmpf ole, %add3A_3210, %le3A_3212 : vector<16xf32>
      %jit3A_3214 = arith.constant 0.000000e+00 : f32
      %broadcast_in_dim3A_3215 = vector.broadcast %jit3A_3214 : f32 to vector<16xf32>
      %select_n3A_3216 = arith.select %le3A_3213, %add3A_3210, %broadcast_in_dim3A_3215 : vector<16xi1>, vector<16xf32>
      %mul3A_3217 = arith.mulf %select_n3A_3216, %get3A_3205 : vector<16xf32>
      %swap3A_3218 = arith.constant 1 : i32
      %swap3A_3219 = arith.constant 5 : i32
      %swap3A_3220 = arith.index_cast %swap3A_3218 : i32 to index
      %swap3A_3221 = arith.index_cast %swap3A_3219 : i32 to index
      %swap3A_3222 = arith.constant 16 : index
      %swap3A_3223 = tpu.vector_load %arg5[%swap3A_3220, %swap3A_3221, %swap3A_3222] {strides = array<i32>} : memref<2x8x128xf32, #tpu.memory_space<vmem>>, vector<16xf32>,
      tpu.vector_store %arg5[%swap3A_3220, %swap3A_3221, %swap3A_3222], %mul3A_3217 {strides = array<i32>} : memref<2x8x128xf32, #tpu.memory_space<vmem>>, vector<16xf32>,
      %reduce_sum3A_3224 = arith.constant true
      %reduce_sum3A_3225 = vector.broadcast %reduce_sum3A_3224 : i1 to vector<16xi1>
      %reduce_sum3A_3226 = tpu.scan <sum>, %get3A_3205 masked %reduce_sum3A_3225 : vector<16xf32>, vector<16xi1> -> vector<16xf32>
      %reduce_sum3A_3227 = vector.extract %reduce_sum3A_3226[15] : f32 from vector<16xf32>
      %add3A_3228 = arith.addf %add3A_3199, %reduce_sum3A_3227 : f32
      %get3A_3229 = arith.constant 1 : i32
      %get3A_3230 = arith.constant 5 : i32
      %get3A_3231 = arith.index_cast %get3A_3229 : i32 to index
      %get3A_3232 = arith.index_cast %get3A_3230 : i32 to index
      %get3A_3233 = arith.constant 32 : index
      %get3A_3234 = tpu.vector_load %arg4[%get3A_3231, %get3A_3232, %get3A_3233] {strides = array<i32>} : memref<2x8x128xf32, #tpu.memory_space<vmem>>, vector<16xf32>,
      %broadcast_in_dim3A_3235 = arith.constant true
      %broadcast_in_dim3A_3236 = vector.broadcast %broadcast_in_dim3A_3235 : i1 to vector<16xi1>
      %masked_cumsum3A_3237 = tpu.scan <sum>, %get3A_3234 masked %broadcast_in_dim3A_3236 : vector<16xf32>, vector<16xi1> -> vector<16xf32>
      %add3A_3238 = vector.broadcast %add3A_3228 : f32 to vector<16xf32>
      %add3A_3239 = arith.addf %masked_cumsum3A_3237, %add3A_3238 : vector<16xf32>
      %le3A_3240 = arith.constant 2.550000e+01 : f32
      %le3A_3241 = vector.broadcast %le3A_3240 : f32 to vector<16xf32>
      %le3A_3242 = arith.cmpf ole, %add3A_3239, %le3A_3241 : vector<16xf32>
      %jit3A_3243 = arith.constant 0.000000e+00 : f32
      %broadcast_in_dim3A_3244 = vector.broadcast %jit3A_3243 : f32 to vector<16xf32>
      %select_n3A_3245 = arith.select %le3A_3242, %add3A_3239, %broadcast_in_dim3A_3244 : vector<16xi1>, vector<16xf32>
      %mul3A_3246 = arith.mulf %select_n3A_3245, %get3A_3234 : vector<16xf32>
      %swap3A_3247 = arith.constant 1 : i32
      %swap3A_3248 = arith.constant 5 : i32
      %swap3A_3249 = arith.index_cast %swap3A_3247 : i32 to index
      %swap3A_3250 = arith.index_cast %swap3A_3248 : i32 to index
      %swap3A_3251 = arith.constant 32 : index
      %swap3A_3252 = tpu.vector_load %arg5[%swap3A_3249, %swap3A_3250, %swap3A_3251] {strides = array<i32>} : memref<2x8x128xf32, #tpu.memory_space<vmem>>, vector<16xf32>,
      tpu.vector_store %arg5[%swap3A_3249, %swap3A_3250, %swap3A_3251], %mul3A_3246 {strides = array<i32>} : memref<2x8x128xf32, #tpu.memory_space<vmem>>, vector<16xf32>,
      %reduce_sum3A_3253 = arith.constant true
      %reduce_sum3A_3254 = vector.broadcast %reduce_sum3A_3253 : i1 to vector<16xi1>
      %reduce_sum3A_3255 = tpu.scan <sum>, %get3A_3234 masked %reduce_sum3A_3254 : vector<16xf32>, vector<16xi1> -> vector<16xf32>
      %reduce_sum3A_3256 = vector.extract %reduce_sum3A_3255[15] : f32 from vector<16xf32>
      %add3A_3257 = arith.addf %add3A_3228, %reduce_sum3A_3256 : f32
      %get3A_3258 = arith.constant 1 : i32
      %get3A_3259 = arith.constant 5 : i32
      %get3A_3260 = arith.index_cast %get3A_3258 : i32 to index
      %get3A_3261 = arith.index_cast %get3A_3259 : i32 to index
      %get3A_3262 = arith.constant 48 : index
      %get3A_3263 = tpu.vector_load %arg4[%get3A_3260, %get3A_3261, %get3A_3262] {strides = array<i32>} : memref<2x8x128xf32, #tpu.memory_space<vmem>>, vector<16xf32>,
      %broadcast_in_dim3A_3264 = arith.constant true
      %broadcast_in_dim3A_3265 = vector.broadcast %broadcast_in_dim3A_3264 : i1 to vector<16xi1>
      %masked_cumsum3A_3266 = tpu.scan <sum>, %get3A_3263 masked %broadcast_in_dim3A_3265 : vector<16xf32>, vector<16xi1> -> vector<16xf32>
      %add3A_3267 = vector.broadcast %add3A_3257 : f32 to vector<16xf32>
      %add3A_3268 = arith.addf %masked_cumsum3A_3266, %add3A_3267 : vector<16xf32>
      %le3A_3269 = arith.constant 2.550000e+01 : f32
      %le3A_3270 = vector.broadcast %le3A_3269 : f32 to vector<16xf32>
      %le3A_3271 = arith.cmpf ole, %add3A_3268, %le3A_3270 : vector<16xf32>
      %jit3A_3272 = arith.constant 0.000000e+00 : f32
      %broadcast_in_dim3A_3273 = vector.broadcast %jit3A_3272 : f32 to vector<16xf32>
      %select_n3A_3274 = arith.select %le3A_3271, %add3A_3268, %broadcast_in_dim3A_3273 : vector<16xi1>, vector<16xf32>
      %mul3A_3275 = arith.mulf %select_n3A_3274, %get3A_3263 : vector<16xf32>
      %swap3A_3276 = arith.constant 1 : i32
      %swap3A_3277 = arith.constant 5 : i32
      %swap3A_3278 = arith.index_cast %swap3A_3276 : i32 to index
      %swap3A_3279 = arith.index_cast %swap3A_3277 : i32 to index
      %swap3A_3280 = arith.constant 48 : index
      %swap3A_3281 = tpu.vector_load %arg5[%swap3A_3278, %swap3A_3279, %swap3A_3280] {strides = array<i32>} : memref<2x8x128xf32, #tpu.memory_space<vmem>>, vector<16xf32>,
      tpu.vector_store %arg5[%swap3A_3278, %swap3A_3279, %swap3A_3280], %mul3A_3275 {strides = array<i32>} : memref<2x8x128xf32, #tpu.memory_space<vmem>>, vector<16xf32>,
      %reduce_sum3A_3282 = arith.constant true
      %reduce_sum3A_3283 = vector.broadcast %reduce_sum3A_3282 : i1 to vector<16xi1>
      %reduce_sum3A_3284 = tpu.scan <sum>, %get3A_3263 masked %reduce_sum3A_3283 : vector<16xf32>, vector<16xi1> -> vector<16xf32>
      %reduce_sum3A_3285 = vector.extract %reduce_sum3A_3284[15] : f32 from vector<16xf32>
      %add3A_3286 = arith.addf %add3A_3257, %reduce_sum3A_3285 : f32
      %get3A_3287 = arith.constant 1 : i32
      %get3A_3288 = arith.constant 5 : i32
      %get3A_3289 = arith.index_cast %get3A_3287 : i32 to index
      %get3A_3290 = arith.index_cast %get3A_3288 : i32 to index
      %get3A_3291 = arith.constant 64 : index
      %get3A_3292 = tpu.vector_load %arg4[%get3A_3289, %get3A_3290, %get3A_3291] {strides = array<i32>} : memref<2x8x128xf32, #tpu.memory_space<vmem>>, vector<16xf32>,
      %broadcast_in_dim3A_3293 = arith.constant true
      %broadcast_in_dim3A_3294 = vector.broadcast %broadcast_in_dim3A_3293 : i1 to vector<16xi1>
      %masked_cumsum3A_3295 = tpu.scan <sum>, %get3A_3292 masked %broadcast_in_dim3A_3294 : vector<16xf32>, vector<16xi1> -> vector<16xf32>
      %add3A_3296 = vector.broadcast %add3A_3286 : f32 to vector<16xf32>
      %add3A_3297 = arith.addf %masked_cumsum3A_3295, %add3A_3296 : vector<16xf32>
      %le3A_3298 = arith.constant 2.550000e+01 : f32
      %le3A_3299 = vector.broadcast %le3A_3298 : f32 to vector<16xf32>
      %le3A_3300 = arith.cmpf ole, %add3A_3297, %le3A_3299 : vector<16xf32>
      %jit3A_3301 = arith.constant 0.000000e+00 : f32
      %broadcast_in_dim3A_3302 = vector.broadcast %jit3A_3301 : f32 to vector<16xf32>
      %select_n3A_3303 = arith.select %le3A_3300, %add3A_3297, %broadcast_in_dim3A_3302 : vector<16xi1>, vector<16xf32>
      %mul3A_3304 = arith.mulf %select_n3A_3303, %get3A_3292 : vector<16xf32>
      %swap3A_3305 = arith.constant 1 : i32
      %swap3A_3306 = arith.constant 5 : i32
      %swap3A_3307 = arith.index_cast %swap3A_3305 : i32 to index
      %swap3A_3308 = arith.index_cast %swap3A_3306 : i32 to index
      %swap3A_3309 = arith.constant 64 : index
      %swap3A_3310 = tpu.vector_load %arg5[%swap3A_3307, %swap3A_3308, %swap3A_3309] {strides = array<i32>} : memref<2x8x128xf32, #tpu.memory_space<vmem>>, vector<16xf32>,
      tpu.vector_store %arg5[%swap3A_3307, %swap3A_3308, %swap3A_3309], %mul3A_3304 {strides = array<i32>} : memref<2x8x128xf32, #tpu.memory_space<vmem>>, vector<16xf32>,
      %reduce_sum3A_3311 = arith.constant true
      %reduce_sum3A_3312 = vector.broadcast %reduce_sum3A_3311 : i1 to vector<16xi1>
      %reduce_sum3A_3313 = tpu.scan <sum>, %get3A_3292 masked %reduce_sum3A_3312 : vector<16xf32>, vector<16xi1> -> vector<16xf32>
      %reduce_sum3A_3314 = vector.extract %reduce_sum3A_3313[15] : f32 from vector<16xf32>
      %add3A_3315 = arith.addf %add3A_3286, %reduce_sum3A_3314 : f32
      %get3A_3316 = arith.constant 1 : i32
      %get3A_3317 = arith.constant 5 : i32
      %get3A_3318 = arith.index_cast %get3A_3316 : i32 to index
      %get3A_3319 = arith.index_cast %get3A_3317 : i32 to index
      %get3A_3320 = arith.constant 80 : index
      %get3A_3321 = tpu.vector_load %arg4[%get3A_3318, %get3A_3319, %get3A_3320] {strides = array<i32>} : memref<2x8x128xf32, #tpu.memory_space<vmem>>, vector<16xf32>,
      %broadcast_in_dim3A_3322 = arith.constant true
      %broadcast_in_dim3A_3323 = vector.broadcast %broadcast_in_dim3A_3322 : i1 to vector<16xi1>
      %masked_cumsum3A_3324 = tpu.scan <sum>, %get3A_3321 masked %broadcast_in_dim3A_3323 : vector<16xf32>, vector<16xi1> -> vector<16xf32>
      %add3A_3325 = vector.broadcast %add3A_3315 : f32 to vector<16xf32>
      %add3A_3326 = arith.addf %masked_cumsum3A_3324, %add3A_3325 : vector<16xf32>
      %le3A_3327 = arith.constant 2.550000e+01 : f32
      %le3A_3328 = vector.broadcast %le3A_3327 : f32 to vector<16xf32>
      %le3A_3329 = arith.cmpf ole, %add3A_3326, %le3A_3328 : vector<16xf32>
      %jit3A_3330 = arith.constant 0.000000e+00 : f32
      %broadcast_in_dim3A_3331 = vector.broadcast %jit3A_3330 : f32 to vector<16xf32>
      %select_n3A_3332 = arith.select %le3A_3329, %add3A_3326, %broadcast_in_dim3A_3331 : vector<16xi1>, vector<16xf32>
      %mul3A_3333 = arith.mulf %select_n3A_3332, %get3A_3321 : vector<16xf32>
      %swap3A_3334 = arith.constant 1 : i32
      %swap3A_3335 = arith.constant 5 : i32
      %swap3A_3336 = arith.index_cast %swap3A_3334 : i32 to index
      %swap3A_3337 = arith.index_cast %swap3A_3335 : i32 to index
      %swap3A_3338 = arith.constant 80 : index
      %swap3A_3339 = tpu.vector_load %arg5[%swap3A_3336, %swap3A_3337, %swap3A_3338] {strides = array<i32>} : memref<2x8x128xf32, #tpu.memory_space<vmem>>, vector<16xf32>,
      tpu.vector_store %arg5[%swap3A_3336, %swap3A_3337, %swap3A_3338], %mul3A_3333 {strides = array<i32>} : memref<2x8x128xf32, #tpu.memory_space<vmem>>, vector<16xf32>,
      %reduce_sum3A_3340 = arith.constant true
      %reduce_sum3A_3341 = vector.broadcast %reduce_sum3A_3340 : i1 to vector<16xi1>
      %reduce_sum3A_3342 = tpu.scan <sum>, %get3A_3321 masked %reduce_sum3A_3341 : vector<16xf32>, vector<16xi1> -> vector<16xf32>
      %reduce_sum3A_3343 = vector.extract %reduce_sum3A_3342[15] : f32 from vector<16xf32>
      %add3A_3344 = arith.addf %add3A_3315, %reduce_sum3A_3343 : f32
      %get3A_3345 = arith.constant 1 : i32
      %get3A_3346 = arith.constant 5 : i32
      %get3A_3347 = arith.index_cast %get3A_3345 : i32 to index
      %get3A_3348 = arith.index_cast %get3A_3346 : i32 to index
      %get3A_3349 = arith.constant 96 : index
      %get3A_3350 = tpu.vector_load %arg4[%get3A_3347, %get3A_3348, %get3A_3349] {strides = array<i32>} : memref<2x8x128xf32, #tpu.memory_space<vmem>>, vector<16xf32>,
      %broadcast_in_dim3A_3351 = arith.constant true
      %broadcast_in_dim3A_3352 = vector.broadcast %broadcast_in_dim3A_3351 : i1 to vector<16xi1>
      %masked_cumsum3A_3353 = tpu.scan <sum>, %get3A_3350 masked %broadcast_in_dim3A_3352 : vector<16xf32>, vector<16xi1> -> vector<16xf32>
      %add3A_3354 = vector.broadcast %add3A_3344 : f32 to vector<16xf32>
      %add3A_3355 = arith.addf %masked_cumsum3A_3353, %add3A_3354 : vector<16xf32>
      %le3A_3356 = arith.constant 2.550000e+01 : f32
      %le3A_3357 = vector.broadcast %le3A_3356 : f32 to vector<16xf32>
      %le3A_3358 = arith.cmpf ole, %add3A_3355, %le3A_3357 : vector<16xf32>
      %jit3A_3359 = arith.constant 0.000000e+00 : f32
      %broadcast_in_dim3A_3360 = vector.broadcast %jit3A_3359 : f32 to vector<16xf32>
      %select_n3A_3361 = arith.select %le3A_3358, %add3A_3355, %broadcast_in_dim3A_3360 : vector<16xi1>, vector<16xf32>
      %mul3A_3362 = arith.mulf %select_n3A_3361, %get3A_3350 : vector<16xf32>
      %swap3A_3363 = arith.constant 1 : i32
      %swap3A_3364 = arith.constant 5 : i32
      %swap3A_3365 = arith.index_cast %swap3A_3363 : i32 to index
      %swap3A_3366 = arith.index_cast %swap3A_3364 : i32 to index
      %swap3A_3367 = arith.constant 96 : index
      %swap3A_3368 = tpu.vector_load %arg5[%swap3A_3365, %swap3A_3366, %swap3A_3367] {strides = array<i32>} : memref<2x8x128xf32, #tpu.memory_space<vmem>>, vector<16xf32>,
      tpu.vector_store %arg5[%swap3A_3365, %swap3A_3366, %swap3A_3367], %mul3A_3362 {strides = array<i32>} : memref<2x8x128xf32, #tpu.memory_space<vmem>>, vector<16xf32>,
      %reduce_sum3A_3369 = arith.constant true
      %reduce_sum3A_3370 = vector.broadcast %reduce_sum3A_3369 : i1 to vector<16xi1>
      %reduce_sum3A_3371 = tpu.scan <sum>, %get3A_3350 masked %reduce_sum3A_3370 : vector<16xf32>, vector<16xi1> -> vector<16xf32>
      %reduce_sum3A_3372 = vector.extract %reduce_sum3A_3371[15] : f32 from vector<16xf32>
      %add3A_3373 = arith.addf %add3A_3344, %reduce_sum3A_3372 : f32
      %get3A_3374 = arith.constant 1 : i32
      %get3A_3375 = arith.constant 5 : i32
      %get3A_3376 = arith.index_cast %get3A_3374 : i32 to index
      %get3A_3377 = arith.index_cast %get3A_3375 : i32 to index
      %get3A_3378 = arith.constant 112 : index
      %get3A_3379 = tpu.vector_load %arg4[%get3A_3376, %get3A_3377, %get3A_3378] {strides = array<i32>} : memref<2x8x128xf32, #tpu.memory_space<vmem>>, vector<16xf32>,
      %broadcast_in_dim3A_3380 = arith.constant true
      %broadcast_in_dim3A_3381 = vector.broadcast %broadcast_in_dim3A_3380 : i1 to vector<16xi1>
      %masked_cumsum3A_3382 = tpu.scan <sum>, %get3A_3379 masked %broadcast_in_dim3A_3381 : vector<16xf32>, vector<16xi1> -> vector<16xf32>
      %add3A_3383 = vector.broadcast %add3A_3373 : f32 to vector<16xf32>
      %add3A_3384 = arith.addf %masked_cumsum3A_3382, %add3A_3383 : vector<16xf32>
      %le3A_3385 = arith.constant 2.550000e+01 : f32
      %le3A_3386 = vector.broadcast %le3A_3385 : f32 to vector<16xf32>
      %le3A_3387 = arith.cmpf ole, %add3A_3384, %le3A_3386 : vector<16xf32>
      %jit3A_3388 = arith.constant 0.000000e+00 : f32
      %broadcast_in_dim3A_3389 = vector.broadcast %jit3A_3388 : f32 to vector<16xf32>
      %select_n3A_3390 = arith.select %le3A_3387, %add3A_3384, %broadcast_in_dim3A_3389 : vector<16xi1>, vector<16xf32>
      %mul3A_3391 = arith.mulf %select_n3A_3390, %get3A_3379 : vector<16xf32>
      %swap3A_3392 = arith.constant 1 : i32
      %swap3A_3393 = arith.constant 5 : i32
      %swap3A_3394 = arith.index_cast %swap3A_3392 : i32 to index
      %swap3A_3395 = arith.index_cast %swap3A_3393 : i32 to index
      %swap3A_3396 = arith.constant 112 : index
      %swap3A_3397 = tpu.vector_load %arg5[%swap3A_3394, %swap3A_3395, %swap3A_3396] {strides = array<i32>} : memref<2x8x128xf32, #tpu.memory_space<vmem>>, vector<16xf32>,
      tpu.vector_store %arg5[%swap3A_3394, %swap3A_3395, %swap3A_3396], %mul3A_3391 {strides = array<i32>} : memref<2x8x128xf32, #tpu.memory_space<vmem>>, vector<16xf32>,
      %reduce_sum3A_3398 = arith.constant true
      %reduce_sum3A_3399 = vector.broadcast %reduce_sum3A_3398 : i1 to vector<16xi1>
      %reduce_sum3A_3400 = tpu.scan <sum>, %get3A_3379 masked %reduce_sum3A_3399 : vector<16xf32>, vector<16xi1> -> vector<16xf32>
      %reduce_sum3A_3401 = vector.extract %reduce_sum3A_3400[15] : f32 from vector<16xf32>
      %add3A_3402 = arith.addf %add3A_3373, %reduce_sum3A_3401 : f32
      %get3A_3403 = arith.constant 1 : i32
      %get3A_3404 = arith.constant 6 : i32
      %get3A_3405 = arith.index_cast %get3A_3403 : i32 to index
      %get3A_3406 = arith.index_cast %get3A_3404 : i32 to index
      %get3A_3407 = arith.constant 0 : index
      %get3A_3408 = tpu.vector_load %arg4[%get3A_3405, %get3A_3406, %get3A_3407] {strides = array<i32>} : memref<2x8x128xf32, #tpu.memory_space<vmem>>, vector<16xf32>,
      %broadcast_in_dim3A_3409 = arith.constant true
      %broadcast_in_dim3A_3410 = vector.broadcast %broadcast_in_dim3A_3409 : i1 to vector<16xi1>
      %masked_cumsum3A_3411 = tpu.scan <sum>, %get3A_3408 masked %broadcast_in_dim3A_3410 : vector<16xf32>, vector<16xi1> -> vector<16xf32>
      %add3A_3412 = arith.constant 0.000000e+00 : f32
      %add3A_3413 = vector.broadcast %add3A_3412 : f32 to vector<16xf32>
      %add3A_3414 = arith.addf %masked_cumsum3A_3411, %add3A_3413 : vector<16xf32>
      %le3A_3415 = arith.constant 2.550000e+01 : f32
      %le3A_3416 = vector.broadcast %le3A_3415 : f32 to vector<16xf32>
      %le3A_3417 = arith.cmpf ole, %add3A_3414, %le3A_3416 : vector<16xf32>
      %jit3A_3418 = arith.constant 0.000000e+00 : f32
      %broadcast_in_dim3A_3419 = vector.broadcast %jit3A_3418 : f32 to vector<16xf32>
      %select_n3A_3420 = arith.select %le3A_3417, %add3A_3414, %broadcast_in_dim3A_3419 : vector<16xi1>, vector<16xf32>
      %mul3A_3421 = arith.mulf %select_n3A_3420, %get3A_3408 : vector<16xf32>
      %swap3A_3422 = arith.constant 1 : i32
      %swap3A_3423 = arith.constant 6 : i32
      %swap3A_3424 = arith.index_cast %swap3A_3422 : i32 to index
      %swap3A_3425 = arith.index_cast %swap3A_3423 : i32 to index
      %swap3A_3426 = arith.constant 0 : index
      %swap3A_3427 = tpu.vector_load %arg5[%swap3A_3424, %swap3A_3425, %swap3A_3426] {strides = array<i32>} : memref<2x8x128xf32, #tpu.memory_space<vmem>>, vector<16xf32>,
      tpu.vector_store %arg5[%swap3A_3424, %swap3A_3425, %swap3A_3426], %mul3A_3421 {strides = array<i32>} : memref<2x8x128xf32, #tpu.memory_space<vmem>>, vector<16xf32>,
      %reduce_sum3A_3428 = arith.constant true
      %reduce_sum3A_3429 = vector.broadcast %reduce_sum3A_3428 : i1 to vector<16xi1>
      %reduce_sum3A_3430 = tpu.scan <sum>, %get3A_3408 masked %reduce_sum3A_3429 : vector<16xf32>, vector<16xi1> -> vector<16xf32>
      %reduce_sum3A_3431 = vector.extract %reduce_sum3A_3430[15] : f32 from vector<16xf32>
      %add3A_3432 = arith.constant 0.000000e+00 : f32
      %add3A_3433 = arith.addf %add3A_3432, %reduce_sum3A_3431 : f32
      %get3A_3434 = arith.constant 1 : i32
      %get3A_3435 = arith.constant 6 : i32
      %get3A_3436 = arith.index_cast %get3A_3434 : i32 to index
      %get3A_3437 = arith.index_cast %get3A_3435 : i32 to index
      %get3A_3438 = arith.constant 16 : index
      %get3A_3439 = tpu.vector_load %arg4[%get3A_3436, %get3A_3437, %get3A_3438] {strides = array<i32>} : memref<2x8x128xf32, #tpu.memory_space<vmem>>, vector<16xf32>,
      %broadcast_in_dim3A_3440 = arith.constant true
      %broadcast_in_dim3A_3441 = vector.broadcast %broadcast_in_dim3A_3440 : i1 to vector<16xi1>
      %masked_cumsum3A_3442 = tpu.scan <sum>, %get3A_3439 masked %broadcast_in_dim3A_3441 : vector<16xf32>, vector<16xi1> -> vector<16xf32>
      %add3A_3443 = vector.broadcast %add3A_3433 : f32 to vector<16xf32>
      %add3A_3444 = arith.addf %masked_cumsum3A_3442, %add3A_3443 : vector<16xf32>
      %le3A_3445 = arith.constant 2.550000e+01 : f32
      %le3A_3446 = vector.broadcast %le3A_3445 : f32 to vector<16xf32>
      %le3A_3447 = arith.cmpf ole, %add3A_3444, %le3A_3446 : vector<16xf32>
      %jit3A_3448 = arith.constant 0.000000e+00 : f32
      %broadcast_in_dim3A_3449 = vector.broadcast %jit3A_3448 : f32 to vector<16xf32>
      %select_n3A_3450 = arith.select %le3A_3447, %add3A_3444, %broadcast_in_dim3A_3449 : vector<16xi1>, vector<16xf32>
      %mul3A_3451 = arith.mulf %select_n3A_3450, %get3A_3439 : vector<16xf32>
      %swap3A_3452 = arith.constant 1 : i32
      %swap3A_3453 = arith.constant 6 : i32
      %swap3A_3454 = arith.index_cast %swap3A_3452 : i32 to index
      %swap3A_3455 = arith.index_cast %swap3A_3453 : i32 to index
      %swap3A_3456 = arith.constant 16 : index
      %swap3A_3457 = tpu.vector_load %arg5[%swap3A_3454, %swap3A_3455, %swap3A_3456] {strides = array<i32>} : memref<2x8x128xf32, #tpu.memory_space<vmem>>, vector<16xf32>,
      tpu.vector_store %arg5[%swap3A_3454, %swap3A_3455, %swap3A_3456], %mul3A_3451 {strides = array<i32>} : memref<2x8x128xf32, #tpu.memory_space<vmem>>, vector<16xf32>,
      %reduce_sum3A_3458 = arith.constant true
      %reduce_sum3A_3459 = vector.broadcast %reduce_sum3A_3458 : i1 to vector<16xi1>
      %reduce_sum3A_3460 = tpu.scan <sum>, %get3A_3439 masked %reduce_sum3A_3459 : vector<16xf32>, vector<16xi1> -> vector<16xf32>
      %reduce_sum3A_3461 = vector.extract %reduce_sum3A_3460[15] : f32 from vector<16xf32>
      %add3A_3462 = arith.addf %add3A_3433, %reduce_sum3A_3461 : f32
      %get3A_3463 = arith.constant 1 : i32
      %get3A_3464 = arith.constant 6 : i32
      %get3A_3465 = arith.index_cast %get3A_3463 : i32 to index
      %get3A_3466 = arith.index_cast %get3A_3464 : i32 to index
      %get3A_3467 = arith.constant 32 : index
      %get3A_3468 = tpu.vector_load %arg4[%get3A_3465, %get3A_3466, %get3A_3467] {strides = array<i32>} : memref<2x8x128xf32, #tpu.memory_space<vmem>>, vector<16xf32>,
      %broadcast_in_dim3A_3469 = arith.constant true
      %broadcast_in_dim3A_3470 = vector.broadcast %broadcast_in_dim3A_3469 : i1 to vector<16xi1>
      %masked_cumsum3A_3471 = tpu.scan <sum>, %get3A_3468 masked %broadcast_in_dim3A_3470 : vector<16xf32>, vector<16xi1> -> vector<16xf32>
      %add3A_3472 = vector.broadcast %add3A_3462 : f32 to vector<16xf32>
      %add3A_3473 = arith.addf %masked_cumsum3A_3471, %add3A_3472 : vector<16xf32>
      %le3A_3474 = arith.constant 2.550000e+01 : f32
      %le3A_3475 = vector.broadcast %le3A_3474 : f32 to vector<16xf32>
      %le3A_3476 = arith.cmpf ole, %add3A_3473, %le3A_3475 : vector<16xf32>
      %jit3A_3477 = arith.constant 0.000000e+00 : f32
      %broadcast_in_dim3A_3478 = vector.broadcast %jit3A_3477 : f32 to vector<16xf32>
      %select_n3A_3479 = arith.select %le3A_3476, %add3A_3473, %broadcast_in_dim3A_3478 : vector<16xi1>, vector<16xf32>
      %mul3A_3480 = arith.mulf %select_n3A_3479, %get3A_3468 : vector<16xf32>
      %swap3A_3481 = arith.constant 1 : i32
      %swap3A_3482 = arith.constant 6 : i32
      %swap3A_3483 = arith.index_cast %swap3A_3481 : i32 to index
      %swap3A_3484 = arith.index_cast %swap3A_3482 : i32 to index
      %swap3A_3485 = arith.constant 32 : index
      %swap3A_3486 = tpu.vector_load %arg5[%swap3A_3483, %swap3A_3484, %swap3A_3485] {strides = array<i32>} : memref<2x8x128xf32, #tpu.memory_space<vmem>>, vector<16xf32>,
      tpu.vector_store %arg5[%swap3A_3483, %swap3A_3484, %swap3A_3485], %mul3A_3480 {strides = array<i32>} : memref<2x8x128xf32, #tpu.memory_space<vmem>>, vector<16xf32>,
      %reduce_sum3A_3487 = arith.constant true
      %reduce_sum3A_3488 = vector.broadcast %reduce_sum3A_3487 : i1 to vector<16xi1>
      %reduce_sum3A_3489 = tpu.scan <sum>, %get3A_3468 masked %reduce_sum3A_3488 : vector<16xf32>, vector<16xi1> -> vector<16xf32>
      %reduce_sum3A_3490 = vector.extract %reduce_sum3A_3489[15] : f32 from vector<16xf32>
      %add3A_3491 = arith.addf %add3A_3462, %reduce_sum3A_3490 : f32
      %get3A_3492 = arith.constant 1 : i32
      %get3A_3493 = arith.constant 6 : i32
      %get3A_3494 = arith.index_cast %get3A_3492 : i32 to index
      %get3A_3495 = arith.index_cast %get3A_3493 : i32 to index
      %get3A_3496 = arith.constant 48 : index
      %get3A_3497 = tpu.vector_load %arg4[%get3A_3494, %get3A_3495, %get3A_3496] {strides = array<i32>} : memref<2x8x128xf32, #tpu.memory_space<vmem>>, vector<16xf32>,
      %broadcast_in_dim3A_3498 = arith.constant true
      %broadcast_in_dim3A_3499 = vector.broadcast %broadcast_in_dim3A_3498 : i1 to vector<16xi1>
      %masked_cumsum3A_3500 = tpu.scan <sum>, %get3A_3497 masked %broadcast_in_dim3A_3499 : vector<16xf32>, vector<16xi1> -> vector<16xf32>
      %add3A_3501 = vector.broadcast %add3A_3491 : f32 to vector<16xf32>
      %add3A_3502 = arith.addf %masked_cumsum3A_3500, %add3A_3501 : vector<16xf32>
      %le3A_3503 = arith.constant 2.550000e+01 : f32
      %le3A_3504 = vector.broadcast %le3A_3503 : f32 to vector<16xf32>
      %le3A_3505 = arith.cmpf ole, %add3A_3502, %le3A_3504 : vector<16xf32>
      %jit3A_3506 = arith.constant 0.000000e+00 : f32
      %broadcast_in_dim3A_3507 = vector.broadcast %jit3A_3506 : f32 to vector<16xf32>
      %select_n3A_3508 = arith.select %le3A_3505, %add3A_3502, %broadcast_in_dim3A_3507 : vector<16xi1>, vector<16xf32>
      %mul3A_3509 = arith.mulf %select_n3A_3508, %get3A_3497 : vector<16xf32>
      %swap3A_3510 = arith.constant 1 : i32
      %swap3A_3511 = arith.constant 6 : i32
      %swap3A_3512 = arith.index_cast %swap3A_3510 : i32 to index
      %swap3A_3513 = arith.index_cast %swap3A_3511 : i32 to index
      %swap3A_3514 = arith.constant 48 : index
      %swap3A_3515 = tpu.vector_load %arg5[%swap3A_3512, %swap3A_3513, %swap3A_3514] {strides = array<i32>} : memref<2x8x128xf32, #tpu.memory_space<vmem>>, vector<16xf32>,
      tpu.vector_store %arg5[%swap3A_3512, %swap3A_3513, %swap3A_3514], %mul3A_3509 {strides = array<i32>} : memref<2x8x128xf32, #tpu.memory_space<vmem>>, vector<16xf32>,
      %reduce_sum3A_3516 = arith.constant true
      %reduce_sum3A_3517 = vector.broadcast %reduce_sum3A_3516 : i1 to vector<16xi1>
      %reduce_sum3A_3518 = tpu.scan <sum>, %get3A_3497 masked %reduce_sum3A_3517 : vector<16xf32>, vector<16xi1> -> vector<16xf32>
      %reduce_sum3A_3519 = vector.extract %reduce_sum3A_3518[15] : f32 from vector<16xf32>
      %add3A_3520 = arith.addf %add3A_3491, %reduce_sum3A_3519 : f32
      %get3A_3521 = arith.constant 1 : i32
      %get3A_3522 = arith.constant 6 : i32
      %get3A_3523 = arith.index_cast %get3A_3521 : i32 to index
      %get3A_3524 = arith.index_cast %get3A_3522 : i32 to index
      %get3A_3525 = arith.constant 64 : index
      %get3A_3526 = tpu.vector_load %arg4[%get3A_3523, %get3A_3524, %get3A_3525] {strides = array<i32>} : memref<2x8x128xf32, #tpu.memory_space<vmem>>, vector<16xf32>,
      %broadcast_in_dim3A_3527 = arith.constant true
      %broadcast_in_dim3A_3528 = vector.broadcast %broadcast_in_dim3A_3527 : i1 to vector<16xi1>
      %masked_cumsum3A_3529 = tpu.scan <sum>, %get3A_3526 masked %broadcast_in_dim3A_3528 : vector<16xf32>, vector<16xi1> -> vector<16xf32>
      %add3A_3530 = vector.broadcast %add3A_3520 : f32 to vector<16xf32>
      %add3A_3531 = arith.addf %masked_cumsum3A_3529, %add3A_3530 : vector<16xf32>
      %le3A_3532 = arith.constant 2.550000e+01 : f32
      %le3A_3533 = vector.broadcast %le3A_3532 : f32 to vector<16xf32>
      %le3A_3534 = arith.cmpf ole, %add3A_3531, %le3A_3533 : vector<16xf32>
      %jit3A_3535 = arith.constant 0.000000e+00 : f32
      %broadcast_in_dim3A_3536 = vector.broadcast %jit3A_3535 : f32 to vector<16xf32>
      %select_n3A_3537 = arith.select %le3A_3534, %add3A_3531, %broadcast_in_dim3A_3536 : vector<16xi1>, vector<16xf32>
      %mul3A_3538 = arith.mulf %select_n3A_3537, %get3A_3526 : vector<16xf32>
      %swap3A_3539 = arith.constant 1 : i32
      %swap3A_3540 = arith.constant 6 : i32
      %swap3A_3541 = arith.index_cast %swap3A_3539 : i32 to index
      %swap3A_3542 = arith.index_cast %swap3A_3540 : i32 to index
      %swap3A_3543 = arith.constant 64 : index
      %swap3A_3544 = tpu.vector_load %arg5[%swap3A_3541, %swap3A_3542, %swap3A_3543] {strides = array<i32>} : memref<2x8x128xf32, #tpu.memory_space<vmem>>, vector<16xf32>,
      tpu.vector_store %arg5[%swap3A_3541, %swap3A_3542, %swap3A_3543], %mul3A_3538 {strides = array<i32>} : memref<2x8x128xf32, #tpu.memory_space<vmem>>, vector<16xf32>,
      %reduce_sum3A_3545 = arith.constant true
      %reduce_sum3A_3546 = vector.broadcast %reduce_sum3A_3545 : i1 to vector<16xi1>
      %reduce_sum3A_3547 = tpu.scan <sum>, %get3A_3526 masked %reduce_sum3A_3546 : vector<16xf32>, vector<16xi1> -> vector<16xf32>
      %reduce_sum3A_3548 = vector.extract %reduce_sum3A_3547[15] : f32 from vector<16xf32>
      %add3A_3549 = arith.addf %add3A_3520, %reduce_sum3A_3548 : f32
      %get3A_3550 = arith.constant 1 : i32
      %get3A_3551 = arith.constant 6 : i32
      %get3A_3552 = arith.index_cast %get3A_3550 : i32 to index
      %get3A_3553 = arith.index_cast %get3A_3551 : i32 to index
      %get3A_3554 = arith.constant 80 : index
      %get3A_3555 = tpu.vector_load %arg4[%get3A_3552, %get3A_3553, %get3A_3554] {strides = array<i32>} : memref<2x8x128xf32, #tpu.memory_space<vmem>>, vector<16xf32>,
      %broadcast_in_dim3A_3556 = arith.constant true
      %broadcast_in_dim3A_3557 = vector.broadcast %broadcast_in_dim3A_3556 : i1 to vector<16xi1>
      %masked_cumsum3A_3558 = tpu.scan <sum>, %get3A_3555 masked %broadcast_in_dim3A_3557 : vector<16xf32>, vector<16xi1> -> vector<16xf32>
      %add3A_3559 = vector.broadcast %add3A_3549 : f32 to vector<16xf32>
      %add3A_3560 = arith.addf %masked_cumsum3A_3558, %add3A_3559 : vector<16xf32>
      %le3A_3561 = arith.constant 2.550000e+01 : f32
      %le3A_3562 = vector.broadcast %le3A_3561 : f32 to vector<16xf32>
      %le3A_3563 = arith.cmpf ole, %add3A_3560, %le3A_3562 : vector<16xf32>
      %jit3A_3564 = arith.constant 0.000000e+00 : f32
      %broadcast_in_dim3A_3565 = vector.broadcast %jit3A_3564 : f32 to vector<16xf32>
      %select_n3A_3566 = arith.select %le3A_3563, %add3A_3560, %broadcast_in_dim3A_3565 : vector<16xi1>, vector<16xf32>
      %mul3A_3567 = arith.mulf %select_n3A_3566, %get3A_3555 : vector<16xf32>
      %swap3A_3568 = arith.constant 1 : i32
      %swap3A_3569 = arith.constant 6 : i32
      %swap3A_3570 = arith.index_cast %swap3A_3568 : i32 to index
      %swap3A_3571 = arith.index_cast %swap3A_3569 : i32 to index
      %swap3A_3572 = arith.constant 80 : index
      %swap3A_3573 = tpu.vector_load %arg5[%swap3A_3570, %swap3A_3571, %swap3A_3572] {strides = array<i32>} : memref<2x8x128xf32, #tpu.memory_space<vmem>>, vector<16xf32>,
      tpu.vector_store %arg5[%swap3A_3570, %swap3A_3571, %swap3A_3572], %mul3A_3567 {strides = array<i32>} : memref<2x8x128xf32, #tpu.memory_space<vmem>>, vector<16xf32>,
      %reduce_sum3A_3574 = arith.constant true
      %reduce_sum3A_3575 = vector.broadcast %reduce_sum3A_3574 : i1 to vector<16xi1>
      %reduce_sum3A_3576 = tpu.scan <sum>, %get3A_3555 masked %reduce_sum3A_3575 : vector<16xf32>, vector<16xi1> -> vector<16xf32>
      %reduce_sum3A_3577 = vector.extract %reduce_sum3A_3576[15] : f32 from vector<16xf32>
      %add3A_3578 = arith.addf %add3A_3549, %reduce_sum3A_3577 : f32
      %get3A_3579 = arith.constant 1 : i32
      %get3A_3580 = arith.constant 6 : i32
      %get3A_3581 = arith.index_cast %get3A_3579 : i32 to index
      %get3A_3582 = arith.index_cast %get3A_3580 : i32 to index
      %get3A_3583 = arith.constant 96 : index
      %get3A_3584 = tpu.vector_load %arg4[%get3A_3581, %get3A_3582, %get3A_3583] {strides = array<i32>} : memref<2x8x128xf32, #tpu.memory_space<vmem>>, vector<16xf32>,
      %broadcast_in_dim3A_3585 = arith.constant true
      %broadcast_in_dim3A_3586 = vector.broadcast %broadcast_in_dim3A_3585 : i1 to vector<16xi1>
      %masked_cumsum3A_3587 = tpu.scan <sum>, %get3A_3584 masked %broadcast_in_dim3A_3586 : vector<16xf32>, vector<16xi1> -> vector<16xf32>
      %add3A_3588 = vector.broadcast %add3A_3578 : f32 to vector<16xf32>
      %add3A_3589 = arith.addf %masked_cumsum3A_3587, %add3A_3588 : vector<16xf32>
      %le3A_3590 = arith.constant 2.550000e+01 : f32
      %le3A_3591 = vector.broadcast %le3A_3590 : f32 to vector<16xf32>
      %le3A_3592 = arith.cmpf ole, %add3A_3589, %le3A_3591 : vector<16xf32>
      %jit3A_3593 = arith.constant 0.000000e+00 : f32
      %broadcast_in_dim3A_3594 = vector.broadcast %jit3A_3593 : f32 to vector<16xf32>
      %select_n3A_3595 = arith.select %le3A_3592, %add3A_3589, %broadcast_in_dim3A_3594 : vector<16xi1>, vector<16xf32>
      %mul3A_3596 = arith.mulf %select_n3A_3595, %get3A_3584 : vector<16xf32>
      %swap3A_3597 = arith.constant 1 : i32
      %swap3A_3598 = arith.constant 6 : i32
      %swap3A_3599 = arith.index_cast %swap3A_3597 : i32 to index
      %swap3A_3600 = arith.index_cast %swap3A_3598 : i32 to index
      %swap3A_3601 = arith.constant 96 : index
      %swap3A_3602 = tpu.vector_load %arg5[%swap3A_3599, %swap3A_3600, %swap3A_3601] {strides = array<i32>} : memref<2x8x128xf32, #tpu.memory_space<vmem>>, vector<16xf32>,
      tpu.vector_store %arg5[%swap3A_3599, %swap3A_3600, %swap3A_3601], %mul3A_3596 {strides = array<i32>} : memref<2x8x128xf32, #tpu.memory_space<vmem>>, vector<16xf32>,
      %reduce_sum3A_3603 = arith.constant true
      %reduce_sum3A_3604 = vector.broadcast %reduce_sum3A_3603 : i1 to vector<16xi1>
      %reduce_sum3A_3605 = tpu.scan <sum>, %get3A_3584 masked %reduce_sum3A_3604 : vector<16xf32>, vector<16xi1> -> vector<16xf32>
      %reduce_sum3A_3606 = vector.extract %reduce_sum3A_3605[15] : f32 from vector<16xf32>
      %add3A_3607 = arith.addf %add3A_3578, %reduce_sum3A_3606 : f32
      %get3A_3608 = arith.constant 1 : i32
      %get3A_3609 = arith.constant 6 : i32
      %get3A_3610 = arith.index_cast %get3A_3608 : i32 to index
      %get3A_3611 = arith.index_cast %get3A_3609 : i32 to index
      %get3A_3612 = arith.constant 112 : index
      %get3A_3613 = tpu.vector_load %arg4[%get3A_3610, %get3A_3611, %get3A_3612] {strides = array<i32>} : memref<2x8x128xf32, #tpu.memory_space<vmem>>, vector<16xf32>,
      %broadcast_in_dim3A_3614 = arith.constant true
      %broadcast_in_dim3A_3615 = vector.broadcast %broadcast_in_dim3A_3614 : i1 to vector<16xi1>
      %masked_cumsum3A_3616 = tpu.scan <sum>, %get3A_3613 masked %broadcast_in_dim3A_3615 : vector<16xf32>, vector<16xi1> -> vector<16xf32>
      %add3A_3617 = vector.broadcast %add3A_3607 : f32 to vector<16xf32>
      %add3A_3618 = arith.addf %masked_cumsum3A_3616, %add3A_3617 : vector<16xf32>
      %le3A_3619 = arith.constant 2.550000e+01 : f32
      %le3A_3620 = vector.broadcast %le3A_3619 : f32 to vector<16xf32>
      %le3A_3621 = arith.cmpf ole, %add3A_3618, %le3A_3620 : vector<16xf32>
      %jit3A_3622 = arith.constant 0.000000e+00 : f32
      %broadcast_in_dim3A_3623 = vector.broadcast %jit3A_3622 : f32 to vector<16xf32>
      %select_n3A_3624 = arith.select %le3A_3621, %add3A_3618, %broadcast_in_dim3A_3623 : vector<16xi1>, vector<16xf32>
      %mul3A_3625 = arith.mulf %select_n3A_3624, %get3A_3613 : vector<16xf32>
      %swap3A_3626 = arith.constant 1 : i32
      %swap3A_3627 = arith.constant 6 : i32
      %swap3A_3628 = arith.index_cast %swap3A_3626 : i32 to index
      %swap3A_3629 = arith.index_cast %swap3A_3627 : i32 to index
      %swap3A_3630 = arith.constant 112 : index
      %swap3A_3631 = tpu.vector_load %arg5[%swap3A_3628, %swap3A_3629, %swap3A_3630] {strides = array<i32>} : memref<2x8x128xf32, #tpu.memory_space<vmem>>, vector<16xf32>,
      tpu.vector_store %arg5[%swap3A_3628, %swap3A_3629, %swap3A_3630], %mul3A_3625 {strides = array<i32>} : memref<2x8x128xf32, #tpu.memory_space<vmem>>, vector<16xf32>,
      %reduce_sum3A_3632 = arith.constant true
      %reduce_sum3A_3633 = vector.broadcast %reduce_sum3A_3632 : i1 to vector<16xi1>
      %reduce_sum3A_3634 = tpu.scan <sum>, %get3A_3613 masked %reduce_sum3A_3633 : vector<16xf32>, vector<16xi1> -> vector<16xf32>
      %reduce_sum3A_3635 = vector.extract %reduce_sum3A_3634[15] : f32 from vector<16xf32>
      %add3A_3636 = arith.addf %add3A_3607, %reduce_sum3A_3635 : f32
      %get3A_3637 = arith.constant 1 : i32
      %get3A_3638 = arith.constant 7 : i32
      %get3A_3639 = arith.index_cast %get3A_3637 : i32 to index
      %get3A_3640 = arith.index_cast %get3A_3638 : i32 to index
      %get3A_3641 = arith.constant 0 : index
      %get3A_3642 = tpu.vector_load %arg4[%get3A_3639, %get3A_3640, %get3A_3641] {strides = array<i32>} : memref<2x8x128xf32, #tpu.memory_space<vmem>>, vector<16xf32>,
      %broadcast_in_dim3A_3643 = arith.constant true
      %broadcast_in_dim3A_3644 = vector.broadcast %broadcast_in_dim3A_3643 : i1 to vector<16xi1>
      %masked_cumsum3A_3645 = tpu.scan <sum>, %get3A_3642 masked %broadcast_in_dim3A_3644 : vector<16xf32>, vector<16xi1> -> vector<16xf32>
      %add3A_3646 = arith.constant 0.000000e+00 : f32
      %add3A_3647 = vector.broadcast %add3A_3646 : f32 to vector<16xf32>
      %add3A_3648 = arith.addf %masked_cumsum3A_3645, %add3A_3647 : vector<16xf32>
      %le3A_3649 = arith.constant 2.550000e+01 : f32
      %le3A_3650 = vector.broadcast %le3A_3649 : f32 to vector<16xf32>
      %le3A_3651 = arith.cmpf ole, %add3A_3648, %le3A_3650 : vector<16xf32>
      %jit3A_3652 = arith.constant 0.000000e+00 : f32
      %broadcast_in_dim3A_3653 = vector.broadcast %jit3A_3652 : f32 to vector<16xf32>
      %select_n3A_3654 = arith.select %le3A_3651, %add3A_3648, %broadcast_in_dim3A_3653 : vector<16xi1>, vector<16xf32>
      %mul3A_3655 = arith.mulf %select_n3A_3654, %get3A_3642 : vector<16xf32>
      %swap3A_3656 = arith.constant 1 : i32
      %swap3A_3657 = arith.constant 7 : i32
      %swap3A_3658 = arith.index_cast %swap3A_3656 : i32 to index
      %swap3A_3659 = arith.index_cast %swap3A_3657 : i32 to index
      %swap3A_3660 = arith.constant 0 : index
      %swap3A_3661 = tpu.vector_load %arg5[%swap3A_3658, %swap3A_3659, %swap3A_3660] {strides = array<i32>} : memref<2x8x128xf32, #tpu.memory_space<vmem>>, vector<16xf32>,
      tpu.vector_store %arg5[%swap3A_3658, %swap3A_3659, %swap3A_3660], %mul3A_3655 {strides = array<i32>} : memref<2x8x128xf32, #tpu.memory_space<vmem>>, vector<16xf32>,
      %reduce_sum3A_3662 = arith.constant true
      %reduce_sum3A_3663 = vector.broadcast %reduce_sum3A_3662 : i1 to vector<16xi1>
      %reduce_sum3A_3664 = tpu.scan <sum>, %get3A_3642 masked %reduce_sum3A_3663 : vector<16xf32>, vector<16xi1> -> vector<16xf32>
      %reduce_sum3A_3665 = vector.extract %reduce_sum3A_3664[15] : f32 from vector<16xf32>
      %add3A_3666 = arith.constant 0.000000e+00 : f32
      %add3A_3667 = arith.addf %add3A_3666, %reduce_sum3A_3665 : f32
      %get3A_3668 = arith.constant 1 : i32
      %get3A_3669 = arith.constant 7 : i32
      %get3A_3670 = arith.index_cast %get3A_3668 : i32 to index
      %get3A_3671 = arith.index_cast %get3A_3669 : i32 to index
      %get3A_3672 = arith.constant 16 : index
      %get3A_3673 = tpu.vector_load %arg4[%get3A_3670, %get3A_3671, %get3A_3672] {strides = array<i32>} : memref<2x8x128xf32, #tpu.memory_space<vmem>>, vector<16xf32>,
      %broadcast_in_dim3A_3674 = arith.constant true
      %broadcast_in_dim3A_3675 = vector.broadcast %broadcast_in_dim3A_3674 : i1 to vector<16xi1>
      %masked_cumsum3A_3676 = tpu.scan <sum>, %get3A_3673 masked %broadcast_in_dim3A_3675 : vector<16xf32>, vector<16xi1> -> vector<16xf32>
      %add3A_3677 = vector.broadcast %add3A_3667 : f32 to vector<16xf32>
      %add3A_3678 = arith.addf %masked_cumsum3A_3676, %add3A_3677 : vector<16xf32>
      %le3A_3679 = arith.constant 2.550000e+01 : f32
      %le3A_3680 = vector.broadcast %le3A_3679 : f32 to vector<16xf32>
      %le3A_3681 = arith.cmpf ole, %add3A_3678, %le3A_3680 : vector<16xf32>
      %jit3A_3682 = arith.constant 0.000000e+00 : f32
      %broadcast_in_dim3A_3683 = vector.broadcast %jit3A_3682 : f32 to vector<16xf32>
      %select_n3A_3684 = arith.select %le3A_3681, %add3A_3678, %broadcast_in_dim3A_3683 : vector<16xi1>, vector<16xf32>
      %mul3A_3685 = arith.mulf %select_n3A_3684, %get3A_3673 : vector<16xf32>
      %swap3A_3686 = arith.constant 1 : i32
      %swap3A_3687 = arith.constant 7 : i32
      %swap3A_3688 = arith.index_cast %swap3A_3686 : i32 to index
      %swap3A_3689 = arith.index_cast %swap3A_3687 : i32 to index
      %swap3A_3690 = arith.constant 16 : index
      %swap3A_3691 = tpu.vector_load %arg5[%swap3A_3688, %swap3A_3689, %swap3A_3690] {strides = array<i32>} : memref<2x8x128xf32, #tpu.memory_space<vmem>>, vector<16xf32>,
      tpu.vector_store %arg5[%swap3A_3688, %swap3A_3689, %swap3A_3690], %mul3A_3685 {strides = array<i32>} : memref<2x8x128xf32, #tpu.memory_space<vmem>>, vector<16xf32>,
      %reduce_sum3A_3692 = arith.constant true
      %reduce_sum3A_3693 = vector.broadcast %reduce_sum3A_3692 : i1 to vector<16xi1>
      %reduce_sum3A_3694 = tpu.scan <sum>, %get3A_3673 masked %reduce_sum3A_3693 : vector<16xf32>, vector<16xi1> -> vector<16xf32>
      %reduce_sum3A_3695 = vector.extract %reduce_sum3A_3694[15] : f32 from vector<16xf32>
      %add3A_3696 = arith.addf %add3A_3667, %reduce_sum3A_3695 : f32
      %get3A_3697 = arith.constant 1 : i32
      %get3A_3698 = arith.constant 7 : i32
      %get3A_3699 = arith.index_cast %get3A_3697 : i32 to index
      %get3A_3700 = arith.index_cast %get3A_3698 : i32 to index
      %get3A_3701 = arith.constant 32 : index
      %get3A_3702 = tpu.vector_load %arg4[%get3A_3699, %get3A_3700, %get3A_3701] {strides = array<i32>} : memref<2x8x128xf32, #tpu.memory_space<vmem>>, vector<16xf32>,
      %broadcast_in_dim3A_3703 = arith.constant true
      %broadcast_in_dim3A_3704 = vector.broadcast %broadcast_in_dim3A_3703 : i1 to vector<16xi1>
      %masked_cumsum3A_3705 = tpu.scan <sum>, %get3A_3702 masked %broadcast_in_dim3A_3704 : vector<16xf32>, vector<16xi1> -> vector<16xf32>
      %add3A_3706 = vector.broadcast %add3A_3696 : f32 to vector<16xf32>
      %add3A_3707 = arith.addf %masked_cumsum3A_3705, %add3A_3706 : vector<16xf32>
      %le3A_3708 = arith.constant 2.550000e+01 : f32
      %le3A_3709 = vector.broadcast %le3A_3708 : f32 to vector<16xf32>
      %le3A_3710 = arith.cmpf ole, %add3A_3707, %le3A_3709 : vector<16xf32>
      %jit3A_3711 = arith.constant 0.000000e+00 : f32
      %broadcast_in_dim3A_3712 = vector.broadcast %jit3A_3711 : f32 to vector<16xf32>
      %select_n3A_3713 = arith.select %le3A_3710, %add3A_3707, %broadcast_in_dim3A_3712 : vector<16xi1>, vector<16xf32>
      %mul3A_3714 = arith.mulf %select_n3A_3713, %get3A_3702 : vector<16xf32>
      %swap3A_3715 = arith.constant 1 : i32
      %swap3A_3716 = arith.constant 7 : i32
      %swap3A_3717 = arith.index_cast %swap3A_3715 : i32 to index
      %swap3A_3718 = arith.index_cast %swap3A_3716 : i32 to index
      %swap3A_3719 = arith.constant 32 : index
      %swap3A_3720 = tpu.vector_load %arg5[%swap3A_3717, %swap3A_3718, %swap3A_3719] {strides = array<i32>} : memref<2x8x128xf32, #tpu.memory_space<vmem>>, vector<16xf32>,
      tpu.vector_store %arg5[%swap3A_3717, %swap3A_3718, %swap3A_3719], %mul3A_3714 {strides = array<i32>} : memref<2x8x128xf32, #tpu.memory_space<vmem>>, vector<16xf32>,
      %reduce_sum3A_3721 = arith.constant true
      %reduce_sum3A_3722 = vector.broadcast %reduce_sum3A_3721 : i1 to vector<16xi1>
      %reduce_sum3A_3723 = tpu.scan <sum>, %get3A_3702 masked %reduce_sum3A_3722 : vector<16xf32>, vector<16xi1> -> vector<16xf32>
      %reduce_sum3A_3724 = vector.extract %reduce_sum3A_3723[15] : f32 from vector<16xf32>
      %add3A_3725 = arith.addf %add3A_3696, %reduce_sum3A_3724 : f32
      %get3A_3726 = arith.constant 1 : i32
      %get3A_3727 = arith.constant 7 : i32
      %get3A_3728 = arith.index_cast %get3A_3726 : i32 to index
      %get3A_3729 = arith.index_cast %get3A_3727 : i32 to index
      %get3A_3730 = arith.constant 48 : index
      %get3A_3731 = tpu.vector_load %arg4[%get3A_3728, %get3A_3729, %get3A_3730] {strides = array<i32>} : memref<2x8x128xf32, #tpu.memory_space<vmem>>, vector<16xf32>,
      %broadcast_in_dim3A_3732 = arith.constant true
      %broadcast_in_dim3A_3733 = vector.broadcast %broadcast_in_dim3A_3732 : i1 to vector<16xi1>
      %masked_cumsum3A_3734 = tpu.scan <sum>, %get3A_3731 masked %broadcast_in_dim3A_3733 : vector<16xf32>, vector<16xi1> -> vector<16xf32>
      %add3A_3735 = vector.broadcast %add3A_3725 : f32 to vector<16xf32>
      %add3A_3736 = arith.addf %masked_cumsum3A_3734, %add3A_3735 : vector<16xf32>
      %le3A_3737 = arith.constant 2.550000e+01 : f32
      %le3A_3738 = vector.broadcast %le3A_3737 : f32 to vector<16xf32>
      %le3A_3739 = arith.cmpf ole, %add3A_3736, %le3A_3738 : vector<16xf32>
      %jit3A_3740 = arith.constant 0.000000e+00 : f32
      %broadcast_in_dim3A_3741 = vector.broadcast %jit3A_3740 : f32 to vector<16xf32>
      %select_n3A_3742 = arith.select %le3A_3739, %add3A_3736, %broadcast_in_dim3A_3741 : vector<16xi1>, vector<16xf32>
      %mul3A_3743 = arith.mulf %select_n3A_3742, %get3A_3731 : vector<16xf32>
      %swap3A_3744 = arith.constant 1 : i32
      %swap3A_3745 = arith.constant 7 : i32
      %swap3A_3746 = arith.index_cast %swap3A_3744 : i32 to index
      %swap3A_3747 = arith.index_cast %swap3A_3745 : i32 to index
      %swap3A_3748 = arith.constant 48 : index
      %swap3A_3749 = tpu.vector_load %arg5[%swap3A_3746, %swap3A_3747, %swap3A_3748] {strides = array<i32>} : memref<2x8x128xf32, #tpu.memory_space<vmem>>, vector<16xf32>,
      tpu.vector_store %arg5[%swap3A_3746, %swap3A_3747, %swap3A_3748], %mul3A_3743 {strides = array<i32>} : memref<2x8x128xf32, #tpu.memory_space<vmem>>, vector<16xf32>,
      %reduce_sum3A_3750 = arith.constant true
      %reduce_sum3A_3751 = vector.broadcast %reduce_sum3A_3750 : i1 to vector<16xi1>
      %reduce_sum3A_3752 = tpu.scan <sum>, %get3A_3731 masked %reduce_sum3A_3751 : vector<16xf32>, vector<16xi1> -> vector<16xf32>
      %reduce_sum3A_3753 = vector.extract %reduce_sum3A_3752[15] : f32 from vector<16xf32>
      %add3A_3754 = arith.addf %add3A_3725, %reduce_sum3A_3753 : f32
      %get3A_3755 = arith.constant 1 : i32
      %get3A_3756 = arith.constant 7 : i32
      %get3A_3757 = arith.index_cast %get3A_3755 : i32 to index
      %get3A_3758 = arith.index_cast %get3A_3756 : i32 to index
      %get3A_3759 = arith.constant 64 : index
      %get3A_3760 = tpu.vector_load %arg4[%get3A_3757, %get3A_3758, %get3A_3759] {strides = array<i32>} : memref<2x8x128xf32, #tpu.memory_space<vmem>>, vector<16xf32>,
      %broadcast_in_dim3A_3761 = arith.constant true
      %broadcast_in_dim3A_3762 = vector.broadcast %broadcast_in_dim3A_3761 : i1 to vector<16xi1>
      %masked_cumsum3A_3763 = tpu.scan <sum>, %get3A_3760 masked %broadcast_in_dim3A_3762 : vector<16xf32>, vector<16xi1> -> vector<16xf32>
      %add3A_3764 = vector.broadcast %add3A_3754 : f32 to vector<16xf32>
      %add3A_3765 = arith.addf %masked_cumsum3A_3763, %add3A_3764 : vector<16xf32>
      %le3A_3766 = arith.constant 2.550000e+01 : f32
      %le3A_3767 = vector.broadcast %le3A_3766 : f32 to vector<16xf32>
      %le3A_3768 = arith.cmpf ole, %add3A_3765, %le3A_3767 : vector<16xf32>
      %jit3A_3769 = arith.constant 0.000000e+00 : f32
      %broadcast_in_dim3A_3770 = vector.broadcast %jit3A_3769 : f32 to vector<16xf32>
      %select_n3A_3771 = arith.select %le3A_3768, %add3A_3765, %broadcast_in_dim3A_3770 : vector<16xi1>, vector<16xf32>
      %mul3A_3772 = arith.mulf %select_n3A_3771, %get3A_3760 : vector<16xf32>
      %swap3A_3773 = arith.constant 1 : i32
      %swap3A_3774 = arith.constant 7 : i32
      %swap3A_3775 = arith.index_cast %swap3A_3773 : i32 to index
      %swap3A_3776 = arith.index_cast %swap3A_3774 : i32 to index
      %swap3A_3777 = arith.constant 64 : index
      %swap3A_3778 = tpu.vector_load %arg5[%swap3A_3775, %swap3A_3776, %swap3A_3777] {strides = array<i32>} : memref<2x8x128xf32, #tpu.memory_space<vmem>>, vector<16xf32>,
      tpu.vector_store %arg5[%swap3A_3775, %swap3A_3776, %swap3A_3777], %mul3A_3772 {strides = array<i32>} : memref<2x8x128xf32, #tpu.memory_space<vmem>>, vector<16xf32>,
      %reduce_sum3A_3779 = arith.constant true
      %reduce_sum3A_3780 = vector.broadcast %reduce_sum3A_3779 : i1 to vector<16xi1>
      %reduce_sum3A_3781 = tpu.scan <sum>, %get3A_3760 masked %reduce_sum3A_3780 : vector<16xf32>, vector<16xi1> -> vector<16xf32>
      %reduce_sum3A_3782 = vector.extract %reduce_sum3A_3781[15] : f32 from vector<16xf32>
      %add3A_3783 = arith.addf %add3A_3754, %reduce_sum3A_3782 : f32
      %get3A_3784 = arith.constant 1 : i32
      %get3A_3785 = arith.constant 7 : i32
      %get3A_3786 = arith.index_cast %get3A_3784 : i32 to index
      %get3A_3787 = arith.index_cast %get3A_3785 : i32 to index
      %get3A_3788 = arith.constant 80 : index
      %get3A_3789 = tpu.vector_load %arg4[%get3A_3786, %get3A_3787, %get3A_3788] {strides = array<i32>} : memref<2x8x128xf32, #tpu.memory_space<vmem>>, vector<16xf32>,
      %broadcast_in_dim3A_3790 = arith.constant true
      %broadcast_in_dim3A_3791 = vector.broadcast %broadcast_in_dim3A_3790 : i1 to vector<16xi1>
      %masked_cumsum3A_3792 = tpu.scan <sum>, %get3A_3789 masked %broadcast_in_dim3A_3791 : vector<16xf32>, vector<16xi1> -> vector<16xf32>
      %add3A_3793 = vector.broadcast %add3A_3783 : f32 to vector<16xf32>
      %add3A_3794 = arith.addf %masked_cumsum3A_3792, %add3A_3793 : vector<16xf32>
      %le3A_3795 = arith.constant 2.550000e+01 : f32
      %le3A_3796 = vector.broadcast %le3A_3795 : f32 to vector<16xf32>
      %le3A_3797 = arith.cmpf ole, %add3A_3794, %le3A_3796 : vector<16xf32>
      %jit3A_3798 = arith.constant 0.000000e+00 : f32
      %broadcast_in_dim3A_3799 = vector.broadcast %jit3A_3798 : f32 to vector<16xf32>
      %select_n3A_3800 = arith.select %le3A_3797, %add3A_3794, %broadcast_in_dim3A_3799 : vector<16xi1>, vector<16xf32>
      %mul3A_3801 = arith.mulf %select_n3A_3800, %get3A_3789 : vector<16xf32>
      %swap3A_3802 = arith.constant 1 : i32
      %swap3A_3803 = arith.constant 7 : i32
      %swap3A_3804 = arith.index_cast %swap3A_3802 : i32 to index
      %swap3A_3805 = arith.index_cast %swap3A_3803 : i32 to index
      %swap3A_3806 = arith.constant 80 : index
      %swap3A_3807 = tpu.vector_load %arg5[%swap3A_3804, %swap3A_3805, %swap3A_3806] {strides = array<i32>} : memref<2x8x128xf32, #tpu.memory_space<vmem>>, vector<16xf32>,
      tpu.vector_store %arg5[%swap3A_3804, %swap3A_3805, %swap3A_3806], %mul3A_3801 {strides = array<i32>} : memref<2x8x128xf32, #tpu.memory_space<vmem>>, vector<16xf32>,
      %reduce_sum3A_3808 = arith.constant true
      %reduce_sum3A_3809 = vector.broadcast %reduce_sum3A_3808 : i1 to vector<16xi1>
      %reduce_sum3A_3810 = tpu.scan <sum>, %get3A_3789 masked %reduce_sum3A_3809 : vector<16xf32>, vector<16xi1> -> vector<16xf32>
      %reduce_sum3A_3811 = vector.extract %reduce_sum3A_3810[15] : f32 from vector<16xf32>
      %add3A_3812 = arith.addf %add3A_3783, %reduce_sum3A_3811 : f32
      %get3A_3813 = arith.constant 1 : i32
      %get3A_3814 = arith.constant 7 : i32
      %get3A_3815 = arith.index_cast %get3A_3813 : i32 to index
      %get3A_3816 = arith.index_cast %get3A_3814 : i32 to index
      %get3A_3817 = arith.constant 96 : index
      %get3A_3818 = tpu.vector_load %arg4[%get3A_3815, %get3A_3816, %get3A_3817] {strides = array<i32>} : memref<2x8x128xf32, #tpu.memory_space<vmem>>, vector<16xf32>,
      %broadcast_in_dim3A_3819 = arith.constant true
      %broadcast_in_dim3A_3820 = vector.broadcast %broadcast_in_dim3A_3819 : i1 to vector<16xi1>
      %masked_cumsum3A_3821 = tpu.scan <sum>, %get3A_3818 masked %broadcast_in_dim3A_3820 : vector<16xf32>, vector<16xi1> -> vector<16xf32>
      %add3A_3822 = vector.broadcast %add3A_3812 : f32 to vector<16xf32>
      %add3A_3823 = arith.addf %masked_cumsum3A_3821, %add3A_3822 : vector<16xf32>
      %le3A_3824 = arith.constant 2.550000e+01 : f32
      %le3A_3825 = vector.broadcast %le3A_3824 : f32 to vector<16xf32>
      %le3A_3826 = arith.cmpf ole, %add3A_3823, %le3A_3825 : vector<16xf32>
      %jit3A_3827 = arith.constant 0.000000e+00 : f32
      %broadcast_in_dim3A_3828 = vector.broadcast %jit3A_3827 : f32 to vector<16xf32>
      %select_n3A_3829 = arith.select %le3A_3826, %add3A_3823, %broadcast_in_dim3A_3828 : vector<16xi1>, vector<16xf32>
      %mul3A_3830 = arith.mulf %select_n3A_3829, %get3A_3818 : vector<16xf32>
      %swap3A_3831 = arith.constant 1 : i32
      %swap3A_3832 = arith.constant 7 : i32
      %swap3A_3833 = arith.index_cast %swap3A_3831 : i32 to index
      %swap3A_3834 = arith.index_cast %swap3A_3832 : i32 to index
      %swap3A_3835 = arith.constant 96 : index
      %swap3A_3836 = tpu.vector_load %arg5[%swap3A_3833, %swap3A_3834, %swap3A_3835] {strides = array<i32>} : memref<2x8x128xf32, #tpu.memory_space<vmem>>, vector<16xf32>,
      tpu.vector_store %arg5[%swap3A_3833, %swap3A_3834, %swap3A_3835], %mul3A_3830 {strides = array<i32>} : memref<2x8x128xf32, #tpu.memory_space<vmem>>, vector<16xf32>,
      %reduce_sum3A_3837 = arith.constant true
      %reduce_sum3A_3838 = vector.broadcast %reduce_sum3A_3837 : i1 to vector<16xi1>
      %reduce_sum3A_3839 = tpu.scan <sum>, %get3A_3818 masked %reduce_sum3A_3838 : vector<16xf32>, vector<16xi1> -> vector<16xf32>
      %reduce_sum3A_3840 = vector.extract %reduce_sum3A_3839[15] : f32 from vector<16xf32>
      %add3A_3841 = arith.addf %add3A_3812, %reduce_sum3A_3840 : f32
      %get3A_3842 = arith.constant 1 : i32
      %get3A_3843 = arith.constant 7 : i32
      %get3A_3844 = arith.index_cast %get3A_3842 : i32 to index
      %get3A_3845 = arith.index_cast %get3A_3843 : i32 to index
      %get3A_3846 = arith.constant 112 : index
      %get3A_3847 = tpu.vector_load %arg4[%get3A_3844, %get3A_3845, %get3A_3846] {strides = array<i32>} : memref<2x8x128xf32, #tpu.memory_space<vmem>>, vector<16xf32>,
      %broadcast_in_dim3A_3848 = arith.constant true
      %broadcast_in_dim3A_3849 = vector.broadcast %broadcast_in_dim3A_3848 : i1 to vector<16xi1>
      %masked_cumsum3A_3850 = tpu.scan <sum>, %get3A_3847 masked %broadcast_in_dim3A_3849 : vector<16xf32>, vector<16xi1> -> vector<16xf32>
      %add3A_3851 = vector.broadcast %add3A_3841 : f32 to vector<16xf32>
      %add3A_3852 = arith.addf %masked_cumsum3A_3850, %add3A_3851 : vector<16xf32>
      %le3A_3853 = arith.constant 2.550000e+01 : f32
      %le3A_3854 = vector.broadcast %le3A_3853 : f32 to vector<16xf32>
      %le3A_3855 = arith.cmpf ole, %add3A_3852, %le3A_3854 : vector<16xf32>
      %jit3A_3856 = arith.constant 0.000000e+00 : f32
      %broadcast_in_dim3A_3857 = vector.broadcast %jit3A_3856 : f32 to vector<16xf32>
      %select_n3A_3858 = arith.select %le3A_3855, %add3A_3852, %broadcast_in_dim3A_3857 : vector<16xi1>, vector<16xf32>
      %mul3A_3859 = arith.mulf %select_n3A_3858, %get3A_3847 : vector<16xf32>
      %swap3A_3860 = arith.constant 1 : i32
      %swap3A_3861 = arith.constant 7 : i32
      %swap3A_3862 = arith.index_cast %swap3A_3860 : i32 to index
      %swap3A_3863 = arith.index_cast %swap3A_3861 : i32 to index
      %swap3A_3864 = arith.constant 112 : index
      %swap3A_3865 = tpu.vector_load %arg5[%swap3A_3862, %swap3A_3863, %swap3A_3864] {strides = array<i32>} : memref<2x8x128xf32, #tpu.memory_space<vmem>>, vector<16xf32>,
      tpu.vector_store %arg5[%swap3A_3862, %swap3A_3863, %swap3A_3864], %mul3A_3859 {strides = array<i32>} : memref<2x8x128xf32, #tpu.memory_space<vmem>>, vector<16xf32>,
      %reduce_sum3A_3866 = arith.constant true
      %reduce_sum3A_3867 = vector.broadcast %reduce_sum3A_3866 : i1 to vector<16xi1>
      %reduce_sum3A_3868 = tpu.scan <sum>, %get3A_3847 masked %reduce_sum3A_3867 : vector<16xf32>, vector<16xi1> -> vector<16xf32>
      %reduce_sum3A_3869 = vector.extract %reduce_sum3A_3868[15] : f32 from vector<16xf32>
      %add3A_3870 = arith.addf %add3A_3841, %reduce_sum3A_3869 : f32
      %mul3A_3871 = arith.constant 8 : i32
      %mul3A_3872 = arith.muli %add3A_1977, %mul3A_3871 : i32
      %add3A_3873 = arith.addi %mul3A_2, %mul3A_3872 : i32
      %dma_start3A_3874 = arith.constant 1 : i32
      %dma_start3A_3875 = arith.constant 0 : i32
      %dma_start3A_3876 = arith.constant 0 : i32
      %dma_start3A_3877 = tpu.memref_slice %arg5[%dma_start3A_3874, %dma_start3A_3875, %dma_start3A_3876] : memref<2x8x128xf32, #tpu.memory_space<vmem>> -> memref<1x8x128xf32, #tpu.memory_space<vmem>>
      %dma_start3A_3878 = tpu.memref_squeeze %dma_start3A_3877 : memref<1x8x128xf32, #tpu.memory_space<vmem>> -> memref<8x128xf32, #tpu.memory_space<vmem>>
      %dma_start3A_3879 = arith.constant 0 : i32
      %dma_start3A_3880 = tpu.memref_slice %arg3[%add3A_3873, %dma_start3A_3879] : memref<4096x128xf32, #tpu.memory_space<hbm>> -> memref<8x128xf32, #tpu.memory_space<hbm>>
      %dma_start3A_3881 = arith.constant 0 : i32
      %dma_start3A_3882 = tpu.memref_slice %arg3[%add3A_3873, %dma_start3A_3881] : memref<4096x128xf32, #tpu.memory_space<hbm>> -> memref<8x128xf32, #tpu.memory_space<hbm>>
      %dma_start3A_3883 = arith.constant 0 : i32
      %dma_start3A_3884 = arith.constant 0 : i32
      %dma_start3A_3885 = tpu.memref_slice %arg5[%dma_start3A_3874, %dma_start3A_3883, %dma_start3A_3884] : memref<2x8x128xf32, #tpu.memory_space<vmem>> -> memref<1x8x128xf32, #tpu.memory_space<vmem>>
      %dma_start3A_3886 = tpu.memref_squeeze %dma_start3A_3885 : memref<1x8x128xf32, #tpu.memory_space<vmem>> -> memref<8x128xf32, #tpu.memory_space<vmem>>
      tpu.enqueue_dma source(%dma_start3A_3886 : memref<8x128xf32, #tpu.memory_space<vmem>>) target(%dma_start3A_3882 : memref<8x128xf32, #tpu.memory_space<hbm>>) target_semaphore(%arg9 : memref<!tpu.dma_semaphore, #tpu.memory_space<semaphore_mem>>)
      %add3A_3887 = arith.constant 2 : i32
      %add3A_3888 = arith.addi %add3A_1977, %add3A_3887 : i32
      %lt3A_3889 = arith.constant 16 : i32
      %lt3A_3890 = arith.cmpi slt, %add3A_3888, %lt3A_3889 : i32
      %convert_element_type3A_3891 = arith.extui %lt3A_3890 : i1 to i32
      %cond3A_3892 = arith.constant 0 : i32
      %cond3A_3893 = arith.cmpi ne, %convert_element_type3A_3891, %cond3A_3892 : i32
      scf.if %cond3A_3893 {
        %add3A_3894 = arith.constant 2 : i32
        %add3A_3895 = arith.addi %add3A_1977, %add3A_3894 : i32
        %mul3A_3896 = arith.constant 8 : i32
        %mul3A_3897 = arith.muli %add3A_3895, %mul3A_3896 : i32
        %add3A_3898 = arith.addi %mul3A_2, %mul3A_3897 : i32
        %dma_start3A_3899 = arith.constant 1 : i32
        %dma_start3A_3900 = arith.constant 0 : i32
        %dma_start3A_3901 = arith.constant 0 : i32
        %dma_start3A_3902 = tpu.memref_slice %arg4[%dma_start3A_3899, %dma_start3A_3900, %dma_start3A_3901] : memref<2x8x128xf32, #tpu.memory_space<vmem>> -> memref<1x8x128xf32, #tpu.memory_space<vmem>>
        %dma_start3A_3903 = tpu.memref_squeeze %dma_start3A_3902 : memref<1x8x128xf32, #tpu.memory_space<vmem>> -> memref<8x128xf32, #tpu.memory_space<vmem>>
        %dma_start3A_3904 = arith.constant 0 : i32
        %dma_start3A_3905 = tpu.memref_slice %arg2[%add3A_3898, %dma_start3A_3904] : memref<4096x4096xf32, #tpu.memory_space<hbm>> -> memref<8x128xf32, #tpu.memory_space<hbm>>
        %dma_start3A_3906 = arith.constant 0 : i32
        %dma_start3A_3907 = arith.constant 0 : i32
        %dma_start3A_3908 = tpu.memref_slice %arg4[%dma_start3A_3899, %dma_start3A_3906, %dma_start3A_3907] : memref<2x8x128xf32, #tpu.memory_space<vmem>> -> memref<1x8x128xf32, #tpu.memory_space<vmem>>
        %dma_start3A_3909 = tpu.memref_squeeze %dma_start3A_3908 : memref<1x8x128xf32, #tpu.memory_space<vmem>> -> memref<8x128xf32, #tpu.memory_space<vmem>>
        %dma_start3A_3910 = arith.constant 0 : i32
        %dma_start3A_3911 = tpu.memref_slice %arg2[%add3A_3898, %dma_start3A_3910] : memref<4096x4096xf32, #tpu.memory_space<hbm>> -> memref<8x128xf32, #tpu.memory_space<hbm>>
        tpu.enqueue_dma source(%dma_start3A_3911 : memref<8x128xf32, #tpu.memory_space<hbm>>) target(%dma_start3A_3909 : memref<8x128xf32, #tpu.memory_space<vmem>>) target_semaphore(%arg7 : memref<!tpu.dma_semaphore, #tpu.memory_space<semaphore_mem>>)
      } else {
      }
    }
    %scan3A_35 = arith.constant 8 : i32
    %add3A_36 = arith.constant 112 : i32
    %add3A_37 = arith.addi %mul3A_2, %add3A_36 : i32
    %dma_wait3A = arith.constant 0 : i32
    %dma_wait3A_38 = arith.constant 0 : i32
    %dma_wait3A_39 = arith.constant 0 : i32
    %dma_wait3A_40 = tpu.memref_slice %arg5[%dma_wait3A, %dma_wait3A_38, %dma_wait3A_39] : memref<2x8x128xf32, #tpu.memory_space<vmem>> -> memref<1x8x128xf32, #tpu.memory_space<vmem>>
    %dma_wait3A_41 = tpu.memref_squeeze %dma_wait3A_40 : memref<1x8x128xf32, #tpu.memory_space<vmem>> -> memref<8x128xf32, #tpu.memory_space<vmem>>
    %dma_wait3A_42 = arith.constant 0 : i32
    %dma_wait3A_43 = tpu.memref_slice %arg3[%add3A_37, %dma_wait3A_42] : memref<4096x128xf32, #tpu.memory_space<hbm>> -> memref<8x128xf32, #tpu.memory_space<hbm>>
    %dma_wait3A_44 = arith.constant 0 : i32
    %dma_wait3A_45 = tpu.memref_slice %arg3[%add3A_37, %dma_wait3A_44] : memref<4096x128xf32, #tpu.memory_space<hbm>> -> memref<8x128xf32, #tpu.memory_space<hbm>>
    %dma_wait3A_46 = arith.constant 0 : i32
    %dma_wait3A_47 = arith.constant 0 : i32
    %dma_wait3A_48 = tpu.memref_slice %arg5[%dma_wait3A, %dma_wait3A_46, %dma_wait3A_47] : memref<2x8x128xf32, #tpu.memory_space<vmem>> -> memref<1x8x128xf32, #tpu.memory_space<vmem>>
    %dma_wait3A_49 = tpu.memref_squeeze %dma_wait3A_48 : memref<1x8x128xf32, #tpu.memory_space<vmem>> -> memref<8x128xf32, #tpu.memory_space<vmem>>
    tpu.wait_dma2 semaphore(%arg8 : memref<!tpu.dma_semaphore, #tpu.memory_space<semaphore_mem>>) src(%dma_wait3A_49 : memref<8x128xf32, #tpu.memory_space<vmem>>) dst(%dma_wait3A_45 : memref<8x128xf32, #tpu.memory_space<hbm>>)
    %add3A_50 = arith.constant 120 : i32
    %add3A_51 = arith.addi %mul3A_2, %add3A_50 : i32
    %dma_wait3A_52 = arith.constant 1 : i32
    %dma_wait3A_53 = arith.constant 0 : i32
    %dma_wait3A_54 = arith.constant 0 : i32
    %dma_wait3A_55 = tpu.memref_slice %arg5[%dma_wait3A_52, %dma_wait3A_53, %dma_wait3A_54] : memref<2x8x128xf32, #tpu.memory_space<vmem>> -> memref<1x8x128xf32, #tpu.memory_space<vmem>>
    %dma_wait3A_56 = tpu.memref_squeeze %dma_wait3A_55 : memref<1x8x128xf32, #tpu.memory_space<vmem>> -> memref<8x128xf32, #tpu.memory_space<vmem>>
    %dma_wait3A_57 = arith.constant 0 : i32
    %dma_wait3A_58 = tpu.memref_slice %arg3[%add3A_51, %dma_wait3A_57] : memref<4096x128xf32, #tpu.memory_space<hbm>> -> memref<8x128xf32, #tpu.memory_space<hbm>>
    %dma_wait3A_59 = arith.constant 0 : i32
    %dma_wait3A_60 = tpu.memref_slice %arg3[%add3A_51, %dma_wait3A_59] : memref<4096x128xf32, #tpu.memory_space<hbm>> -> memref<8x128xf32, #tpu.memory_space<hbm>>
    %dma_wait3A_61 = arith.constant 0 : i32
    %dma_wait3A_62 = arith.constant 0 : i32
    %dma_wait3A_63 = tpu.memref_slice %arg5[%dma_wait3A_52, %dma_wait3A_61, %dma_wait3A_62] : memref<2x8x128xf32, #tpu.memory_space<vmem>> -> memref<1x8x128xf32, #tpu.memory_space<vmem>>
    %dma_wait3A_64 = tpu.memref_squeeze %dma_wait3A_63 : memref<1x8x128xf32, #tpu.memory_space<vmem>> -> memref<8x128xf32, #tpu.memory_space<vmem>>
    tpu.wait_dma2 semaphore(%arg9 : memref<!tpu.dma_semaphore, #tpu.memory_space<semaphore_mem>>) src(%dma_wait3A_64 : memref<8x128xf32, #tpu.memory_space<vmem>>) dst(%dma_wait3A_60 : memref<8x128xf32, #tpu.memory_space<hbm>>)
    return
  }
}

module attributes {stable_mosaic.version = 14 : i64} {
  func.func @_xi_body(%arg0: i32, %arg1: memref<1024x256xf32, #tpu.memory_space<vmem>>, %arg2: memref<256x256xf32, #tpu.memory_space<vmem>>, %arg3: memref<1x256xf32, #tpu.memory_space<vmem>>, %arg4: memref<1024x256xf32, #tpu.memory_space<vmem>>) attributes {dimension_semantics = [#tpu.dimension_semantics<arbitrary>], iteration_bounds = array<i64: 4>, scalar_prefetch = 0 : i64, scratch_operands = 0 : i64, tpu.core_type = #tpu.core_type<tc>, window_params = [{transform_indices = @transform_0, window_bounds = array<i64: 1024, 256>}, {pipeline_mode = #tpu.pipeline_mode<synchronous>, transform_indices = @transform_1, window_bounds = array<i64: 256, 256>}, {pipeline_mode = #tpu.pipeline_mode<synchronous>, transform_indices = @transform_2, window_bounds = array<i64: 1, 256>}, {transform_indices = @transform_3, window_bounds = array<i64: 1024, 256>}]} {
    %get3A = arith.constant 0 : index
    %get3A_0 = arith.constant 0 : index
    %get3A_1 = vector.load %arg1[%get3A, %get3A_0] : memref<1024x256xf32, #tpu.memory_space<vmem>>, vector<1024x256xf32>
    %get3A_2 = arith.constant 0 : index
    %get3A_3 = arith.constant 0 : index
    %get3A_4 = vector.load %arg2[%get3A_2, %get3A_3] : memref<256x256xf32, #tpu.memory_space<vmem>>, vector<256x256xf32>
    %convert_element_type3A = arith.truncf %get3A_1 : vector<1024x256xf32> to vector<1024x256xbf16>
    %convert_element_type3A_5 = arith.extf %convert_element_type3A : vector<1024x256xbf16> to vector<1024x256xf32>
    %sub3A = arith.subf %get3A_1, %convert_element_type3A_5 : vector<1024x256xf32>
    %convert_element_type3A_6 = arith.truncf %sub3A : vector<1024x256xf32> to vector<1024x256xbf16>
    %convert_element_type3A_7 = arith.truncf %get3A_4 : vector<256x256xf32> to vector<256x256xbf16>
    %convert_element_type3A_8 = arith.extf %convert_element_type3A_7 : vector<256x256xbf16> to vector<256x256xf32>
    %sub3A_9 = arith.subf %get3A_4, %convert_element_type3A_8 : vector<256x256xf32>
    %convert_element_type3A_10 = arith.truncf %sub3A_9 : vector<256x256xf32> to vector<256x256xbf16>
    %dot_general3A = arith.constant dense<0.000000e+00> : vector<1024x256xf32>
    %dot_general3A_11 = tpu.matmul %convert_element_type3A, %convert_element_type3A_7, %dot_general3A {dimension_numbers = #tpu.dot_dimension_numbers<[1], [0], [0], [1], [0, 0, 1, 1], [], []>, transpose_lhs_hint = false} : vector<1024x256xbf16>, vector<256x256xbf16>, vector<1024x256xf32> -> vector<1024x256xf32>
    %dot_general3A_12 = arith.constant dense<0.000000e+00> : vector<1024x256xf32>
    %dot_general3A_13 = tpu.matmul %convert_element_type3A, %convert_element_type3A_10, %dot_general3A_12 {dimension_numbers = #tpu.dot_dimension_numbers<[1], [0], [0], [1], [0, 0, 1, 1], [], []>, transpose_lhs_hint = false} : vector<1024x256xbf16>, vector<256x256xbf16>, vector<1024x256xf32> -> vector<1024x256xf32>
    %dot_general3A_14 = arith.constant dense<0.000000e+00> : vector<1024x256xf32>
    %dot_general3A_15 = tpu.matmul %convert_element_type3A_6, %convert_element_type3A_7, %dot_general3A_14 {dimension_numbers = #tpu.dot_dimension_numbers<[1], [0], [0], [1], [0, 0, 1, 1], [], []>, transpose_lhs_hint = false} : vector<1024x256xbf16>, vector<256x256xbf16>, vector<1024x256xf32> -> vector<1024x256xf32>
    %add3A = arith.addf %dot_general3A_13, %dot_general3A_15 : vector<1024x256xf32>
    %add3A_16 = arith.addf %dot_general3A_11, %add3A : vector<1024x256xf32>
    %get3A_17 = arith.constant 0 : index
    %get3A_18 = arith.constant 0 : index
    %get3A_19 = vector.load %arg3[%get3A_17, %get3A_18] : memref<1x256xf32, #tpu.memory_space<vmem>>, vector<1x256xf32>
    %add3A_20 = vector.broadcast %get3A_19 : vector<1x256xf32> to vector<1024x256xf32>
    %add3A_21 = arith.addf %add3A_16, %add3A_20 : vector<1024x256xf32>
    %ge3A = arith.constant 0.000000e+00 : f32
    %ge3A_22 = vector.broadcast %ge3A : f32 to vector<1024x256xf32>
    %ge3A_23 = arith.cmpf oge, %add3A_21, %ge3A_22 : vector<1024x256xf32>
    %mul3A = arith.constant 0.00999999977 : f32
    %mul3A_24 = vector.broadcast %mul3A : f32 to vector<1024x256xf32>
    %mul3A_25 = arith.mulf %mul3A_24, %add3A_21 : vector<1024x256xf32>
    %select_n3A = arith.select %ge3A_23, %add3A_21, %mul3A_25 : vector<1024x256xi1>, vector<1024x256xf32>
    %swap3A = arith.constant 0 : index
    %swap3A_26 = arith.constant 0 : index
    %swap3A_27 = vector.load %arg4[%swap3A, %swap3A_26] : memref<1024x256xf32, #tpu.memory_space<vmem>>, vector<1024x256xf32>
    tpu.vector_store %arg4[%swap3A, %swap3A_26], %select_n3A {strides = array<i32>} : memref<1024x256xf32, #tpu.memory_space<vmem>>, vector<1024x256xf32>,
    return
  }
  func.func @transform_0(%arg0: i32) -> (i32, i32) {
    %c0_i32 = arith.constant 0 : i32
    %c0_i32_0 = arith.constant 0 : i32
    return %arg0, %c0_i32 : i32, i32
  }
  func.func @transform_1(%arg0: i32) -> (i32, i32) {
    %c0_i32 = arith.constant 0 : i32
    %c0_i32_0 = arith.constant 0 : i32
    %c0_i32_1 = arith.constant 0 : i32
    return %c0_i32, %c0_i32_0 : i32, i32
  }
  func.func @transform_2(%arg0: i32) -> (i32, i32) {
    %c0_i32 = arith.constant 0 : i32
    %c0_i32_0 = arith.constant 0 : i32
    %c0_i32_1 = arith.constant 0 : i32
    return %c0_i32, %c0_i32_0 : i32, i32
  }
  func.func @transform_3(%arg0: i32) -> (i32, i32) {
    %c0_i32 = arith.constant 0 : i32
    %c0_i32_0 = arith.constant 0 : i32
    return %arg0, %c0_i32 : i32, i32
  }
}

module attributes {stable_mosaic.version = 14 : i64} {
  func.func @body(%arg0: i32, %arg1: memref<1024x128xf32, #tpu.memory_space<vmem>>, %arg2: memref<128x256xf32, #tpu.memory_space<vmem>>, %arg3: memref<1024x256xf32, #tpu.memory_space<vmem>>, %arg4: memref<256x256xf32, #tpu.memory_space<vmem>>, %arg5: memref<1x256xf32, #tpu.memory_space<vmem>>, %arg6: memref<1024x256xf32, #tpu.memory_space<vmem>>, %arg7: memref<1024x128xi8, #tpu.memory_space<vmem>>, %arg8: memref<1024x1xf32, #tpu.memory_space<vmem>>) attributes {dimension_semantics = [#tpu.dimension_semantics<arbitrary>], iteration_bounds = array<i64: 4>, scalar_prefetch = 0 : i64, scratch_operands = 0 : i64, tpu.core_type = #tpu.core_type<tc>, window_params = [{transform_indices = @transform_0, window_bounds = array<i64: 1024, 128>}, {transform_indices = @transform_1, window_bounds = array<i64: 128, 256>}, {transform_indices = @transform_2, window_bounds = array<i64: 1024, 256>}, {pipeline_mode = #tpu.pipeline_mode<synchronous>, transform_indices = @transform_3, window_bounds = array<i64: 256, 256>}, {pipeline_mode = #tpu.pipeline_mode<synchronous>, transform_indices = @transform_4, window_bounds = array<i64: 1, 256>}, {transform_indices = @transform_5, window_bounds = array<i64: 1024, 256>}, {transform_indices = @transform_6, window_bounds = array<i64: 1024, 128>}, {transform_indices = @transform_7, window_bounds = array<i64: 1024, 1>}]} {
    %get3A = arith.constant 0 : index
    %get3A_0 = arith.constant 0 : index
    %get3A_1 = vector.load %arg1[%get3A, %get3A_0] : memref<1024x128xf32, #tpu.memory_space<vmem>>, vector<1024x128xf32>
    %ge3A = arith.constant 5.000000e-01 : f32
    %ge3A_2 = vector.broadcast %ge3A : f32 to vector<1024x128xf32>
    %ge3A_3 = arith.cmpf oge, %get3A_1, %ge3A_2 : vector<1024x128xf32>
    %le3A = arith.constant 2.550000e+01 : f32
    %le3A_4 = vector.broadcast %le3A : f32 to vector<1024x128xf32>
    %le3A_5 = arith.cmpf ole, %get3A_1, %le3A_4 : vector<1024x128xf32>
    %and3A = arith.andi %ge3A_3, %le3A_5 : vector<1024x128xi1>
    %jit3A = arith.constant 1.000000e+00 : f32
    %jit3A_6 = arith.constant 0.000000e+00 : f32
    %broadcast_in_dim3A = vector.broadcast %jit3A : f32 to vector<1024x128xf32>
    %broadcast_in_dim3A_7 = vector.broadcast %jit3A_6 : f32 to vector<1024x128xf32>
    %select_n3A = arith.select %and3A, %broadcast_in_dim3A, %broadcast_in_dim3A_7 : vector<1024x128xi1>, vector<1024x128xf32>
    %ge3A_8 = arith.constant 5.000000e-01 : f32
    %ge3A_9 = vector.broadcast %ge3A_8 : f32 to vector<1024x128xf32>
    %ge3A_10 = arith.cmpf oge, %get3A_1, %ge3A_9 : vector<1024x128xf32>
    %le3A_11 = arith.constant 1.050000e+01 : f32
    %le3A_12 = vector.broadcast %le3A_11 : f32 to vector<1024x128xf32>
    %le3A_13 = arith.cmpf ole, %get3A_1, %le3A_12 : vector<1024x128xf32>
    %and3A_14 = arith.andi %ge3A_10, %le3A_13 : vector<1024x128xi1>
    %jit3A_15 = arith.constant 1.000000e+00 : f32
    %jit3A_16 = arith.constant 0.000000e+00 : f32
    %broadcast_in_dim3A_17 = vector.broadcast %jit3A_15 : f32 to vector<1024x128xf32>
    %broadcast_in_dim3A_18 = vector.broadcast %jit3A_16 : f32 to vector<1024x128xf32>
    %select_n3A_19 = arith.select %and3A_14, %broadcast_in_dim3A_17, %broadcast_in_dim3A_18 : vector<1024x128xi1>, vector<1024x128xf32>
    %convert_element_type3A = arith.fptosi %select_n3A_19 : vector<1024x128xf32> to vector<1024x128xi8>
    %swap3A = arith.constant 0 : index
    %swap3A_20 = arith.constant 0 : index
    %swap3A_21 = vector.load %arg7[%swap3A, %swap3A_20] : memref<1024x128xi8, #tpu.memory_space<vmem>>, vector<1024x128xi8>
    tpu.vector_store %arg7[%swap3A, %swap3A_20], %convert_element_type3A {strides = array<i32>} : memref<1024x128xi8, #tpu.memory_space<vmem>>, vector<1024x128xi8>,
    %reduce_sum3A = arith.constant dense<0.000000e+00> : vector<1024xf32>
    %reduce_sum3A_22 = vector.multi_reduction <add>, %select_n3A, %reduce_sum3A [1] : vector<1024x128xf32> to vector<1024xf32>
    %broadcast_in_dim3A_23 = vector.shape_cast %reduce_sum3A_22 : vector<1024xf32> to vector<1024x1xf32>
    %swap3A_24 = arith.constant 0 : index
    %swap3A_25 = arith.constant 0 : index
    %swap3A_26 = vector.load %arg8[%swap3A_24, %swap3A_25] : memref<1024x1xf32, #tpu.memory_space<vmem>>, vector<1024x1xf32>
    tpu.vector_store %arg8[%swap3A_24, %swap3A_25], %broadcast_in_dim3A_23 {strides = array<i32>} : memref<1024x1xf32, #tpu.memory_space<vmem>>, vector<1024x1xf32>,
    %convert_element_type3A_27 = arith.truncf %select_n3A : vector<1024x128xf32> to vector<1024x128xbf16>
    %get3A_28 = arith.constant 0 : index
    %get3A_29 = arith.constant 0 : index
    %get3A_30 = vector.load %arg2[%get3A_28, %get3A_29] : memref<128x256xf32, #tpu.memory_space<vmem>>, vector<128x256xf32>
    %convert_element_type3A_31 = arith.truncf %get3A_30 : vector<128x256xf32> to vector<128x256xbf16>
    %convert_element_type3A_32 = arith.extf %convert_element_type3A_31 : vector<128x256xbf16> to vector<128x256xf32>
    %sub3A = arith.subf %get3A_30, %convert_element_type3A_32 : vector<128x256xf32>
    %convert_element_type3A_33 = arith.truncf %sub3A : vector<128x256xf32> to vector<128x256xbf16>
    %dot_general3A = arith.constant dense<0.000000e+00> : vector<1024x256xf32>
    %dot_general3A_34 = tpu.matmul %convert_element_type3A_27, %convert_element_type3A_31, %dot_general3A {dimension_numbers = #tpu.dot_dimension_numbers<[1], [0], [0], [1], [0, 0, 1, 1], [], []>, transpose_lhs_hint = false} : vector<1024x128xbf16>, vector<128x256xbf16>, vector<1024x256xf32> -> vector<1024x256xf32>
    %dot_general3A_35 = arith.constant dense<0.000000e+00> : vector<1024x256xf32>
    %dot_general3A_36 = tpu.matmul %convert_element_type3A_27, %convert_element_type3A_33, %dot_general3A_35 {dimension_numbers = #tpu.dot_dimension_numbers<[1], [0], [0], [1], [0, 0, 1, 1], [], []>, transpose_lhs_hint = false} : vector<1024x128xbf16>, vector<128x256xbf16>, vector<1024x256xf32> -> vector<1024x256xf32>
    %add3A = arith.addf %dot_general3A_34, %dot_general3A_36 : vector<1024x256xf32>
    %mul3A = arith.constant 4.000000e-02 : f32
    %mul3A_37 = vector.broadcast %mul3A : f32 to vector<1024x256xf32>
    %mul3A_38 = arith.mulf %add3A, %mul3A_37 : vector<1024x256xf32>
    %get3A_39 = arith.constant 0 : index
    %get3A_40 = arith.constant 0 : index
    %get3A_41 = vector.load %arg4[%get3A_39, %get3A_40] : memref<256x256xf32, #tpu.memory_space<vmem>>, vector<256x256xf32>
    %convert_element_type3A_42 = arith.truncf %mul3A_38 : vector<1024x256xf32> to vector<1024x256xbf16>
    %convert_element_type3A_43 = arith.extf %convert_element_type3A_42 : vector<1024x256xbf16> to vector<1024x256xf32>
    %sub3A_44 = arith.subf %mul3A_38, %convert_element_type3A_43 : vector<1024x256xf32>
    %convert_element_type3A_45 = arith.truncf %sub3A_44 : vector<1024x256xf32> to vector<1024x256xbf16>
    %convert_element_type3A_46 = arith.truncf %get3A_41 : vector<256x256xf32> to vector<256x256xbf16>
    %convert_element_type3A_47 = arith.extf %convert_element_type3A_46 : vector<256x256xbf16> to vector<256x256xf32>
    %sub3A_48 = arith.subf %get3A_41, %convert_element_type3A_47 : vector<256x256xf32>
    %convert_element_type3A_49 = arith.truncf %sub3A_48 : vector<256x256xf32> to vector<256x256xbf16>
    %dot_general3A_50 = arith.constant dense<0.000000e+00> : vector<1024x256xf32>
    %dot_general3A_51 = tpu.matmul %convert_element_type3A_42, %convert_element_type3A_46, %dot_general3A_50 {dimension_numbers = #tpu.dot_dimension_numbers<[1], [0], [0], [1], [0, 0, 1, 1], [], []>, transpose_lhs_hint = false} : vector<1024x256xbf16>, vector<256x256xbf16>, vector<1024x256xf32> -> vector<1024x256xf32>
    %dot_general3A_52 = arith.constant dense<0.000000e+00> : vector<1024x256xf32>
    %dot_general3A_53 = tpu.matmul %convert_element_type3A_42, %convert_element_type3A_49, %dot_general3A_52 {dimension_numbers = #tpu.dot_dimension_numbers<[1], [0], [0], [1], [0, 0, 1, 1], [], []>, transpose_lhs_hint = false} : vector<1024x256xbf16>, vector<256x256xbf16>, vector<1024x256xf32> -> vector<1024x256xf32>
    %dot_general3A_54 = arith.constant dense<0.000000e+00> : vector<1024x256xf32>
    %dot_general3A_55 = tpu.matmul %convert_element_type3A_45, %convert_element_type3A_46, %dot_general3A_54 {dimension_numbers = #tpu.dot_dimension_numbers<[1], [0], [0], [1], [0, 0, 1, 1], [], []>, transpose_lhs_hint = false} : vector<1024x256xbf16>, vector<256x256xbf16>, vector<1024x256xf32> -> vector<1024x256xf32>
    %add3A_56 = arith.addf %dot_general3A_53, %dot_general3A_55 : vector<1024x256xf32>
    %add3A_57 = arith.addf %dot_general3A_51, %add3A_56 : vector<1024x256xf32>
    %get3A_58 = arith.constant 0 : index
    %get3A_59 = arith.constant 0 : index
    %get3A_60 = vector.load %arg5[%get3A_58, %get3A_59] : memref<1x256xf32, #tpu.memory_space<vmem>>, vector<1x256xf32>
    %add3A_61 = vector.broadcast %get3A_60 : vector<1x256xf32> to vector<1024x256xf32>
    %add3A_62 = arith.addf %add3A_57, %add3A_61 : vector<1024x256xf32>
    %ge3A_63 = arith.constant 0.000000e+00 : f32
    %ge3A_64 = vector.broadcast %ge3A_63 : f32 to vector<1024x256xf32>
    %ge3A_65 = arith.cmpf oge, %add3A_62, %ge3A_64 : vector<1024x256xf32>
    %mul3A_66 = arith.constant 0.00999999977 : f32
    %mul3A_67 = vector.broadcast %mul3A_66 : f32 to vector<1024x256xf32>
    %mul3A_68 = arith.mulf %mul3A_67, %add3A_62 : vector<1024x256xf32>
    %select_n3A_69 = arith.select %ge3A_65, %add3A_62, %mul3A_68 : vector<1024x256xi1>, vector<1024x256xf32>
    %get3A_70 = arith.constant 0 : index
    %get3A_71 = arith.constant 0 : index
    %get3A_72 = vector.load %arg3[%get3A_70, %get3A_71] : memref<1024x256xf32, #tpu.memory_space<vmem>>, vector<1024x256xf32>
    %add3A_73 = arith.addf %get3A_72, %select_n3A_69 : vector<1024x256xf32>
    %swap3A_74 = arith.constant 0 : index
    %swap3A_75 = arith.constant 0 : index
    %swap3A_76 = vector.load %arg6[%swap3A_74, %swap3A_75] : memref<1024x256xf32, #tpu.memory_space<vmem>>, vector<1024x256xf32>
    tpu.vector_store %arg6[%swap3A_74, %swap3A_75], %add3A_73 {strides = array<i32>} : memref<1024x256xf32, #tpu.memory_space<vmem>>, vector<1024x256xf32>,
    return
  }
  func.func @transform_0(%arg0: i32) -> (i32, i32) {
    %c0_i32 = arith.constant 0 : i32
    %c0_i32_0 = arith.constant 0 : i32
    return %arg0, %c0_i32 : i32, i32
  }
  func.func @transform_1(%arg0: i32) -> (i32, i32) {
    %c0_i32 = arith.constant 0 : i32
    %c0_i32_0 = arith.constant 0 : i32
    %c0_i32_1 = arith.constant 0 : i32
    return %c0_i32, %c0_i32_0 : i32, i32
  }
  func.func @transform_2(%arg0: i32) -> (i32, i32) {
    %c0_i32 = arith.constant 0 : i32
    %c0_i32_0 = arith.constant 0 : i32
    return %arg0, %c0_i32 : i32, i32
  }
  func.func @transform_3(%arg0: i32) -> (i32, i32) {
    %c0_i32 = arith.constant 0 : i32
    %c0_i32_0 = arith.constant 0 : i32
    %c0_i32_1 = arith.constant 0 : i32
    return %c0_i32, %c0_i32_0 : i32, i32
  }
  func.func @transform_4(%arg0: i32) -> (i32, i32) {
    %c0_i32 = arith.constant 0 : i32
    %c0_i32_0 = arith.constant 0 : i32
    %c0_i32_1 = arith.constant 0 : i32
    return %c0_i32, %c0_i32_0 : i32, i32
  }
  func.func @transform_5(%arg0: i32) -> (i32, i32) {
    %c0_i32 = arith.constant 0 : i32
    %c0_i32_0 = arith.constant 0 : i32
    return %arg0, %c0_i32 : i32, i32
  }
  func.func @transform_6(%arg0: i32) -> (i32, i32) {
    %c0_i32 = arith.constant 0 : i32
    %c0_i32_0 = arith.constant 0 : i32
    return %arg0, %c0_i32 : i32, i32
  }
  func.func @transform_7(%arg0: i32) -> (i32, i32) {
    %c0_i32 = arith.constant 0 : i32
    %c0_i32_0 = arith.constant 0 : i32
    return %arg0, %c0_i32 : i32, i32
  }
}

module attributes {stable_mosaic.version = 14 : i64} {
  func.func @body(%arg0: i32, %arg1: memref<256x4096xf32, #tpu.memory_space<vmem>>, %arg2: memref<4096x256xf32, #tpu.memory_space<vmem>>, %arg3: memref<256x256xf32, #tpu.memory_space<vmem>>, %arg4: memref<256x256xf32, #tpu.memory_space<vmem>>, %arg5: memref<1x256xf32, #tpu.memory_space<vmem>>, %arg6: memref<256x256xf32, #tpu.memory_space<vmem>>, %arg7: memref<1x256xf32, #tpu.memory_space<vmem>>, %arg8: memref<256x256xf32, #tpu.memory_space<vmem>>, %arg9: memref<256x4096xi8, #tpu.memory_space<vmem>>, %arg10: memref<256x1xf32, #tpu.memory_space<vmem>>) attributes {dimension_semantics = [#tpu.dimension_semantics<arbitrary>], iteration_bounds = array<i64: 16>, scalar_prefetch = 0 : i64, scratch_operands = 0 : i64, tpu.core_type = #tpu.core_type<tc>, window_params = [{transform_indices = @transform_0, window_bounds = array<i64: 256, 4096>}, {pipeline_mode = #tpu.pipeline_mode<synchronous>, transform_indices = @transform_1, window_bounds = array<i64: 4096, 256>}, {transform_indices = @transform_2, window_bounds = array<i64: 256, 256>}, {pipeline_mode = #tpu.pipeline_mode<synchronous>, transform_indices = @transform_3, window_bounds = array<i64: 256, 256>}, {pipeline_mode = #tpu.pipeline_mode<synchronous>, transform_indices = @transform_4, window_bounds = array<i64: 1, 256>}, {pipeline_mode = #tpu.pipeline_mode<synchronous>, transform_indices = @transform_5, window_bounds = array<i64: 256, 256>}, {pipeline_mode = #tpu.pipeline_mode<synchronous>, transform_indices = @transform_6, window_bounds = array<i64: 1, 256>}, {transform_indices = @transform_7, window_bounds = array<i64: 256, 256>}, {transform_indices = @transform_8, window_bounds = array<i64: 256, 4096>}, {transform_indices = @transform_9, window_bounds = array<i64: 256, 1>}]} {
    %iota3A = tpu.iota {dimensions = array<i32: 0>} : vector<256x256xi32>
    %iota3A_0 = tpu.iota {dimensions = array<i32: 1>} : vector<256x256xi32>
    %le3A = arith.cmpi sle, %iota3A, %iota3A_0 : vector<256x256xi32>
    %convert_element_type3A = arith.extui %le3A : vector<256x256xi1> to vector<256x256xi32>
    %convert_element_type3A_1 = arith.sitofp %convert_element_type3A : vector<256x256xi32> to vector<256x256xf32>
    %convert_element_type3A_2 = arith.truncf %convert_element_type3A_1 : vector<256x256xf32> to vector<256x256xbf16>
    %broadcast_in_dim3A = arith.constant 0.000000e+00 : f32
    %broadcast_in_dim3A_3 = vector.broadcast %broadcast_in_dim3A : f32 to vector<256x1xf32>
    %get3A = arith.constant 0 : index
    %get3A_4 = arith.constant 0 : index
    %get3A_5 = vector.load %arg1[%get3A, %get3A_4] : memref<256x4096xf32, #tpu.memory_space<vmem>>, vector<256x256xf32>
    %convert_element_type3A_6 = arith.truncf %get3A_5 : vector<256x256xf32> to vector<256x256xbf16>
    %dot_general3A = arith.constant dense<0.000000e+00> : vector<256x256xf32>
    %dot_general3A_7 = tpu.matmul %convert_element_type3A_6, %convert_element_type3A_2, %dot_general3A {dimension_numbers = #tpu.dot_dimension_numbers<[1], [0], [0], [1], [0, 0, 1, 1], [], []>, transpose_lhs_hint = false} : vector<256x256xbf16>, vector<256x256xbf16>, vector<256x256xf32> -> vector<256x256xf32>
    %add3A = vector.broadcast %broadcast_in_dim3A_3 : vector<256x1xf32> to vector<256x256xf32>
    %add3A_8 = arith.addf %dot_general3A_7, %add3A : vector<256x256xf32>
    %convert_element_type3A_9 = arith.truncf %add3A_8 : vector<256x256xf32> to vector<256x256xbf16>
    %le3A_10 = arith.constant 2.500000e+01 : bf16
    %le3A_11 = vector.broadcast %le3A_10 : bf16 to vector<256x256xbf16>
    %le3A_12 = arith.cmpf ole, %convert_element_type3A_9, %le3A_11 : vector<256x256xbf16>
    %jit3A = arith.constant 0.000000e+00 : bf16
    %broadcast_in_dim3A_13 = vector.broadcast %jit3A : bf16 to vector<256x256xbf16>
    %select_n3A = arith.select %le3A_12, %convert_element_type3A_6, %broadcast_in_dim3A_13 : vector<256x256xi1>, vector<256x256xbf16>
    %le3A_14 = arith.constant 1.000000e+01 : bf16
    %le3A_15 = vector.broadcast %le3A_14 : bf16 to vector<256x256xbf16>
    %le3A_16 = arith.cmpf ole, %convert_element_type3A_9, %le3A_15 : vector<256x256xbf16>
    %jit3A_17 = arith.constant 0.000000e+00 : bf16
    %broadcast_in_dim3A_18 = vector.broadcast %jit3A_17 : bf16 to vector<256x256xbf16>
    %select_n3A_19 = arith.select %le3A_16, %convert_element_type3A_6, %broadcast_in_dim3A_18 : vector<256x256xi1>, vector<256x256xbf16>
    %convert_element_type3A_20 = arith.fptosi %select_n3A_19 : vector<256x256xbf16> to vector<256x256xi8>
    %swap3A = arith.constant 0 : index
    %swap3A_21 = arith.constant 0 : index
    %swap3A_22 = vector.load %arg9[%swap3A, %swap3A_21] : memref<256x4096xi8, #tpu.memory_space<vmem>>, vector<256x256xi8>
    tpu.vector_store %arg9[%swap3A, %swap3A_21], %convert_element_type3A_20 {strides = array<i32>} : memref<256x4096xi8, #tpu.memory_space<vmem>>, vector<256x256xi8>,
    %convert_element_type3A_23 = arith.extf %convert_element_type3A_6 : vector<256x256xbf16> to vector<256x256xf32>
    %reduce_sum3A = arith.constant dense<0.000000e+00> : vector<256xf32>
    %reduce_sum3A_24 = vector.multi_reduction <add>, %convert_element_type3A_23, %reduce_sum3A [1] : vector<256x256xf32> to vector<256xf32>
    %broadcast_in_dim3A_25 = vector.shape_cast %reduce_sum3A_24 : vector<256xf32> to vector<256x1xf32>
    %convert_element_type3A_26 = arith.truncf %broadcast_in_dim3A_25 : vector<256x1xf32> to vector<256x1xbf16>
    %convert_element_type3A_27 = arith.extf %convert_element_type3A_26 : vector<256x1xbf16> to vector<256x1xf32>
    %add3A_28 = arith.addf %broadcast_in_dim3A_3, %convert_element_type3A_27 : vector<256x1xf32>
    %get3A_29 = arith.constant 0 : index
    %get3A_30 = arith.constant 256 : index
    %get3A_31 = vector.load %arg1[%get3A_29, %get3A_30] : memref<256x4096xf32, #tpu.memory_space<vmem>>, vector<256x256xf32>
    %convert_element_type3A_32 = arith.truncf %get3A_31 : vector<256x256xf32> to vector<256x256xbf16>
    %dot_general3A_33 = arith.constant dense<0.000000e+00> : vector<256x256xf32>
    %dot_general3A_34 = tpu.matmul %convert_element_type3A_32, %convert_element_type3A_2, %dot_general3A_33 {dimension_numbers = #tpu.dot_dimension_numbers<[1], [0], [0], [1], [0, 0, 1, 1], [], []>, transpose_lhs_hint = false} : vector<256x256xbf16>, vector<256x256xbf16>, vector<256x256xf32> -> vector<256x256xf32>
    %add3A_35 = vector.broadcast %add3A_28 : vector<256x1xf32> to vector<256x256xf32>
    %add3A_36 = arith.addf %dot_general3A_34, %add3A_35 : vector<256x256xf32>
    %convert_element_type3A_37 = arith.truncf %add3A_36 : vector<256x256xf32> to vector<256x256xbf16>
    %le3A_38 = arith.constant 2.500000e+01 : bf16
    %le3A_39 = vector.broadcast %le3A_38 : bf16 to vector<256x256xbf16>
    %le3A_40 = arith.cmpf ole, %convert_element_type3A_37, %le3A_39 : vector<256x256xbf16>
    %jit3A_41 = arith.constant 0.000000e+00 : bf16
    %broadcast_in_dim3A_42 = vector.broadcast %jit3A_41 : bf16 to vector<256x256xbf16>
    %select_n3A_43 = arith.select %le3A_40, %convert_element_type3A_32, %broadcast_in_dim3A_42 : vector<256x256xi1>, vector<256x256xbf16>
    %le3A_44 = arith.constant 1.000000e+01 : bf16
    %le3A_45 = vector.broadcast %le3A_44 : bf16 to vector<256x256xbf16>
    %le3A_46 = arith.cmpf ole, %convert_element_type3A_37, %le3A_45 : vector<256x256xbf16>
    %jit3A_47 = arith.constant 0.000000e+00 : bf16
    %broadcast_in_dim3A_48 = vector.broadcast %jit3A_47 : bf16 to vector<256x256xbf16>
    %select_n3A_49 = arith.select %le3A_46, %convert_element_type3A_32, %broadcast_in_dim3A_48 : vector<256x256xi1>, vector<256x256xbf16>
    %convert_element_type3A_50 = arith.fptosi %select_n3A_49 : vector<256x256xbf16> to vector<256x256xi8>
    %swap3A_51 = arith.constant 0 : index
    %swap3A_52 = arith.constant 256 : index
    %swap3A_53 = vector.load %arg9[%swap3A_51, %swap3A_52] : memref<256x4096xi8, #tpu.memory_space<vmem>>, vector<256x256xi8>
    tpu.vector_store %arg9[%swap3A_51, %swap3A_52], %convert_element_type3A_50 {strides = array<i32>} : memref<256x4096xi8, #tpu.memory_space<vmem>>, vector<256x256xi8>,
    %convert_element_type3A_54 = arith.extf %convert_element_type3A_32 : vector<256x256xbf16> to vector<256x256xf32>
    %reduce_sum3A_55 = arith.constant dense<0.000000e+00> : vector<256xf32>
    %reduce_sum3A_56 = vector.multi_reduction <add>, %convert_element_type3A_54, %reduce_sum3A_55 [1] : vector<256x256xf32> to vector<256xf32>
    %broadcast_in_dim3A_57 = vector.shape_cast %reduce_sum3A_56 : vector<256xf32> to vector<256x1xf32>
    %convert_element_type3A_58 = arith.truncf %broadcast_in_dim3A_57 : vector<256x1xf32> to vector<256x1xbf16>
    %convert_element_type3A_59 = arith.extf %convert_element_type3A_58 : vector<256x1xbf16> to vector<256x1xf32>
    %add3A_60 = arith.addf %add3A_28, %convert_element_type3A_59 : vector<256x1xf32>
    %get3A_61 = arith.constant 0 : index
    %get3A_62 = arith.constant 512 : index
    %get3A_63 = vector.load %arg1[%get3A_61, %get3A_62] : memref<256x4096xf32, #tpu.memory_space<vmem>>, vector<256x256xf32>
    %convert_element_type3A_64 = arith.truncf %get3A_63 : vector<256x256xf32> to vector<256x256xbf16>
    %dot_general3A_65 = arith.constant dense<0.000000e+00> : vector<256x256xf32>
    %dot_general3A_66 = tpu.matmul %convert_element_type3A_64, %convert_element_type3A_2, %dot_general3A_65 {dimension_numbers = #tpu.dot_dimension_numbers<[1], [0], [0], [1], [0, 0, 1, 1], [], []>, transpose_lhs_hint = false} : vector<256x256xbf16>, vector<256x256xbf16>, vector<256x256xf32> -> vector<256x256xf32>
    %add3A_67 = vector.broadcast %add3A_60 : vector<256x1xf32> to vector<256x256xf32>
    %add3A_68 = arith.addf %dot_general3A_66, %add3A_67 : vector<256x256xf32>
    %convert_element_type3A_69 = arith.truncf %add3A_68 : vector<256x256xf32> to vector<256x256xbf16>
    %le3A_70 = arith.constant 2.500000e+01 : bf16
    %le3A_71 = vector.broadcast %le3A_70 : bf16 to vector<256x256xbf16>
    %le3A_72 = arith.cmpf ole, %convert_element_type3A_69, %le3A_71 : vector<256x256xbf16>
    %jit3A_73 = arith.constant 0.000000e+00 : bf16
    %broadcast_in_dim3A_74 = vector.broadcast %jit3A_73 : bf16 to vector<256x256xbf16>
    %select_n3A_75 = arith.select %le3A_72, %convert_element_type3A_64, %broadcast_in_dim3A_74 : vector<256x256xi1>, vector<256x256xbf16>
    %le3A_76 = arith.constant 1.000000e+01 : bf16
    %le3A_77 = vector.broadcast %le3A_76 : bf16 to vector<256x256xbf16>
    %le3A_78 = arith.cmpf ole, %convert_element_type3A_69, %le3A_77 : vector<256x256xbf16>
    %jit3A_79 = arith.constant 0.000000e+00 : bf16
    %broadcast_in_dim3A_80 = vector.broadcast %jit3A_79 : bf16 to vector<256x256xbf16>
    %select_n3A_81 = arith.select %le3A_78, %convert_element_type3A_64, %broadcast_in_dim3A_80 : vector<256x256xi1>, vector<256x256xbf16>
    %convert_element_type3A_82 = arith.fptosi %select_n3A_81 : vector<256x256xbf16> to vector<256x256xi8>
    %swap3A_83 = arith.constant 0 : index
    %swap3A_84 = arith.constant 512 : index
    %swap3A_85 = vector.load %arg9[%swap3A_83, %swap3A_84] : memref<256x4096xi8, #tpu.memory_space<vmem>>, vector<256x256xi8>
    tpu.vector_store %arg9[%swap3A_83, %swap3A_84], %convert_element_type3A_82 {strides = array<i32>} : memref<256x4096xi8, #tpu.memory_space<vmem>>, vector<256x256xi8>,
    %convert_element_type3A_86 = arith.extf %convert_element_type3A_64 : vector<256x256xbf16> to vector<256x256xf32>
    %reduce_sum3A_87 = arith.constant dense<0.000000e+00> : vector<256xf32>
    %reduce_sum3A_88 = vector.multi_reduction <add>, %convert_element_type3A_86, %reduce_sum3A_87 [1] : vector<256x256xf32> to vector<256xf32>
    %broadcast_in_dim3A_89 = vector.shape_cast %reduce_sum3A_88 : vector<256xf32> to vector<256x1xf32>
    %convert_element_type3A_90 = arith.truncf %broadcast_in_dim3A_89 : vector<256x1xf32> to vector<256x1xbf16>
    %convert_element_type3A_91 = arith.extf %convert_element_type3A_90 : vector<256x1xbf16> to vector<256x1xf32>
    %add3A_92 = arith.addf %add3A_60, %convert_element_type3A_91 : vector<256x1xf32>
    %get3A_93 = arith.constant 0 : index
    %get3A_94 = arith.constant 768 : index
    %get3A_95 = vector.load %arg1[%get3A_93, %get3A_94] : memref<256x4096xf32, #tpu.memory_space<vmem>>, vector<256x256xf32>
    %convert_element_type3A_96 = arith.truncf %get3A_95 : vector<256x256xf32> to vector<256x256xbf16>
    %dot_general3A_97 = arith.constant dense<0.000000e+00> : vector<256x256xf32>
    %dot_general3A_98 = tpu.matmul %convert_element_type3A_96, %convert_element_type3A_2, %dot_general3A_97 {dimension_numbers = #tpu.dot_dimension_numbers<[1], [0], [0], [1], [0, 0, 1, 1], [], []>, transpose_lhs_hint = false} : vector<256x256xbf16>, vector<256x256xbf16>, vector<256x256xf32> -> vector<256x256xf32>
    %add3A_99 = vector.broadcast %add3A_92 : vector<256x1xf32> to vector<256x256xf32>
    %add3A_100 = arith.addf %dot_general3A_98, %add3A_99 : vector<256x256xf32>
    %convert_element_type3A_101 = arith.truncf %add3A_100 : vector<256x256xf32> to vector<256x256xbf16>
    %le3A_102 = arith.constant 2.500000e+01 : bf16
    %le3A_103 = vector.broadcast %le3A_102 : bf16 to vector<256x256xbf16>
    %le3A_104 = arith.cmpf ole, %convert_element_type3A_101, %le3A_103 : vector<256x256xbf16>
    %jit3A_105 = arith.constant 0.000000e+00 : bf16
    %broadcast_in_dim3A_106 = vector.broadcast %jit3A_105 : bf16 to vector<256x256xbf16>
    %select_n3A_107 = arith.select %le3A_104, %convert_element_type3A_96, %broadcast_in_dim3A_106 : vector<256x256xi1>, vector<256x256xbf16>
    %le3A_108 = arith.constant 1.000000e+01 : bf16
    %le3A_109 = vector.broadcast %le3A_108 : bf16 to vector<256x256xbf16>
    %le3A_110 = arith.cmpf ole, %convert_element_type3A_101, %le3A_109 : vector<256x256xbf16>
    %jit3A_111 = arith.constant 0.000000e+00 : bf16
    %broadcast_in_dim3A_112 = vector.broadcast %jit3A_111 : bf16 to vector<256x256xbf16>
    %select_n3A_113 = arith.select %le3A_110, %convert_element_type3A_96, %broadcast_in_dim3A_112 : vector<256x256xi1>, vector<256x256xbf16>
    %convert_element_type3A_114 = arith.fptosi %select_n3A_113 : vector<256x256xbf16> to vector<256x256xi8>
    %swap3A_115 = arith.constant 0 : index
    %swap3A_116 = arith.constant 768 : index
    %swap3A_117 = vector.load %arg9[%swap3A_115, %swap3A_116] : memref<256x4096xi8, #tpu.memory_space<vmem>>, vector<256x256xi8>
    tpu.vector_store %arg9[%swap3A_115, %swap3A_116], %convert_element_type3A_114 {strides = array<i32>} : memref<256x4096xi8, #tpu.memory_space<vmem>>, vector<256x256xi8>,
    %convert_element_type3A_118 = arith.extf %convert_element_type3A_96 : vector<256x256xbf16> to vector<256x256xf32>
    %reduce_sum3A_119 = arith.constant dense<0.000000e+00> : vector<256xf32>
    %reduce_sum3A_120 = vector.multi_reduction <add>, %convert_element_type3A_118, %reduce_sum3A_119 [1] : vector<256x256xf32> to vector<256xf32>
    %broadcast_in_dim3A_121 = vector.shape_cast %reduce_sum3A_120 : vector<256xf32> to vector<256x1xf32>
    %convert_element_type3A_122 = arith.truncf %broadcast_in_dim3A_121 : vector<256x1xf32> to vector<256x1xbf16>
    %convert_element_type3A_123 = arith.extf %convert_element_type3A_122 : vector<256x1xbf16> to vector<256x1xf32>
    %add3A_124 = arith.addf %add3A_92, %convert_element_type3A_123 : vector<256x1xf32>
    %get3A_125 = arith.constant 0 : index
    %get3A_126 = arith.constant 1024 : index
    %get3A_127 = vector.load %arg1[%get3A_125, %get3A_126] : memref<256x4096xf32, #tpu.memory_space<vmem>>, vector<256x256xf32>
    %convert_element_type3A_128 = arith.truncf %get3A_127 : vector<256x256xf32> to vector<256x256xbf16>
    %dot_general3A_129 = arith.constant dense<0.000000e+00> : vector<256x256xf32>
    %dot_general3A_130 = tpu.matmul %convert_element_type3A_128, %convert_element_type3A_2, %dot_general3A_129 {dimension_numbers = #tpu.dot_dimension_numbers<[1], [0], [0], [1], [0, 0, 1, 1], [], []>, transpose_lhs_hint = false} : vector<256x256xbf16>, vector<256x256xbf16>, vector<256x256xf32> -> vector<256x256xf32>
    %add3A_131 = vector.broadcast %add3A_124 : vector<256x1xf32> to vector<256x256xf32>
    %add3A_132 = arith.addf %dot_general3A_130, %add3A_131 : vector<256x256xf32>
    %convert_element_type3A_133 = arith.truncf %add3A_132 : vector<256x256xf32> to vector<256x256xbf16>
    %le3A_134 = arith.constant 2.500000e+01 : bf16
    %le3A_135 = vector.broadcast %le3A_134 : bf16 to vector<256x256xbf16>
    %le3A_136 = arith.cmpf ole, %convert_element_type3A_133, %le3A_135 : vector<256x256xbf16>
    %jit3A_137 = arith.constant 0.000000e+00 : bf16
    %broadcast_in_dim3A_138 = vector.broadcast %jit3A_137 : bf16 to vector<256x256xbf16>
    %select_n3A_139 = arith.select %le3A_136, %convert_element_type3A_128, %broadcast_in_dim3A_138 : vector<256x256xi1>, vector<256x256xbf16>
    %le3A_140 = arith.constant 1.000000e+01 : bf16
    %le3A_141 = vector.broadcast %le3A_140 : bf16 to vector<256x256xbf16>
    %le3A_142 = arith.cmpf ole, %convert_element_type3A_133, %le3A_141 : vector<256x256xbf16>
    %jit3A_143 = arith.constant 0.000000e+00 : bf16
    %broadcast_in_dim3A_144 = vector.broadcast %jit3A_143 : bf16 to vector<256x256xbf16>
    %select_n3A_145 = arith.select %le3A_142, %convert_element_type3A_128, %broadcast_in_dim3A_144 : vector<256x256xi1>, vector<256x256xbf16>
    %convert_element_type3A_146 = arith.fptosi %select_n3A_145 : vector<256x256xbf16> to vector<256x256xi8>
    %swap3A_147 = arith.constant 0 : index
    %swap3A_148 = arith.constant 1024 : index
    %swap3A_149 = vector.load %arg9[%swap3A_147, %swap3A_148] : memref<256x4096xi8, #tpu.memory_space<vmem>>, vector<256x256xi8>
    tpu.vector_store %arg9[%swap3A_147, %swap3A_148], %convert_element_type3A_146 {strides = array<i32>} : memref<256x4096xi8, #tpu.memory_space<vmem>>, vector<256x256xi8>,
    %convert_element_type3A_150 = arith.extf %convert_element_type3A_128 : vector<256x256xbf16> to vector<256x256xf32>
    %reduce_sum3A_151 = arith.constant dense<0.000000e+00> : vector<256xf32>
    %reduce_sum3A_152 = vector.multi_reduction <add>, %convert_element_type3A_150, %reduce_sum3A_151 [1] : vector<256x256xf32> to vector<256xf32>
    %broadcast_in_dim3A_153 = vector.shape_cast %reduce_sum3A_152 : vector<256xf32> to vector<256x1xf32>
    %convert_element_type3A_154 = arith.truncf %broadcast_in_dim3A_153 : vector<256x1xf32> to vector<256x1xbf16>
    %convert_element_type3A_155 = arith.extf %convert_element_type3A_154 : vector<256x1xbf16> to vector<256x1xf32>
    %add3A_156 = arith.addf %add3A_124, %convert_element_type3A_155 : vector<256x1xf32>
    %get3A_157 = arith.constant 0 : index
    %get3A_158 = arith.constant 1280 : index
    %get3A_159 = vector.load %arg1[%get3A_157, %get3A_158] : memref<256x4096xf32, #tpu.memory_space<vmem>>, vector<256x256xf32>
    %convert_element_type3A_160 = arith.truncf %get3A_159 : vector<256x256xf32> to vector<256x256xbf16>
    %dot_general3A_161 = arith.constant dense<0.000000e+00> : vector<256x256xf32>
    %dot_general3A_162 = tpu.matmul %convert_element_type3A_160, %convert_element_type3A_2, %dot_general3A_161 {dimension_numbers = #tpu.dot_dimension_numbers<[1], [0], [0], [1], [0, 0, 1, 1], [], []>, transpose_lhs_hint = false} : vector<256x256xbf16>, vector<256x256xbf16>, vector<256x256xf32> -> vector<256x256xf32>
    %add3A_163 = vector.broadcast %add3A_156 : vector<256x1xf32> to vector<256x256xf32>
    %add3A_164 = arith.addf %dot_general3A_162, %add3A_163 : vector<256x256xf32>
    %convert_element_type3A_165 = arith.truncf %add3A_164 : vector<256x256xf32> to vector<256x256xbf16>
    %le3A_166 = arith.constant 2.500000e+01 : bf16
    %le3A_167 = vector.broadcast %le3A_166 : bf16 to vector<256x256xbf16>
    %le3A_168 = arith.cmpf ole, %convert_element_type3A_165, %le3A_167 : vector<256x256xbf16>
    %jit3A_169 = arith.constant 0.000000e+00 : bf16
    %broadcast_in_dim3A_170 = vector.broadcast %jit3A_169 : bf16 to vector<256x256xbf16>
    %select_n3A_171 = arith.select %le3A_168, %convert_element_type3A_160, %broadcast_in_dim3A_170 : vector<256x256xi1>, vector<256x256xbf16>
    %le3A_172 = arith.constant 1.000000e+01 : bf16
    %le3A_173 = vector.broadcast %le3A_172 : bf16 to vector<256x256xbf16>
    %le3A_174 = arith.cmpf ole, %convert_element_type3A_165, %le3A_173 : vector<256x256xbf16>
    %jit3A_175 = arith.constant 0.000000e+00 : bf16
    %broadcast_in_dim3A_176 = vector.broadcast %jit3A_175 : bf16 to vector<256x256xbf16>
    %select_n3A_177 = arith.select %le3A_174, %convert_element_type3A_160, %broadcast_in_dim3A_176 : vector<256x256xi1>, vector<256x256xbf16>
    %convert_element_type3A_178 = arith.fptosi %select_n3A_177 : vector<256x256xbf16> to vector<256x256xi8>
    %swap3A_179 = arith.constant 0 : index
    %swap3A_180 = arith.constant 1280 : index
    %swap3A_181 = vector.load %arg9[%swap3A_179, %swap3A_180] : memref<256x4096xi8, #tpu.memory_space<vmem>>, vector<256x256xi8>
    tpu.vector_store %arg9[%swap3A_179, %swap3A_180], %convert_element_type3A_178 {strides = array<i32>} : memref<256x4096xi8, #tpu.memory_space<vmem>>, vector<256x256xi8>,
    %convert_element_type3A_182 = arith.extf %convert_element_type3A_160 : vector<256x256xbf16> to vector<256x256xf32>
    %reduce_sum3A_183 = arith.constant dense<0.000000e+00> : vector<256xf32>
    %reduce_sum3A_184 = vector.multi_reduction <add>, %convert_element_type3A_182, %reduce_sum3A_183 [1] : vector<256x256xf32> to vector<256xf32>
    %broadcast_in_dim3A_185 = vector.shape_cast %reduce_sum3A_184 : vector<256xf32> to vector<256x1xf32>
    %convert_element_type3A_186 = arith.truncf %broadcast_in_dim3A_185 : vector<256x1xf32> to vector<256x1xbf16>
    %convert_element_type3A_187 = arith.extf %convert_element_type3A_186 : vector<256x1xbf16> to vector<256x1xf32>
    %add3A_188 = arith.addf %add3A_156, %convert_element_type3A_187 : vector<256x1xf32>
    %get3A_189 = arith.constant 0 : index
    %get3A_190 = arith.constant 1536 : index
    %get3A_191 = vector.load %arg1[%get3A_189, %get3A_190] : memref<256x4096xf32, #tpu.memory_space<vmem>>, vector<256x256xf32>
    %convert_element_type3A_192 = arith.truncf %get3A_191 : vector<256x256xf32> to vector<256x256xbf16>
    %dot_general3A_193 = arith.constant dense<0.000000e+00> : vector<256x256xf32>
    %dot_general3A_194 = tpu.matmul %convert_element_type3A_192, %convert_element_type3A_2, %dot_general3A_193 {dimension_numbers = #tpu.dot_dimension_numbers<[1], [0], [0], [1], [0, 0, 1, 1], [], []>, transpose_lhs_hint = false} : vector<256x256xbf16>, vector<256x256xbf16>, vector<256x256xf32> -> vector<256x256xf32>
    %add3A_195 = vector.broadcast %add3A_188 : vector<256x1xf32> to vector<256x256xf32>
    %add3A_196 = arith.addf %dot_general3A_194, %add3A_195 : vector<256x256xf32>
    %convert_element_type3A_197 = arith.truncf %add3A_196 : vector<256x256xf32> to vector<256x256xbf16>
    %le3A_198 = arith.constant 2.500000e+01 : bf16
    %le3A_199 = vector.broadcast %le3A_198 : bf16 to vector<256x256xbf16>
    %le3A_200 = arith.cmpf ole, %convert_element_type3A_197, %le3A_199 : vector<256x256xbf16>
    %jit3A_201 = arith.constant 0.000000e+00 : bf16
    %broadcast_in_dim3A_202 = vector.broadcast %jit3A_201 : bf16 to vector<256x256xbf16>
    %select_n3A_203 = arith.select %le3A_200, %convert_element_type3A_192, %broadcast_in_dim3A_202 : vector<256x256xi1>, vector<256x256xbf16>
    %le3A_204 = arith.constant 1.000000e+01 : bf16
    %le3A_205 = vector.broadcast %le3A_204 : bf16 to vector<256x256xbf16>
    %le3A_206 = arith.cmpf ole, %convert_element_type3A_197, %le3A_205 : vector<256x256xbf16>
    %jit3A_207 = arith.constant 0.000000e+00 : bf16
    %broadcast_in_dim3A_208 = vector.broadcast %jit3A_207 : bf16 to vector<256x256xbf16>
    %select_n3A_209 = arith.select %le3A_206, %convert_element_type3A_192, %broadcast_in_dim3A_208 : vector<256x256xi1>, vector<256x256xbf16>
    %convert_element_type3A_210 = arith.fptosi %select_n3A_209 : vector<256x256xbf16> to vector<256x256xi8>
    %swap3A_211 = arith.constant 0 : index
    %swap3A_212 = arith.constant 1536 : index
    %swap3A_213 = vector.load %arg9[%swap3A_211, %swap3A_212] : memref<256x4096xi8, #tpu.memory_space<vmem>>, vector<256x256xi8>
    tpu.vector_store %arg9[%swap3A_211, %swap3A_212], %convert_element_type3A_210 {strides = array<i32>} : memref<256x4096xi8, #tpu.memory_space<vmem>>, vector<256x256xi8>,
    %convert_element_type3A_214 = arith.extf %convert_element_type3A_192 : vector<256x256xbf16> to vector<256x256xf32>
    %reduce_sum3A_215 = arith.constant dense<0.000000e+00> : vector<256xf32>
    %reduce_sum3A_216 = vector.multi_reduction <add>, %convert_element_type3A_214, %reduce_sum3A_215 [1] : vector<256x256xf32> to vector<256xf32>
    %broadcast_in_dim3A_217 = vector.shape_cast %reduce_sum3A_216 : vector<256xf32> to vector<256x1xf32>
    %convert_element_type3A_218 = arith.truncf %broadcast_in_dim3A_217 : vector<256x1xf32> to vector<256x1xbf16>
    %convert_element_type3A_219 = arith.extf %convert_element_type3A_218 : vector<256x1xbf16> to vector<256x1xf32>
    %add3A_220 = arith.addf %add3A_188, %convert_element_type3A_219 : vector<256x1xf32>
    %get3A_221 = arith.constant 0 : index
    %get3A_222 = arith.constant 1792 : index
    %get3A_223 = vector.load %arg1[%get3A_221, %get3A_222] : memref<256x4096xf32, #tpu.memory_space<vmem>>, vector<256x256xf32>
    %convert_element_type3A_224 = arith.truncf %get3A_223 : vector<256x256xf32> to vector<256x256xbf16>
    %dot_general3A_225 = arith.constant dense<0.000000e+00> : vector<256x256xf32>
    %dot_general3A_226 = tpu.matmul %convert_element_type3A_224, %convert_element_type3A_2, %dot_general3A_225 {dimension_numbers = #tpu.dot_dimension_numbers<[1], [0], [0], [1], [0, 0, 1, 1], [], []>, transpose_lhs_hint = false} : vector<256x256xbf16>, vector<256x256xbf16>, vector<256x256xf32> -> vector<256x256xf32>
    %add3A_227 = vector.broadcast %add3A_220 : vector<256x1xf32> to vector<256x256xf32>
    %add3A_228 = arith.addf %dot_general3A_226, %add3A_227 : vector<256x256xf32>
    %convert_element_type3A_229 = arith.truncf %add3A_228 : vector<256x256xf32> to vector<256x256xbf16>
    %le3A_230 = arith.constant 2.500000e+01 : bf16
    %le3A_231 = vector.broadcast %le3A_230 : bf16 to vector<256x256xbf16>
    %le3A_232 = arith.cmpf ole, %convert_element_type3A_229, %le3A_231 : vector<256x256xbf16>
    %jit3A_233 = arith.constant 0.000000e+00 : bf16
    %broadcast_in_dim3A_234 = vector.broadcast %jit3A_233 : bf16 to vector<256x256xbf16>
    %select_n3A_235 = arith.select %le3A_232, %convert_element_type3A_224, %broadcast_in_dim3A_234 : vector<256x256xi1>, vector<256x256xbf16>
    %le3A_236 = arith.constant 1.000000e+01 : bf16
    %le3A_237 = vector.broadcast %le3A_236 : bf16 to vector<256x256xbf16>
    %le3A_238 = arith.cmpf ole, %convert_element_type3A_229, %le3A_237 : vector<256x256xbf16>
    %jit3A_239 = arith.constant 0.000000e+00 : bf16
    %broadcast_in_dim3A_240 = vector.broadcast %jit3A_239 : bf16 to vector<256x256xbf16>
    %select_n3A_241 = arith.select %le3A_238, %convert_element_type3A_224, %broadcast_in_dim3A_240 : vector<256x256xi1>, vector<256x256xbf16>
    %convert_element_type3A_242 = arith.fptosi %select_n3A_241 : vector<256x256xbf16> to vector<256x256xi8>
    %swap3A_243 = arith.constant 0 : index
    %swap3A_244 = arith.constant 1792 : index
    %swap3A_245 = vector.load %arg9[%swap3A_243, %swap3A_244] : memref<256x4096xi8, #tpu.memory_space<vmem>>, vector<256x256xi8>
    tpu.vector_store %arg9[%swap3A_243, %swap3A_244], %convert_element_type3A_242 {strides = array<i32>} : memref<256x4096xi8, #tpu.memory_space<vmem>>, vector<256x256xi8>,
    %convert_element_type3A_246 = arith.extf %convert_element_type3A_224 : vector<256x256xbf16> to vector<256x256xf32>
    %reduce_sum3A_247 = arith.constant dense<0.000000e+00> : vector<256xf32>
    %reduce_sum3A_248 = vector.multi_reduction <add>, %convert_element_type3A_246, %reduce_sum3A_247 [1] : vector<256x256xf32> to vector<256xf32>
    %broadcast_in_dim3A_249 = vector.shape_cast %reduce_sum3A_248 : vector<256xf32> to vector<256x1xf32>
    %convert_element_type3A_250 = arith.truncf %broadcast_in_dim3A_249 : vector<256x1xf32> to vector<256x1xbf16>
    %convert_element_type3A_251 = arith.extf %convert_element_type3A_250 : vector<256x1xbf16> to vector<256x1xf32>
    %add3A_252 = arith.addf %add3A_220, %convert_element_type3A_251 : vector<256x1xf32>
    %get3A_253 = arith.constant 0 : index
    %get3A_254 = arith.constant 2048 : index
    %get3A_255 = vector.load %arg1[%get3A_253, %get3A_254] : memref<256x4096xf32, #tpu.memory_space<vmem>>, vector<256x256xf32>
    %convert_element_type3A_256 = arith.truncf %get3A_255 : vector<256x256xf32> to vector<256x256xbf16>
    %dot_general3A_257 = arith.constant dense<0.000000e+00> : vector<256x256xf32>
    %dot_general3A_258 = tpu.matmul %convert_element_type3A_256, %convert_element_type3A_2, %dot_general3A_257 {dimension_numbers = #tpu.dot_dimension_numbers<[1], [0], [0], [1], [0, 0, 1, 1], [], []>, transpose_lhs_hint = false} : vector<256x256xbf16>, vector<256x256xbf16>, vector<256x256xf32> -> vector<256x256xf32>
    %add3A_259 = vector.broadcast %add3A_252 : vector<256x1xf32> to vector<256x256xf32>
    %add3A_260 = arith.addf %dot_general3A_258, %add3A_259 : vector<256x256xf32>
    %convert_element_type3A_261 = arith.truncf %add3A_260 : vector<256x256xf32> to vector<256x256xbf16>
    %le3A_262 = arith.constant 2.500000e+01 : bf16
    %le3A_263 = vector.broadcast %le3A_262 : bf16 to vector<256x256xbf16>
    %le3A_264 = arith.cmpf ole, %convert_element_type3A_261, %le3A_263 : vector<256x256xbf16>
    %jit3A_265 = arith.constant 0.000000e+00 : bf16
    %broadcast_in_dim3A_266 = vector.broadcast %jit3A_265 : bf16 to vector<256x256xbf16>
    %select_n3A_267 = arith.select %le3A_264, %convert_element_type3A_256, %broadcast_in_dim3A_266 : vector<256x256xi1>, vector<256x256xbf16>
    %le3A_268 = arith.constant 1.000000e+01 : bf16
    %le3A_269 = vector.broadcast %le3A_268 : bf16 to vector<256x256xbf16>
    %le3A_270 = arith.cmpf ole, %convert_element_type3A_261, %le3A_269 : vector<256x256xbf16>
    %jit3A_271 = arith.constant 0.000000e+00 : bf16
    %broadcast_in_dim3A_272 = vector.broadcast %jit3A_271 : bf16 to vector<256x256xbf16>
    %select_n3A_273 = arith.select %le3A_270, %convert_element_type3A_256, %broadcast_in_dim3A_272 : vector<256x256xi1>, vector<256x256xbf16>
    %convert_element_type3A_274 = arith.fptosi %select_n3A_273 : vector<256x256xbf16> to vector<256x256xi8>
    %swap3A_275 = arith.constant 0 : index
    %swap3A_276 = arith.constant 2048 : index
    %swap3A_277 = vector.load %arg9[%swap3A_275, %swap3A_276] : memref<256x4096xi8, #tpu.memory_space<vmem>>, vector<256x256xi8>
    tpu.vector_store %arg9[%swap3A_275, %swap3A_276], %convert_element_type3A_274 {strides = array<i32>} : memref<256x4096xi8, #tpu.memory_space<vmem>>, vector<256x256xi8>,
    %convert_element_type3A_278 = arith.extf %convert_element_type3A_256 : vector<256x256xbf16> to vector<256x256xf32>
    %reduce_sum3A_279 = arith.constant dense<0.000000e+00> : vector<256xf32>
    %reduce_sum3A_280 = vector.multi_reduction <add>, %convert_element_type3A_278, %reduce_sum3A_279 [1] : vector<256x256xf32> to vector<256xf32>
    %broadcast_in_dim3A_281 = vector.shape_cast %reduce_sum3A_280 : vector<256xf32> to vector<256x1xf32>
    %convert_element_type3A_282 = arith.truncf %broadcast_in_dim3A_281 : vector<256x1xf32> to vector<256x1xbf16>
    %convert_element_type3A_283 = arith.extf %convert_element_type3A_282 : vector<256x1xbf16> to vector<256x1xf32>
    %add3A_284 = arith.addf %add3A_252, %convert_element_type3A_283 : vector<256x1xf32>
    %get3A_285 = arith.constant 0 : index
    %get3A_286 = arith.constant 2304 : index
    %get3A_287 = vector.load %arg1[%get3A_285, %get3A_286] : memref<256x4096xf32, #tpu.memory_space<vmem>>, vector<256x256xf32>
    %convert_element_type3A_288 = arith.truncf %get3A_287 : vector<256x256xf32> to vector<256x256xbf16>
    %dot_general3A_289 = arith.constant dense<0.000000e+00> : vector<256x256xf32>
    %dot_general3A_290 = tpu.matmul %convert_element_type3A_288, %convert_element_type3A_2, %dot_general3A_289 {dimension_numbers = #tpu.dot_dimension_numbers<[1], [0], [0], [1], [0, 0, 1, 1], [], []>, transpose_lhs_hint = false} : vector<256x256xbf16>, vector<256x256xbf16>, vector<256x256xf32> -> vector<256x256xf32>
    %add3A_291 = vector.broadcast %add3A_284 : vector<256x1xf32> to vector<256x256xf32>
    %add3A_292 = arith.addf %dot_general3A_290, %add3A_291 : vector<256x256xf32>
    %convert_element_type3A_293 = arith.truncf %add3A_292 : vector<256x256xf32> to vector<256x256xbf16>
    %le3A_294 = arith.constant 2.500000e+01 : bf16
    %le3A_295 = vector.broadcast %le3A_294 : bf16 to vector<256x256xbf16>
    %le3A_296 = arith.cmpf ole, %convert_element_type3A_293, %le3A_295 : vector<256x256xbf16>
    %jit3A_297 = arith.constant 0.000000e+00 : bf16
    %broadcast_in_dim3A_298 = vector.broadcast %jit3A_297 : bf16 to vector<256x256xbf16>
    %select_n3A_299 = arith.select %le3A_296, %convert_element_type3A_288, %broadcast_in_dim3A_298 : vector<256x256xi1>, vector<256x256xbf16>
    %le3A_300 = arith.constant 1.000000e+01 : bf16
    %le3A_301 = vector.broadcast %le3A_300 : bf16 to vector<256x256xbf16>
    %le3A_302 = arith.cmpf ole, %convert_element_type3A_293, %le3A_301 : vector<256x256xbf16>
    %jit3A_303 = arith.constant 0.000000e+00 : bf16
    %broadcast_in_dim3A_304 = vector.broadcast %jit3A_303 : bf16 to vector<256x256xbf16>
    %select_n3A_305 = arith.select %le3A_302, %convert_element_type3A_288, %broadcast_in_dim3A_304 : vector<256x256xi1>, vector<256x256xbf16>
    %convert_element_type3A_306 = arith.fptosi %select_n3A_305 : vector<256x256xbf16> to vector<256x256xi8>
    %swap3A_307 = arith.constant 0 : index
    %swap3A_308 = arith.constant 2304 : index
    %swap3A_309 = vector.load %arg9[%swap3A_307, %swap3A_308] : memref<256x4096xi8, #tpu.memory_space<vmem>>, vector<256x256xi8>
    tpu.vector_store %arg9[%swap3A_307, %swap3A_308], %convert_element_type3A_306 {strides = array<i32>} : memref<256x4096xi8, #tpu.memory_space<vmem>>, vector<256x256xi8>,
    %convert_element_type3A_310 = arith.extf %convert_element_type3A_288 : vector<256x256xbf16> to vector<256x256xf32>
    %reduce_sum3A_311 = arith.constant dense<0.000000e+00> : vector<256xf32>
    %reduce_sum3A_312 = vector.multi_reduction <add>, %convert_element_type3A_310, %reduce_sum3A_311 [1] : vector<256x256xf32> to vector<256xf32>
    %broadcast_in_dim3A_313 = vector.shape_cast %reduce_sum3A_312 : vector<256xf32> to vector<256x1xf32>
    %convert_element_type3A_314 = arith.truncf %broadcast_in_dim3A_313 : vector<256x1xf32> to vector<256x1xbf16>
    %convert_element_type3A_315 = arith.extf %convert_element_type3A_314 : vector<256x1xbf16> to vector<256x1xf32>
    %add3A_316 = arith.addf %add3A_284, %convert_element_type3A_315 : vector<256x1xf32>
    %get3A_317 = arith.constant 0 : index
    %get3A_318 = arith.constant 2560 : index
    %get3A_319 = vector.load %arg1[%get3A_317, %get3A_318] : memref<256x4096xf32, #tpu.memory_space<vmem>>, vector<256x256xf32>
    %convert_element_type3A_320 = arith.truncf %get3A_319 : vector<256x256xf32> to vector<256x256xbf16>
    %dot_general3A_321 = arith.constant dense<0.000000e+00> : vector<256x256xf32>
    %dot_general3A_322 = tpu.matmul %convert_element_type3A_320, %convert_element_type3A_2, %dot_general3A_321 {dimension_numbers = #tpu.dot_dimension_numbers<[1], [0], [0], [1], [0, 0, 1, 1], [], []>, transpose_lhs_hint = false} : vector<256x256xbf16>, vector<256x256xbf16>, vector<256x256xf32> -> vector<256x256xf32>
    %add3A_323 = vector.broadcast %add3A_316 : vector<256x1xf32> to vector<256x256xf32>
    %add3A_324 = arith.addf %dot_general3A_322, %add3A_323 : vector<256x256xf32>
    %convert_element_type3A_325 = arith.truncf %add3A_324 : vector<256x256xf32> to vector<256x256xbf16>
    %le3A_326 = arith.constant 2.500000e+01 : bf16
    %le3A_327 = vector.broadcast %le3A_326 : bf16 to vector<256x256xbf16>
    %le3A_328 = arith.cmpf ole, %convert_element_type3A_325, %le3A_327 : vector<256x256xbf16>
    %jit3A_329 = arith.constant 0.000000e+00 : bf16
    %broadcast_in_dim3A_330 = vector.broadcast %jit3A_329 : bf16 to vector<256x256xbf16>
    %select_n3A_331 = arith.select %le3A_328, %convert_element_type3A_320, %broadcast_in_dim3A_330 : vector<256x256xi1>, vector<256x256xbf16>
    %le3A_332 = arith.constant 1.000000e+01 : bf16
    %le3A_333 = vector.broadcast %le3A_332 : bf16 to vector<256x256xbf16>
    %le3A_334 = arith.cmpf ole, %convert_element_type3A_325, %le3A_333 : vector<256x256xbf16>
    %jit3A_335 = arith.constant 0.000000e+00 : bf16
    %broadcast_in_dim3A_336 = vector.broadcast %jit3A_335 : bf16 to vector<256x256xbf16>
    %select_n3A_337 = arith.select %le3A_334, %convert_element_type3A_320, %broadcast_in_dim3A_336 : vector<256x256xi1>, vector<256x256xbf16>
    %convert_element_type3A_338 = arith.fptosi %select_n3A_337 : vector<256x256xbf16> to vector<256x256xi8>
    %swap3A_339 = arith.constant 0 : index
    %swap3A_340 = arith.constant 2560 : index
    %swap3A_341 = vector.load %arg9[%swap3A_339, %swap3A_340] : memref<256x4096xi8, #tpu.memory_space<vmem>>, vector<256x256xi8>
    tpu.vector_store %arg9[%swap3A_339, %swap3A_340], %convert_element_type3A_338 {strides = array<i32>} : memref<256x4096xi8, #tpu.memory_space<vmem>>, vector<256x256xi8>,
    %convert_element_type3A_342 = arith.extf %convert_element_type3A_320 : vector<256x256xbf16> to vector<256x256xf32>
    %reduce_sum3A_343 = arith.constant dense<0.000000e+00> : vector<256xf32>
    %reduce_sum3A_344 = vector.multi_reduction <add>, %convert_element_type3A_342, %reduce_sum3A_343 [1] : vector<256x256xf32> to vector<256xf32>
    %broadcast_in_dim3A_345 = vector.shape_cast %reduce_sum3A_344 : vector<256xf32> to vector<256x1xf32>
    %convert_element_type3A_346 = arith.truncf %broadcast_in_dim3A_345 : vector<256x1xf32> to vector<256x1xbf16>
    %convert_element_type3A_347 = arith.extf %convert_element_type3A_346 : vector<256x1xbf16> to vector<256x1xf32>
    %add3A_348 = arith.addf %add3A_316, %convert_element_type3A_347 : vector<256x1xf32>
    %get3A_349 = arith.constant 0 : index
    %get3A_350 = arith.constant 2816 : index
    %get3A_351 = vector.load %arg1[%get3A_349, %get3A_350] : memref<256x4096xf32, #tpu.memory_space<vmem>>, vector<256x256xf32>
    %convert_element_type3A_352 = arith.truncf %get3A_351 : vector<256x256xf32> to vector<256x256xbf16>
    %dot_general3A_353 = arith.constant dense<0.000000e+00> : vector<256x256xf32>
    %dot_general3A_354 = tpu.matmul %convert_element_type3A_352, %convert_element_type3A_2, %dot_general3A_353 {dimension_numbers = #tpu.dot_dimension_numbers<[1], [0], [0], [1], [0, 0, 1, 1], [], []>, transpose_lhs_hint = false} : vector<256x256xbf16>, vector<256x256xbf16>, vector<256x256xf32> -> vector<256x256xf32>
    %add3A_355 = vector.broadcast %add3A_348 : vector<256x1xf32> to vector<256x256xf32>
    %add3A_356 = arith.addf %dot_general3A_354, %add3A_355 : vector<256x256xf32>
    %convert_element_type3A_357 = arith.truncf %add3A_356 : vector<256x256xf32> to vector<256x256xbf16>
    %le3A_358 = arith.constant 2.500000e+01 : bf16
    %le3A_359 = vector.broadcast %le3A_358 : bf16 to vector<256x256xbf16>
    %le3A_360 = arith.cmpf ole, %convert_element_type3A_357, %le3A_359 : vector<256x256xbf16>
    %jit3A_361 = arith.constant 0.000000e+00 : bf16
    %broadcast_in_dim3A_362 = vector.broadcast %jit3A_361 : bf16 to vector<256x256xbf16>
    %select_n3A_363 = arith.select %le3A_360, %convert_element_type3A_352, %broadcast_in_dim3A_362 : vector<256x256xi1>, vector<256x256xbf16>
    %le3A_364 = arith.constant 1.000000e+01 : bf16
    %le3A_365 = vector.broadcast %le3A_364 : bf16 to vector<256x256xbf16>
    %le3A_366 = arith.cmpf ole, %convert_element_type3A_357, %le3A_365 : vector<256x256xbf16>
    %jit3A_367 = arith.constant 0.000000e+00 : bf16
    %broadcast_in_dim3A_368 = vector.broadcast %jit3A_367 : bf16 to vector<256x256xbf16>
    %select_n3A_369 = arith.select %le3A_366, %convert_element_type3A_352, %broadcast_in_dim3A_368 : vector<256x256xi1>, vector<256x256xbf16>
    %convert_element_type3A_370 = arith.fptosi %select_n3A_369 : vector<256x256xbf16> to vector<256x256xi8>
    %swap3A_371 = arith.constant 0 : index
    %swap3A_372 = arith.constant 2816 : index
    %swap3A_373 = vector.load %arg9[%swap3A_371, %swap3A_372] : memref<256x4096xi8, #tpu.memory_space<vmem>>, vector<256x256xi8>
    tpu.vector_store %arg9[%swap3A_371, %swap3A_372], %convert_element_type3A_370 {strides = array<i32>} : memref<256x4096xi8, #tpu.memory_space<vmem>>, vector<256x256xi8>,
    %convert_element_type3A_374 = arith.extf %convert_element_type3A_352 : vector<256x256xbf16> to vector<256x256xf32>
    %reduce_sum3A_375 = arith.constant dense<0.000000e+00> : vector<256xf32>
    %reduce_sum3A_376 = vector.multi_reduction <add>, %convert_element_type3A_374, %reduce_sum3A_375 [1] : vector<256x256xf32> to vector<256xf32>
    %broadcast_in_dim3A_377 = vector.shape_cast %reduce_sum3A_376 : vector<256xf32> to vector<256x1xf32>
    %convert_element_type3A_378 = arith.truncf %broadcast_in_dim3A_377 : vector<256x1xf32> to vector<256x1xbf16>
    %convert_element_type3A_379 = arith.extf %convert_element_type3A_378 : vector<256x1xbf16> to vector<256x1xf32>
    %add3A_380 = arith.addf %add3A_348, %convert_element_type3A_379 : vector<256x1xf32>
    %get3A_381 = arith.constant 0 : index
    %get3A_382 = arith.constant 3072 : index
    %get3A_383 = vector.load %arg1[%get3A_381, %get3A_382] : memref<256x4096xf32, #tpu.memory_space<vmem>>, vector<256x256xf32>
    %convert_element_type3A_384 = arith.truncf %get3A_383 : vector<256x256xf32> to vector<256x256xbf16>
    %dot_general3A_385 = arith.constant dense<0.000000e+00> : vector<256x256xf32>
    %dot_general3A_386 = tpu.matmul %convert_element_type3A_384, %convert_element_type3A_2, %dot_general3A_385 {dimension_numbers = #tpu.dot_dimension_numbers<[1], [0], [0], [1], [0, 0, 1, 1], [], []>, transpose_lhs_hint = false} : vector<256x256xbf16>, vector<256x256xbf16>, vector<256x256xf32> -> vector<256x256xf32>
    %add3A_387 = vector.broadcast %add3A_380 : vector<256x1xf32> to vector<256x256xf32>
    %add3A_388 = arith.addf %dot_general3A_386, %add3A_387 : vector<256x256xf32>
    %convert_element_type3A_389 = arith.truncf %add3A_388 : vector<256x256xf32> to vector<256x256xbf16>
    %le3A_390 = arith.constant 2.500000e+01 : bf16
    %le3A_391 = vector.broadcast %le3A_390 : bf16 to vector<256x256xbf16>
    %le3A_392 = arith.cmpf ole, %convert_element_type3A_389, %le3A_391 : vector<256x256xbf16>
    %jit3A_393 = arith.constant 0.000000e+00 : bf16
    %broadcast_in_dim3A_394 = vector.broadcast %jit3A_393 : bf16 to vector<256x256xbf16>
    %select_n3A_395 = arith.select %le3A_392, %convert_element_type3A_384, %broadcast_in_dim3A_394 : vector<256x256xi1>, vector<256x256xbf16>
    %le3A_396 = arith.constant 1.000000e+01 : bf16
    %le3A_397 = vector.broadcast %le3A_396 : bf16 to vector<256x256xbf16>
    %le3A_398 = arith.cmpf ole, %convert_element_type3A_389, %le3A_397 : vector<256x256xbf16>
    %jit3A_399 = arith.constant 0.000000e+00 : bf16
    %broadcast_in_dim3A_400 = vector.broadcast %jit3A_399 : bf16 to vector<256x256xbf16>
    %select_n3A_401 = arith.select %le3A_398, %convert_element_type3A_384, %broadcast_in_dim3A_400 : vector<256x256xi1>, vector<256x256xbf16>
    %convert_element_type3A_402 = arith.fptosi %select_n3A_401 : vector<256x256xbf16> to vector<256x256xi8>
    %swap3A_403 = arith.constant 0 : index
    %swap3A_404 = arith.constant 3072 : index
    %swap3A_405 = vector.load %arg9[%swap3A_403, %swap3A_404] : memref<256x4096xi8, #tpu.memory_space<vmem>>, vector<256x256xi8>
    tpu.vector_store %arg9[%swap3A_403, %swap3A_404], %convert_element_type3A_402 {strides = array<i32>} : memref<256x4096xi8, #tpu.memory_space<vmem>>, vector<256x256xi8>,
    %convert_element_type3A_406 = arith.extf %convert_element_type3A_384 : vector<256x256xbf16> to vector<256x256xf32>
    %reduce_sum3A_407 = arith.constant dense<0.000000e+00> : vector<256xf32>
    %reduce_sum3A_408 = vector.multi_reduction <add>, %convert_element_type3A_406, %reduce_sum3A_407 [1] : vector<256x256xf32> to vector<256xf32>
    %broadcast_in_dim3A_409 = vector.shape_cast %reduce_sum3A_408 : vector<256xf32> to vector<256x1xf32>
    %convert_element_type3A_410 = arith.truncf %broadcast_in_dim3A_409 : vector<256x1xf32> to vector<256x1xbf16>
    %convert_element_type3A_411 = arith.extf %convert_element_type3A_410 : vector<256x1xbf16> to vector<256x1xf32>
    %add3A_412 = arith.addf %add3A_380, %convert_element_type3A_411 : vector<256x1xf32>
    %get3A_413 = arith.constant 0 : index
    %get3A_414 = arith.constant 3328 : index
    %get3A_415 = vector.load %arg1[%get3A_413, %get3A_414] : memref<256x4096xf32, #tpu.memory_space<vmem>>, vector<256x256xf32>
    %convert_element_type3A_416 = arith.truncf %get3A_415 : vector<256x256xf32> to vector<256x256xbf16>
    %dot_general3A_417 = arith.constant dense<0.000000e+00> : vector<256x256xf32>
    %dot_general3A_418 = tpu.matmul %convert_element_type3A_416, %convert_element_type3A_2, %dot_general3A_417 {dimension_numbers = #tpu.dot_dimension_numbers<[1], [0], [0], [1], [0, 0, 1, 1], [], []>, transpose_lhs_hint = false} : vector<256x256xbf16>, vector<256x256xbf16>, vector<256x256xf32> -> vector<256x256xf32>
    %add3A_419 = vector.broadcast %add3A_412 : vector<256x1xf32> to vector<256x256xf32>
    %add3A_420 = arith.addf %dot_general3A_418, %add3A_419 : vector<256x256xf32>
    %convert_element_type3A_421 = arith.truncf %add3A_420 : vector<256x256xf32> to vector<256x256xbf16>
    %le3A_422 = arith.constant 2.500000e+01 : bf16
    %le3A_423 = vector.broadcast %le3A_422 : bf16 to vector<256x256xbf16>
    %le3A_424 = arith.cmpf ole, %convert_element_type3A_421, %le3A_423 : vector<256x256xbf16>
    %jit3A_425 = arith.constant 0.000000e+00 : bf16
    %broadcast_in_dim3A_426 = vector.broadcast %jit3A_425 : bf16 to vector<256x256xbf16>
    %select_n3A_427 = arith.select %le3A_424, %convert_element_type3A_416, %broadcast_in_dim3A_426 : vector<256x256xi1>, vector<256x256xbf16>
    %le3A_428 = arith.constant 1.000000e+01 : bf16
    %le3A_429 = vector.broadcast %le3A_428 : bf16 to vector<256x256xbf16>
    %le3A_430 = arith.cmpf ole, %convert_element_type3A_421, %le3A_429 : vector<256x256xbf16>
    %jit3A_431 = arith.constant 0.000000e+00 : bf16
    %broadcast_in_dim3A_432 = vector.broadcast %jit3A_431 : bf16 to vector<256x256xbf16>
    %select_n3A_433 = arith.select %le3A_430, %convert_element_type3A_416, %broadcast_in_dim3A_432 : vector<256x256xi1>, vector<256x256xbf16>
    %convert_element_type3A_434 = arith.fptosi %select_n3A_433 : vector<256x256xbf16> to vector<256x256xi8>
    %swap3A_435 = arith.constant 0 : index
    %swap3A_436 = arith.constant 3328 : index
    %swap3A_437 = vector.load %arg9[%swap3A_435, %swap3A_436] : memref<256x4096xi8, #tpu.memory_space<vmem>>, vector<256x256xi8>
    tpu.vector_store %arg9[%swap3A_435, %swap3A_436], %convert_element_type3A_434 {strides = array<i32>} : memref<256x4096xi8, #tpu.memory_space<vmem>>, vector<256x256xi8>,
    %convert_element_type3A_438 = arith.extf %convert_element_type3A_416 : vector<256x256xbf16> to vector<256x256xf32>
    %reduce_sum3A_439 = arith.constant dense<0.000000e+00> : vector<256xf32>
    %reduce_sum3A_440 = vector.multi_reduction <add>, %convert_element_type3A_438, %reduce_sum3A_439 [1] : vector<256x256xf32> to vector<256xf32>
    %broadcast_in_dim3A_441 = vector.shape_cast %reduce_sum3A_440 : vector<256xf32> to vector<256x1xf32>
    %convert_element_type3A_442 = arith.truncf %broadcast_in_dim3A_441 : vector<256x1xf32> to vector<256x1xbf16>
    %convert_element_type3A_443 = arith.extf %convert_element_type3A_442 : vector<256x1xbf16> to vector<256x1xf32>
    %add3A_444 = arith.addf %add3A_412, %convert_element_type3A_443 : vector<256x1xf32>
    %get3A_445 = arith.constant 0 : index
    %get3A_446 = arith.constant 3584 : index
    %get3A_447 = vector.load %arg1[%get3A_445, %get3A_446] : memref<256x4096xf32, #tpu.memory_space<vmem>>, vector<256x256xf32>
    %convert_element_type3A_448 = arith.truncf %get3A_447 : vector<256x256xf32> to vector<256x256xbf16>
    %dot_general3A_449 = arith.constant dense<0.000000e+00> : vector<256x256xf32>
    %dot_general3A_450 = tpu.matmul %convert_element_type3A_448, %convert_element_type3A_2, %dot_general3A_449 {dimension_numbers = #tpu.dot_dimension_numbers<[1], [0], [0], [1], [0, 0, 1, 1], [], []>, transpose_lhs_hint = false} : vector<256x256xbf16>, vector<256x256xbf16>, vector<256x256xf32> -> vector<256x256xf32>
    %add3A_451 = vector.broadcast %add3A_444 : vector<256x1xf32> to vector<256x256xf32>
    %add3A_452 = arith.addf %dot_general3A_450, %add3A_451 : vector<256x256xf32>
    %convert_element_type3A_453 = arith.truncf %add3A_452 : vector<256x256xf32> to vector<256x256xbf16>
    %le3A_454 = arith.constant 2.500000e+01 : bf16
    %le3A_455 = vector.broadcast %le3A_454 : bf16 to vector<256x256xbf16>
    %le3A_456 = arith.cmpf ole, %convert_element_type3A_453, %le3A_455 : vector<256x256xbf16>
    %jit3A_457 = arith.constant 0.000000e+00 : bf16
    %broadcast_in_dim3A_458 = vector.broadcast %jit3A_457 : bf16 to vector<256x256xbf16>
    %select_n3A_459 = arith.select %le3A_456, %convert_element_type3A_448, %broadcast_in_dim3A_458 : vector<256x256xi1>, vector<256x256xbf16>
    %le3A_460 = arith.constant 1.000000e+01 : bf16
    %le3A_461 = vector.broadcast %le3A_460 : bf16 to vector<256x256xbf16>
    %le3A_462 = arith.cmpf ole, %convert_element_type3A_453, %le3A_461 : vector<256x256xbf16>
    %jit3A_463 = arith.constant 0.000000e+00 : bf16
    %broadcast_in_dim3A_464 = vector.broadcast %jit3A_463 : bf16 to vector<256x256xbf16>
    %select_n3A_465 = arith.select %le3A_462, %convert_element_type3A_448, %broadcast_in_dim3A_464 : vector<256x256xi1>, vector<256x256xbf16>
    %convert_element_type3A_466 = arith.fptosi %select_n3A_465 : vector<256x256xbf16> to vector<256x256xi8>
    %swap3A_467 = arith.constant 0 : index
    %swap3A_468 = arith.constant 3584 : index
    %swap3A_469 = vector.load %arg9[%swap3A_467, %swap3A_468] : memref<256x4096xi8, #tpu.memory_space<vmem>>, vector<256x256xi8>
    tpu.vector_store %arg9[%swap3A_467, %swap3A_468], %convert_element_type3A_466 {strides = array<i32>} : memref<256x4096xi8, #tpu.memory_space<vmem>>, vector<256x256xi8>,
    %convert_element_type3A_470 = arith.extf %convert_element_type3A_448 : vector<256x256xbf16> to vector<256x256xf32>
    %reduce_sum3A_471 = arith.constant dense<0.000000e+00> : vector<256xf32>
    %reduce_sum3A_472 = vector.multi_reduction <add>, %convert_element_type3A_470, %reduce_sum3A_471 [1] : vector<256x256xf32> to vector<256xf32>
    %broadcast_in_dim3A_473 = vector.shape_cast %reduce_sum3A_472 : vector<256xf32> to vector<256x1xf32>
    %convert_element_type3A_474 = arith.truncf %broadcast_in_dim3A_473 : vector<256x1xf32> to vector<256x1xbf16>
    %convert_element_type3A_475 = arith.extf %convert_element_type3A_474 : vector<256x1xbf16> to vector<256x1xf32>
    %add3A_476 = arith.addf %add3A_444, %convert_element_type3A_475 : vector<256x1xf32>
    %get3A_477 = arith.constant 0 : index
    %get3A_478 = arith.constant 3840 : index
    %get3A_479 = vector.load %arg1[%get3A_477, %get3A_478] : memref<256x4096xf32, #tpu.memory_space<vmem>>, vector<256x256xf32>
    %convert_element_type3A_480 = arith.truncf %get3A_479 : vector<256x256xf32> to vector<256x256xbf16>
    %dot_general3A_481 = arith.constant dense<0.000000e+00> : vector<256x256xf32>
    %dot_general3A_482 = tpu.matmul %convert_element_type3A_480, %convert_element_type3A_2, %dot_general3A_481 {dimension_numbers = #tpu.dot_dimension_numbers<[1], [0], [0], [1], [0, 0, 1, 1], [], []>, transpose_lhs_hint = false} : vector<256x256xbf16>, vector<256x256xbf16>, vector<256x256xf32> -> vector<256x256xf32>
    %add3A_483 = vector.broadcast %add3A_476 : vector<256x1xf32> to vector<256x256xf32>
    %add3A_484 = arith.addf %dot_general3A_482, %add3A_483 : vector<256x256xf32>
    %convert_element_type3A_485 = arith.truncf %add3A_484 : vector<256x256xf32> to vector<256x256xbf16>
    %le3A_486 = arith.constant 2.500000e+01 : bf16
    %le3A_487 = vector.broadcast %le3A_486 : bf16 to vector<256x256xbf16>
    %le3A_488 = arith.cmpf ole, %convert_element_type3A_485, %le3A_487 : vector<256x256xbf16>
    %jit3A_489 = arith.constant 0.000000e+00 : bf16
    %broadcast_in_dim3A_490 = vector.broadcast %jit3A_489 : bf16 to vector<256x256xbf16>
    %select_n3A_491 = arith.select %le3A_488, %convert_element_type3A_480, %broadcast_in_dim3A_490 : vector<256x256xi1>, vector<256x256xbf16>
    %le3A_492 = arith.constant 1.000000e+01 : bf16
    %le3A_493 = vector.broadcast %le3A_492 : bf16 to vector<256x256xbf16>
    %le3A_494 = arith.cmpf ole, %convert_element_type3A_485, %le3A_493 : vector<256x256xbf16>
    %jit3A_495 = arith.constant 0.000000e+00 : bf16
    %broadcast_in_dim3A_496 = vector.broadcast %jit3A_495 : bf16 to vector<256x256xbf16>
    %select_n3A_497 = arith.select %le3A_494, %convert_element_type3A_480, %broadcast_in_dim3A_496 : vector<256x256xi1>, vector<256x256xbf16>
    %convert_element_type3A_498 = arith.fptosi %select_n3A_497 : vector<256x256xbf16> to vector<256x256xi8>
    %swap3A_499 = arith.constant 0 : index
    %swap3A_500 = arith.constant 3840 : index
    %swap3A_501 = vector.load %arg9[%swap3A_499, %swap3A_500] : memref<256x4096xi8, #tpu.memory_space<vmem>>, vector<256x256xi8>
    tpu.vector_store %arg9[%swap3A_499, %swap3A_500], %convert_element_type3A_498 {strides = array<i32>} : memref<256x4096xi8, #tpu.memory_space<vmem>>, vector<256x256xi8>,
    %convert_element_type3A_502 = arith.extf %convert_element_type3A_480 : vector<256x256xbf16> to vector<256x256xf32>
    %reduce_sum3A_503 = arith.constant dense<0.000000e+00> : vector<256xf32>
    %reduce_sum3A_504 = vector.multi_reduction <add>, %convert_element_type3A_502, %reduce_sum3A_503 [1] : vector<256x256xf32> to vector<256xf32>
    %broadcast_in_dim3A_505 = vector.shape_cast %reduce_sum3A_504 : vector<256xf32> to vector<256x1xf32>
    %convert_element_type3A_506 = arith.truncf %broadcast_in_dim3A_505 : vector<256x1xf32> to vector<256x1xbf16>
    %convert_element_type3A_507 = arith.extf %convert_element_type3A_506 : vector<256x1xbf16> to vector<256x1xf32>
    %add3A_508 = arith.addf %add3A_476, %convert_element_type3A_507 : vector<256x1xf32>
    %concatenate3A = tpu.concatenate %select_n3A, %select_n3A_43, %select_n3A_75, %select_n3A_107, %select_n3A_139, %select_n3A_171, %select_n3A_203, %select_n3A_235, %select_n3A_267, %select_n3A_299, %select_n3A_331, %select_n3A_363, %select_n3A_395, %select_n3A_427, %select_n3A_459, %select_n3A_491 in 1 : vector<256x256xbf16>, vector<256x256xbf16>, vector<256x256xbf16>, vector<256x256xbf16>, vector<256x256xbf16>, vector<256x256xbf16>, vector<256x256xbf16>, vector<256x256xbf16>, vector<256x256xbf16>, vector<256x256xbf16>, vector<256x256xbf16>, vector<256x256xbf16>, vector<256x256xbf16>, vector<256x256xbf16>, vector<256x256xbf16>, vector<256x256xbf16> -> vector<256x4096xbf16>
    %get3A_509 = arith.constant 0 : index
    %get3A_510 = arith.constant 0 : index
    %get3A_511 = vector.load %arg2[%get3A_509, %get3A_510] : memref<4096x256xf32, #tpu.memory_space<vmem>>, vector<4096x256xf32>
    %convert_element_type3A_512 = arith.truncf %get3A_511 : vector<4096x256xf32> to vector<4096x256xbf16>
    %convert_element_type3A_513 = arith.extf %convert_element_type3A_512 : vector<4096x256xbf16> to vector<4096x256xf32>
    %sub3A = arith.subf %get3A_511, %convert_element_type3A_513 : vector<4096x256xf32>
    %convert_element_type3A_514 = arith.truncf %sub3A : vector<4096x256xf32> to vector<4096x256xbf16>
    %dot_general3A_515 = arith.constant dense<0.000000e+00> : vector<256x256xf32>
    %dot_general3A_516 = tpu.matmul %concatenate3A, %convert_element_type3A_512, %dot_general3A_515 {dimension_numbers = #tpu.dot_dimension_numbers<[1], [0], [0], [1], [0, 0, 1, 1], [], []>, transpose_lhs_hint = false} : vector<256x4096xbf16>, vector<4096x256xbf16>, vector<256x256xf32> -> vector<256x256xf32>
    %dot_general3A_517 = arith.constant dense<0.000000e+00> : vector<256x256xf32>
    %dot_general3A_518 = tpu.matmul %concatenate3A, %convert_element_type3A_514, %dot_general3A_517 {dimension_numbers = #tpu.dot_dimension_numbers<[1], [0], [0], [1], [0, 0, 1, 1], [], []>, transpose_lhs_hint = false} : vector<256x4096xbf16>, vector<4096x256xbf16>, vector<256x256xf32> -> vector<256x256xf32>
    %add3A_519 = arith.addf %dot_general3A_516, %dot_general3A_518 : vector<256x256xf32>
    %min3A = arith.constant 2.500000e+01 : f32
    %min3A_520 = vector.broadcast %min3A : f32 to vector<256x1xf32>
    %min3A_521 = arith.minimumf %add3A_508, %min3A_520 : vector<256x1xf32>
    %max3A = arith.constant 1.000000e+00 : f32
    %max3A_522 = vector.broadcast %max3A : f32 to vector<256x1xf32>
    %max3A_523 = arith.maximumf %min3A_521, %max3A_522 : vector<256x1xf32>
    %div3A = vector.broadcast %max3A_523 : vector<256x1xf32> to vector<256x256xf32>
    %div3A_524 = arith.divf %add3A_519, %div3A : vector<256x256xf32>
    %get3A_525 = arith.constant 0 : index
    %get3A_526 = arith.constant 0 : index
    %get3A_527 = vector.load %arg4[%get3A_525, %get3A_526] : memref<256x256xf32, #tpu.memory_space<vmem>>, vector<256x256xf32>
    %convert_element_type3A_528 = arith.truncf %div3A_524 : vector<256x256xf32> to vector<256x256xbf16>
    %convert_element_type3A_529 = arith.extf %convert_element_type3A_528 : vector<256x256xbf16> to vector<256x256xf32>
    %sub3A_530 = arith.subf %div3A_524, %convert_element_type3A_529 : vector<256x256xf32>
    %convert_element_type3A_531 = arith.truncf %sub3A_530 : vector<256x256xf32> to vector<256x256xbf16>
    %convert_element_type3A_532 = arith.truncf %get3A_527 : vector<256x256xf32> to vector<256x256xbf16>
    %convert_element_type3A_533 = arith.extf %convert_element_type3A_532 : vector<256x256xbf16> to vector<256x256xf32>
    %sub3A_534 = arith.subf %get3A_527, %convert_element_type3A_533 : vector<256x256xf32>
    %convert_element_type3A_535 = arith.truncf %sub3A_534 : vector<256x256xf32> to vector<256x256xbf16>
    %dot_general3A_536 = arith.constant dense<0.000000e+00> : vector<256x256xf32>
    %dot_general3A_537 = tpu.matmul %convert_element_type3A_528, %convert_element_type3A_532, %dot_general3A_536 {dimension_numbers = #tpu.dot_dimension_numbers<[1], [0], [0], [1], [0, 0, 1, 1], [], []>, transpose_lhs_hint = false} : vector<256x256xbf16>, vector<256x256xbf16>, vector<256x256xf32> -> vector<256x256xf32>
    %dot_general3A_538 = arith.constant dense<0.000000e+00> : vector<256x256xf32>
    %dot_general3A_539 = tpu.matmul %convert_element_type3A_528, %convert_element_type3A_535, %dot_general3A_538 {dimension_numbers = #tpu.dot_dimension_numbers<[1], [0], [0], [1], [0, 0, 1, 1], [], []>, transpose_lhs_hint = false} : vector<256x256xbf16>, vector<256x256xbf16>, vector<256x256xf32> -> vector<256x256xf32>
    %dot_general3A_540 = arith.constant dense<0.000000e+00> : vector<256x256xf32>
    %dot_general3A_541 = tpu.matmul %convert_element_type3A_531, %convert_element_type3A_532, %dot_general3A_540 {dimension_numbers = #tpu.dot_dimension_numbers<[1], [0], [0], [1], [0, 0, 1, 1], [], []>, transpose_lhs_hint = false} : vector<256x256xbf16>, vector<256x256xbf16>, vector<256x256xf32> -> vector<256x256xf32>
    %add3A_542 = arith.addf %dot_general3A_539, %dot_general3A_541 : vector<256x256xf32>
    %add3A_543 = arith.addf %dot_general3A_537, %add3A_542 : vector<256x256xf32>
    %get3A_544 = arith.constant 0 : index
    %get3A_545 = arith.constant 0 : index
    %get3A_546 = vector.load %arg5[%get3A_544, %get3A_545] : memref<1x256xf32, #tpu.memory_space<vmem>>, vector<1x256xf32>
    %add3A_547 = vector.broadcast %get3A_546 : vector<1x256xf32> to vector<256x256xf32>
    %add3A_548 = arith.addf %add3A_543, %add3A_547 : vector<256x256xf32>
    %ge3A = arith.constant 0.000000e+00 : f32
    %ge3A_549 = vector.broadcast %ge3A : f32 to vector<256x256xf32>
    %ge3A_550 = arith.cmpf oge, %add3A_548, %ge3A_549 : vector<256x256xf32>
    %mul3A = arith.constant 0.00999999977 : f32
    %mul3A_551 = vector.broadcast %mul3A : f32 to vector<256x256xf32>
    %mul3A_552 = arith.mulf %mul3A_551, %add3A_548 : vector<256x256xf32>
    %select_n3A_553 = arith.select %ge3A_550, %add3A_548, %mul3A_552 : vector<256x256xi1>, vector<256x256xf32>
    %get3A_554 = arith.constant 0 : index
    %get3A_555 = arith.constant 0 : index
    %get3A_556 = vector.load %arg3[%get3A_554, %get3A_555] : memref<256x256xf32, #tpu.memory_space<vmem>>, vector<256x256xf32>
    %get3A_557 = arith.constant 0 : index
    %get3A_558 = arith.constant 0 : index
    %get3A_559 = vector.load %arg6[%get3A_557, %get3A_558] : memref<256x256xf32, #tpu.memory_space<vmem>>, vector<256x256xf32>
    %convert_element_type3A_560 = arith.truncf %get3A_556 : vector<256x256xf32> to vector<256x256xbf16>
    %convert_element_type3A_561 = arith.extf %convert_element_type3A_560 : vector<256x256xbf16> to vector<256x256xf32>
    %sub3A_562 = arith.subf %get3A_556, %convert_element_type3A_561 : vector<256x256xf32>
    %convert_element_type3A_563 = arith.truncf %sub3A_562 : vector<256x256xf32> to vector<256x256xbf16>
    %convert_element_type3A_564 = arith.truncf %get3A_559 : vector<256x256xf32> to vector<256x256xbf16>
    %convert_element_type3A_565 = arith.extf %convert_element_type3A_564 : vector<256x256xbf16> to vector<256x256xf32>
    %sub3A_566 = arith.subf %get3A_559, %convert_element_type3A_565 : vector<256x256xf32>
    %convert_element_type3A_567 = arith.truncf %sub3A_566 : vector<256x256xf32> to vector<256x256xbf16>
    %dot_general3A_568 = arith.constant dense<0.000000e+00> : vector<256x256xf32>
    %dot_general3A_569 = tpu.matmul %convert_element_type3A_560, %convert_element_type3A_564, %dot_general3A_568 {dimension_numbers = #tpu.dot_dimension_numbers<[1], [0], [0], [1], [0, 0, 1, 1], [], []>, transpose_lhs_hint = false} : vector<256x256xbf16>, vector<256x256xbf16>, vector<256x256xf32> -> vector<256x256xf32>
    %dot_general3A_570 = arith.constant dense<0.000000e+00> : vector<256x256xf32>
    %dot_general3A_571 = tpu.matmul %convert_element_type3A_560, %convert_element_type3A_567, %dot_general3A_570 {dimension_numbers = #tpu.dot_dimension_numbers<[1], [0], [0], [1], [0, 0, 1, 1], [], []>, transpose_lhs_hint = false} : vector<256x256xbf16>, vector<256x256xbf16>, vector<256x256xf32> -> vector<256x256xf32>
    %dot_general3A_572 = arith.constant dense<0.000000e+00> : vector<256x256xf32>
    %dot_general3A_573 = tpu.matmul %convert_element_type3A_563, %convert_element_type3A_564, %dot_general3A_572 {dimension_numbers = #tpu.dot_dimension_numbers<[1], [0], [0], [1], [0, 0, 1, 1], [], []>, transpose_lhs_hint = false} : vector<256x256xbf16>, vector<256x256xbf16>, vector<256x256xf32> -> vector<256x256xf32>
    %add3A_574 = arith.addf %dot_general3A_571, %dot_general3A_573 : vector<256x256xf32>
    %add3A_575 = arith.addf %dot_general3A_569, %add3A_574 : vector<256x256xf32>
    %get3A_576 = arith.constant 0 : index
    %get3A_577 = arith.constant 0 : index
    %get3A_578 = vector.load %arg7[%get3A_576, %get3A_577] : memref<1x256xf32, #tpu.memory_space<vmem>>, vector<1x256xf32>
    %add3A_579 = vector.broadcast %get3A_578 : vector<1x256xf32> to vector<256x256xf32>
    %add3A_580 = arith.addf %add3A_575, %add3A_579 : vector<256x256xf32>
    %ge3A_581 = arith.constant 0.000000e+00 : f32
    %ge3A_582 = vector.broadcast %ge3A_581 : f32 to vector<256x256xf32>
    %ge3A_583 = arith.cmpf oge, %add3A_580, %ge3A_582 : vector<256x256xf32>
    %mul3A_584 = arith.constant 0.00999999977 : f32
    %mul3A_585 = vector.broadcast %mul3A_584 : f32 to vector<256x256xf32>
    %mul3A_586 = arith.mulf %mul3A_585, %add3A_580 : vector<256x256xf32>
    %select_n3A_587 = arith.select %ge3A_583, %add3A_580, %mul3A_586 : vector<256x256xi1>, vector<256x256xf32>
    %gt3A = arith.constant 0.000000e+00 : f32
    %gt3A_588 = vector.broadcast %gt3A : f32 to vector<256x1xf32>
    %gt3A_589 = arith.cmpf ogt, %add3A_508, %gt3A_588 : vector<256x1xf32>
    %jit3A_590 = arith.constant 0.000000e+00 : f32
    %broadcast_in_dim3A_591 = vector.shape_cast %gt3A_589 : vector<256x1xi1> to vector<256x1xi1>
    %broadcast_in_dim3A_592 = vector.broadcast %broadcast_in_dim3A_591 : vector<256x1xi1> to vector<256x256xi1>
    %broadcast_in_dim3A_593 = vector.broadcast %jit3A_590 : f32 to vector<256x256xf32>
    %select_n3A_594 = arith.select %broadcast_in_dim3A_592, %select_n3A_553, %broadcast_in_dim3A_593 : vector<256x256xi1>, vector<256x256xf32>
    %add3A_595 = arith.addf %select_n3A_587, %select_n3A_594 : vector<256x256xf32>
    %swap3A_596 = arith.constant 0 : index
    %swap3A_597 = arith.constant 0 : index
    %swap3A_598 = vector.load %arg8[%swap3A_596, %swap3A_597] : memref<256x256xf32, #tpu.memory_space<vmem>>, vector<256x256xf32>
    tpu.vector_store %arg8[%swap3A_596, %swap3A_597], %add3A_595 {strides = array<i32>} : memref<256x256xf32, #tpu.memory_space<vmem>>, vector<256x256xf32>,
    %swap3A_599 = arith.constant 0 : index
    %swap3A_600 = arith.constant 0 : index
    %swap3A_601 = vector.load %arg10[%swap3A_599, %swap3A_600] : memref<256x1xf32, #tpu.memory_space<vmem>>, vector<256x1xf32>
    tpu.vector_store %arg10[%swap3A_599, %swap3A_600], %add3A_508 {strides = array<i32>} : memref<256x1xf32, #tpu.memory_space<vmem>>, vector<256x1xf32>,
    return
  }
  func.func @transform_0(%arg0: i32) -> (i32, i32) {
    %c0_i32 = arith.constant 0 : i32
    %c0_i32_0 = arith.constant 0 : i32
    return %arg0, %c0_i32 : i32, i32
  }
  func.func @transform_1(%arg0: i32) -> (i32, i32) {
    %c0_i32 = arith.constant 0 : i32
    %c0_i32_0 = arith.constant 0 : i32
    %c0_i32_1 = arith.constant 0 : i32
    return %c0_i32, %c0_i32_0 : i32, i32
  }
  func.func @transform_2(%arg0: i32) -> (i32, i32) {
    %c0_i32 = arith.constant 0 : i32
    %c0_i32_0 = arith.constant 0 : i32
    return %arg0, %c0_i32 : i32, i32
  }
  func.func @transform_3(%arg0: i32) -> (i32, i32) {
    %c0_i32 = arith.constant 0 : i32
    %c0_i32_0 = arith.constant 0 : i32
    %c0_i32_1 = arith.constant 0 : i32
    return %c0_i32, %c0_i32_0 : i32, i32
  }
  func.func @transform_4(%arg0: i32) -> (i32, i32) {
    %c0_i32 = arith.constant 0 : i32
    %c0_i32_0 = arith.constant 0 : i32
    %c0_i32_1 = arith.constant 0 : i32
    return %c0_i32, %c0_i32_0 : i32, i32
  }
  func.func @transform_5(%arg0: i32) -> (i32, i32) {
    %c0_i32 = arith.constant 0 : i32
    %c0_i32_0 = arith.constant 0 : i32
    %c0_i32_1 = arith.constant 0 : i32
    return %c0_i32, %c0_i32_0 : i32, i32
  }
  func.func @transform_6(%arg0: i32) -> (i32, i32) {
    %c0_i32 = arith.constant 0 : i32
    %c0_i32_0 = arith.constant 0 : i32
    %c0_i32_1 = arith.constant 0 : i32
    return %c0_i32, %c0_i32_0 : i32, i32
  }
  func.func @transform_7(%arg0: i32) -> (i32, i32) {
    %c0_i32 = arith.constant 0 : i32
    %c0_i32_0 = arith.constant 0 : i32
    return %arg0, %c0_i32 : i32, i32
  }
  func.func @transform_8(%arg0: i32) -> (i32, i32) {
    %c0_i32 = arith.constant 0 : i32
    %c0_i32_0 = arith.constant 0 : i32
    return %arg0, %c0_i32 : i32, i32
  }
  func.func @transform_9(%arg0: i32) -> (i32, i32) {
    %c0_i32 = arith.constant 0 : i32
    %c0_i32_0 = arith.constant 0 : i32
    return %arg0, %c0_i32 : i32, i32
  }
}

module attributes {stable_mosaic.version = 14 : i64} {
  func.func @body(%arg0: i32, %arg1: memref<256x4096xi8, #tpu.memory_space<vmem>>, %arg2: memref<4096x256xf32, #tpu.memory_space<vmem>>, %arg3: memref<256x256xf32, #tpu.memory_space<vmem>>, %arg4: memref<256x1xf32, #tpu.memory_space<vmem>>, %arg5: memref<256x256xf32, #tpu.memory_space<vmem>>, %arg6: memref<1x256xf32, #tpu.memory_space<vmem>>, %arg7: memref<256x256xf32, #tpu.memory_space<vmem>>, %arg8: memref<1x256xf32, #tpu.memory_space<vmem>>, %arg9: memref<256x40xf32, #tpu.memory_space<vmem>>, %arg10: memref<1x40xf32, #tpu.memory_space<vmem>>, %arg11: memref<256x40xf32, #tpu.memory_space<vmem>>) attributes {dimension_semantics = [#tpu.dimension_semantics<arbitrary>], iteration_bounds = array<i64: 16>, scalar_prefetch = 0 : i64, scratch_operands = 0 : i64, tpu.core_type = #tpu.core_type<tc>, window_params = [{transform_indices = @transform_0, window_bounds = array<i64: 256, 4096>}, {pipeline_mode = #tpu.pipeline_mode<synchronous>, transform_indices = @transform_1, window_bounds = array<i64: 4096, 256>}, {transform_indices = @transform_2, window_bounds = array<i64: 256, 256>}, {transform_indices = @transform_3, window_bounds = array<i64: 256, 1>}, {pipeline_mode = #tpu.pipeline_mode<synchronous>, transform_indices = @transform_4, window_bounds = array<i64: 256, 256>}, {pipeline_mode = #tpu.pipeline_mode<synchronous>, transform_indices = @transform_5, window_bounds = array<i64: 1, 256>}, {pipeline_mode = #tpu.pipeline_mode<synchronous>, transform_indices = @transform_6, window_bounds = array<i64: 256, 256>}, {pipeline_mode = #tpu.pipeline_mode<synchronous>, transform_indices = @transform_7, window_bounds = array<i64: 1, 256>}, {pipeline_mode = #tpu.pipeline_mode<synchronous>, transform_indices = @transform_8, window_bounds = array<i64: 256, 40>}, {pipeline_mode = #tpu.pipeline_mode<synchronous>, transform_indices = @transform_9, window_bounds = array<i64: 1, 40>}, {transform_indices = @transform_10, window_bounds = array<i64: 256, 40>}]} {
    %get3A = arith.constant 0 : index
    %get3A_0 = arith.constant 0 : index
    %get3A_1 = vector.load %arg4[%get3A, %get3A_0] : memref<256x1xf32, #tpu.memory_space<vmem>>, vector<256x1xf32>
    %get3A_2 = arith.constant 0 : index
    %get3A_3 = arith.constant 0 : index
    %get3A_4 = vector.load %arg1[%get3A_2, %get3A_3] : memref<256x4096xi8, #tpu.memory_space<vmem>>, vector<256x4096xi8>
    %convert_element_type3A = arith.sitofp %get3A_4 : vector<256x4096xi8> to vector<256x4096xbf16>
    %get3A_5 = arith.constant 0 : index
    %get3A_6 = arith.constant 0 : index
    %get3A_7 = vector.load %arg2[%get3A_5, %get3A_6] : memref<4096x256xf32, #tpu.memory_space<vmem>>, vector<4096x256xf32>
    %convert_element_type3A_8 = arith.truncf %get3A_7 : vector<4096x256xf32> to vector<4096x256xbf16>
    %convert_element_type3A_9 = arith.extf %convert_element_type3A_8 : vector<4096x256xbf16> to vector<4096x256xf32>
    %sub3A = arith.subf %get3A_7, %convert_element_type3A_9 : vector<4096x256xf32>
    %convert_element_type3A_10 = arith.truncf %sub3A : vector<4096x256xf32> to vector<4096x256xbf16>
    %dot_general3A = arith.constant dense<0.000000e+00> : vector<256x256xf32>
    %dot_general3A_11 = tpu.matmul %convert_element_type3A, %convert_element_type3A_8, %dot_general3A {dimension_numbers = #tpu.dot_dimension_numbers<[1], [0], [0], [1], [0, 0, 1, 1], [], []>, transpose_lhs_hint = false} : vector<256x4096xbf16>, vector<4096x256xbf16>, vector<256x256xf32> -> vector<256x256xf32>
    %dot_general3A_12 = arith.constant dense<0.000000e+00> : vector<256x256xf32>
    %dot_general3A_13 = tpu.matmul %convert_element_type3A, %convert_element_type3A_10, %dot_general3A_12 {dimension_numbers = #tpu.dot_dimension_numbers<[1], [0], [0], [1], [0, 0, 1, 1], [], []>, transpose_lhs_hint = false} : vector<256x4096xbf16>, vector<4096x256xbf16>, vector<256x256xf32> -> vector<256x256xf32>
    %add3A = arith.addf %dot_general3A_11, %dot_general3A_13 : vector<256x256xf32>
    %min3A = arith.constant 1.000000e+01 : f32
    %min3A_14 = vector.broadcast %min3A : f32 to vector<256x1xf32>
    %min3A_15 = arith.minimumf %get3A_1, %min3A_14 : vector<256x1xf32>
    %max3A = arith.constant 1.000000e+00 : f32
    %max3A_16 = vector.broadcast %max3A : f32 to vector<256x1xf32>
    %max3A_17 = arith.maximumf %min3A_15, %max3A_16 : vector<256x1xf32>
    %div3A = vector.broadcast %max3A_17 : vector<256x1xf32> to vector<256x256xf32>
    %div3A_18 = arith.divf %add3A, %div3A : vector<256x256xf32>
    %get3A_19 = arith.constant 0 : index
    %get3A_20 = arith.constant 0 : index
    %get3A_21 = vector.load %arg5[%get3A_19, %get3A_20] : memref<256x256xf32, #tpu.memory_space<vmem>>, vector<256x256xf32>
    %convert_element_type3A_22 = arith.truncf %div3A_18 : vector<256x256xf32> to vector<256x256xbf16>
    %convert_element_type3A_23 = arith.extf %convert_element_type3A_22 : vector<256x256xbf16> to vector<256x256xf32>
    %sub3A_24 = arith.subf %div3A_18, %convert_element_type3A_23 : vector<256x256xf32>
    %convert_element_type3A_25 = arith.truncf %sub3A_24 : vector<256x256xf32> to vector<256x256xbf16>
    %convert_element_type3A_26 = arith.truncf %get3A_21 : vector<256x256xf32> to vector<256x256xbf16>
    %convert_element_type3A_27 = arith.extf %convert_element_type3A_26 : vector<256x256xbf16> to vector<256x256xf32>
    %sub3A_28 = arith.subf %get3A_21, %convert_element_type3A_27 : vector<256x256xf32>
    %convert_element_type3A_29 = arith.truncf %sub3A_28 : vector<256x256xf32> to vector<256x256xbf16>
    %dot_general3A_30 = arith.constant dense<0.000000e+00> : vector<256x256xf32>
    %dot_general3A_31 = tpu.matmul %convert_element_type3A_22, %convert_element_type3A_26, %dot_general3A_30 {dimension_numbers = #tpu.dot_dimension_numbers<[1], [0], [0], [1], [0, 0, 1, 1], [], []>, transpose_lhs_hint = false} : vector<256x256xbf16>, vector<256x256xbf16>, vector<256x256xf32> -> vector<256x256xf32>
    %dot_general3A_32 = arith.constant dense<0.000000e+00> : vector<256x256xf32>
    %dot_general3A_33 = tpu.matmul %convert_element_type3A_22, %convert_element_type3A_29, %dot_general3A_32 {dimension_numbers = #tpu.dot_dimension_numbers<[1], [0], [0], [1], [0, 0, 1, 1], [], []>, transpose_lhs_hint = false} : vector<256x256xbf16>, vector<256x256xbf16>, vector<256x256xf32> -> vector<256x256xf32>
    %dot_general3A_34 = arith.constant dense<0.000000e+00> : vector<256x256xf32>
    %dot_general3A_35 = tpu.matmul %convert_element_type3A_25, %convert_element_type3A_26, %dot_general3A_34 {dimension_numbers = #tpu.dot_dimension_numbers<[1], [0], [0], [1], [0, 0, 1, 1], [], []>, transpose_lhs_hint = false} : vector<256x256xbf16>, vector<256x256xbf16>, vector<256x256xf32> -> vector<256x256xf32>
    %add3A_36 = arith.addf %dot_general3A_33, %dot_general3A_35 : vector<256x256xf32>
    %add3A_37 = arith.addf %dot_general3A_31, %add3A_36 : vector<256x256xf32>
    %get3A_38 = arith.constant 0 : index
    %get3A_39 = arith.constant 0 : index
    %get3A_40 = vector.load %arg6[%get3A_38, %get3A_39] : memref<1x256xf32, #tpu.memory_space<vmem>>, vector<1x256xf32>
    %add3A_41 = vector.broadcast %get3A_40 : vector<1x256xf32> to vector<256x256xf32>
    %add3A_42 = arith.addf %add3A_37, %add3A_41 : vector<256x256xf32>
    %ge3A = arith.constant 0.000000e+00 : f32
    %ge3A_43 = vector.broadcast %ge3A : f32 to vector<256x256xf32>
    %ge3A_44 = arith.cmpf oge, %add3A_42, %ge3A_43 : vector<256x256xf32>
    %mul3A = arith.constant 0.00999999977 : f32
    %mul3A_45 = vector.broadcast %mul3A : f32 to vector<256x256xf32>
    %mul3A_46 = arith.mulf %mul3A_45, %add3A_42 : vector<256x256xf32>
    %select_n3A = arith.select %ge3A_44, %add3A_42, %mul3A_46 : vector<256x256xi1>, vector<256x256xf32>
    %get3A_47 = arith.constant 0 : index
    %get3A_48 = arith.constant 0 : index
    %get3A_49 = vector.load %arg3[%get3A_47, %get3A_48] : memref<256x256xf32, #tpu.memory_space<vmem>>, vector<256x256xf32>
    %get3A_50 = arith.constant 0 : index
    %get3A_51 = arith.constant 0 : index
    %get3A_52 = vector.load %arg7[%get3A_50, %get3A_51] : memref<256x256xf32, #tpu.memory_space<vmem>>, vector<256x256xf32>
    %convert_element_type3A_53 = arith.truncf %get3A_49 : vector<256x256xf32> to vector<256x256xbf16>
    %convert_element_type3A_54 = arith.extf %convert_element_type3A_53 : vector<256x256xbf16> to vector<256x256xf32>
    %sub3A_55 = arith.subf %get3A_49, %convert_element_type3A_54 : vector<256x256xf32>
    %convert_element_type3A_56 = arith.truncf %sub3A_55 : vector<256x256xf32> to vector<256x256xbf16>
    %convert_element_type3A_57 = arith.truncf %get3A_52 : vector<256x256xf32> to vector<256x256xbf16>
    %convert_element_type3A_58 = arith.extf %convert_element_type3A_57 : vector<256x256xbf16> to vector<256x256xf32>
    %sub3A_59 = arith.subf %get3A_52, %convert_element_type3A_58 : vector<256x256xf32>
    %convert_element_type3A_60 = arith.truncf %sub3A_59 : vector<256x256xf32> to vector<256x256xbf16>
    %dot_general3A_61 = arith.constant dense<0.000000e+00> : vector<256x256xf32>
    %dot_general3A_62 = tpu.matmul %convert_element_type3A_53, %convert_element_type3A_57, %dot_general3A_61 {dimension_numbers = #tpu.dot_dimension_numbers<[1], [0], [0], [1], [0, 0, 1, 1], [], []>, transpose_lhs_hint = false} : vector<256x256xbf16>, vector<256x256xbf16>, vector<256x256xf32> -> vector<256x256xf32>
    %dot_general3A_63 = arith.constant dense<0.000000e+00> : vector<256x256xf32>
    %dot_general3A_64 = tpu.matmul %convert_element_type3A_53, %convert_element_type3A_60, %dot_general3A_63 {dimension_numbers = #tpu.dot_dimension_numbers<[1], [0], [0], [1], [0, 0, 1, 1], [], []>, transpose_lhs_hint = false} : vector<256x256xbf16>, vector<256x256xbf16>, vector<256x256xf32> -> vector<256x256xf32>
    %dot_general3A_65 = arith.constant dense<0.000000e+00> : vector<256x256xf32>
    %dot_general3A_66 = tpu.matmul %convert_element_type3A_56, %convert_element_type3A_57, %dot_general3A_65 {dimension_numbers = #tpu.dot_dimension_numbers<[1], [0], [0], [1], [0, 0, 1, 1], [], []>, transpose_lhs_hint = false} : vector<256x256xbf16>, vector<256x256xbf16>, vector<256x256xf32> -> vector<256x256xf32>
    %add3A_67 = arith.addf %dot_general3A_64, %dot_general3A_66 : vector<256x256xf32>
    %add3A_68 = arith.addf %dot_general3A_62, %add3A_67 : vector<256x256xf32>
    %get3A_69 = arith.constant 0 : index
    %get3A_70 = arith.constant 0 : index
    %get3A_71 = vector.load %arg8[%get3A_69, %get3A_70] : memref<1x256xf32, #tpu.memory_space<vmem>>, vector<1x256xf32>
    %add3A_72 = vector.broadcast %get3A_71 : vector<1x256xf32> to vector<256x256xf32>
    %add3A_73 = arith.addf %add3A_68, %add3A_72 : vector<256x256xf32>
    %ge3A_74 = arith.constant 0.000000e+00 : f32
    %ge3A_75 = vector.broadcast %ge3A_74 : f32 to vector<256x256xf32>
    %ge3A_76 = arith.cmpf oge, %add3A_73, %ge3A_75 : vector<256x256xf32>
    %mul3A_77 = arith.constant 0.00999999977 : f32
    %mul3A_78 = vector.broadcast %mul3A_77 : f32 to vector<256x256xf32>
    %mul3A_79 = arith.mulf %mul3A_78, %add3A_73 : vector<256x256xf32>
    %select_n3A_80 = arith.select %ge3A_76, %add3A_73, %mul3A_79 : vector<256x256xi1>, vector<256x256xf32>
    %gt3A = arith.constant 0.000000e+00 : f32
    %gt3A_81 = vector.broadcast %gt3A : f32 to vector<256x1xf32>
    %gt3A_82 = arith.cmpf ogt, %get3A_1, %gt3A_81 : vector<256x1xf32>
    %jit3A = arith.constant 0.000000e+00 : f32
    %broadcast_in_dim3A = vector.shape_cast %gt3A_82 : vector<256x1xi1> to vector<256x1xi1>
    %broadcast_in_dim3A_83 = vector.broadcast %broadcast_in_dim3A : vector<256x1xi1> to vector<256x256xi1>
    %broadcast_in_dim3A_84 = vector.broadcast %jit3A : f32 to vector<256x256xf32>
    %select_n3A_85 = arith.select %broadcast_in_dim3A_83, %select_n3A, %broadcast_in_dim3A_84 : vector<256x256xi1>, vector<256x256xf32>
    %add3A_86 = arith.addf %select_n3A_80, %select_n3A_85 : vector<256x256xf32>
    %get3A_87 = arith.constant 0 : index
    %get3A_88 = arith.constant 0 : index
    %get3A_89 = vector.load %arg9[%get3A_87, %get3A_88] : memref<256x40xf32, #tpu.memory_space<vmem>>, vector<256x40xf32>
    %convert_element_type3A_90 = arith.truncf %add3A_86 : vector<256x256xf32> to vector<256x256xbf16>
    %convert_element_type3A_91 = arith.extf %convert_element_type3A_90 : vector<256x256xbf16> to vector<256x256xf32>
    %sub3A_92 = arith.subf %add3A_86, %convert_element_type3A_91 : vector<256x256xf32>
    %convert_element_type3A_93 = arith.truncf %sub3A_92 : vector<256x256xf32> to vector<256x256xbf16>
    %convert_element_type3A_94 = arith.truncf %get3A_89 : vector<256x40xf32> to vector<256x40xbf16>
    %convert_element_type3A_95 = arith.extf %convert_element_type3A_94 : vector<256x40xbf16> to vector<256x40xf32>
    %sub3A_96 = arith.subf %get3A_89, %convert_element_type3A_95 : vector<256x40xf32>
    %convert_element_type3A_97 = arith.truncf %sub3A_96 : vector<256x40xf32> to vector<256x40xbf16>
    %dot_general3A_98 = arith.constant dense<0.000000e+00> : vector<256x40xf32>
    %dot_general3A_99 = tpu.matmul %convert_element_type3A_90, %convert_element_type3A_94, %dot_general3A_98 {dimension_numbers = #tpu.dot_dimension_numbers<[1], [0], [0], [1], [0, 0, 1, 1], [], []>, transpose_lhs_hint = false} : vector<256x256xbf16>, vector<256x40xbf16>, vector<256x40xf32> -> vector<256x40xf32>
    %dot_general3A_100 = arith.constant dense<0.000000e+00> : vector<256x40xf32>
    %dot_general3A_101 = tpu.matmul %convert_element_type3A_90, %convert_element_type3A_97, %dot_general3A_100 {dimension_numbers = #tpu.dot_dimension_numbers<[1], [0], [0], [1], [0, 0, 1, 1], [], []>, transpose_lhs_hint = false} : vector<256x256xbf16>, vector<256x40xbf16>, vector<256x40xf32> -> vector<256x40xf32>
    %dot_general3A_102 = arith.constant dense<0.000000e+00> : vector<256x40xf32>
    %dot_general3A_103 = tpu.matmul %convert_element_type3A_93, %convert_element_type3A_94, %dot_general3A_102 {dimension_numbers = #tpu.dot_dimension_numbers<[1], [0], [0], [1], [0, 0, 1, 1], [], []>, transpose_lhs_hint = false} : vector<256x256xbf16>, vector<256x40xbf16>, vector<256x40xf32> -> vector<256x40xf32>
    %add3A_104 = arith.addf %dot_general3A_101, %dot_general3A_103 : vector<256x40xf32>
    %add3A_105 = arith.addf %dot_general3A_99, %add3A_104 : vector<256x40xf32>
    %get3A_106 = arith.constant 0 : index
    %get3A_107 = arith.constant 0 : index
    %get3A_108 = vector.load %arg10[%get3A_106, %get3A_107] : memref<1x40xf32, #tpu.memory_space<vmem>>, vector<1x40xf32>
    %add3A_109 = vector.broadcast %get3A_108 : vector<1x40xf32> to vector<256x40xf32>
    %add3A_110 = arith.addf %add3A_105, %add3A_109 : vector<256x40xf32>
    %reduce_max3A = arith.constant dense<0xFF800000> : vector<256xf32>
    %reduce_max3A_111 = vector.multi_reduction <maximumf>, %add3A_110, %reduce_max3A [1] : vector<256x40xf32> to vector<256xf32>
    %broadcast_in_dim3A_112 = vector.shape_cast %reduce_max3A_111 : vector<256xf32> to vector<256x1xf32>
    %sub3A_113 = vector.broadcast %broadcast_in_dim3A_112 : vector<256x1xf32> to vector<256x40xf32>
    %sub3A_114 = arith.subf %add3A_110, %sub3A_113 : vector<256x40xf32>
    %exp3A = math.exp %sub3A_114 : vector<256x40xf32>
    %reduce_sum3A = arith.constant dense<0.000000e+00> : vector<256xf32>
    %reduce_sum3A_115 = vector.multi_reduction <add>, %exp3A, %reduce_sum3A [1] : vector<256x40xf32> to vector<256xf32>
    %broadcast_in_dim3A_116 = vector.shape_cast %reduce_sum3A_115 : vector<256xf32> to vector<256x1xf32>
    %log3A = math.log %broadcast_in_dim3A_116 : vector<256x1xf32>
    %sub3A_117 = vector.broadcast %log3A : vector<256x1xf32> to vector<256x40xf32>
    %sub3A_118 = arith.subf %sub3A_114, %sub3A_117 : vector<256x40xf32>
    %swap3A = arith.constant 0 : index
    %swap3A_119 = arith.constant 0 : index
    %swap3A_120 = vector.load %arg11[%swap3A, %swap3A_119] : memref<256x40xf32, #tpu.memory_space<vmem>>, vector<256x40xf32>
    tpu.vector_store %arg11[%swap3A, %swap3A_119], %sub3A_118 {strides = array<i32>} : memref<256x40xf32, #tpu.memory_space<vmem>>, vector<256x40xf32>,
    return
  }
  func.func @transform_0(%arg0: i32) -> (i32, i32) {
    %c0_i32 = arith.constant 0 : i32
    %c0_i32_0 = arith.constant 0 : i32
    return %arg0, %c0_i32 : i32, i32
  }
  func.func @transform_1(%arg0: i32) -> (i32, i32) {
    %c0_i32 = arith.constant 0 : i32
    %c0_i32_0 = arith.constant 0 : i32
    %c0_i32_1 = arith.constant 0 : i32
    return %c0_i32, %c0_i32_0 : i32, i32
  }
  func.func @transform_2(%arg0: i32) -> (i32, i32) {
    %c0_i32 = arith.constant 0 : i32
    %c0_i32_0 = arith.constant 0 : i32
    return %arg0, %c0_i32 : i32, i32
  }
  func.func @transform_3(%arg0: i32) -> (i32, i32) {
    %c0_i32 = arith.constant 0 : i32
    %c0_i32_0 = arith.constant 0 : i32
    return %arg0, %c0_i32 : i32, i32
  }
  func.func @transform_4(%arg0: i32) -> (i32, i32) {
    %c0_i32 = arith.constant 0 : i32
    %c0_i32_0 = arith.constant 0 : i32
    %c0_i32_1 = arith.constant 0 : i32
    return %c0_i32, %c0_i32_0 : i32, i32
  }
  func.func @transform_5(%arg0: i32) -> (i32, i32) {
    %c0_i32 = arith.constant 0 : i32
    %c0_i32_0 = arith.constant 0 : i32
    %c0_i32_1 = arith.constant 0 : i32
    return %c0_i32, %c0_i32_0 : i32, i32
  }
  func.func @transform_6(%arg0: i32) -> (i32, i32) {
    %c0_i32 = arith.constant 0 : i32
    %c0_i32_0 = arith.constant 0 : i32
    %c0_i32_1 = arith.constant 0 : i32
    return %c0_i32, %c0_i32_0 : i32, i32
  }
  func.func @transform_7(%arg0: i32) -> (i32, i32) {
    %c0_i32 = arith.constant 0 : i32
    %c0_i32_0 = arith.constant 0 : i32
    %c0_i32_1 = arith.constant 0 : i32
    return %c0_i32, %c0_i32_0 : i32, i32
  }
  func.func @transform_8(%arg0: i32) -> (i32, i32) {
    %c0_i32 = arith.constant 0 : i32
    %c0_i32_0 = arith.constant 0 : i32
    %c0_i32_1 = arith.constant 0 : i32
    return %c0_i32, %c0_i32_0 : i32, i32
  }
  func.func @transform_9(%arg0: i32) -> (i32, i32) {
    %c0_i32 = arith.constant 0 : i32
    %c0_i32_0 = arith.constant 0 : i32
    %c0_i32_1 = arith.constant 0 : i32
    return %c0_i32, %c0_i32_0 : i32, i32
  }
  func.func @transform_10(%arg0: i32) -> (i32, i32) {
    %c0_i32 = arith.constant 0 : i32
    %c0_i32_0 = arith.constant 0 : i32
    return %arg0, %c0_i32 : i32, i32
  }
}

module attributes {stable_mosaic.version = 14 : i64} {
  func.func @body(%arg0: i32, %arg1: memref<1024x128xi8, #tpu.memory_space<vmem>>, %arg2: memref<128x256xf32, #tpu.memory_space<vmem>>, %arg3: memref<1024x256xf32, #tpu.memory_space<vmem>>, %arg4: memref<1024x1xf32, #tpu.memory_space<vmem>>, %arg5: memref<256x256xf32, #tpu.memory_space<vmem>>, %arg6: memref<1x256xf32, #tpu.memory_space<vmem>>, %arg7: memref<256x256xf32, #tpu.memory_space<vmem>>, %arg8: memref<1x256xf32, #tpu.memory_space<vmem>>, %arg9: memref<256x40xf32, #tpu.memory_space<vmem>>, %arg10: memref<1x40xf32, #tpu.memory_space<vmem>>, %arg11: memref<1024x40xf32, #tpu.memory_space<vmem>>) attributes {dimension_semantics = [#tpu.dimension_semantics<arbitrary>], iteration_bounds = array<i64: 4>, scalar_prefetch = 0 : i64, scratch_operands = 0 : i64, tpu.core_type = #tpu.core_type<tc>, window_params = [{transform_indices = @transform_0, window_bounds = array<i64: 1024, 128>}, {transform_indices = @transform_1, window_bounds = array<i64: 128, 256>}, {transform_indices = @transform_2, window_bounds = array<i64: 1024, 256>}, {transform_indices = @transform_3, window_bounds = array<i64: 1024, 1>}, {pipeline_mode = #tpu.pipeline_mode<synchronous>, transform_indices = @transform_4, window_bounds = array<i64: 256, 256>}, {pipeline_mode = #tpu.pipeline_mode<synchronous>, transform_indices = @transform_5, window_bounds = array<i64: 1, 256>}, {pipeline_mode = #tpu.pipeline_mode<synchronous>, transform_indices = @transform_6, window_bounds = array<i64: 256, 256>}, {pipeline_mode = #tpu.pipeline_mode<synchronous>, transform_indices = @transform_7, window_bounds = array<i64: 1, 256>}, {pipeline_mode = #tpu.pipeline_mode<synchronous>, transform_indices = @transform_8, window_bounds = array<i64: 256, 40>}, {pipeline_mode = #tpu.pipeline_mode<synchronous>, transform_indices = @transform_9, window_bounds = array<i64: 1, 40>}, {transform_indices = @transform_10, window_bounds = array<i64: 1024, 40>}]} {
    %get3A = arith.constant 0 : index
    %get3A_0 = arith.constant 0 : index
    %get3A_1 = vector.load %arg1[%get3A, %get3A_0] : memref<1024x128xi8, #tpu.memory_space<vmem>>, vector<1024x128xi8>
    %convert_element_type3A = arith.sitofp %get3A_1 : vector<1024x128xi8> to vector<1024x128xbf16>
    %get3A_2 = arith.constant 0 : index
    %get3A_3 = arith.constant 0 : index
    %get3A_4 = vector.load %arg2[%get3A_2, %get3A_3] : memref<128x256xf32, #tpu.memory_space<vmem>>, vector<128x256xf32>
    %convert_element_type3A_5 = arith.truncf %get3A_4 : vector<128x256xf32> to vector<128x256xbf16>
    %convert_element_type3A_6 = arith.extf %convert_element_type3A_5 : vector<128x256xbf16> to vector<128x256xf32>
    %sub3A = arith.subf %get3A_4, %convert_element_type3A_6 : vector<128x256xf32>
    %convert_element_type3A_7 = arith.truncf %sub3A : vector<128x256xf32> to vector<128x256xbf16>
    %dot_general3A = arith.constant dense<0.000000e+00> : vector<1024x256xf32>
    %dot_general3A_8 = tpu.matmul %convert_element_type3A, %convert_element_type3A_5, %dot_general3A {dimension_numbers = #tpu.dot_dimension_numbers<[1], [0], [0], [1], [0, 0, 1, 1], [], []>, transpose_lhs_hint = false} : vector<1024x128xbf16>, vector<128x256xbf16>, vector<1024x256xf32> -> vector<1024x256xf32>
    %dot_general3A_9 = arith.constant dense<0.000000e+00> : vector<1024x256xf32>
    %dot_general3A_10 = tpu.matmul %convert_element_type3A, %convert_element_type3A_7, %dot_general3A_9 {dimension_numbers = #tpu.dot_dimension_numbers<[1], [0], [0], [1], [0, 0, 1, 1], [], []>, transpose_lhs_hint = false} : vector<1024x128xbf16>, vector<128x256xbf16>, vector<1024x256xf32> -> vector<1024x256xf32>
    %add3A = arith.addf %dot_general3A_8, %dot_general3A_10 : vector<1024x256xf32>
    %mul3A = arith.constant 1.000000e-01 : f32
    %mul3A_11 = vector.broadcast %mul3A : f32 to vector<1024x256xf32>
    %mul3A_12 = arith.mulf %add3A, %mul3A_11 : vector<1024x256xf32>
    %get3A_13 = arith.constant 0 : index
    %get3A_14 = arith.constant 0 : index
    %get3A_15 = vector.load %arg5[%get3A_13, %get3A_14] : memref<256x256xf32, #tpu.memory_space<vmem>>, vector<256x256xf32>
    %convert_element_type3A_16 = arith.truncf %mul3A_12 : vector<1024x256xf32> to vector<1024x256xbf16>
    %convert_element_type3A_17 = arith.extf %convert_element_type3A_16 : vector<1024x256xbf16> to vector<1024x256xf32>
    %sub3A_18 = arith.subf %mul3A_12, %convert_element_type3A_17 : vector<1024x256xf32>
    %convert_element_type3A_19 = arith.truncf %sub3A_18 : vector<1024x256xf32> to vector<1024x256xbf16>
    %convert_element_type3A_20 = arith.truncf %get3A_15 : vector<256x256xf32> to vector<256x256xbf16>
    %convert_element_type3A_21 = arith.extf %convert_element_type3A_20 : vector<256x256xbf16> to vector<256x256xf32>
    %sub3A_22 = arith.subf %get3A_15, %convert_element_type3A_21 : vector<256x256xf32>
    %convert_element_type3A_23 = arith.truncf %sub3A_22 : vector<256x256xf32> to vector<256x256xbf16>
    %dot_general3A_24 = arith.constant dense<0.000000e+00> : vector<1024x256xf32>
    %dot_general3A_25 = tpu.matmul %convert_element_type3A_16, %convert_element_type3A_20, %dot_general3A_24 {dimension_numbers = #tpu.dot_dimension_numbers<[1], [0], [0], [1], [0, 0, 1, 1], [], []>, transpose_lhs_hint = false} : vector<1024x256xbf16>, vector<256x256xbf16>, vector<1024x256xf32> -> vector<1024x256xf32>
    %dot_general3A_26 = arith.constant dense<0.000000e+00> : vector<1024x256xf32>
    %dot_general3A_27 = tpu.matmul %convert_element_type3A_16, %convert_element_type3A_23, %dot_general3A_26 {dimension_numbers = #tpu.dot_dimension_numbers<[1], [0], [0], [1], [0, 0, 1, 1], [], []>, transpose_lhs_hint = false} : vector<1024x256xbf16>, vector<256x256xbf16>, vector<1024x256xf32> -> vector<1024x256xf32>
    %dot_general3A_28 = arith.constant dense<0.000000e+00> : vector<1024x256xf32>
    %dot_general3A_29 = tpu.matmul %convert_element_type3A_19, %convert_element_type3A_20, %dot_general3A_28 {dimension_numbers = #tpu.dot_dimension_numbers<[1], [0], [0], [1], [0, 0, 1, 1], [], []>, transpose_lhs_hint = false} : vector<1024x256xbf16>, vector<256x256xbf16>, vector<1024x256xf32> -> vector<1024x256xf32>
    %add3A_30 = arith.addf %dot_general3A_27, %dot_general3A_29 : vector<1024x256xf32>
    %add3A_31 = arith.addf %dot_general3A_25, %add3A_30 : vector<1024x256xf32>
    %get3A_32 = arith.constant 0 : index
    %get3A_33 = arith.constant 0 : index
    %get3A_34 = vector.load %arg6[%get3A_32, %get3A_33] : memref<1x256xf32, #tpu.memory_space<vmem>>, vector<1x256xf32>
    %add3A_35 = vector.broadcast %get3A_34 : vector<1x256xf32> to vector<1024x256xf32>
    %add3A_36 = arith.addf %add3A_31, %add3A_35 : vector<1024x256xf32>
    %ge3A = arith.constant 0.000000e+00 : f32
    %ge3A_37 = vector.broadcast %ge3A : f32 to vector<1024x256xf32>
    %ge3A_38 = arith.cmpf oge, %add3A_36, %ge3A_37 : vector<1024x256xf32>
    %mul3A_39 = arith.constant 0.00999999977 : f32
    %mul3A_40 = vector.broadcast %mul3A_39 : f32 to vector<1024x256xf32>
    %mul3A_41 = arith.mulf %mul3A_40, %add3A_36 : vector<1024x256xf32>
    %select_n3A = arith.select %ge3A_38, %add3A_36, %mul3A_41 : vector<1024x256xi1>, vector<1024x256xf32>
    %get3A_42 = arith.constant 0 : index
    %get3A_43 = arith.constant 0 : index
    %get3A_44 = vector.load %arg3[%get3A_42, %get3A_43] : memref<1024x256xf32, #tpu.memory_space<vmem>>, vector<1024x256xf32>
    %get3A_45 = arith.constant 0 : index
    %get3A_46 = arith.constant 0 : index
    %get3A_47 = vector.load %arg7[%get3A_45, %get3A_46] : memref<256x256xf32, #tpu.memory_space<vmem>>, vector<256x256xf32>
    %convert_element_type3A_48 = arith.truncf %get3A_44 : vector<1024x256xf32> to vector<1024x256xbf16>
    %convert_element_type3A_49 = arith.extf %convert_element_type3A_48 : vector<1024x256xbf16> to vector<1024x256xf32>
    %sub3A_50 = arith.subf %get3A_44, %convert_element_type3A_49 : vector<1024x256xf32>
    %convert_element_type3A_51 = arith.truncf %sub3A_50 : vector<1024x256xf32> to vector<1024x256xbf16>
    %convert_element_type3A_52 = arith.truncf %get3A_47 : vector<256x256xf32> to vector<256x256xbf16>
    %convert_element_type3A_53 = arith.extf %convert_element_type3A_52 : vector<256x256xbf16> to vector<256x256xf32>
    %sub3A_54 = arith.subf %get3A_47, %convert_element_type3A_53 : vector<256x256xf32>
    %convert_element_type3A_55 = arith.truncf %sub3A_54 : vector<256x256xf32> to vector<256x256xbf16>
    %dot_general3A_56 = arith.constant dense<0.000000e+00> : vector<1024x256xf32>
    %dot_general3A_57 = tpu.matmul %convert_element_type3A_48, %convert_element_type3A_52, %dot_general3A_56 {dimension_numbers = #tpu.dot_dimension_numbers<[1], [0], [0], [1], [0, 0, 1, 1], [], []>, transpose_lhs_hint = false} : vector<1024x256xbf16>, vector<256x256xbf16>, vector<1024x256xf32> -> vector<1024x256xf32>
    %dot_general3A_58 = arith.constant dense<0.000000e+00> : vector<1024x256xf32>
    %dot_general3A_59 = tpu.matmul %convert_element_type3A_48, %convert_element_type3A_55, %dot_general3A_58 {dimension_numbers = #tpu.dot_dimension_numbers<[1], [0], [0], [1], [0, 0, 1, 1], [], []>, transpose_lhs_hint = false} : vector<1024x256xbf16>, vector<256x256xbf16>, vector<1024x256xf32> -> vector<1024x256xf32>
    %dot_general3A_60 = arith.constant dense<0.000000e+00> : vector<1024x256xf32>
    %dot_general3A_61 = tpu.matmul %convert_element_type3A_51, %convert_element_type3A_52, %dot_general3A_60 {dimension_numbers = #tpu.dot_dimension_numbers<[1], [0], [0], [1], [0, 0, 1, 1], [], []>, transpose_lhs_hint = false} : vector<1024x256xbf16>, vector<256x256xbf16>, vector<1024x256xf32> -> vector<1024x256xf32>
    %add3A_62 = arith.addf %dot_general3A_59, %dot_general3A_61 : vector<1024x256xf32>
    %add3A_63 = arith.addf %dot_general3A_57, %add3A_62 : vector<1024x256xf32>
    %get3A_64 = arith.constant 0 : index
    %get3A_65 = arith.constant 0 : index
    %get3A_66 = vector.load %arg8[%get3A_64, %get3A_65] : memref<1x256xf32, #tpu.memory_space<vmem>>, vector<1x256xf32>
    %add3A_67 = vector.broadcast %get3A_66 : vector<1x256xf32> to vector<1024x256xf32>
    %add3A_68 = arith.addf %add3A_63, %add3A_67 : vector<1024x256xf32>
    %ge3A_69 = arith.constant 0.000000e+00 : f32
    %ge3A_70 = vector.broadcast %ge3A_69 : f32 to vector<1024x256xf32>
    %ge3A_71 = arith.cmpf oge, %add3A_68, %ge3A_70 : vector<1024x256xf32>
    %mul3A_72 = arith.constant 0.00999999977 : f32
    %mul3A_73 = vector.broadcast %mul3A_72 : f32 to vector<1024x256xf32>
    %mul3A_74 = arith.mulf %mul3A_73, %add3A_68 : vector<1024x256xf32>
    %select_n3A_75 = arith.select %ge3A_71, %add3A_68, %mul3A_74 : vector<1024x256xi1>, vector<1024x256xf32>
    %add3A_76 = arith.addf %select_n3A_75, %select_n3A : vector<1024x256xf32>
    %get3A_77 = arith.constant 0 : index
    %get3A_78 = arith.constant 0 : index
    %get3A_79 = vector.load %arg9[%get3A_77, %get3A_78] : memref<256x40xf32, #tpu.memory_space<vmem>>, vector<256x40xf32>
    %convert_element_type3A_80 = arith.truncf %add3A_76 : vector<1024x256xf32> to vector<1024x256xbf16>
    %convert_element_type3A_81 = arith.extf %convert_element_type3A_80 : vector<1024x256xbf16> to vector<1024x256xf32>
    %sub3A_82 = arith.subf %add3A_76, %convert_element_type3A_81 : vector<1024x256xf32>
    %convert_element_type3A_83 = arith.truncf %sub3A_82 : vector<1024x256xf32> to vector<1024x256xbf16>
    %convert_element_type3A_84 = arith.truncf %get3A_79 : vector<256x40xf32> to vector<256x40xbf16>
    %convert_element_type3A_85 = arith.extf %convert_element_type3A_84 : vector<256x40xbf16> to vector<256x40xf32>
    %sub3A_86 = arith.subf %get3A_79, %convert_element_type3A_85 : vector<256x40xf32>
    %convert_element_type3A_87 = arith.truncf %sub3A_86 : vector<256x40xf32> to vector<256x40xbf16>
    %dot_general3A_88 = arith.constant dense<0.000000e+00> : vector<1024x40xf32>
    %dot_general3A_89 = tpu.matmul %convert_element_type3A_80, %convert_element_type3A_84, %dot_general3A_88 {dimension_numbers = #tpu.dot_dimension_numbers<[1], [0], [0], [1], [0, 0, 1, 1], [], []>, transpose_lhs_hint = false} : vector<1024x256xbf16>, vector<256x40xbf16>, vector<1024x40xf32> -> vector<1024x40xf32>
    %dot_general3A_90 = arith.constant dense<0.000000e+00> : vector<1024x40xf32>
    %dot_general3A_91 = tpu.matmul %convert_element_type3A_80, %convert_element_type3A_87, %dot_general3A_90 {dimension_numbers = #tpu.dot_dimension_numbers<[1], [0], [0], [1], [0, 0, 1, 1], [], []>, transpose_lhs_hint = false} : vector<1024x256xbf16>, vector<256x40xbf16>, vector<1024x40xf32> -> vector<1024x40xf32>
    %dot_general3A_92 = arith.constant dense<0.000000e+00> : vector<1024x40xf32>
    %dot_general3A_93 = tpu.matmul %convert_element_type3A_83, %convert_element_type3A_84, %dot_general3A_92 {dimension_numbers = #tpu.dot_dimension_numbers<[1], [0], [0], [1], [0, 0, 1, 1], [], []>, transpose_lhs_hint = false} : vector<1024x256xbf16>, vector<256x40xbf16>, vector<1024x40xf32> -> vector<1024x40xf32>
    %add3A_94 = arith.addf %dot_general3A_91, %dot_general3A_93 : vector<1024x40xf32>
    %add3A_95 = arith.addf %dot_general3A_89, %add3A_94 : vector<1024x40xf32>
    %get3A_96 = arith.constant 0 : index
    %get3A_97 = arith.constant 0 : index
    %get3A_98 = vector.load %arg10[%get3A_96, %get3A_97] : memref<1x40xf32, #tpu.memory_space<vmem>>, vector<1x40xf32>
    %add3A_99 = vector.broadcast %get3A_98 : vector<1x40xf32> to vector<1024x40xf32>
    %add3A_100 = arith.addf %add3A_95, %add3A_99 : vector<1024x40xf32>
    %reduce_max3A = arith.constant dense<0xFF800000> : vector<1024xf32>
    %reduce_max3A_101 = vector.multi_reduction <maximumf>, %add3A_100, %reduce_max3A [1] : vector<1024x40xf32> to vector<1024xf32>
    %broadcast_in_dim3A = vector.shape_cast %reduce_max3A_101 : vector<1024xf32> to vector<1024x1xf32>
    %sub3A_102 = vector.broadcast %broadcast_in_dim3A : vector<1024x1xf32> to vector<1024x40xf32>
    %sub3A_103 = arith.subf %add3A_100, %sub3A_102 : vector<1024x40xf32>
    %exp3A = math.exp %sub3A_103 : vector<1024x40xf32>
    %reduce_sum3A = arith.constant dense<0.000000e+00> : vector<1024xf32>
    %reduce_sum3A_104 = vector.multi_reduction <add>, %exp3A, %reduce_sum3A [1] : vector<1024x40xf32> to vector<1024xf32>
    %broadcast_in_dim3A_105 = vector.shape_cast %reduce_sum3A_104 : vector<1024xf32> to vector<1024x1xf32>
    %log3A = math.log %broadcast_in_dim3A_105 : vector<1024x1xf32>
    %sub3A_106 = vector.broadcast %log3A : vector<1024x1xf32> to vector<1024x40xf32>
    %sub3A_107 = arith.subf %sub3A_103, %sub3A_106 : vector<1024x40xf32>
    %swap3A = arith.constant 0 : index
    %swap3A_108 = arith.constant 0 : index
    %swap3A_109 = vector.load %arg11[%swap3A, %swap3A_108] : memref<1024x40xf32, #tpu.memory_space<vmem>>, vector<1024x40xf32>
    tpu.vector_store %arg11[%swap3A, %swap3A_108], %sub3A_107 {strides = array<i32>} : memref<1024x40xf32, #tpu.memory_space<vmem>>, vector<1024x40xf32>,
    return
  }
  func.func @transform_0(%arg0: i32) -> (i32, i32) {
    %c0_i32 = arith.constant 0 : i32
    %c0_i32_0 = arith.constant 0 : i32
    return %arg0, %c0_i32 : i32, i32
  }
  func.func @transform_1(%arg0: i32) -> (i32, i32) {
    %c0_i32 = arith.constant 0 : i32
    %c0_i32_0 = arith.constant 0 : i32
    %c0_i32_1 = arith.constant 0 : i32
    return %c0_i32, %c0_i32_0 : i32, i32
  }
  func.func @transform_2(%arg0: i32) -> (i32, i32) {
    %c0_i32 = arith.constant 0 : i32
    %c0_i32_0 = arith.constant 0 : i32
    return %arg0, %c0_i32 : i32, i32
  }
  func.func @transform_3(%arg0: i32) -> (i32, i32) {
    %c0_i32 = arith.constant 0 : i32
    %c0_i32_0 = arith.constant 0 : i32
    return %arg0, %c0_i32 : i32, i32
  }
  func.func @transform_4(%arg0: i32) -> (i32, i32) {
    %c0_i32 = arith.constant 0 : i32
    %c0_i32_0 = arith.constant 0 : i32
    %c0_i32_1 = arith.constant 0 : i32
    return %c0_i32, %c0_i32_0 : i32, i32
  }
  func.func @transform_5(%arg0: i32) -> (i32, i32) {
    %c0_i32 = arith.constant 0 : i32
    %c0_i32_0 = arith.constant 0 : i32
    %c0_i32_1 = arith.constant 0 : i32
    return %c0_i32, %c0_i32_0 : i32, i32
  }
  func.func @transform_6(%arg0: i32) -> (i32, i32) {
    %c0_i32 = arith.constant 0 : i32
    %c0_i32_0 = arith.constant 0 : i32
    %c0_i32_1 = arith.constant 0 : i32
    return %c0_i32, %c0_i32_0 : i32, i32
  }
  func.func @transform_7(%arg0: i32) -> (i32, i32) {
    %c0_i32 = arith.constant 0 : i32
    %c0_i32_0 = arith.constant 0 : i32
    %c0_i32_1 = arith.constant 0 : i32
    return %c0_i32, %c0_i32_0 : i32, i32
  }
  func.func @transform_8(%arg0: i32) -> (i32, i32) {
    %c0_i32 = arith.constant 0 : i32
    %c0_i32_0 = arith.constant 0 : i32
    %c0_i32_1 = arith.constant 0 : i32
    return %c0_i32, %c0_i32_0 : i32, i32
  }
  func.func @transform_9(%arg0: i32) -> (i32, i32) {
    %c0_i32 = arith.constant 0 : i32
    %c0_i32_0 = arith.constant 0 : i32
    %c0_i32_1 = arith.constant 0 : i32
    return %c0_i32, %c0_i32_0 : i32, i32
  }
  func.func @transform_10(%arg0: i32) -> (i32, i32) {
    %c0_i32 = arith.constant 0 : i32
    %c0_i32_0 = arith.constant 0 : i32
    return %arg0, %c0_i32 : i32, i32
  }
}

</mosaic_0001>

<sc_bundles>
// kernel: kernel.5.cloned.1.call-start
scs
__scs_entry_jumppad:
0x0: {  	(pc) =	sbr.rel $0x88, $3  }
0x1: {  	(tag) =	ssettag $0x0;
	lr =	simm.s32 $0x1  }
0x2: {  	[smem:$0x3F95] =	sst lr;
	_ =	strace $0xD0000000  }
0x3: {  	_ = 	snop  }
0x4: {  	_ = 	snop  }
0x5: {  	_ = 	snop  }
0x6: {  	_ = 	snop  }
0x7: {  	_ = 	snop  }
__scs_overlays_trampoline_lowered:
0x8: {  	[smem:$0x3FA4] =	sst s0  }
0x9: {  	[smem:$0x3FA5] =	sst s1  }
0xa: {  	[smem:$0x3FA6] =	sst s2  }
0xb: {  	[smem:$0x3FA7] =	sst s3  }
0xc: {  	[smem:$0x3FA8] =	sst s4  }
0xd: {  	[smem:$0x3FA9] =	sst s5  }
0xe: {  	[smem:$0x3FAA] =	sst s6  }
0xf: {  	[smem:$0x3FAB] =	sst s7  }
0x10: {  	[smem:$0x3FAC] =	sst s8  }
0x11: {  	[smem:$0x3FAD] =	sst s9;
	s0 =	simm.s32 @!p0 $0x0  }
0x12: {  	s1 =	sld [smem:$0x3F93];
	s0 =	simm.s32 @p0 $0x1  }
0x13: {  	[smem:$0x3FAE] =	sst s0;
	s0 =	simm.s32 @!p1 $0x0  }
0x14: {  	s2 =	sld [smem:$0x3F92];
	s0 =	simm.s32 @p1 $0x1  }
0x15: {  	[smem:$0x3FAF] =	sst s0;
	s0 =	simm.s32 @!p2 $0x0  }
0x16: {  	s3 =	sld [smem:$0x3FDB];
	s0 =	simm.s32 @p2 $0x1  }
0x17: {  	s4 =	simm.s32 $0x1BF5;
	[smem:$0x3FB1] =	sst s0  }
0x18: {  	s0 =	sld [smem:$0x3F94];
	_ =	swait.ge [sflag:s4], $0x0  }
0x19: {  	s7 =	sld [smem:$0x3F95]  }
0x1a: {  	s8 =	sadd.s32 $0xFFFFE003, lr  }
0x1b: {  	s9 =	sadd.s32 $0xFFFFFEF7, lr;
	s5 =	simm.s32 $0xFFFFFFFF;
	p2 =	slt.u32 s8, $0xFFFFF086  }
0x1c: {  	p1 =	slt.u32 s9, $0xF7A;
	s5 =	simm.s32 @!p2 $0x0  }
0x1d: {  	s5 =	simm.s32 @p1 $0x1;
	p0 =	seq.s32 s7, s2  }
0x1e: {  	s7 =	smul.u32 @!p0 $0xF7A, s2;
	p2 =	seq.s32 @!p0 s5, $0x0  }
0x1f: {  	s9 =	smul.u32 $0xF7A, s1;
	s8 =	simm.s32 @!p0 $0x1BF5;
	p2 =	por !p2, p0  }
0x20: {  	[sflag:s8] =	ssyncset.s32 @!p0 $0xFFFFF086;
	s6 =	sadd.s32 @!p0 s3, s7;
	s7 =	simm.s32 @!p0 $0x108  }
0x21: {  	s3 =	sadd.s32 s3, s9;
	s6 =	sadd.s32 @!p0 $0x88, s6;
	s7 =	simm.s32 @p2 $0x1082  }
0x22: {  	[simem:s7], [sflag:s8] =	dma.local @!p0 [hbm:s6], $0xF7A  }
0x23: {  	s9 =	sor.u32 $0xD0000000, s2;
	s6 =	simm.s32 $0x108;
	_ =	swait.ge @!p0 [sflag:s8], $0x0  }
0x24: {  	s3 =	sadd.s32 $0x88, s3;
	s6 =	simm.s32 @!p1 $0x1082;
	[sflag:s4] =	ssyncset.s32 $0xFFFFF086  }
0x25: {  	[simem:s6], [sflag:s4] =	dma.local [hbm:s3], $0xF7A  }
0x26: {  	[smem:$0x3F95] =	sst s1;
	(tag) =	ssettag s2;
	_ =	strace s9  }
0x27: {  	s1 =	sld [smem:$0x3FA5]  }
0x28: {  	s2 =	sld [smem:$0x3FA6]  }
0x29: {  	s4 =	sld [smem:$0x3FA8]  }
0x2a: {  	p0 =	seq.s32 s5, $0x0;
	s5 =	sld [smem:$0x3FA9]  }
0x2b: {  	s6 =	sld [smem:$0x3FAA]  }
0x2c: {  	s7 =	sld [smem:$0x3FAB]  }
0x2d: {  	s3 =	simm.s32 $0x108;
	s8 =	sld [smem:$0x3FAC]  }
0x2e: {  	s3 =	simm.s32 @!p0 $0x1082;
	s9 =	sld [smem:$0x3FAD]  }
0x2f: {  	lr =	sadd.s32 s0, s3;
	s0 =	sld [smem:$0x3FA4]  }
0x30: {  	s3 =	sld [smem:$0x3FA7]  }
0x31: {  	[smem:$0x3FB0] =	sst s10  }
0x32: {  	s10 =	sld [smem:$0x3FAE];
	_ =	sdelay $0x3  }
0x33: {  	p0 =	seq.s32 s10, $0x1;
	s10 =	sld [smem:$0x3FB0];
	_ =	sdelay $0x3  }
0x34: {  	[smem:$0x3FB0] =	sst s10  }
0x35: {  	s10 =	sld [smem:$0x3FAF];
	_ =	sdelay $0x3  }
0x36: {  	p1 =	seq.s32 s10, $0x1;
	s10 =	sld [smem:$0x3FB0];
	_ =	sdelay $0x3  }
0x37: {  	[smem:$0x3FB0] =	sst s10  }
0x38: {  	s10 =	sld [smem:$0x3FB1]  }
0x39: {  	_ = 	snop;
	(pc) =	sbr.ind lr, $3  }
0x3a: {  	_ = 	snop  }
0x3b: {  	_ = 	snop  }
0x3c: {  	p2 =	seq.s32 s10, $0x1;
	s10 =	sld [smem:$0x3FB0]  }
0x3d: {  	_ =	shalt  }
0x3e: {  	_ =	shalt  }
0x3f: {  	_ =	shalt  }
0x40: {  	_ =	shalt  }
0x41: {  	_ =	shalt  }
0x42: {  	_ =	shalt  }
0x43: {  	_ =	shalt  }
0x44: {  	_ =	shalt  }
0x45: {  	_ =	shalt  }
0x46: {  	_ =	shalt  }
0x47: {  	_ =	shalt  }
0x48: {  	_ =	shalt  }
0x49: {  	_ =	shalt  }
0x4a: {  	_ =	shalt  }
0x4b: {  	_ =	shalt  }
0x4c: {  	_ =	shalt  }
0x4d: {  	_ =	shalt  }
0x4e: {  	_ =	shalt  }
0x4f: {  	_ =	shalt  }
0x50: {  	_ =	shalt  }
0x51: {  	_ =	shalt  }
0x52: {  	_ =	shalt  }
0x53: {  	_ =	shalt  }
0x54: {  	_ =	shalt  }
0x55: {  	_ =	shalt  }
0x56: {  	_ =	shalt  }
0x57: {  	_ =	shalt  }
0x58: {  	_ =	shalt  }
0x59: {  	_ =	shalt  }
0x5a: {  	_ =	shalt  }
0x5b: {  	_ =	shalt  }
0x5c: {  	_ =	shalt  }
0x5d: {  	_ =	shalt  }
0x5e: {  	_ =	shalt  }
0x5f: {  	_ =	shalt  }
0x60: {  	_ =	shalt  }
0x61: {  	_ =	shalt  }
0x62: {  	_ =	shalt  }
0x63: {  	_ =	shalt  }
0x64: {  	_ =	shalt  }
0x65: {  	_ =	shalt  }
0x66: {  	_ =	shalt  }
0x67: {  	_ =	shalt  }
0x68: {  	_ =	shalt  }
0x69: {  	_ =	shalt  }
0x6a: {  	_ =	shalt  }
0x6b: {  	_ =	shalt  }
0x6c: {  	_ =	shalt  }
0x6d: {  	_ =	shalt  }
0x6e: {  	_ =	shalt  }
0x6f: {  	_ =	shalt  }
0x70: {  	_ =	shalt  }
0x71: {  	_ =	shalt  }
0x72: {  	_ =	shalt  }
0x73: {  	_ =	shalt  }
0x74: {  	_ =	shalt  }
0x75: {  	_ =	shalt  }
0x76: {  	_ =	shalt  }
0x77: {  	_ =	shalt  }
0x78: {  	_ =	shalt  }
0x79: {  	_ =	shalt  }
0x7a: {  	_ =	shalt  }
0x7b: {  	_ =	shalt  }
0x7c: {  	_ =	shalt  }
0x7d: {  	_ =	shalt  }
0x7e: {  	_ =	shalt  }
0x7f: {  	_ =	shalt  }
0x80: {  	_ =	shalt  }
0x81: {  	_ =	shalt  }
0x82: {  	_ =	shalt  }
0x83: {  	_ =	shalt  }
0x84: {  	_ =	shalt  }
0x85: {  	_ =	shalt  }
0x86: {  	_ =	shalt  }
0x87: {  	_ =	shalt  }
.Lfunc_end0:
.L_simem_size_0:
called_computation_lowered:
.L_overlay_start_0:
0x88: {  	s2 =	sld [smem:$0x3FD9]  }
0x89: {  	s3 =	sld [smem:$0x3FFE];
	_ =	sdelay $0x1  }
0x8a: {  	s1 =	srdreg.scid  }
0x8b: {  	s0 =	sand.u32 $0x1, s1  }
0x8c: {  	s17 =	sshll.u32 s0, $0xA;
	s2 =	sadd.s32 s3, s2  }
0x8d: {  	s2 =	sadd.s32 s2, s17  }
0x8e: {  	[smem:$0x3FBC] =	sst s2  }
0x8f: {  	_ = 	snop  }
0x90: {  	s2 =	sld [smem:$0x3FC8];
	(tm) =	ssettm $0x1  }
0x91: {  	s18 =	sld [smem:$0x3FFB];
	_ =	sdelay $0x3  }
0x92: {  	_ =	strace s18  }
0x93: {  	s3 =	sld [smem:$0x3FFC];
	_ =	sdelay $0x3  }
0x94: {  	_ =	strace s3  }
0x95: {  	s3 =	sld [smem:$0x3FFD];
	_ =	sdelay $0x3  }
0x96: {  	_ =	strace s3  }
0x97: {  	_ =	strace $0x8FFFFFFF  }
0x98: {  	s19 =	sld [smem:$0x3FDB];
	_ =	sdelay $0x1  }
0x99: {  	s4 =	simm.s32 $_scs_section_size  }
0x9a: {  	s5 =	simm.s32 $_size__tile_overlayer_lowered;
	s6 =	simm.s32 $_tile_overlayer_lowered  }
0x9b: {  	s22 =	simm.s32 $0x1BFF;
	s21 =	sshll.u32 s6, $0x1;
	s3 =	sadd.s32 s4, s19  }
0x9c: {  	s7 =	simm.s32 $0x0;
	s20 =	sshll.u32 s5, $0x1;
	s5 =	sadd.s32 s21, s3  }
0x9d: {  	[timem:s7], [sflag:s22] =	dma.local [hbm:s5], s20  }
0x9e: {  	_ =	swait.ge [sflag:s22], s20  }
0x9f: {  	s4 =	ssub.s32 $0x0, s20;
	[sflag:s22] =	ssyncset.done $0x0  }
0xa0: {  	[sflag:s22] =	ssyncadd.s32 s4;
	_ =	sdelay $0x1  }
0xa1: {  	s23 =	simm.s32 $0x1B8B  }
0xa2: {  	_ =	swait.ge [sflag:s23], $0x1  }
0xa3: {  	[sflag:s23] =	ssyncset.done $0x0  }
0xa4: {  	s25 =	simm.s32 $0x1B8E;
	s24 =	sld [smem:$0x3FFE];
	[sflag:s23] =	ssyncadd.s32 $0xFFFFFFFF  }
0xa5: {  	s26 =	simm.s32 $execute0_lowered;
	[smem:$0x3FD2] =	sst s25  }
0xa6: {  	s5 =	sshll.u32 s26, $0x1;
	_ =	strace $0x80000046;
	[dreg:$0x1] =	wrdreg $0xFFFFFFFF  }
0xa7: {  	s28 =	simm.s32 $_size_execute0_lowered;
	s3 =	sadd.s32 s3, s5;
	[dreg:$0x0] =	wrdreg $0x0  }
0xa8: {  	s5 =	sshll.u32 s28, $0x1;
	[dreg:$0x2] =	wrdreg s3  }
0xa9: {  	[dreg:$0x3] =	wrdreg s5  }
0xaa: {  	[dreg:$0x4] =	wrdreg $0xC0  }
0xab: {  	_ =	task [dreg:s7], $0x5FFFF  }
0xac: {  	[dreg:$0x1] =	wrdreg $0xFFFFFFFF  }
0xad: {  	[dreg:$0x0] =	wrdreg $0x60  }
0xae: {  	[dreg:$0x2] =	wrdreg s2  }
0xaf: {  	[dreg:$0x3] =	wrdreg s24  }
0xb0: {  	[dreg:$0x4] =	wrdreg $0x9  }
0xb1: {  	_ =	task.clear_ibuf [dreg:s7], $0x5FFFF;
	_ =	strace $0x90000046  }
0xb2: {  	s29 =	simm.s32 $0x9;
	_ =	strace $0x80000048  }
0xb3: {  	_ =	swait.ge [sflag:s29], $0x1  }
0xb4: {  	[sflag:s29] =	ssyncadd.s32 $0xFFFFFFFF  }
0xb5: {  	_ =	strace $0x90000048  }
0xb6: {  	_ =	sfence  }
0xb7: {  	s30 =	sld [smem:$0x0];
	_ =	sdelay $0x2  }
0xb8: {  	s31 =	sshll.u32 s1, $0xD;
	s1 =	sshrl.u32 s1, $0x2  }
0xb9: {  	s3 =	sand.u32 $0x4000, s31;
	s1 =	sadd.s32 s1, s30  }
0xba: {  	s0 =	sor.u32 s3, s0;
	s1 =	sshll.u32 s1, $0x11  }
0xbb: {  	s0 =	sor.u32 s1, s0  }
0xbc: {  	s0 =	sadd.s32 $0x8F2B, s0  }
0xbd: {  	[sflag:s0] =	ssyncadd.remote.s32 $0x1  }
0xbe: {  	_ =	sfence.sel $0xFFFF  }
0xbf: {  	[dreg:$0x0] =	wrdreg $0xFFFFFFFF;
	(pc) =	sbr.abs _section_cstart, $3  }
0xc0: {  	[dreg:$0x1] =	wrdreg $0xFFFFFFFF  }
0xc1: {  	_ =	task.clear_ibuf [dreg:s7], $0x2FFFF;
	_ =	strace $0x9FFFFFFF  }
0xc2: {  	(tm) =	ssettm $0x7FFFFFFF  }
0xc3: {  	_ =	shalt  }
tec
execute0_lowered:
.L_overlay_start_1:
0x0: {  	(tag) =	ssettag $0x1  }
0x1: {  	s3 =	rddreg [dreg:$0x0]  }
0x2: {  	s4 =	rddreg [dreg:$0x1]  }
0x3: {  	s0 =	rddreg [dreg:$0x2];
	s2 =	simm.s32 $0x0  }
0x4: {  	s5 =	srdreg.scid;
	s1 =	stileid.u32;
	s9 =	simm.s32 $0x400  }
0x5: {  	s10 =	simm.s32 $0x1;
	s11 =	simm.s32 $0x800;
	s12 =	simm.s32 $0x2  }
0x6: {  	s13 =	simm.s32 $0x4;
	s14 =	simm.s32 $0xC00;
	s15 =	simm.s32 $0x3  }
0x7: {  	s16 =	simm.s32 $0x0;
	[smem:$0x7FF] =	sst s2;
	s5 =	sand.u32 $0x1, s5  }
0x8: {  	s6 =	sshll.u32 s1, $0xC;
	s7 =	sshll.u32 s1, $0x11;
	_ =	strace $0x80000047  }
.Ltmp0:
0x9: {  	s8 =	sshll.u32 s5, $0x10;
	s6 =	sadd.s32 s6, s4;
	(pc) =	sbr.rel .LBB2_1-.Ltmp0, $4  }
0xa: {  	s29 =	ssub.s32 $0x2, s5;
	s5 =	sshll.u32 s5, $0xB;
	s7 =	sor.u32 s8, s7  }
0xb: {  	s30 =	sshrl.u32 s29, $0x1;
	s6 =	sadd.s32 s5, s6;
	s3 =	sadd.s32 s7, s3  }
0xc: {  	s31 =	ssub.s32 s29, s30;
	s6 =	sadd.s32 $0x2400, s6;
	s4 =	sadd.s32 $0x1000, s3  }
0xd: {  	s5 =	smax.u32 s31, $0x1;
	s7 =	sadd.s32 $0x3000, s3;
	s8 =	sadd.s32 $0x2000, s3  }
.LBB2_8:
0xe: {  	s16 =	sadd.s32 $0x1, s16  }
0xf: {  	_ =	swait.ge [sflag:s15], $0x400;
	p0 =	sne.s32 s16, s5  }
.Ltmp1:
0x10: {  	[sflag:s15] =	ssyncset.done $0x0;
	(pc) =	sbr.rel @!p0 .LBB2_9-.Ltmp1, $4  }
0x11: {  	[sflag:s15] =	ssyncadd.s32 $0xFFFFFC00  }
0x12: {  	_ =	swait.ge [sflag:s13], $0x400  }
0x13: {  	[sflag:s13] =	ssyncset.done $0x0  }
0x14: {  	[sflag:s13] =	ssyncadd.s32 $0xFFFFFC00  }
.LBB2_1:
0x15: {  	[tilespmem:s2], [sflag:$0x1] =	stream.linear.gather [hbm4b:s3+s2], $0x400, $0x38;
	[tilespmem:$0x1000] =	vst v63  }
0x16: {  	s17 =	smov.u32 s8;
	s18 =	smov.u32 s7;
	s19 =	simm.s32 $0x0  }
0x17: {  	[tilespmem:s9], [sflag:$0x2] =	stream.linear.gather [hbm4b:s4+s2], $0x400, $0x38;
	[tilespmem:$0x1000] =	vst v63  }
.LBB2_2:
0x18: {  	_ =	swait.ge [sflag:s10], $0x400  }
0x19: {  	p0 =	seq.s32 s19, $0x0;
	[sflag:s10] =	ssyncset.done $0x0  }
0x1a: {  	s20 =	simm.s32 @!p0 $0x3;
	[sflag:s10] =	ssyncadd.s32 $0xFFFFFC00  }
0x1b: {  	_ =	swait.ge @!p0 [sflag:s20], $0x400  }
0x1c: {  	[sflag:s20] =	ssyncset.done @!p0 $0x0  }
0x1d: {  	[sflag:s20] =	ssyncadd.s32 @!p0 $0xFFFFFC00  }
0x1e: {  	v0 =	vld [tilespmem:$0x0];
	_ =	sdelay $0x1  }
0x1f: {  	v3 =	vld [tilespmem:$0x10];
	_ =	sdelay $0x1  }
0x20: {  	v4 =	vld [tilespmem:$0x20]  }
0x21: {  	(xrf2) =	vadd.scan.msk.f32 $0xffff, v0  }
0x22: {  	v7 =	vld [tilespmem:$0x30]  }
0x23: {  	(xrf2) =	vadd.scan.msk.f32 $0xffff, v3  }
0x24: {  	v12 =	vld [tilespmem:$0x40]  }
0x25: {  	(xrf2) =	vadd.scan.msk.f32 $0xffff, v4  }
0x26: {  	v5 =	vld [tilespmem:$0x50]  }
0x27: {  	(xrf2) =	vadd.scan.msk.f32 $0xffff, v7  }
0x28: {  	v8 =	vld [tilespmem:$0x60]  }
0x29: {  	(xrf2) =	vadd.scan.msk.f32 $0xffff, v12;
	_ =	sdelay $0x1  }
0x2a: {  	(xrf2) =	vadd.scan.msk.f32 $0xffff, v5;
	v1, _, _ =	vpop (xrf2)  }
0x2b: {  	v6 =	vld [tilespmem:$0x70];
	(v2sf) =	vpush v1, $0xF  }
0x2c: {  	v13 =	vld [tilespmem:$0x80];
	(xrf2) =	vadd.scan.msk.f32 $0xffff, v8;
	v2, _, _ =	vpop (xrf2)  }
0x2d: {  	v9 =	vld [tilespmem:$0x90];
	(v2sf) =	vpush v2, $0xF  }
0x2e: {  	v16 =	vld [tilespmem:$0xA0];
	v18, _, _ =	vpop (xrf2)  }
0x2f: {  	v10 =	vld [tilespmem:$0xB0];
	(v2sf) =	vpush v18, $0xF  }
0x30: {  	v14 =	vld [tilespmem:$0xC0];
	(xrf2) =	vadd.scan.msk.f32 $0xffff, v6;
	v28, _, _ =	vpop (xrf2)  }
0x31: {  	v15 =	vld [tilespmem:$0xD0];
	(xrf2) =	vadd.scan.msk.f32 $0xffff, v13;
	(v2sf) =	vpush v28, $0xF  }
0x32: {  	(xrf2) =	vadd.scan.msk.f32 $0xffff, v9;
	v29, _, _ =	vpop (xrf2)  }
0x33: {  	v19 =	vld [tilespmem:$0xE0];
	(xrf2) =	vadd.scan.msk.f32 $0xffff, v16;
	(v2sf) =	vpush v29, $0xF  }
0x34: {  	v20 =	vld [tilespmem:$0xF0];
	(xrf2) =	vadd.scan.msk.f32 $0xffff, v10;
	v32, _, _ =	vpop (xrf2)  }
0x35: {  	v22 =	vld [tilespmem:$0x100];
	(xrf2) =	vadd.scan.msk.f32 $0xffff, v14;
	(v2sf) =	vpush v32, $0xF  }
0x36: {  	v33, _, _ =	vpop (xrf2);
	(xrf2) =	vadd.scan.msk.f32 $0xffff, v15  }
0x37: {  	v27 =	vld [tilespmem:$0x110];
	(v2sf) =	vpush v33, $0xF  }
0x38: {  	(xrf2) =	vadd.scan.msk.f32 $0xffff, v19  }
0x39: {  	v26 =	vld [tilespmem:$0x120];
	(xrf2) =	vadd.scan.msk.f32 $0xffff, v20  }
0x3a: {  	v34, _, _ =	vpop (xrf2);
	(xrf2) =	vadd.scan.msk.f32 $0xffff, v22;
	s30 =	spop (v2sf)  }
0x3b: {  	v24 =	vld [tilespmem:$0x130];
	v35, _, _ =	vpop (xrf2);
	s20 =	sadd.f32 $0.0e+00, s30  }
0x3c: {  	v11 =	vadd.f32 $0.0e+00, v1;
	(v2sf) =	vpush v35, $0xF;
	(xrf2) =	vadd.scan.msk.f32 $0xffff, v27;
	v36, _, _ =	vpop (xrf2);
	s21 =	spop (v2sf)  }
0x3d: {  	v21 =	vld [tilespmem:$0x140];
	vm0 =	vle.f32 v1, $2.550000000e+01;
	(v2sf) =	vpush v36, $0xF;
	v37, _, _ =	vpop (xrf2);
	s21 =	sadd.f32 s21, s20  }
0x3e: {  	v25 =	vld [tilespmem:$0x150];
	v1 =	vnsel vm0, $0x0, v11;
	(xrf2) =	vadd.scan.msk.f32 $0xffff, v26;
	v38, _, _ =	vpop (xrf2);
	(v2sf) =	vpush v37, $0xF;
	s22 =	spop (v2sf)  }
0x3f: {  	v23 =	vld [tilespmem:$0x160];
	v0 =	vmul.f32 v1, v0;
	v39, _, _ =	vpop (xrf2);
	(v2sf) =	vpush v38, $0xF;
	s31 =	sadd.f32 s22, s21  }
0x40: {  	v11 =	vld [tilespmem:$0x170];
	(xrf2) =	vadd.scan.msk.f32 $0xffff, v24;
	v30, _, _ =	vpop (xrf2);
	(v2sf) =	vpush v39, $0xF;
	v61 =	vadd.f32 s20, v2;
	s23 =	spop (v2sf)  }
0x41: {  	[tilespmem:$0x800] =	vst v0;
	v2 =	vld [tilespmem:$0x180];
	(v2sf) =	vpush v30, $0xF;
	s24 =	sadd.f32 s23, s31  }
0x42: {  	v17, _, _ =	vpop (xrf2);
	(xrf2) =	vadd.scan.msk.f32 $0xffff, v21;
	s25 =	spop (v2sf);
	vm14 =	vle.f32 v61, $2.550000000e+01;
	v62 =	vadd.f32 s21, v18;
	v40 =	vadd.f32 s31, v28  }
0x43: {  	v1 =	vld [tilespmem:$0x190];
	v54 =	vadd.f32 $0.0e+00, v35;
	v63, _, _ =	vpop (xrf2);
	(xrf2) =	vadd.scan.msk.f32 $0xffff, v25;
	(v2sf) =	vpush v17, $0xF;
	v31 =	vnsel vm14, $0x0, v61;
	s20 =	sadd.f32 s25, s24  }
0x44: {  	(xrf2) =	vadd.scan.msk.f32 $0xffff, v23;
	s26 =	spop (v2sf);
	v28, _, _ =	vpop (xrf2);
	v3 =	vmul.f32 v31, v3;
	vm15 =	vle.f32 v62, $2.550000000e+01;
	vm4 =	vle.f32 v40, $2.550000000e+01  }
0x45: {  	(xrf2) =	vadd.scan.msk.f32 $0xffff, v11;
	(v2sf) =	vpush v28, $0xF;
	v41 =	vnsel vm15, $0x0, v62;
	v40 =	vnsel vm4, $0x0, v40;
	s21 =	sadd.f32 s26, s20  }
0x46: {  	v0 =	vld [tilespmem:$0x1A0];
	vm9 =	vle.f32 v35, $2.550000000e+01;
	s28 =	spop (v2sf);
	(xrf2) =	vadd.scan.msk.f32 $0xffff, v2;
	v29 =	vadd.f32 s24, v29;
	v31, _, _ =	vpop (xrf2);
	v4 =	vmul.f32 v41, v4  }
0x47: {  	[tilespmem:$0x810] =	vst v3;
	v3 =	vld [tilespmem:$0x1B0];
	v41 =	vnsel vm9, $0x0, v54;
	(v2sf) =	vpush v31, $0xF;
	v32 =	vadd.f32 s20, v32;
	s20 =	sadd.f32 s28, s21  }
0x48: {  	(xrf2) =	vadd.scan.msk.f32 $0xffff, v1;
	v41 =	vmul.f32 v41, v13;
	v7 =	vmul.f32 v40, v7;
	vm5 =	vle.f32 v29, $2.550000000e+01;
	v40, _, _ =	vpop (xrf2)  }
0x49: {  	[tilespmem:$0x820] =	vst v4;
	vm6 =	vle.f32 v32, $2.550000000e+01;
	(v2sf) =	vpush v40, $0xF;
	v50 =	vadd.f32 s20, v34  }
0x4a: {  	v4 =	vld [tilespmem:$0x1C0];
	v45 =	vnsel vm5, $0x0, v29;
	[tilespmem:$0x830] =	vst v7;
	v47 =	vadd.f32 s21, v33;
	v48, _, _ =	vpop (xrf2);
	v49 =	vnsel vm6, $0x0, v32  }
0x4b: {  	s29 =	spop (v2sf);
	(xrf2) =	vadd.scan.msk.f32 $0xffff, v0;
	(v2sf) =	vpush v48, $0xF;
	v29 =	vmul.f32 v49, v5;
	vm8 =	vle.f32 v50, $2.550000000e+01  }
0x4c: {  	v46 =	vmul.f32 v45, v12;
	v7 =	vld [tilespmem:$0x1D0];
	(xrf2) =	vadd.scan.msk.f32 $0xffff, v3;
	vm7 =	vle.f32 v47, $2.550000000e+01;
	s20 =	sadd.f32 $0.0e+00, s29;
	v51, _, _ =	vpop (xrf2);
	v52 =	vnsel vm8, $0x0, v50  }
0x4d: {  	s30 =	spop (v2sf);
	v5 =	vld [tilespmem:$0x1E0];
	v12 =	vnsel vm7, $0x0, v47;
	(v2sf) =	vpush v51, $0xF;
	[tilespmem:$0x850] =	vst v29;
	v29 =	vmul.f32 v52, v6  }
0x4e: {  	s31 =	spop (v2sf);
	v53, _, _ =	vpop (xrf2);
	v12 =	vmul.f32 v12, v8;
	s21 =	sadd.f32 s30, s20;
	v8 =	vld [tilespmem:$0x1F0]  }
0x4f: {  	[tilespmem:$0x880] =	vst v41;
	(xrf2) =	vadd.scan.msk.f32 $0xffff, v4;
	s23 =	spop (v2sf);
	v47 =	vadd.f32 $0.0e+00, v28;
	(v2sf) =	vpush v53, $0xF;
	v42, _, _ =	vpop (xrf2);
	v6 =	vld [tilespmem:$0x200]  }
0x50: {  	vm5 =	vle.f32 v28, $2.550000000e+01;
	v55 =	vadd.f32 s20, v36;
	s25 =	spop (v2sf);
	v56, _, _ =	vpop (xrf2);
	(v2sf) =	vpush v42, $0xF;
	[tilespmem:$0x860] =	vst v12;
	s24 =	sadd.f32 s31, s21  }
0x51: {  	v54 =	vnsel vm5, $0x0, v47;
	v12 =	vld [tilespmem:$0x210];
	v37 =	vadd.f32 s21, v37;
	[tilespmem:$0x870] =	vst v29;
	v29, _, _ =	vpop (xrf2);
	(xrf2) =	vadd.scan.msk.f32 $0xffff, v7  }
0x52: {  	s28 =	spop (v2sf);
	vm10 =	vle.f32 v55, $2.550000000e+01;
	s26 =	sadd.f32 s23, s24;
	v38 =	vadd.f32 s24, v38;
	(v2sf) =	vpush v29, $0xF;
	(xrf2) =	vadd.scan.msk.f32 $0xffff, v5  }
0x53: {  	v13 =	vld [tilespmem:$0x220];
	s29 =	spop (v2sf);
	v35 =	vnsel vm10, $0x0, v55;
	v55 =	vmul.f32 v54, v22;
	vm11 =	vle.f32 v37, $2.550000000e+01;
	v43, _, _ =	vpop (xrf2);
	(xrf2) =	vadd.scan.msk.f32 $0xffff, v8  }
0x54: {  	v37 =	vnsel vm11, $0x0, v37;
	s22 =	sadd.f32 s25, s26;
	s24 =	spop (v2sf);
	vm12 =	vle.f32 v38, $2.550000000e+01;
	(v2sf) =	vpush v43, $0xF;
	(xrf2) =	vadd.scan.msk.f32 $0xffff, v6  }
0x55: {  	[tilespmem:$0x840] =	vst v46;
	v35 =	vmul.f32 v35, v9;
	v9 =	vld [tilespmem:$0x230];
	v39 =	vadd.f32 s26, v39;
	s30 =	sadd.f32 $0.0e+00, s24;
	v57 =	vnsel vm12, $0x0, v38;
	v41, _, _ =	vpop (xrf2)  }
0x56: {  	v16 =	vmul.f32 v37, v16;
	s23 =	sadd.f32 s28, s22;
	s31 =	spop (v2sf);
	v58 =	vmul.f32 v57, v10;
	v10 =	vld [tilespmem:$0x240];
	(v2sf) =	vpush v41, $0xF;
	(xrf2) =	vadd.scan.msk.f32 $0xffff, v12  }
0x57: {  	[tilespmem:$0x900] =	vst v55;
	vm13 =	vle.f32 v39, $2.550000000e+01;
	s25 =	sadd.f32 s31, s30;
	v37, _, _ =	vpop (xrf2)  }
0x58: {  	v30 =	vadd.f32 s22, v30;
	[tilespmem:$0x8A0] =	vst v16;
	v16 =	vld [tilespmem:$0x250];
	s20 =	sadd.f32 s29, s23;
	(v2sf) =	vpush v37, $0xF;
	(xrf2) =	vadd.scan.msk.f32 $0xffff, v13;
	s26 =	spop (v2sf)  }
0x59: {  	[tilespmem:$0x890] =	vst v35;
	vm12 =	vle.f32 v29, $2.550000000e+01;
	v59 =	vnsel vm13, $0x0, v39;
	v52 =	vadd.f32 s30, v31;
	v38, _, _ =	vpop (xrf2);
	s24 =	sadd.f32 s26, s25  }
0x5a: {  	v60 =	vmul.f32 v59, v14;
	vm14 =	vle.f32 v30, $2.550000000e+01;
	v14 =	vld [tilespmem:$0x260];
	(xrf2) =	vadd.scan.msk.f32 $0xffff, v9;
	s28 =	spop (v2sf);
	(v2sf) =	vpush v38, $0xF  }
0x5b: {  	v61 =	vadd.f32 s23, v17;
	v17 =	vld [tilespmem:$0x270];
	v30 =	vnsel vm14, $0x0, v30;
	v44 =	vadd.f32 s20, v63;
	s29 =	sadd.f32 s28, s24;
	v63, _, _ =	vpop (xrf2);
	(xrf2) =	vadd.scan.msk.f32 $0xffff, v10  }
0x5c: {  	[tilespmem:$0x8B0] =	vst v58;
	vm1 =	vle.f32 v52, $2.550000000e+01;
	v62 =	vmul.f32 v30, v15;
	v15 =	vld [tilespmem:$0x280];
	s30 =	spop (v2sf);
	(v2sf) =	vpush v63, $0xF;
	v45, _, _ =	vpop (xrf2)  }
0x5d: {  	v18 =	vld [tilespmem:$0x290];
	v40 =	vadd.f32 s25, v40;
	vm15 =	vle.f32 v61, $2.550000000e+01;
	v35 =	vnsel vm1, $0x0, v52;
	s21 =	sadd.f32 s30, s29;
	(xrf2) =	vadd.scan.msk.f32 $0xffff, v16;
	v46, _, _ =	vpop (xrf2)  }
0x5e: {  	[tilespmem:$0x8C0] =	vst v60;
	v39 =	vnsel vm15, $0x0, v61;
	vm4 =	vle.f32 v44, $2.550000000e+01;
	s31 =	spop (v2sf);
	(v2sf) =	vpush v45, $0xF;
	v31, _, _ =	vpop (xrf2)  }
0x5f: {  	v39 =	vmul.f32 v39, v19;
	v19 =	vld [tilespmem:$0x2A0];
	v44 =	vnsel vm4, $0x0, v44;
	s20 =	sadd.f32 s31, s21;
	(xrf2) =	vadd.scan.msk.f32 $0xffff, v14;
	(v2sf) =	vpush v31, $0xF  }
0x60: {  	vm6 =	vle.f32 v40, $2.550000000e+01;
	v33 =	vadd.f32 s24, v48;
	s22 =	spop (v2sf);
	v34 =	vadd.f32 s29, v51;
	v48, _, _ =	vpop (xrf2);
	(xrf2) =	vadd.scan.msk.f32 $0xffff, v17  }
0x61: {  	v27 =	vmul.f32 v35, v27;
	v42 =	vadd.f32 s20, v42;
	s20 =	sadd.f32 s22, s20;
	(v2sf) =	vpush v48, $0xF;
	(xrf2) =	vadd.scan.msk.f32 $0xffff, v15;
	s23 =	spop (v2sf)  }
0x62: {  	vm7 =	vle.f32 v33, $2.550000000e+01;
	v32 =	vadd.f32 s21, v53;
	v53 =	vmul.f32 v44, v20;
	v20 =	vld [tilespmem:$0x2B0];
	v44, _, _ =	vpop (xrf2);
	(xrf2) =	vadd.scan.msk.f32 $0xffff, v18;
	s21 =	sadd.f32 $0.0e+00, s23  }
0x63: {  	v22 =	vld [tilespmem:$0x2C0];
	v61 =	vadd.f32 $0.0e+00, v29;
	[tilespmem:$0x8D0] =	vst v62;
	v33 =	vnsel vm7, $0x0, v33;
	s24 =	spop (v2sf);
	(v2sf) =	vpush v44, $0xF  }
0x64: {  	v28 =	vld [tilespmem:$0x2D0];
	vm8 =	vle.f32 v34, $2.550000000e+01;
	v57, _, _ =	vpop (xrf2);
	v36 =	vadd.f32 s20, v56;
	v56 =	vnsel vm6, $0x0, v40;
	(xrf2) =	vadd.scan.msk.f32 $0xffff, v19;
	s20 =	sadd.f32 s24, s21  }
0x65: {  	[tilespmem:$0x910] =	vst v27;
	s25 =	spop (v2sf);
	(v2sf) =	vpush v57, $0xF;
	v35 =	vmul.f32 v56, v26;
	v26 =	vld [tilespmem:$0x2E0];
	v58 =	vadd.f32 s21, v43;
	v43, _, _ =	vpop (xrf2)  }
0x66: {  	v27 =	vld [tilespmem:$0x2F0];
	[tilespmem:$0x8E0] =	vst v39;
	v33 =	vmul.f32 v33, v24;
	v34 =	vnsel vm8, $0x0, v34;
	s21 =	sadd.f32 s25, s20;
	(v2sf) =	vpush v43, $0xF  }
0x67: {  	v24 =	vld [tilespmem:$0x300];
	vm8 =	vle.f32 v31, $2.550000000e+01;
	[tilespmem:$0x8F0] =	vst v53;
	vm9 =	vle.f32 v32, $2.550000000e+01;
	(xrf2) =	vadd.scan.msk.f32 $0xffff, v20;
	s26 =	spop (v2sf);
	v47, _, _ =	vpop (xrf2)  }
0x68: {  	v32 =	vnsel vm9, $0x0, v32;
	(xrf2) =	vadd.scan.msk.f32 $0xffff, v22;
	v41 =	vadd.f32 s20, v41;
	(v2sf) =	vpush v47, $0xF;
	s20 =	sadd.f32 s26, s21  }
0x69: {  	v59 =	vmul.f32 v34, v21;
	vm10 =	vle.f32 v42, $2.550000000e+01;
	v32 =	vmul.f32 v32, v25;
	(xrf2) =	vadd.scan.msk.f32 $0xffff, v28;
	s28 =	spop (v2sf);
	v49, _, _ =	vpop (xrf2)  }
0x6a: {  	v21 =	vld [tilespmem:$0x310];
	v60 =	vnsel vm10, $0x0, v42;
	vm11 =	vle.f32 v36, $2.550000000e+01;
	v37 =	vadd.f32 s21, v37;
	(xrf2) =	vadd.scan.msk.f32 $0xffff, v26;
	v42, _, _ =	vpop (xrf2);
	s21 =	sadd.f32 s28, s20  }
0x6b: {  	v50 =	vmul.f32 v60, v23;
	v36 =	vnsel vm11, $0x0, v36;
	(xrf2) =	vadd.scan.msk.f32 $0xffff, v27;
	v34, _, _ =	vpop (xrf2);
	s29 =	spop (v2sf);
	(v2sf) =	vpush v49, $0xF  }
0x6c: {  	v23 =	vld [tilespmem:$0x320];
	vm13 =	vle.f32 v58, $2.550000000e+01;
	v38 =	vadd.f32 s20, v38;
	v51, _, _ =	vpop (xrf2);
	(xrf2) =	vadd.scan.msk.f32 $0xffff, v24;
	s20 =	sadd.f32 s29, s21;
	(v2sf) =	vpush v34, $0xF  }
0x6d: {  	[tilespmem:$0x930] =	vst v33;
	v36 =	vmul.f32 v36, v11;
	vm14 =	vle.f32 v41, $2.550000000e+01;
	s30 =	spop (v2sf);
	(v2sf) =	vpush v51, $0xF  }
0x6e: {  	v25 =	vld [tilespmem:$0x330];
	[tilespmem:$0x950] =	vst v32;
	v40 =	vnsel vm13, $0x0, v58;
	v60 =	vnsel vm14, $0x0, v41;
	v52, _, _ =	vpop (xrf2);
	v45 =	vadd.f32 s20, v45;
	s20 =	sadd.f32 s30, s20;
	s31 =	spop (v2sf)  }
0x6f: {  	vm15 =	vle.f32 v37, $2.550000000e+01;
	v62 =	vadd.f32 s21, v63;
	(xrf2) =	vadd.scan.msk.f32 $0xffff, v21;
	(v2sf) =	vpush v52, $0xF;
	s21 =	sadd.f32 $0.0e+00, s31  }
0x70: {  	v30 =	vld [tilespmem:$0x340];
	[tilespmem:$0x920] =	vst v35;
	v40 =	vmul.f32 v40, v1;
	v35 =	vmul.f32 v60, v0;
	v37 =	vnsel vm15, $0x0, v37;
	s22 =	spop (v2sf)  }
0x71: {  	v63 =	vnsel vm12, $0x0, v61;
	vm4 =	vle.f32 v38, $2.550000000e+01;
	v41, _, _ =	vpop (xrf2);
	(xrf2) =	vadd.scan.msk.f32 $0xffff, v23;
	v46 =	vadd.f32 s20, v46;
	s20 =	sadd.f32 s22, s21  }
0x72: {  	v11 =	vld [tilespmem:$0x350];
	[tilespmem:$0x960] =	vst v50;
	v61 =	vadd.f32 $0.0e+00, v31;
	v38 =	vnsel vm4, $0x0, v38;
	v54, _, _ =	vpop (xrf2);
	s23 =	spop (v2sf);
	(v2sf) =	vpush v41, $0xF  }
0x73: {  	v29 =	vld [tilespmem:$0x360];
	vm4 =	vle.f32 v34, $2.550000000e+01;
	vm5 =	vle.f32 v62, $2.550000000e+01;
	(xrf2) =	vadd.scan.msk.f32 $0xffff, v25;
	v55, _, _ =	vpop (xrf2);
	v48 =	vadd.f32 s21, v48;
	s21 =	sadd.f32 s23, s20  }
0x74: {  	v32 =	vld [tilespmem:$0x370];
	[tilespmem:$0x970] =	vst v36;
	v50 =	vnsel vm8, $0x0, v61;
	s24 =	spop (v2sf);
	(v2sf) =	vpush v54, $0xF;
	v56, _, _ =	vpop (xrf2);
	v44 =	vadd.f32 s20, v44  }
0x75: {  	v31 =	vld [tilespmem:$0x380];
	v38 =	vmul.f32 v38, v4;
	(xrf2) =	vadd.scan.msk.f32 $0xffff, v30;
	s20 =	sadd.f32 s24, s21;
	v39 =	vadd.f32 s21, v57;
	s25 =	spop (v2sf);
	(v2sf) =	vpush v55, $0xF;
	v57, _, _ =	vpop (xrf2)  }
0x76: {  	[tilespmem:$0x990] =	vst v40;
	v53 =	vnsel vm5, $0x0, v62;
	v62 =	vmul.f32 v63, v2;
	(v2sf) =	vpush v56, $0xF;
	v33, _, _ =	vpop (xrf2)  }
0x77: {  	v2 =	vld [tilespmem:$0x390];
	v63 =	vmul.f32 v37, v3;
	vm6 =	vle.f32 v45, $2.550000000e+01;
	(xrf2) =	vadd.scan.msk.f32 $0xffff, v11;
	s26 =	spop (v2sf);
	s21 =	sadd.f32 s25, s20;
	(v2sf) =	vpush v33, $0xF  }
0x78: {  	v36 =	vmul.f32 v50, v6;
	v7 =	vmul.f32 v53, v7;
	v45 =	vnsel vm6, $0x0, v45;
	(xrf2) =	vadd.scan.msk.f32 $0xffff, v29  }
0x79: {  	v1 =	vld [tilespmem:$0x3A0];
	[tilespmem:$0x980] =	vst v62;
	v62 =	vadd.f32 $0.0e+00, v34;
	(xrf2) =	vadd.scan.msk.f32 $0xffff, v32;
	v43 =	vadd.f32 s20, v43;
	v58, _, _ =	vpop (xrf2);
	s20 =	sadd.f32 s26, s21  }
0x7a: {  	vm7 =	vle.f32 v46, $2.550000000e+01;
	vm11 =	vle.f32 v39, $2.550000000e+01;
	(xrf2) =	vadd.scan.msk.f32 $0xffff, v31;
	s28 =	spop (v2sf);
	(v2sf) =	vpush v58, $0xF  }
0x7b: {  	v0 =	vld [tilespmem:$0x3B0];
	[tilespmem:$0x9A0] =	vst v35;
	v46 =	vnsel vm7, $0x0, v46;
	v37 =	vnsel vm11, $0x0, v39;
	v39, _, _ =	vpop (xrf2);
	v49 =	vadd.f32 s20, v49;
	s20 =	sadd.f32 s28, s20;
	s29 =	spop (v2sf)  }
0x7c: {  	v47 =	vadd.f32 s21, v47;
	vm12 =	vle.f32 v43, $2.550000000e+01;
	(xrf2) =	vadd.scan.msk.f32 $0xffff, v2;
	s21 =	sadd.f32 $0.0e+00, s29;
	s30 =	spop (v2sf);
	(v2sf) =	vpush v39, $0xF  }
0x7d: {  	v3 =	vld [tilespmem:$0x3C0];
	[tilespmem:$0x9B0] =	vst v63;
	v35 =	vmul.f32 v45, v5;
	vm9 =	vle.f32 v48, $2.550000000e+01;
	v40 =	vnsel vm12, $0x0, v43;
	v43, _, _ =	vpop (xrf2)  }
0x7e: {  	v63 =	vnsel vm4, $0x0, v62;
	(xrf2) =	vadd.scan.msk.f32 $0xffff, v1;
	v42 =	vadd.f32 s20, v42;
	s31 =	spop (v2sf);
	(v2sf) =	vpush v43, $0xF;
	s20 =	sadd.f32 s30, s21  }
0x7f: {  	v4 =	vld [tilespmem:$0x3D0];
	[tilespmem:$0x9D0] =	vst v7;
	v48 =	vnsel vm9, $0x0, v48;
	v8 =	vmul.f32 v46, v8;
	v7 =	vmul.f32 v63, v15;
	v46, _, _ =	vpop (xrf2)  }
0x80: {  	vm10 =	vle.f32 v44, $2.550000000e+01;
	(xrf2) =	vadd.scan.msk.f32 $0xffff, v0;
	v51 =	vadd.f32 s21, v51;
	(v2sf) =	vpush v46, $0xF;
	s21 =	sadd.f32 s31, s20  }
0x81: {  	[tilespmem:$0x940] =	vst v59;
	v5 =	vld [tilespmem:$0x3E0];
	v12 =	vmul.f32 v48, v12;
	vm14 =	vle.f32 v49, $2.550000000e+01;
	v59 =	vadd.f32 s20, v52;
	s22 =	spop (v2sf);
	v52, _, _ =	vpop (xrf2)  }
0x82: {  	v44 =	vnsel vm10, $0x0, v44;
	v60 =	vnsel vm14, $0x0, v49;
	(xrf2) =	vadd.scan.msk.f32 $0xffff, v3;
	(v2sf) =	vpush v52, $0xF;
	v49, _, _ =	vpop (xrf2);
	s20 =	sadd.f32 s22, s21  }
0x83: {  	v13 =	vmul.f32 v44, v13;
	v9 =	vmul.f32 v37, v9;
	vm12 =	vle.f32 v33, $2.550000000e+01;
	s23 =	spop (v2sf);
	v50, _, _ =	vpop (xrf2)  }
0x84: {  	vm13 =	vle.f32 v47, $2.550000000e+01;
	v41 =	vadd.f32 s21, v41;
	v6, _, _ =	vpop (xrf2);
	(xrf2) =	vadd.scan.msk.f32 $0xffff, v4;
	s21 =	sadd.f32 s23, s20;
	s24 =	spop (v2sf);
	(v2sf) =	vpush v49, $0xF  }
0x85: {  	[tilespmem:$0x9C0] =	vst v38;
	v45 =	vnsel vm13, $0x0, v47;
	vm15 =	vle.f32 v42, $2.550000000e+01;
	(v2sf) =	vpush v6, $0xF;
	s25 =	spop (v2sf)  }
0x86: {  	v60 =	vmul.f32 v60, v14;
	v61 =	vnsel vm15, $0x0, v42;
	v34 =	vadd.f32 s20, v54;
	v44, _, _ =	vpop (xrf2);
	(xrf2) =	vadd.scan.msk.f32 $0xffff, v5;
	s20 =	sadd.f32 s24, s21;
	s26 =	spop (v2sf)  }
0x87: {  	[tilespmem:$0xA00] =	vst v36;
	vm5 =	vle.f32 v51, $2.550000000e+01;
	v42 =	vadd.f32 s21, v55;
	(v2sf) =	vpush v44, $0xF;
	s21 =	sadd.f32 $0.0e+00, s26  }
0x88: {  	[tilespmem:$0x9E0] =	vst v35;
	vm6 =	vle.f32 v59, $2.550000000e+01;
	v54 =	vnsel vm5, $0x0, v51;
	v51, _, _ =	vpop (xrf2);
	v35 =	vadd.f32 s20, v56;
	s20 =	sadd.f32 s25, s20  }
0x89: {  	[tilespmem:$0x9F0] =	vst v8;
	v61 =	vmul.f32 v61, v17;
	v59 =	vnsel vm6, $0x0, v59;
	s28 =	spop (v2sf);
	(v2sf) =	vpush v51, $0xF  }
0x8a: {  	[tilespmem:$0xA80] =	vst v7;
	vm7 =	vle.f32 v41, $2.550000000e+01;
	v55 =	vmul.f32 v40, v10;
	v40, _, _ =	vpop (xrf2);
	v36 =	vadd.f32 s20, v57;
	s20 =	sadd.f32 s28, s21  }
0x8b: {  	[tilespmem:$0xA70] =	vst v61;
	v61 =	vadd.f32 $0.0e+00, v33;
	v62 =	vnsel vm7, $0x0, v41;
	s29 =	spop (v2sf);
	(v2sf) =	vpush v40, $0xF  }
0x8c: {  	[tilespmem:$0xA20] =	vst v13;
	v63 =	vmul.f32 v54, v18;
	vm8 =	vle.f32 v34, $2.550000000e+01;
	v13 =	vadd.f32 s21, v58;
	v38, _, _ =	vpop (xrf2);
	s21 =	sadd.f32 s29, s20  }
0x8d: {  	[tilespmem:$0xA10] =	vst v12;
	v47 =	vmul.f32 v62, v20;
	v20 =	vnsel vm12, $0x0, v61;
	s30 =	spop (v2sf);
	(v2sf) =	vpush v38, $0xF  }
0x8e: {  	[tilespmem:$0xA30] =	vst v9;
	v37 =	vnsel vm8, $0x0, v34;
	vm8 =	vle.f32 v6, $2.550000000e+01;
	v41 =	vadd.f32 s20, v39;
	v18, _, _ =	vpop (xrf2);
	s20 =	sadd.f32 s30, s21  }
0x8f: {  	[tilespmem:$0xA60] =	vst v60;
	v56 =	vmul.f32 v45, v16;
	vm9 =	vle.f32 v42, $2.550000000e+01;
	s31 =	spop (v2sf);
	(v2sf) =	vpush v18, $0xF  }
0x90: {  	[tilespmem:$0xA90] =	vst v63;
	v45 =	vmul.f32 v59, v19;
	v54 =	vmul.f32 v37, v22;
	v53 =	vadd.f32 s21, v43;
	v57, _, _ =	vpop (xrf2);
	s21 =	sadd.f32 s31, s20  }
0x91: {  	[tilespmem:$0xA40] =	vst v55;
	v48 =	vnsel vm9, $0x0, v42;
	vm10 =	vle.f32 v35, $2.550000000e+01;
	s22 =	spop (v2sf);
	(v2sf) =	vpush v57, $0xF  }
0x92: {  	[tilespmem:$0xA50] =	vst v56;
	v56 =	vnsel vm10, $0x0, v35;
	vm11 =	vle.f32 v36, $2.550000000e+01;
	v58 =	vadd.f32 s20, v46;
	s20 =	sadd.f32 s22, s21  }
0x93: {  	[tilespmem:$0xAB0] =	vst v47;
	v55 =	vmul.f32 v48, v28;
	v59 =	vmul.f32 v56, v26;
	v26 =	vld [tilespmem:$0x3F0];
	v60 =	vnsel vm11, $0x0, v36;
	s23 =	spop (v2sf)  }
0x94: {  	[tilespmem:$0xAA0] =	vst v45;
	v45 =	vadd.f32 $0.0e+00, v6;
	v62 =	vmul.f32 v60, v27;
	v27 =	vadd.f32 s20, v49;
	s20 =	sadd.f32 s23, s20;
	s24 =	spop (v2sf)  }
0x95: {  	[tilespmem:$0xAC0] =	vst v54;
	v28 =	vmul.f32 v20, v24;
	vm13 =	vle.f32 v13, $2.550000000e+01;
	v63 =	vadd.f32 s21, v52;
	s21 =	sadd.f32 $0.0e+00, s24  }
0x96: {  	v13 =	vnsel vm13, $0x0, v13;
	[tilespmem:$0xAD0] =	vst v55;
	v48 =	vnsel vm8, $0x0, v45;
	vm14 =	vle.f32 v41, $2.550000000e+01;
	s25 =	spop (v2sf)  }
0x97: {  	[tilespmem:$0xB00] =	vst v28;
	v34 =	vmul.f32 v13, v21;
	v8 =	vnsel vm14, $0x0, v41;
	v33 =	vadd.f32 s20, v50;
	s20 =	sadd.f32 s25, s21  }
0x98: {  	vm15 =	vle.f32 v53, $2.550000000e+01;
	v8 =	vmul.f32 v8, v23;
	(xrf2) =	vadd.scan.msk.f32 $0xffff, v26;
	vm4 =	vle.f32 v58, $2.550000000e+01;
	s26 =	spop (v2sf)  }
0x99: {  	[tilespmem:$0xAE0] =	vst v59;
	v12 =	vnsel vm15, $0x0, v53;
	v7 =	vnsel vm4, $0x0, v58;
	v35 =	vadd.f32 s21, v44;
	s21 =	sadd.f32 s26, s20  }
0x9a: {  	[tilespmem:$0xB10] =	vst v34;
	v36 =	vmul.f32 v12, v25;
	v7 =	vmul.f32 v7, v30;
	vm5 =	vle.f32 v63, $2.550000000e+01;
	s28 =	spop (v2sf)  }
0x9b: {  	[tilespmem:$0xAF0] =	vst v62;
	v39 =	vnsel vm5, $0x0, v63;
	vm6 =	vle.f32 v27, $2.550000000e+01;
	v37 =	vadd.f32 s20, v51;
	s20 =	sadd.f32 s28, s21  }
0x9c: {  	v43 =	vmul.f32 v39, v11;
	[tilespmem:$0xB40] =	vst v7;
	v7 =	vmul.f32 v48, v31;
	vm7 =	vle.f32 v33, $2.550000000e+01;
	s29 =	spop (v2sf)  }
0x9d: {  	[tilespmem:$0xB20] =	vst v8;
	v41 =	vnsel vm6, $0x0, v27;
	v44 =	vnsel vm7, $0x0, v33;
	v42 =	vadd.f32 s21, v40;
	s21 =	sadd.f32 s29, s20  }
0x9e: {  	[tilespmem:$0xB30] =	vst v36;
	v9 =	vmul.f32 v41, v29;
	vm9 =	vle.f32 v35, $2.550000000e+01;
	v46 =	vmul.f32 v44, v32;
	s30 =	spop (v2sf)  }
0x9f: {  	[tilespmem:$0xB50] =	vst v43;
	v49 =	vnsel vm9, $0x0, v35;
	vm10 =	vle.f32 v37, $2.550000000e+01;
	v47 =	vadd.f32 s20, v38;
	s20 =	sadd.f32 s30, s21  }
0xa0: {  	[tilespmem:$0xB80] =	vst v7;
	v2 =	vmul.f32 v49, v2;
	v50 =	vnsel vm10, $0x0, v37;
	vm11 =	vle.f32 v42, $2.550000000e+01;
	s31 =	spop (v2sf)  }
0xa1: {  	[tilespmem:$0xB60] =	vst v9;
	v1 =	vmul.f32 v50, v1;
	v52 =	vnsel vm11, $0x0, v42;
	v51 =	vadd.f32 s21, v18;
	s21 =	sadd.f32 s31, s20  }
0xa2: {  	v54, _, _ =	vpop (xrf2);
	[tilespmem:$0xB70] =	vst v46;
	v0 =	vmul.f32 v52, v0;
	vm12 =	vle.f32 v47, $2.550000000e+01;
	v53 =	vadd.f32 s20, v57  }
0xa3: {  	[tilespmem:$0xB90] =	vst v2;
	v55 =	vnsel vm12, $0x0, v47;
	vm13 =	vle.f32 v51, $2.550000000e+01;
	v56 =	vadd.f32 s21, v54  }
0xa4: {  	[tilespmem:$0xBA0] =	vst v1;
	v57 =	vmul.f32 v55, v3;
	v58 =	vnsel vm13, $0x0, v51;
	vm14 =	vle.f32 v53, $2.550000000e+01  }
0xa5: {  	p1 =	sne.s32 s19, $0x700;
	[tilespmem:$0xBB0] =	vst v0;
	v59 =	vmul.f32 v58, v4;
	v60 =	vnsel vm14, $0x0, v53;
	vm15 =	vle.f32 v56, $2.550000000e+01  }
.Ltmp2:
0xa6: {  	[tilespmem:$0xBC0] =	vst v57;
	v61 =	vmul.f32 v60, v5;
	v62 =	vnsel vm15, $0x0, v56;
	(pc) =	sbr.rel @p1 .LBB2_4-.Ltmp2, $4  }
0xa7: {  	[tilespmem:$0xBD0] =	vst v59;
	v63 =	vmul.f32 v62, v26  }
0xa8: {  	[tilespmem:$0xBE0] =	vst v61  }
0xa9: {  	s20 =	sadd.s32 s19, s6;
	[tilespmem:$0xBF0] =	vst v63  }
0xaa: {  	[hbm4b:s20+s2] =	stream.linear.scatter [tilespmem:s11], [sflag:$0x3], $0x400, $0x38;
	[tilespmem:$0x1000] =	vst v63  }
.Ltmp3:
0xab: {  	(pc) =	sbr.rel .LBB2_5-.Ltmp3, $4  }
0xac: {  	_ = 	snop  }
0xad: {  	_ =	swait.ge [sflag:s12], $0x400  }
0xae: {  	[sflag:s12] =	ssyncset.done $0x0  }
0xaf: {  	[sflag:s12] =	ssyncadd.s32 $0xFFFFFC00  }
.LBB2_4:
.Ltmp4:
0xb0: {  	(pc) =	sbr.rel @p0 .LBB2_6-.Ltmp4, $4  }
0xb1: {  	[tilespmem:s2], [sflag:$0x1] =	stream.linear.gather [hbm4b:s17+s2], $0x400, $0x38;
	[tilespmem:$0x1000] =	vst v63  }
0xb2: {  	_ =	swait.ge [sflag:s12], $0x400  }
0xb3: {  	[sflag:s12] =	ssyncset.done $0x0  }
0xb4: {  	[sflag:s12] =	ssyncadd.s32 $0xFFFFFC00  }
.LBB2_5:
0xb5: {  	_ =	swait.ge [sflag:s13], $0x400  }
0xb6: {  	[sflag:s13] =	ssyncset.done $0x0  }
0xb7: {  	[sflag:s13] =	ssyncadd.s32 $0xFFFFFC00  }
.LBB2_6:
0xb8: {  	v0 =	vld [tilespmem:$0x400];
	_ =	sdelay $0x1  }
0xb9: {  	v3 =	vld [tilespmem:$0x410];
	_ =	sdelay $0x1  }
0xba: {  	v4 =	vld [tilespmem:$0x420]  }
0xbb: {  	(xrf2) =	vadd.scan.msk.f32 $0xffff, v0  }
0xbc: {  	v7 =	vld [tilespmem:$0x430]  }
0xbd: {  	(xrf2) =	vadd.scan.msk.f32 $0xffff, v3  }
0xbe: {  	v12 =	vld [tilespmem:$0x440]  }
0xbf: {  	(xrf2) =	vadd.scan.msk.f32 $0xffff, v4  }
0xc0: {  	v5 =	vld [tilespmem:$0x450]  }
0xc1: {  	(xrf2) =	vadd.scan.msk.f32 $0xffff, v7  }
0xc2: {  	v8 =	vld [tilespmem:$0x460]  }
0xc3: {  	(xrf2) =	vadd.scan.msk.f32 $0xffff, v12;
	_ =	sdelay $0x1  }
0xc4: {  	(xrf2) =	vadd.scan.msk.f32 $0xffff, v5;
	v1, _, _ =	vpop (xrf2)  }
0xc5: {  	v6 =	vld [tilespmem:$0x470];
	(v2sf) =	vpush v1, $0xF  }
0xc6: {  	v13 =	vld [tilespmem:$0x480];
	(xrf2) =	vadd.scan.msk.f32 $0xffff, v8;
	v2, _, _ =	vpop (xrf2)  }
0xc7: {  	v9 =	vld [tilespmem:$0x490];
	(v2sf) =	vpush v2, $0xF  }
0xc8: {  	v16 =	vld [tilespmem:$0x4A0];
	v18, _, _ =	vpop (xrf2)  }
0xc9: {  	v10 =	vld [tilespmem:$0x4B0];
	(v2sf) =	vpush v18, $0xF  }
0xca: {  	v14 =	vld [tilespmem:$0x4C0];
	(xrf2) =	vadd.scan.msk.f32 $0xffff, v6;
	v28, _, _ =	vpop (xrf2)  }
0xcb: {  	v15 =	vld [tilespmem:$0x4D0];
	(xrf2) =	vadd.scan.msk.f32 $0xffff, v13;
	(v2sf) =	vpush v28, $0xF  }
0xcc: {  	(xrf2) =	vadd.scan.msk.f32 $0xffff, v9;
	v29, _, _ =	vpop (xrf2)  }
0xcd: {  	v19 =	vld [tilespmem:$0x4E0];
	(xrf2) =	vadd.scan.msk.f32 $0xffff, v16;
	(v2sf) =	vpush v29, $0xF  }
0xce: {  	v20 =	vld [tilespmem:$0x4F0];
	(xrf2) =	vadd.scan.msk.f32 $0xffff, v10;
	v32, _, _ =	vpop (xrf2)  }
0xcf: {  	v22 =	vld [tilespmem:$0x500];
	(xrf2) =	vadd.scan.msk.f32 $0xffff, v14;
	(v2sf) =	vpush v32, $0xF  }
0xd0: {  	v33, _, _ =	vpop (xrf2);
	(xrf2) =	vadd.scan.msk.f32 $0xffff, v15  }
0xd1: {  	v27 =	vld [tilespmem:$0x510];
	(v2sf) =	vpush v33, $0xF  }
0xd2: {  	(xrf2) =	vadd.scan.msk.f32 $0xffff, v19  }
0xd3: {  	v26 =	vld [tilespmem:$0x520];
	(xrf2) =	vadd.scan.msk.f32 $0xffff, v20  }
0xd4: {  	v34, _, _ =	vpop (xrf2);
	(xrf2) =	vadd.scan.msk.f32 $0xffff, v22;
	s21 =	spop (v2sf)  }
0xd5: {  	v24 =	vld [tilespmem:$0x530];
	v35, _, _ =	vpop (xrf2);
	s21 =	sadd.f32 $0.0e+00, s21  }
0xd6: {  	v11 =	vadd.f32 $0.0e+00, v1;
	(v2sf) =	vpush v35, $0xF;
	(xrf2) =	vadd.scan.msk.f32 $0xffff, v27;
	v36, _, _ =	vpop (xrf2);
	s22 =	spop (v2sf)  }
0xd7: {  	v21 =	vld [tilespmem:$0x540];
	vm0 =	vle.f32 v1, $2.550000000e+01;
	(v2sf) =	vpush v36, $0xF;
	v37, _, _ =	vpop (xrf2);
	s22 =	sadd.f32 s22, s21  }
0xd8: {  	v25 =	vld [tilespmem:$0x550];
	v1 =	vnsel vm0, $0x0, v11;
	(xrf2) =	vadd.scan.msk.f32 $0xffff, v26;
	v38, _, _ =	vpop (xrf2);
	(v2sf) =	vpush v37, $0xF;
	s23 =	spop (v2sf)  }
0xd9: {  	v23 =	vld [tilespmem:$0x560];
	v0 =	vmul.f32 v1, v0;
	v39, _, _ =	vpop (xrf2);
	(v2sf) =	vpush v38, $0xF;
	s25 =	sadd.f32 s23, s22  }
0xda: {  	v11 =	vld [tilespmem:$0x570];
	(xrf2) =	vadd.scan.msk.f32 $0xffff, v24;
	v30, _, _ =	vpop (xrf2);
	(v2sf) =	vpush v39, $0xF;
	v61 =	vadd.f32 s21, v2;
	s26 =	spop (v2sf)  }
0xdb: {  	[tilespmem:$0xC00] =	vst v0;
	v2 =	vld [tilespmem:$0x580];
	(v2sf) =	vpush v30, $0xF;
	s28 =	sadd.f32 s26, s25  }
0xdc: {  	v17, _, _ =	vpop (xrf2);
	(xrf2) =	vadd.scan.msk.f32 $0xffff, v21;
	s29 =	spop (v2sf);
	vm14 =	vle.f32 v61, $2.550000000e+01;
	v62 =	vadd.f32 s22, v18;
	v40 =	vadd.f32 s25, v28  }
0xdd: {  	v1 =	vld [tilespmem:$0x590];
	v54 =	vadd.f32 $0.0e+00, v35;
	v63, _, _ =	vpop (xrf2);
	(xrf2) =	vadd.scan.msk.f32 $0xffff, v25;
	(v2sf) =	vpush v17, $0xF;
	v31 =	vnsel vm14, $0x0, v61;
	s21 =	sadd.f32 s29, s28  }
0xde: {  	(xrf2) =	vadd.scan.msk.f32 $0xffff, v23;
	s30 =	spop (v2sf);
	v28, _, _ =	vpop (xrf2);
	v3 =	vmul.f32 v31, v3;
	vm15 =	vle.f32 v62, $2.550000000e+01;
	vm4 =	vle.f32 v40, $2.550000000e+01  }
0xdf: {  	(xrf2) =	vadd.scan.msk.f32 $0xffff, v11;
	(v2sf) =	vpush v28, $0xF;
	v41 =	vnsel vm15, $0x0, v62;
	v40 =	vnsel vm4, $0x0, v40;
	s22 =	sadd.f32 s30, s21  }
0xe0: {  	v0 =	vld [tilespmem:$0x5A0];
	vm9 =	vle.f32 v35, $2.550000000e+01;
	s31 =	spop (v2sf);
	(xrf2) =	vadd.scan.msk.f32 $0xffff, v2;
	v29 =	vadd.f32 s28, v29;
	v31, _, _ =	vpop (xrf2);
	v4 =	vmul.f32 v41, v4  }
0xe1: {  	[tilespmem:$0xC10] =	vst v3;
	v3 =	vld [tilespmem:$0x5B0];
	v41 =	vnsel vm9, $0x0, v54;
	(v2sf) =	vpush v31, $0xF;
	v32 =	vadd.f32 s21, v32;
	s21 =	sadd.f32 s31, s22  }
0xe2: {  	(xrf2) =	vadd.scan.msk.f32 $0xffff, v1;
	v41 =	vmul.f32 v41, v13;
	v7 =	vmul.f32 v40, v7;
	vm5 =	vle.f32 v29, $2.550000000e+01;
	v40, _, _ =	vpop (xrf2)  }
0xe3: {  	[tilespmem:$0xC20] =	vst v4;
	vm6 =	vle.f32 v32, $2.550000000e+01;
	(v2sf) =	vpush v40, $0xF;
	v50 =	vadd.f32 s21, v34  }
0xe4: {  	v4 =	vld [tilespmem:$0x5C0];
	v45 =	vnsel vm5, $0x0, v29;
	[tilespmem:$0xC30] =	vst v7;
	v47 =	vadd.f32 s22, v33;
	v48, _, _ =	vpop (xrf2);
	v49 =	vnsel vm6, $0x0, v32  }
0xe5: {  	s23 =	spop (v2sf);
	(xrf2) =	vadd.scan.msk.f32 $0xffff, v0;
	(v2sf) =	vpush v48, $0xF;
	v29 =	vmul.f32 v49, v5;
	vm8 =	vle.f32 v50, $2.550000000e+01  }
0xe6: {  	v46 =	vmul.f32 v45, v12;
	v7 =	vld [tilespmem:$0x5D0];
	(xrf2) =	vadd.scan.msk.f32 $0xffff, v3;
	vm7 =	vle.f32 v47, $2.550000000e+01;
	s21 =	sadd.f32 $0.0e+00, s23;
	v51, _, _ =	vpop (xrf2);
	v52 =	vnsel vm8, $0x0, v50  }
0xe7: {  	s24 =	spop (v2sf);
	v5 =	vld [tilespmem:$0x5E0];
	v12 =	vnsel vm7, $0x0, v47;
	(v2sf) =	vpush v51, $0xF;
	[tilespmem:$0xC50] =	vst v29;
	v29 =	vmul.f32 v52, v6  }
0xe8: {  	s25 =	spop (v2sf);
	v53, _, _ =	vpop (xrf2);
	v12 =	vmul.f32 v12, v8;
	s22 =	sadd.f32 s24, s21;
	v8 =	vld [tilespmem:$0x5F0]  }
0xe9: {  	[tilespmem:$0xC80] =	vst v41;
	(xrf2) =	vadd.scan.msk.f32 $0xffff, v4;
	v47 =	vadd.f32 $0.0e+00, v28;
	(v2sf) =	vpush v53, $0xF;
	v42, _, _ =	vpop (xrf2);
	s24 =	spop (v2sf);
	v6 =	vld [tilespmem:$0x600]  }
0xea: {  	vm5 =	vle.f32 v28, $2.550000000e+01;
	v55 =	vadd.f32 s21, v36;
	v56, _, _ =	vpop (xrf2);
	s28 =	spop (v2sf);
	(v2sf) =	vpush v42, $0xF;
	[tilespmem:$0xC60] =	vst v12;
	s26 =	sadd.f32 s25, s22  }
0xeb: {  	v54 =	vnsel vm5, $0x0, v47;
	v12 =	vld [tilespmem:$0x610];
	v37 =	vadd.f32 s22, v37;
	[tilespmem:$0xC70] =	vst v29;
	v29, _, _ =	vpop (xrf2);
	(xrf2) =	vadd.scan.msk.f32 $0xffff, v7  }
0xec: {  	vm10 =	vle.f32 v55, $2.550000000e+01;
	s30 =	spop (v2sf);
	s29 =	sadd.f32 s24, s26;
	v38 =	vadd.f32 s26, v38;
	(v2sf) =	vpush v29, $0xF;
	(xrf2) =	vadd.scan.msk.f32 $0xffff, v5  }
0xed: {  	v13 =	vld [tilespmem:$0x620];
	v35 =	vnsel vm10, $0x0, v55;
	s31 =	spop (v2sf);
	v55 =	vmul.f32 v54, v22;
	vm11 =	vle.f32 v37, $2.550000000e+01;
	v43, _, _ =	vpop (xrf2);
	(xrf2) =	vadd.scan.msk.f32 $0xffff, v8  }
0xee: {  	v37 =	vnsel vm11, $0x0, v37;
	s23 =	sadd.f32 s28, s29;
	s25 =	spop (v2sf);
	vm12 =	vle.f32 v38, $2.550000000e+01;
	(v2sf) =	vpush v43, $0xF;
	(xrf2) =	vadd.scan.msk.f32 $0xffff, v6  }
0xef: {  	[tilespmem:$0xC40] =	vst v46;
	v35 =	vmul.f32 v35, v9;
	v9 =	vld [tilespmem:$0x630];
	v39 =	vadd.f32 s29, v39;
	s22 =	sadd.f32 $0.0e+00, s25;
	v57 =	vnsel vm12, $0x0, v38;
	v41, _, _ =	vpop (xrf2)  }
0xf0: {  	v16 =	vmul.f32 v37, v16;
	s24 =	sadd.f32 s30, s23;
	s26 =	spop (v2sf);
	v58 =	vmul.f32 v57, v10;
	v10 =	vld [tilespmem:$0x640];
	(v2sf) =	vpush v41, $0xF;
	(xrf2) =	vadd.scan.msk.f32 $0xffff, v12  }
0xf1: {  	[tilespmem:$0xD00] =	vst v55;
	vm13 =	vle.f32 v39, $2.550000000e+01;
	s28 =	sadd.f32 s26, s22;
	v37, _, _ =	vpop (xrf2)  }
0xf2: {  	v30 =	vadd.f32 s23, v30;
	[tilespmem:$0xCA0] =	vst v16;
	v16 =	vld [tilespmem:$0x650];
	s21 =	sadd.f32 s31, s24;
	(v2sf) =	vpush v37, $0xF;
	(xrf2) =	vadd.scan.msk.f32 $0xffff, v13;
	s29 =	spop (v2sf)  }
0xf3: {  	[tilespmem:$0xC90] =	vst v35;
	vm12 =	vle.f32 v29, $2.550000000e+01;
	v59 =	vnsel vm13, $0x0, v39;
	v52 =	vadd.f32 s22, v31;
	v38, _, _ =	vpop (xrf2);
	s25 =	sadd.f32 s29, s28  }
0xf4: {  	v60 =	vmul.f32 v59, v14;
	vm14 =	vle.f32 v30, $2.550000000e+01;
	v14 =	vld [tilespmem:$0x660];
	(xrf2) =	vadd.scan.msk.f32 $0xffff, v9;
	s30 =	spop (v2sf);
	(v2sf) =	vpush v38, $0xF  }
0xf5: {  	v61 =	vadd.f32 s24, v17;
	v17 =	vld [tilespmem:$0x670];
	v30 =	vnsel vm14, $0x0, v30;
	v44 =	vadd.f32 s21, v63;
	s31 =	sadd.f32 s30, s25;
	v63, _, _ =	vpop (xrf2);
	(xrf2) =	vadd.scan.msk.f32 $0xffff, v10  }
0xf6: {  	[tilespmem:$0xCB0] =	vst v58;
	vm1 =	vle.f32 v52, $2.550000000e+01;
	v62 =	vmul.f32 v30, v15;
	v15 =	vld [tilespmem:$0x680];
	s24 =	spop (v2sf);
	(v2sf) =	vpush v63, $0xF;
	v45, _, _ =	vpop (xrf2)  }
0xf7: {  	v18 =	vld [tilespmem:$0x690];
	v40 =	vadd.f32 s28, v40;
	vm15 =	vle.f32 v61, $2.550000000e+01;
	v35 =	vnsel vm1, $0x0, v52;
	s22 =	sadd.f32 s24, s31;
	(xrf2) =	vadd.scan.msk.f32 $0xffff, v16;
	v46, _, _ =	vpop (xrf2)  }
0xf8: {  	[tilespmem:$0xCC0] =	vst v60;
	v39 =	vnsel vm15, $0x0, v61;
	vm4 =	vle.f32 v44, $2.550000000e+01;
	s26 =	spop (v2sf);
	(v2sf) =	vpush v45, $0xF;
	v31, _, _ =	vpop (xrf2)  }
0xf9: {  	v39 =	vmul.f32 v39, v19;
	v19 =	vld [tilespmem:$0x6A0];
	v44 =	vnsel vm4, $0x0, v44;
	s21 =	sadd.f32 s26, s22;
	(xrf2) =	vadd.scan.msk.f32 $0xffff, v14;
	(v2sf) =	vpush v31, $0xF  }
0xfa: {  	vm6 =	vle.f32 v40, $2.550000000e+01;
	v33 =	vadd.f32 s25, v48;
	s28 =	spop (v2sf);
	v34 =	vadd.f32 s31, v51;
	v48, _, _ =	vpop (xrf2);
	(xrf2) =	vadd.scan.msk.f32 $0xffff, v17  }
0xfb: {  	v27 =	vmul.f32 v35, v27;
	v42 =	vadd.f32 s21, v42;
	s21 =	sadd.f32 s28, s21;
	(v2sf) =	vpush v48, $0xF;
	(xrf2) =	vadd.scan.msk.f32 $0xffff, v15;
	s29 =	spop (v2sf)  }
0xfc: {  	vm7 =	vle.f32 v33, $2.550000000e+01;
	v32 =	vadd.f32 s22, v53;
	v53 =	vmul.f32 v44, v20;
	v20 =	vld [tilespmem:$0x6B0];
	v44, _, _ =	vpop (xrf2);
	(xrf2) =	vadd.scan.msk.f32 $0xffff, v18;
	s22 =	sadd.f32 $0.0e+00, s29  }
0xfd: {  	v22 =	vld [tilespmem:$0x6C0];
	v61 =	vadd.f32 $0.0e+00, v29;
	[tilespmem:$0xCD0] =	vst v62;
	v33 =	vnsel vm7, $0x0, v33;
	s30 =	spop (v2sf);
	(v2sf) =	vpush v44, $0xF  }
0xfe: {  	v28 =	vld [tilespmem:$0x6D0];
	vm8 =	vle.f32 v34, $2.550000000e+01;
	v57, _, _ =	vpop (xrf2);
	v36 =	vadd.f32 s21, v56;
	v56 =	vnsel vm6, $0x0, v40;
	(xrf2) =	vadd.scan.msk.f32 $0xffff, v19;
	s21 =	sadd.f32 s30, s22  }
0xff: {  	[tilespmem:$0xD10] =	vst v27;
	s31 =	spop (v2sf);
	(v2sf) =	vpush v57, $0xF;
	v35 =	vmul.f32 v56, v26;
	v26 =	vld [tilespmem:$0x6E0];
	v58 =	vadd.f32 s22, v43;
	v43, _, _ =	vpop (xrf2)  }
0x100: {  	v27 =	vld [tilespmem:$0x6F0];
	[tilespmem:$0xCE0] =	vst v39;
	v33 =	vmul.f32 v33, v24;
	v34 =	vnsel vm8, $0x0, v34;
	s22 =	sadd.f32 s31, s21;
	(v2sf) =	vpush v43, $0xF  }
0x101: {  	v24 =	vld [tilespmem:$0x700];
	vm8 =	vle.f32 v31, $2.550000000e+01;
	[tilespmem:$0xCF0] =	vst v53;
	vm9 =	vle.f32 v32, $2.550000000e+01;
	(xrf2) =	vadd.scan.msk.f32 $0xffff, v20;
	s23 =	spop (v2sf);
	v47, _, _ =	vpop (xrf2)  }
0x102: {  	v32 =	vnsel vm9, $0x0, v32;
	(xrf2) =	vadd.scan.msk.f32 $0xffff, v22;
	v41 =	vadd.f32 s21, v41;
	(v2sf) =	vpush v47, $0xF;
	s21 =	sadd.f32 s23, s22  }
0x103: {  	v59 =	vmul.f32 v34, v21;
	vm10 =	vle.f32 v42, $2.550000000e+01;
	v32 =	vmul.f32 v32, v25;
	(xrf2) =	vadd.scan.msk.f32 $0xffff, v28;
	s24 =	spop (v2sf);
	v49, _, _ =	vpop (xrf2)  }
0x104: {  	v21 =	vld [tilespmem:$0x710];
	v60 =	vnsel vm10, $0x0, v42;
	vm11 =	vle.f32 v36, $2.550000000e+01;
	v37 =	vadd.f32 s22, v37;
	(xrf2) =	vadd.scan.msk.f32 $0xffff, v26;
	v42, _, _ =	vpop (xrf2);
	s22 =	sadd.f32 s24, s21  }
0x105: {  	v50 =	vmul.f32 v60, v23;
	v36 =	vnsel vm11, $0x0, v36;
	(xrf2) =	vadd.scan.msk.f32 $0xffff, v27;
	v34, _, _ =	vpop (xrf2);
	s25 =	spop (v2sf);
	(v2sf) =	vpush v49, $0xF  }
0x106: {  	v23 =	vld [tilespmem:$0x720];
	vm13 =	vle.f32 v58, $2.550000000e+01;
	v38 =	vadd.f32 s21, v38;
	v51, _, _ =	vpop (xrf2);
	(xrf2) =	vadd.scan.msk.f32 $0xffff, v24;
	s21 =	sadd.f32 s25, s22;
	(v2sf) =	vpush v34, $0xF  }
0x107: {  	[tilespmem:$0xD30] =	vst v33;
	v36 =	vmul.f32 v36, v11;
	vm14 =	vle.f32 v41, $2.550000000e+01;
	s26 =	spop (v2sf);
	(v2sf) =	vpush v51, $0xF  }
0x108: {  	v25 =	vld [tilespmem:$0x730];
	[tilespmem:$0xD50] =	vst v32;
	v40 =	vnsel vm13, $0x0, v58;
	v60 =	vnsel vm14, $0x0, v41;
	v52, _, _ =	vpop (xrf2);
	v45 =	vadd.f32 s21, v45;
	s21 =	sadd.f32 s26, s21;
	s28 =	spop (v2sf)  }
0x109: {  	vm15 =	vle.f32 v37, $2.550000000e+01;
	v62 =	vadd.f32 s22, v63;
	(xrf2) =	vadd.scan.msk.f32 $0xffff, v21;
	(v2sf) =	vpush v52, $0xF;
	s22 =	sadd.f32 $0.0e+00, s28  }
0x10a: {  	v30 =	vld [tilespmem:$0x740];
	[tilespmem:$0xD20] =	vst v35;
	v40 =	vmul.f32 v40, v1;
	v35 =	vmul.f32 v60, v0;
	v37 =	vnsel vm15, $0x0, v37;
	s29 =	spop (v2sf)  }
0x10b: {  	v63 =	vnsel vm12, $0x0, v61;
	vm4 =	vle.f32 v38, $2.550000000e+01;
	v41, _, _ =	vpop (xrf2);
	(xrf2) =	vadd.scan.msk.f32 $0xffff, v23;
	v46 =	vadd.f32 s21, v46;
	s21 =	sadd.f32 s29, s22  }
0x10c: {  	v11 =	vld [tilespmem:$0x750];
	[tilespmem:$0xD60] =	vst v50;
	v61 =	vadd.f32 $0.0e+00, v31;
	v38 =	vnsel vm4, $0x0, v38;
	v54, _, _ =	vpop (xrf2);
	s30 =	spop (v2sf);
	(v2sf) =	vpush v41, $0xF  }
0x10d: {  	v29 =	vld [tilespmem:$0x760];
	vm4 =	vle.f32 v34, $2.550000000e+01;
	vm5 =	vle.f32 v62, $2.550000000e+01;
	(xrf2) =	vadd.scan.msk.f32 $0xffff, v25;
	v55, _, _ =	vpop (xrf2);
	v48 =	vadd.f32 s22, v48;
	s22 =	sadd.f32 s30, s21  }
0x10e: {  	v32 =	vld [tilespmem:$0x770];
	[tilespmem:$0xD70] =	vst v36;
	v50 =	vnsel vm8, $0x0, v61;
	s31 =	spop (v2sf);
	(v2sf) =	vpush v54, $0xF;
	v56, _, _ =	vpop (xrf2);
	v44 =	vadd.f32 s21, v44  }
0x10f: {  	v31 =	vld [tilespmem:$0x780];
	v38 =	vmul.f32 v38, v4;
	(xrf2) =	vadd.scan.msk.f32 $0xffff, v30;
	s21 =	sadd.f32 s31, s22;
	v39 =	vadd.f32 s22, v57;
	s23 =	spop (v2sf);
	(v2sf) =	vpush v55, $0xF;
	v57, _, _ =	vpop (xrf2)  }
0x110: {  	[tilespmem:$0xD90] =	vst v40;
	v53 =	vnsel vm5, $0x0, v62;
	v62 =	vmul.f32 v63, v2;
	(v2sf) =	vpush v56, $0xF;
	v33, _, _ =	vpop (xrf2)  }
0x111: {  	v2 =	vld [tilespmem:$0x790];
	v63 =	vmul.f32 v37, v3;
	vm6 =	vle.f32 v45, $2.550000000e+01;
	(xrf2) =	vadd.scan.msk.f32 $0xffff, v11;
	s24 =	spop (v2sf);
	s22 =	sadd.f32 s23, s21;
	(v2sf) =	vpush v33, $0xF  }
0x112: {  	v36 =	vmul.f32 v50, v6;
	v7 =	vmul.f32 v53, v7;
	v45 =	vnsel vm6, $0x0, v45;
	(xrf2) =	vadd.scan.msk.f32 $0xffff, v29  }
0x113: {  	v1 =	vld [tilespmem:$0x7A0];
	[tilespmem:$0xD80] =	vst v62;
	v62 =	vadd.f32 $0.0e+00, v34;
	(xrf2) =	vadd.scan.msk.f32 $0xffff, v32;
	v43 =	vadd.f32 s21, v43;
	v58, _, _ =	vpop (xrf2);
	s21 =	sadd.f32 s24, s22  }
0x114: {  	vm7 =	vle.f32 v46, $2.550000000e+01;
	vm11 =	vle.f32 v39, $2.550000000e+01;
	(xrf2) =	vadd.scan.msk.f32 $0xffff, v31;
	s25 =	spop (v2sf);
	(v2sf) =	vpush v58, $0xF  }
0x115: {  	v0 =	vld [tilespmem:$0x7B0];
	[tilespmem:$0xDA0] =	vst v35;
	v46 =	vnsel vm7, $0x0, v46;
	v37 =	vnsel vm11, $0x0, v39;
	v39, _, _ =	vpop (xrf2);
	v49 =	vadd.f32 s21, v49;
	s21 =	sadd.f32 s25, s21;
	s26 =	spop (v2sf)  }
0x116: {  	v47 =	vadd.f32 s22, v47;
	vm12 =	vle.f32 v43, $2.550000000e+01;
	(xrf2) =	vadd.scan.msk.f32 $0xffff, v2;
	s22 =	sadd.f32 $0.0e+00, s26;
	s28 =	spop (v2sf);
	(v2sf) =	vpush v39, $0xF  }
0x117: {  	v3 =	vld [tilespmem:$0x7C0];
	[tilespmem:$0xDB0] =	vst v63;
	v35 =	vmul.f32 v45, v5;
	vm9 =	vle.f32 v48, $2.550000000e+01;
	v40 =	vnsel vm12, $0x0, v43;
	v43, _, _ =	vpop (xrf2)  }
0x118: {  	v63 =	vnsel vm4, $0x0, v62;
	(xrf2) =	vadd.scan.msk.f32 $0xffff, v1;
	v42 =	vadd.f32 s21, v42;
	s29 =	spop (v2sf);
	(v2sf) =	vpush v43, $0xF;
	s21 =	sadd.f32 s28, s22  }
0x119: {  	v4 =	vld [tilespmem:$0x7D0];
	[tilespmem:$0xDD0] =	vst v7;
	v48 =	vnsel vm9, $0x0, v48;
	v8 =	vmul.f32 v46, v8;
	v7 =	vmul.f32 v63, v15;
	v46, _, _ =	vpop (xrf2)  }
0x11a: {  	vm10 =	vle.f32 v44, $2.550000000e+01;
	(xrf2) =	vadd.scan.msk.f32 $0xffff, v0;
	v51 =	vadd.f32 s22, v51;
	(v2sf) =	vpush v46, $0xF;
	s22 =	sadd.f32 s29, s21  }
0x11b: {  	[tilespmem:$0xD40] =	vst v59;
	v5 =	vld [tilespmem:$0x7E0];
	v12 =	vmul.f32 v48, v12;
	vm14 =	vle.f32 v49, $2.550000000e+01;
	v59 =	vadd.f32 s21, v52;
	s30 =	spop (v2sf);
	v52, _, _ =	vpop (xrf2)  }
0x11c: {  	v44 =	vnsel vm10, $0x0, v44;
	v60 =	vnsel vm14, $0x0, v49;
	(xrf2) =	vadd.scan.msk.f32 $0xffff, v3;
	(v2sf) =	vpush v52, $0xF;
	v49, _, _ =	vpop (xrf2);
	s21 =	sadd.f32 s30, s22  }
0x11d: {  	v13 =	vmul.f32 v44, v13;
	v9 =	vmul.f32 v37, v9;
	vm12 =	vle.f32 v33, $2.550000000e+01;
	s31 =	spop (v2sf);
	v50, _, _ =	vpop (xrf2)  }
0x11e: {  	vm13 =	vle.f32 v47, $2.550000000e+01;
	v41 =	vadd.f32 s22, v41;
	v6, _, _ =	vpop (xrf2);
	(xrf2) =	vadd.scan.msk.f32 $0xffff, v4;
	s22 =	sadd.f32 s31, s21;
	s23 =	spop (v2sf);
	(v2sf) =	vpush v49, $0xF  }
0x11f: {  	[tilespmem:$0xDC0] =	vst v38;
	v45 =	vnsel vm13, $0x0, v47;
	vm15 =	vle.f32 v42, $2.550000000e+01;
	(v2sf) =	vpush v6, $0xF;
	s24 =	spop (v2sf)  }
0x120: {  	v60 =	vmul.f32 v60, v14;
	v61 =	vnsel vm15, $0x0, v42;
	v34 =	vadd.f32 s21, v54;
	v44, _, _ =	vpop (xrf2);
	(xrf2) =	vadd.scan.msk.f32 $0xffff, v5;
	s21 =	sadd.f32 s23, s22;
	s25 =	spop (v2sf)  }
0x121: {  	[tilespmem:$0xE00] =	vst v36;
	vm5 =	vle.f32 v51, $2.550000000e+01;
	v42 =	vadd.f32 s22, v55;
	(v2sf) =	vpush v44, $0xF;
	s22 =	sadd.f32 $0.0e+00, s25  }
0x122: {  	[tilespmem:$0xDE0] =	vst v35;
	vm6 =	vle.f32 v59, $2.550000000e+01;
	v54 =	vnsel vm5, $0x0, v51;
	v51, _, _ =	vpop (xrf2);
	v35 =	vadd.f32 s21, v56;
	s21 =	sadd.f32 s24, s21  }
0x123: {  	[tilespmem:$0xDF0] =	vst v8;
	v61 =	vmul.f32 v61, v17;
	v59 =	vnsel vm6, $0x0, v59;
	s26 =	spop (v2sf);
	(v2sf) =	vpush v51, $0xF  }
0x124: {  	[tilespmem:$0xE80] =	vst v7;
	vm7 =	vle.f32 v41, $2.550000000e+01;
	v55 =	vmul.f32 v40, v10;
	v40, _, _ =	vpop (xrf2);
	v36 =	vadd.f32 s21, v57;
	s21 =	sadd.f32 s26, s22  }
0x125: {  	[tilespmem:$0xE70] =	vst v61;
	v61 =	vadd.f32 $0.0e+00, v33;
	v62 =	vnsel vm7, $0x0, v41;
	s28 =	spop (v2sf);
	(v2sf) =	vpush v40, $0xF  }
0x126: {  	[tilespmem:$0xE20] =	vst v13;
	v63 =	vmul.f32 v54, v18;
	vm8 =	vle.f32 v34, $2.550000000e+01;
	v13 =	vadd.f32 s22, v58;
	v38, _, _ =	vpop (xrf2);
	s22 =	sadd.f32 s28, s21  }
0x127: {  	[tilespmem:$0xE10] =	vst v12;
	v47 =	vmul.f32 v62, v20;
	v20 =	vnsel vm12, $0x0, v61;
	s29 =	spop (v2sf);
	(v2sf) =	vpush v38, $0xF  }
0x128: {  	[tilespmem:$0xE30] =	vst v9;
	v37 =	vnsel vm8, $0x0, v34;
	vm8 =	vle.f32 v6, $2.550000000e+01;
	v41 =	vadd.f32 s21, v39;
	v18, _, _ =	vpop (xrf2);
	s21 =	sadd.f32 s29, s22  }
0x129: {  	[tilespmem:$0xE60] =	vst v60;
	v56 =	vmul.f32 v45, v16;
	vm9 =	vle.f32 v42, $2.550000000e+01;
	s30 =	spop (v2sf);
	(v2sf) =	vpush v18, $0xF  }
0x12a: {  	[tilespmem:$0xE90] =	vst v63;
	v45 =	vmul.f32 v59, v19;
	v54 =	vmul.f32 v37, v22;
	v53 =	vadd.f32 s22, v43;
	v57, _, _ =	vpop (xrf2);
	s22 =	sadd.f32 s30, s21  }
0x12b: {  	[tilespmem:$0xE40] =	vst v55;
	v48 =	vnsel vm9, $0x0, v42;
	vm10 =	vle.f32 v35, $2.550000000e+01;
	s31 =	spop (v2sf);
	(v2sf) =	vpush v57, $0xF  }
0x12c: {  	[tilespmem:$0xE50] =	vst v56;
	v56 =	vnsel vm10, $0x0, v35;
	vm11 =	vle.f32 v36, $2.550000000e+01;
	v58 =	vadd.f32 s21, v46;
	s21 =	sadd.f32 s31, s22  }
0x12d: {  	[tilespmem:$0xEB0] =	vst v47;
	v55 =	vmul.f32 v48, v28;
	v59 =	vmul.f32 v56, v26;
	v26 =	vld [tilespmem:$0x7F0];
	v60 =	vnsel vm11, $0x0, v36;
	s23 =	spop (v2sf)  }
0x12e: {  	[tilespmem:$0xEA0] =	vst v45;
	v45 =	vadd.f32 $0.0e+00, v6;
	v62 =	vmul.f32 v60, v27;
	v27 =	vadd.f32 s21, v49;
	s21 =	sadd.f32 s23, s21;
	s24 =	spop (v2sf)  }
0x12f: {  	[tilespmem:$0xEC0] =	vst v54;
	v28 =	vmul.f32 v20, v24;
	vm13 =	vle.f32 v13, $2.550000000e+01;
	v63 =	vadd.f32 s22, v52;
	s22 =	sadd.f32 $0.0e+00, s24  }
0x130: {  	v13 =	vnsel vm13, $0x0, v13;
	[tilespmem:$0xED0] =	vst v55;
	v48 =	vnsel vm8, $0x0, v45;
	vm14 =	vle.f32 v41, $2.550000000e+01;
	s25 =	spop (v2sf)  }
0x131: {  	[tilespmem:$0xF00] =	vst v28;
	v34 =	vmul.f32 v13, v21;
	v8 =	vnsel vm14, $0x0, v41;
	v33 =	vadd.f32 s21, v50;
	s21 =	sadd.f32 s25, s22  }
0x132: {  	vm15 =	vle.f32 v53, $2.550000000e+01;
	v8 =	vmul.f32 v8, v23;
	(xrf2) =	vadd.scan.msk.f32 $0xffff, v26;
	vm4 =	vle.f32 v58, $2.550000000e+01;
	s26 =	spop (v2sf)  }
0x133: {  	[tilespmem:$0xEE0] =	vst v59;
	v12 =	vnsel vm15, $0x0, v53;
	v7 =	vnsel vm4, $0x0, v58;
	v35 =	vadd.f32 s22, v44;
	s22 =	sadd.f32 s26, s21  }
0x134: {  	[tilespmem:$0xF10] =	vst v34;
	v36 =	vmul.f32 v12, v25;
	v7 =	vmul.f32 v7, v30;
	vm5 =	vle.f32 v63, $2.550000000e+01;
	s28 =	spop (v2sf)  }
0x135: {  	[tilespmem:$0xEF0] =	vst v62;
	v39 =	vnsel vm5, $0x0, v63;
	vm6 =	vle.f32 v27, $2.550000000e+01;
	v37 =	vadd.f32 s21, v51;
	s21 =	sadd.f32 s28, s22  }
0x136: {  	v43 =	vmul.f32 v39, v11;
	[tilespmem:$0xF40] =	vst v7;
	v7 =	vmul.f32 v48, v31;
	vm7 =	vle.f32 v33, $2.550000000e+01;
	s29 =	spop (v2sf)  }
0x137: {  	[tilespmem:$0xF20] =	vst v8;
	v41 =	vnsel vm6, $0x0, v27;
	v44 =	vnsel vm7, $0x0, v33;
	v42 =	vadd.f32 s22, v40;
	s22 =	sadd.f32 s29, s21  }
0x138: {  	[tilespmem:$0xF30] =	vst v36;
	v9 =	vmul.f32 v41, v29;
	vm9 =	vle.f32 v35, $2.550000000e+01;
	v46 =	vmul.f32 v44, v32;
	s30 =	spop (v2sf)  }
0x139: {  	[tilespmem:$0xF50] =	vst v43;
	v49 =	vnsel vm9, $0x0, v35;
	vm10 =	vle.f32 v37, $2.550000000e+01;
	v47 =	vadd.f32 s21, v38;
	s21 =	sadd.f32 s30, s22  }
0x13a: {  	[tilespmem:$0xF80] =	vst v7;
	v2 =	vmul.f32 v49, v2;
	v50 =	vnsel vm10, $0x0, v37;
	vm11 =	vle.f32 v42, $2.550000000e+01;
	s31 =	spop (v2sf)  }
0x13b: {  	[tilespmem:$0xF60] =	vst v9;
	v1 =	vmul.f32 v50, v1;
	v52 =	vnsel vm11, $0x0, v42;
	v51 =	vadd.f32 s22, v18;
	s22 =	sadd.f32 s31, s21  }
0x13c: {  	v54, _, _ =	vpop (xrf2);
	[tilespmem:$0xF70] =	vst v46;
	v0 =	vmul.f32 v52, v0;
	vm12 =	vle.f32 v47, $2.550000000e+01;
	v53 =	vadd.f32 s21, v57  }
0x13d: {  	[tilespmem:$0xF90] =	vst v2;
	v55 =	vnsel vm12, $0x0, v47;
	vm13 =	vle.f32 v51, $2.550000000e+01;
	v56 =	vadd.f32 s22, v54  }
0x13e: {  	[tilespmem:$0xFA0] =	vst v1;
	v57 =	vmul.f32 v55, v3;
	v58 =	vnsel vm13, $0x0, v51;
	vm14 =	vle.f32 v53, $2.550000000e+01  }
0x13f: {  	p0 =	seq.s32 s19, $0x700;
	[tilespmem:$0xFB0] =	vst v0;
	v59 =	vmul.f32 v58, v4;
	v60 =	vnsel vm14, $0x0, v53;
	vm15 =	vle.f32 v56, $2.550000000e+01  }
.Ltmp5:
0x140: {  	[tilespmem:$0xFC0] =	vst v57;
	v61 =	vmul.f32 v60, v5;
	v62 =	vnsel vm15, $0x0, v56;
	(pc) =	sbr.rel @p0 .LBB2_8-.Ltmp5, $4  }
0x141: {  	[tilespmem:$0xFD0] =	vst v59;
	v63 =	vmul.f32 v62, v26  }
0x142: {  	[tilespmem:$0xFE0] =	vst v61  }
0x143: {  	s20 =	sadd.s32 $0x80, s20;
	[tilespmem:$0xFF0] =	vst v63  }
0x144: {  	[hbm4b:s20+s2] =	stream.linear.scatter [tilespmem:s14], [sflag:$0x4], $0x400, $0x38;
	[tilespmem:$0x1000] =	vst v63  }
.Ltmp6:
0x145: {  	(pc) =	sbr.rel .LBB2_2-.Ltmp6, $3  }
0x146: {  	_ =	sdelay $0x1  }
0x147: {  	[tilespmem:s9], [sflag:$0x2] =	stream.linear.gather [hbm4b:s18+s2], $0x400, $0x38;
	[tilespmem:$0x1000] =	vst v63  }
0x148: {  	s19 =	sadd.s32 $0x100, s19;
	s18 =	sadd.s32 $0x2000, s18;
	s17 =	sadd.s32 $0x2000, s17  }
.LBB2_9:
0x149: {  	_ =	sfence.sel $0x180000  }
0x14a: {  	[bflag:$0x0] =	sbarrier.arrive $0xFFFF  }
0x14b: {  	p0 =	sne.s32 s1, $0x0;
	_ =	strace $0x90000047  }
0x14c: {  	s0 =	sadd.s32 @!p0 $0x100000, s0;
	[bflag:$0x2] =	sbarrier.arrive $0xFFFF  }
0x14d: {  	[sflag:s0] =	ssyncadd.tile.s32 @!p0 $0x1;
	_ =	shalt  }
.Lfunc_end2:
_tile_overlayer_lowered:
.L_overlay_start_2:
0x14e: {  	(tag) =	ssettag $0x2  }
0x14f: {  	s0 =	rddreg [dreg:$0x0];
	s2 =	stileid.u32  }
0x150: {  	s1 =	rddreg [dreg:$0x1];
	p0 =	sne.s32 s2, $0x0  }
0x151: {  	s3 =	rddreg [dreg:$0x2];
	[bflag:$0x3] =	sbarrier.arrive $0xFFFF;
	s2 =	simm.s32 @!p0 $0x1C05  }
0x152: {  	[timem:s3], [sflag:s2] =	dma.local @!p0 [hbm:s0], s1  }
0x153: {  	s0 =	simm.s32 @!p0 $0x5  }
0x154: {  	_ =	swait.ge @!p0 [sflag:s0], s1  }
0x155: {  	s1 =	ssub.s32 @!p0 $0x0, s1;
	[sflag:s0] =	ssyncset.done @!p0 $0x0  }
0x156: {  	[sflag:s0] =	ssyncadd.s32 @!p0 s1  }
0x157: {  	[bflag:$0x3] =	sbarrier.arrive $0xFFFF  }
0x158: {  	_ =	shalt  }

</sc_bundles>
